<compile_context>
chip_gen: v7x
topology: tpu7x:2x2x1
jax: 0.10.2.dev20260603
libtpu: 0.0.44.dev20260713+nightly
codegen_flags: <defaults>
</compile_context>

<pallas_src>
import functools
import jax
import jax.numpy as jnp
from jax import lax
from jax.experimental import pallas as pl
from jax.experimental.pallas import tpu as pltpu
from jax.experimental.pallas import tpu_sc as plsc

N = 10000
E = 320000
D = 128
C1 = 128
C2 = 64

NS = 16
LANES = 16
N_PAD = 10240
ROWS_PER_TILE = N_PAD // NS
E_TILE = E // NS
NBUF = 4
LOOK = 3
BI = 8
CH = 128
EC = 125
SEGC = 40
NSEG = 4
HW = 64

ROWB = 1024


def _make_sc_conv(n_pass, pool=False):
  mesh = plsc.VectorSubcoreMesh(core_axis_name="c", subcore_axis_name="s")
  P = n_pass
  assert not pool or P == 1
  n_bias = 1 if pool else 0
  out_shape = (NS, HW) if pool else (N_PAD, HW)
  LAST = N - (NS - 1) * ROWS_PER_TILE

  @functools.partial(
      pl.kernel,
      out_type=[jax.ShapeDtypeStruct(out_shape, jnp.float32)] * (2 * P),
      mesh=mesh,
      compiler_params=pltpu.CompilerParams(use_tc_tiling_on_sc=False),
      scratch_types=[
          pltpu.VMEM_SHARED((N_PAD, HW), jnp.float32),
          pltpu.VMEM_SHARED((N_PAD, HW), jnp.float32),
          pltpu.VMEM((SEGC, EC), jnp.int32),
          pltpu.VMEM((SEGC, EC), jnp.int32),
          [pltpu.VMEM((CH, HW), jnp.float32)] * NBUF,
          [pltpu.SemaphoreType.DMA] * NBUF,
          [pltpu.SemaphoreType.DMA] * NBUF,
          pltpu.VMEM((HW,), jnp.float32),
      ],
  )
  def sc_conv(*refs):
    t1, t2 = refs[0:2]
    s1_hbm, d1_hbm, s2_hbm, d2_hbm = refs[2:6]
    b_hbm = refs[6:6 + n_bias]
    o1 = refs[6 + n_bias:6 + n_bias + P]
    o2 = refs[6 + n_bias + P:6 + n_bias + 2 * P]
    table, acc, src_v, dst_v, bufs, gsem, ssem, bbuf = refs[6 + n_bias + 2 * P:]
    c = lax.axis_index("c")
    s = lax.axis_index("s")
    row0 = s * ROWS_PER_TILE

    def gather(k, b):
      pltpu.async_copy(table.at[src_v.at[k]], bufs[b].at[pl.ds(0, EC)],
                       gsem[b])

    def wait_g(b):
      pltpu.make_async_copy(table.at[src_v.at[0]], bufs[b].at[pl.ds(0, EC)],
                            gsem[b]).wait()

    def scat(k, b):
      pltpu.async_copy(bufs[b].at[pl.ds(0, EC)], acc.at[dst_v.at[k]],
                       ssem[b], add=True)

    def wait_s(b):
      pltpu.make_async_copy(bufs[b].at[pl.ds(0, EC)], acc.at[dst_v.at[0]],
                            ssem[b]).wait()

    zero16 = jnp.zeros((LANES,), jnp.float32)
    nhops = ROWS_PER_TILE // CH
    sl640 = pl.ds(row0, ROWS_PER_TILE)

    if pool:
      pltpu.sync_copy(b_hbm[0].at[c], bbuf)

    for p in range(P):
      @pl.loop(0, CH)
      def _(i):
        for j in range(HW // LANES):
          bufs[0][i, pl.ds(j * LANES, LANES)] = zero16

      if P > 1:
        col = pl.ds(p * HW, HW)
        def stage_src(t_ref, rows):
          return t_ref.at[pl.ds(row0, rows), col]
      else:
        def stage_src(t_ref, rows):
          return t_ref.at[pl.ds(row0, rows)]

      def stage(fn):
        @pl.when(jnp.logical_and(c == 0, s != NS - 1))
        def _():
          fn(stage_src(t1, ROWS_PER_TILE), table.at[sl640])
        @pl.when(jnp.logical_and(c != 0, s != NS - 1))
        def _():
          fn(stage_src(t2, ROWS_PER_TILE), table.at[sl640])
        @pl.when(jnp.logical_and(c == 0, s == NS - 1))
        def _():
          fn(stage_src(t1, LAST), table.at[pl.ds(row0, LAST)])
        @pl.when(jnp.logical_and(c != 0, s == NS - 1))
        def _():
          fn(stage_src(t2, LAST), table.at[pl.ds(row0, LAST)])

      stage(lambda a, b: pltpu.async_copy(a, b, gsem[0]))
      for k in range(nhops):
        pltpu.async_copy(bufs[0], acc.at[pl.ds(row0 + k * CH, CH)], ssem[0])
      stage(lambda a, b: pltpu.make_async_copy(a, b, gsem[0]).wait())
      for k in range(nhops):
        pltpu.make_async_copy(bufs[0], acc.at[pl.ds(row0, CH)],
                              ssem[0]).wait()

      plsc.subcore_barrier()

      @pl.loop(0, NSEG)
      def _(g):
        @pl.when(c == 0)
        def _():
          pltpu.sync_copy(s1_hbm.at[s, g], src_v)
          pltpu.sync_copy(d1_hbm.at[s, g], dst_v)
        @pl.when(c != 0)
        def _():
          pltpu.sync_copy(s2_hbm.at[s, g], src_v)
          pltpu.sync_copy(d2_hbm.at[s, g], dst_v)
        for q in range(LOOK):
          gather(q, q)
        @pl.loop(0, SEGC // BI)
        def _(o):
          for k2 in range(BI):
            k = o * BI + k2
            b = k2 % NBUF
            wait_g(b)
            scat(k, b)
            nb = (k2 + LOOK) % NBUF
            @pl.when(k + LOOK < SEGC)
            def _():
              @pl.when(k >= NBUF - LOOK)
              def _():
                wait_s(nb)
              if pool and (k2 + LOOK) % 4 == 3:
                @pl.when(c == 0)
                def _():
                  pltpu.async_copy(t1.at[src_v.at[k + LOOK]],
                                   bufs[nb].at[pl.ds(0, EC)], gsem[nb])
                @pl.when(c != 0)
                def _():
                  pltpu.async_copy(t2.at[src_v.at[k + LOOK]],
                                   bufs[nb].at[pl.ds(0, EC)], gsem[nb])
              else:
                gather(k + LOOK, nb)
        for b in range(NBUF):
          wait_s(b)

      plsc.subcore_barrier()

      if pool:
        carry = tuple(jnp.zeros((LANES,), jnp.float32)
                      for _ in range(HW // LANES))
        for h in range(nhops):
          pltpu.sync_copy(acc.at[pl.ds(row0 + h * CH, CH)], bufs[0])
          def rowloop(r, cr, h=h):
            grow = row0 + h * CH + r
            out = []
            for j in range(HW // LANES):
              v = (bufs[0][r, pl.ds(j * LANES, LANES)]
                   + bbuf[pl.ds(j * LANES, LANES)])
              v = jnp.where(grow < N, jnp.maximum(v, 0.0), 0.0)
              out.append(cr[j] + v)
            return tuple(out)
          carry = lax.fori_loop(0, CH, rowloop, carry)
        for j in range(HW // LANES):
          bbuf[pl.ds(j * LANES, LANES)] = carry[j]
        @pl.when(c == 0)
        def _():
          pltpu.sync_copy(bbuf, o1[0].at[s])
        @pl.when(c != 0)
        def _():
          pltpu.sync_copy(bbuf, o2[0].at[s])
      else:
        @pl.when(c == 0)
        def _():
          pltpu.sync_copy(acc.at[sl640], o1[p].at[sl640])
        @pl.when(c != 0)
        def _():
          pltpu.sync_copy(acc.at[sl640], o2[p].at[sl640])
      if p + 1 < P:
        plsc.subcore_barrier()

  return sc_conv


_make_sc_conv = functools.lru_cache(maxsize=None)(_make_sc_conv)


def _mid_body(a1a_ref, a1b_ref, a2a_ref, a2b_ref, wa1_ref, wa2_ref,
              b1_ref, b2_ref, w1_ref, w2_ref, z1_ref, z2_ref):
  a1 = jnp.concatenate([a1a_ref[...], a1b_ref[...]], axis=1)
  a2 = jnp.concatenate([a2a_ref[...], a2b_ref[...]], axis=1)
  h1 = jnp.maximum(jnp.dot(a1, wa1_ref[...],
                           preferred_element_type=jnp.float32)
                   + b1_ref[...], 0.0)
  h2 = jnp.maximum(jnp.dot(a2, wa2_ref[...],
                           preferred_element_type=jnp.float32)
                   + b2_ref[...], 0.0)
  z1_ref[...] = jnp.dot(h1, w1_ref[...], preferred_element_type=jnp.float32)
  z2_ref[...] = jnp.dot(h2, w2_ref[...], preferred_element_type=jnp.float32)


def _mid(a1a, a1b, a2a, a2b, wa1, wa2, b1, b2, w1, w2):
  return pl.pallas_call(
      _mid_body,
      grid=(N_PAD // ROWB,),
      in_specs=[
          pl.BlockSpec((ROWB, HW), lambda i: (i, 0)),
          pl.BlockSpec((ROWB, HW), lambda i: (i, 0)),
          pl.BlockSpec((ROWB, HW), lambda i: (i, 0)),
          pl.BlockSpec((ROWB, HW), lambda i: (i, 0)),
          pl.BlockSpec((D, C1), lambda i: (0, 0)),
          pl.BlockSpec((D, C1), lambda i: (0, 0)),
          pl.BlockSpec((1, C1), lambda i: (0, 0)),
          pl.BlockSpec((1, C1), lambda i: (0, 0)),
          pl.BlockSpec((C1, C2), lambda i: (0, 0)),
          pl.BlockSpec((C1, C2), lambda i: (0, 0)),
      ],
      out_specs=[
          pl.BlockSpec((ROWB, C2), lambda i: (i, 0)),
          pl.BlockSpec((ROWB, C2), lambda i: (i, 0)),
      ],
      out_shape=[jax.ShapeDtypeStruct((N_PAD, C2), jnp.float32),
                 jax.ShapeDtypeStruct((N_PAD, C2), jnp.float32)],
  )(a1a, a1b, a2a, a2b, wa1, wa2, b1, b2, w1, w2)


def _head_body(p1_ref, p2_ref, wd1_ref, bd1_ref,
               wd2_ref, bd2_ref, wo_ref, bo_ref, o_ref):
  g1 = jnp.sum(p1_ref[...], axis=0, keepdims=True) * (1.0 / N)
  g2 = jnp.sum(p2_ref[...], axis=0, keepdims=True) * (1.0 / N)
  g = jnp.concatenate([g1, g2], axis=1)
  t = jnp.maximum(jnp.dot(g, wd1_ref[...],
                          preferred_element_type=jnp.float32)
                  + bd1_ref[...], 0.0)
  t = jnp.maximum(jnp.dot(t, wd2_ref[...],
                          preferred_element_type=jnp.float32)
                  + bd2_ref[...], 0.0)
  u = jnp.dot(t, wo_ref[...], preferred_element_type=jnp.float32) + bo_ref[...]
  o_ref[...] = 1.0 / (1.0 + jnp.exp(-u))


def _head(p1, p2, wd1, bd1, wd2, bd2, wo, bo):
  return pl.pallas_call(
      _head_body,
      out_shape=jax.ShapeDtypeStruct((1, 1), jnp.float32),
  )(p1, p2, wd1, bd1, wd2, bd2, wo, bo)


def _shape_edges(e):
  return (e[0].reshape(NS, NSEG, SEGC, EC),
          e[1].reshape(NS, NSEG, SEGC, EC))


@jax.jit
def kernel(x1, edge_index1, x2, edge_index2,
           W1a, b1a, W1b, b1b, W2a, b2a, W2b, b2b,
           Wd1, bd1, Wd2, bd2, Wout, bout):
  src1, dst1 = _shape_edges(edge_index1)
  src2, dst2 = _shape_edges(edge_index2)

  a1a, a1b, a2a, a2b = _make_sc_conv(2)(x1, x2, src1, dst1, src2, dst2)
  z1, z2 = _mid(a1a, a1b, a2a, a2b, W1a, W2a,
                b1a.reshape(1, C1), b2a.reshape(1, C1), W1b, W2b)
  p1, p2 = _make_sc_conv(1, True)(z1, z2, src1, dst1, src2, dst2,
                                  jnp.stack([b1b, b2b]))
  out = _head(p1, p2,
              Wd1, bd1.reshape(1, C2), Wd2, bd2.reshape(1, C2),
              Wout, bout.reshape(1, 1))
  return out.reshape(1)

# --- scband reference (transcript-rebuilt; emitter-appended) ---
"""Pipeline reference for scband-prgnn-6665789243916 (READ-ONLY COPY).

The authoritative reference and input builder live on the scoring server;
editing this copy changes nothing except your own understanding.
"""

import jax, jax.numpy as jnp
import numpy as np

N = 10000
E = 320000
D = 128
C = 128   # convolution_neurons
H = C // 2


def setup_inputs(seed: int = 0) -> dict:
    key = jax.random.key(seed)
    ks = jax.random.split(key, 20)
    inp = {}
    inp["x1"] = jax.random.normal(ks[0], (N, D), dtype=jnp.float32)
    inp["edge_index1"] = jax.random.randint(ks[1], (2, E), 0, N, dtype=jnp.int32)
    inp["x2"] = jax.random.normal(ks[2], (N, D), dtype=jnp.float32)
    inp["edge_index2"] = jax.random.randint(ks[3], (2, E), 0, N, dtype=jnp.int32)
    # learned parameters
    inp["W1a"] = jax.random.normal(ks[4], (D, C), dtype=jnp.float32) * 0.05
    inp["b1a"] = jnp.zeros((C,), dtype=jnp.float32)
    inp["W1b"] = jax.random.normal(ks[5], (C, H), dtype=jnp.float32) * 0.05
    inp["b1b"] = jnp.zeros((H,), dtype=jnp.float32)
    inp["W2a"] = jax.random.normal(ks[6], (D, C), dtype=jnp.float32) * 0.05
    inp["b2a"] = jnp.zeros((C,), dtype=jnp.float32)
    inp["W2b"] = jax.random.normal(ks[7], (C, H), dtype=jnp.float32) * 0.05
    inp["b2b"] = jnp.zeros((H,), dtype=jnp.float32)
    inp["Wd1"] = jax.random.normal(ks[8], (2 * H, H), dtype=jnp.float32) * 0.05
    inp["bd1"] = jnp.zeros((H,), dtype=jnp.float32)
    inp["Wd2"] = jax.random.normal(ks[9], (H, H), dtype=jnp.float32) * 0.05
    inp["bd2"] = jnp.zeros((H,), dtype=jnp.float32)
    inp["Wout"] = jax.random.normal(ks[10], (H, 1), dtype=jnp.float32) * 0.05
    inp["bout"] = jnp.zeros((1,), dtype=jnp.float32)
    return inp


def _general_conv(x, edge_index, W, b):
    # GeneralConv (Spektral-style, simplified): linear transform, sum-aggregate
    # messages from src -> dst over edges, then ReLU activation.
    y = x @ W
    src = edge_index[0]
    dst = edge_index[1]
    msgs = jnp.take(y, src, axis=0)                      # gather  (SparseCore)
    agg = jax.ops.segment_sum(msgs, dst, num_segments=N) # scatter-add
    return jax.nn.relu(agg + b)


def reference(x1, edge_index1, x2, edge_index2,
              W1a, b1a, W1b, b1b, W2a, b2a, W2b, b2b,
              Wd1, bd1, Wd2, bd2, Wout, bout):
    # branch 1
    h1 = _general_conv(x1, edge_index1, W1a, b1a)
    h1 = _general_conv(h1, edge_index1, W1b, b1b)
    g1 = jnp.mean(h1, axis=0)  # GlobalAvgPool
    # branch 2
    h2 = _general_conv(x2, edge_index2, W2a, b2a)
    h2 = _general_conv(h2, edge_index2, W2b, b2b)
    g2 = jnp.mean(h2, axis=0)  # GlobalAvgPool
    out = jnp.concatenate([g1, g2], axis=-1)
    # hidden_layers = 2 dense layers of convolution_neurons//2 units
    out = jax.nn.relu(out @ Wd1 + bd1)
    out = jax.nn.relu(out @ Wd2 + bd2)
    out = jax.nn.sigmoid(out @ Wout + bout)
    return out

if __name__ == "__main__":
    import jax
    _d = setup_inputs()
    print(jax.jit(kernel)(*tuple(_d.values())))

</pallas_src>

<mosaic_0001>
#map = affine_map<(d0, d1) -> (0, 0)>
#map1 = affine_map<(d0, d1) -> (0, 0, 0, 0)>
module attributes {stable_mosaic.version = 14 : i64} {
  func.func @sc_conv(%arg0: i32, %arg1: i32, %arg2: memref<10240x64xf32, #tpu.memory_space<hbm>>, %arg3: memref<10240x64xf32, #tpu.memory_space<hbm>>, %arg4: memref<16x4x40x125xi32, #tpu.memory_space<hbm>>, %arg5: memref<16x4x40x125xi32, #tpu.memory_space<hbm>>, %arg6: memref<16x4x40x125xi32, #tpu.memory_space<hbm>>, %arg7: memref<16x4x40x125xi32, #tpu.memory_space<hbm>>, %arg8: memref<2x64xf32, #tpu.memory_space<hbm>>, %arg9: memref<16x64xf32, #tpu.memory_space<hbm>>, %arg10: memref<16x64xf32, #tpu.memory_space<hbm>>, %arg11: memref<10240x64xf32, #tpu.memory_space<vmem_shared>>, %arg12: memref<10240x64xf32, #tpu.memory_space<vmem_shared>>, %arg13: memref<40x125xi32, #tpu.memory_space<vmem>>, %arg14: memref<40x125xi32, #tpu.memory_space<vmem>>, %arg15: memref<128x64xf32, #tpu.memory_space<vmem>>, %arg16: memref<128x64xf32, #tpu.memory_space<vmem>>, %arg17: memref<128x64xf32, #tpu.memory_space<vmem>>, %arg18: memref<128x64xf32, #tpu.memory_space<vmem>>, %arg19: memref<!tpu.dma_semaphore, #tpu.memory_space<semaphore_mem>>, %arg20: memref<!tpu.dma_semaphore, #tpu.memory_space<semaphore_mem>>, %arg21: memref<!tpu.dma_semaphore, #tpu.memory_space<semaphore_mem>>, %arg22: memref<!tpu.dma_semaphore, #tpu.memory_space<semaphore_mem>>, %arg23: memref<!tpu.dma_semaphore, #tpu.memory_space<semaphore_mem>>, %arg24: memref<!tpu.dma_semaphore, #tpu.memory_space<semaphore_mem>>, %arg25: memref<!tpu.dma_semaphore, #tpu.memory_space<semaphore_mem>>, %arg26: memref<!tpu.dma_semaphore, #tpu.memory_space<semaphore_mem>>, %arg27: memref<64xf32, #tpu.memory_space<vmem>>) attributes {dimension_semantics = [#tpu.dimension_semantics<core_parallel>, #tpu.dimension_semantics<subcore_parallel>], iteration_bounds = array<i64: 2, 16>, scalar_prefetch = 0 : i64, scratch_operands = 17 : i64, tpu.core_type = #tpu.core_type<sc_vector_subcore>, window_params = [{transform_indices = #map}, {transform_indices = #map}, {transform_indices = #map1}, {transform_indices = #map1}, {transform_indices = #map1}, {transform_indices = #map1}, {transform_indices = #map}, {transform_indices = #map}, {transform_indices = #map}]} {
    %mul3A = arith.constant 640 : i32
    %mul3A_0 = arith.muli %arg1, %mul3A : i32
    %broadcast_in_dim3A = arith.constant 0.000000e+00 : f32
    %broadcast_in_dim3A_1 = vector.broadcast %broadcast_in_dim3A : f32 to vector<16xf32>
    "tpu.region"() ({
      %run_scoped3A = tpu.sem_alloc : memref<!tpu.dma_semaphore, #tpu.memory_space<semaphore_mem>>
      %dma_start3A_191 = arith.constant 0 : i32
      %dma_start3A_192 = tpu.memref_slice %arg8[%arg0, %dma_start3A_191] : memref<2x64xf32, #tpu.memory_space<hbm>> -> memref<1x64xf32, #tpu.memory_space<hbm>>
      %dma_start3A_193 = tpu.memref_squeeze %dma_start3A_192 : memref<1x64xf32, #tpu.memory_space<hbm>> -> memref<64xf32, #tpu.memory_space<hbm>>
      %dma_start3A_194 = arith.constant 0 : i32
      %dma_start3A_195 = tpu.memref_slice %arg8[%arg0, %dma_start3A_194] : memref<2x64xf32, #tpu.memory_space<hbm>> -> memref<1x64xf32, #tpu.memory_space<hbm>>
      %dma_start3A_196 = tpu.memref_squeeze %dma_start3A_195 : memref<1x64xf32, #tpu.memory_space<hbm>> -> memref<64xf32, #tpu.memory_space<hbm>>
      tpu.enqueue_dma source(%dma_start3A_196 : memref<64xf32, #tpu.memory_space<hbm>>) target(%arg27 : memref<64xf32, #tpu.memory_space<vmem>>) target_semaphore(%run_scoped3A : memref<!tpu.dma_semaphore, #tpu.memory_space<semaphore_mem>>)
      %dma_wait3A_197 = arith.constant 0 : i32
      %dma_wait3A_198 = tpu.memref_slice %arg8[%arg0, %dma_wait3A_197] : memref<2x64xf32, #tpu.memory_space<hbm>> -> memref<1x64xf32, #tpu.memory_space<hbm>>
      %dma_wait3A_199 = tpu.memref_squeeze %dma_wait3A_198 : memref<1x64xf32, #tpu.memory_space<hbm>> -> memref<64xf32, #tpu.memory_space<hbm>>
      %dma_wait3A_200 = arith.constant 0 : i32
      %dma_wait3A_201 = tpu.memref_slice %arg8[%arg0, %dma_wait3A_200] : memref<2x64xf32, #tpu.memory_space<hbm>> -> memref<1x64xf32, #tpu.memory_space<hbm>>
      %dma_wait3A_202 = tpu.memref_squeeze %dma_wait3A_201 : memref<1x64xf32, #tpu.memory_space<hbm>> -> memref<64xf32, #tpu.memory_space<hbm>>
      tpu.wait_dma2 semaphore(%run_scoped3A : memref<!tpu.dma_semaphore, #tpu.memory_space<semaphore_mem>>) src(%dma_wait3A_202 : memref<64xf32, #tpu.memory_space<hbm>>) dst(%arg27 : memref<64xf32, #tpu.memory_space<vmem>>)
      tpu.yield
    }) : () -> ()
    %scan3A = arith.constant 0 : i32
    %scan3A_2 = arith.constant 128 : i32
    %scan3A_3 = arith.addi %scan3A, %scan3A_2 : i32
    %scan3A_4 = arith.constant 1 : i32
    scf.for %scan3A_191 = %scan3A to %scan3A_3 step %scan3A_4  : i32 {
      %mul3A_192 = arith.constant 1 : i32
      %mul3A_193 = arith.muli %scan3A_191, %mul3A_192 : i32
      %add3A_194 = arith.constant 0 : i32
      %add3A_195 = arith.addi %add3A_194, %mul3A_193 : i32
      %swap3A_196 = arith.index_cast %add3A_195 : i32 to index
      %swap3A_197 = arith.constant 0 : index
      %swap3A_198 = tpu.vector_load %arg15[%swap3A_196, %swap3A_197] {strides = array<i32>} : memref<128x64xf32, #tpu.memory_space<vmem>>, vector<1x16xf32>,
      %swap3A_199 = vector.shape_cast %swap3A_198 : vector<1x16xf32> to vector<16xf32>
      %swap3A_200 = vector.shape_cast %broadcast_in_dim3A_1 : vector<16xf32> to vector<1x16xf32>
      tpu.vector_store %arg15[%swap3A_196, %swap3A_197], %swap3A_200 {strides = array<i32>} : memref<128x64xf32, #tpu.memory_space<vmem>>, vector<1x16xf32>,
      %swap3A_201 = arith.index_cast %add3A_195 : i32 to index
      %swap3A_202 = arith.constant 16 : index
      %swap3A_203 = tpu.vector_load %arg15[%swap3A_201, %swap3A_202] {strides = array<i32>} : memref<128x64xf32, #tpu.memory_space<vmem>>, vector<1x16xf32>,
      %swap3A_204 = vector.shape_cast %swap3A_203 : vector<1x16xf32> to vector<16xf32>
      %swap3A_205 = vector.shape_cast %broadcast_in_dim3A_1 : vector<16xf32> to vector<1x16xf32>
      tpu.vector_store %arg15[%swap3A_201, %swap3A_202], %swap3A_205 {strides = array<i32>} : memref<128x64xf32, #tpu.memory_space<vmem>>, vector<1x16xf32>,
      %swap3A_206 = arith.index_cast %add3A_195 : i32 to index
      %swap3A_207 = arith.constant 32 : index
      %swap3A_208 = tpu.vector_load %arg15[%swap3A_206, %swap3A_207] {strides = array<i32>} : memref<128x64xf32, #tpu.memory_space<vmem>>, vector<1x16xf32>,
      %swap3A_209 = vector.shape_cast %swap3A_208 : vector<1x16xf32> to vector<16xf32>
      %swap3A_210 = vector.shape_cast %broadcast_in_dim3A_1 : vector<16xf32> to vector<1x16xf32>
      tpu.vector_store %arg15[%swap3A_206, %swap3A_207], %swap3A_210 {strides = array<i32>} : memref<128x64xf32, #tpu.memory_space<vmem>>, vector<1x16xf32>,
      %swap3A_211 = arith.index_cast %add3A_195 : i32 to index
      %swap3A_212 = arith.constant 48 : index
      %swap3A_213 = tpu.vector_load %arg15[%swap3A_211, %swap3A_212] {strides = array<i32>} : memref<128x64xf32, #tpu.memory_space<vmem>>, vector<1x16xf32>,
      %swap3A_214 = vector.shape_cast %swap3A_213 : vector<1x16xf32> to vector<16xf32>
      %swap3A_215 = vector.shape_cast %broadcast_in_dim3A_1 : vector<16xf32> to vector<1x16xf32>
      tpu.vector_store %arg15[%swap3A_211, %swap3A_212], %swap3A_215 {strides = array<i32>} : memref<128x64xf32, #tpu.memory_space<vmem>>, vector<1x16xf32>,
    }
    %scan3A_5 = arith.constant 128 : i32
    %eq3A = arith.constant 0 : i32
    %eq3A_6 = arith.cmpi eq, %arg0, %eq3A : i32
    %ne3A = arith.constant 15 : i32
    %ne3A_7 = arith.cmpi ne, %arg1, %ne3A : i32
    %and3A = arith.andi %eq3A_6, %ne3A_7 : i1
    %convert_element_type3A = arith.extui %and3A : i1 to i32
    %cond3A = arith.constant 0 : i32
    %cond3A_8 = arith.cmpi ne, %convert_element_type3A, %cond3A : i32
    scf.if %cond3A_8 {
      %dma_start3A_191 = arith.constant 0 : i32
      %dma_start3A_192 = tpu.memref_slice %arg11[%mul3A_0, %dma_start3A_191] : memref<10240x64xf32, #tpu.memory_space<vmem_shared>> -> memref<640x64xf32, #tpu.memory_space<vmem_shared>>
      %dma_start3A_193 = arith.constant 0 : i32
      %dma_start3A_194 = tpu.memref_slice %arg2[%mul3A_0, %dma_start3A_193] : memref<10240x64xf32, #tpu.memory_space<hbm>> -> memref<640x64xf32, #tpu.memory_space<hbm>>
      tpu.enqueue_dma source(%dma_start3A_194 : memref<640x64xf32, #tpu.memory_space<hbm>>) target(%dma_start3A_192 : memref<640x64xf32, #tpu.memory_space<vmem_shared>>) target_semaphore(%arg19 : memref<!tpu.dma_semaphore, #tpu.memory_space<semaphore_mem>>)
    } else {
    }
    %ne3A_9 = arith.constant 0 : i32
    %ne3A_10 = arith.cmpi ne, %arg0, %ne3A_9 : i32
    %ne3A_11 = arith.constant 15 : i32
    %ne3A_12 = arith.cmpi ne, %arg1, %ne3A_11 : i32
    %and3A_13 = arith.andi %ne3A_10, %ne3A_12 : i1
    %convert_element_type3A_14 = arith.extui %and3A_13 : i1 to i32
    %cond3A_15 = arith.constant 0 : i32
    %cond3A_16 = arith.cmpi ne, %convert_element_type3A_14, %cond3A_15 : i32
    scf.if %cond3A_16 {
      %dma_start3A_191 = arith.constant 0 : i32
      %dma_start3A_192 = tpu.memref_slice %arg11[%mul3A_0, %dma_start3A_191] : memref<10240x64xf32, #tpu.memory_space<vmem_shared>> -> memref<640x64xf32, #tpu.memory_space<vmem_shared>>
      %dma_start3A_193 = arith.constant 0 : i32
      %dma_start3A_194 = tpu.memref_slice %arg3[%mul3A_0, %dma_start3A_193] : memref<10240x64xf32, #tpu.memory_space<hbm>> -> memref<640x64xf32, #tpu.memory_space<hbm>>
      tpu.enqueue_dma source(%dma_start3A_194 : memref<640x64xf32, #tpu.memory_space<hbm>>) target(%dma_start3A_192 : memref<640x64xf32, #tpu.memory_space<vmem_shared>>) target_semaphore(%arg19 : memref<!tpu.dma_semaphore, #tpu.memory_space<semaphore_mem>>)
    } else {
    }
    %eq3A_17 = arith.constant 0 : i32
    %eq3A_18 = arith.cmpi eq, %arg0, %eq3A_17 : i32
    %eq3A_19 = arith.constant 15 : i32
    %eq3A_20 = arith.cmpi eq, %arg1, %eq3A_19 : i32
    %and3A_21 = arith.andi %eq3A_18, %eq3A_20 : i1
    %convert_element_type3A_22 = arith.extui %and3A_21 : i1 to i32
    %cond3A_23 = arith.constant 0 : i32
    %cond3A_24 = arith.cmpi ne, %convert_element_type3A_22, %cond3A_23 : i32
    scf.if %cond3A_24 {
      %dma_start3A_191 = arith.constant 0 : i32
      %dma_start3A_192 = tpu.memref_slice %arg11[%mul3A_0, %dma_start3A_191] : memref<10240x64xf32, #tpu.memory_space<vmem_shared>> -> memref<400x64xf32, #tpu.memory_space<vmem_shared>>
      %dma_start3A_193 = arith.constant 0 : i32
      %dma_start3A_194 = tpu.memref_slice %arg2[%mul3A_0, %dma_start3A_193] : memref<10240x64xf32, #tpu.memory_space<hbm>> -> memref<400x64xf32, #tpu.memory_space<hbm>>
      tpu.enqueue_dma source(%dma_start3A_194 : memref<400x64xf32, #tpu.memory_space<hbm>>) target(%dma_start3A_192 : memref<400x64xf32, #tpu.memory_space<vmem_shared>>) target_semaphore(%arg19 : memref<!tpu.dma_semaphore, #tpu.memory_space<semaphore_mem>>)
    } else {
    }
    %ne3A_25 = arith.constant 0 : i32
    %ne3A_26 = arith.cmpi ne, %arg0, %ne3A_25 : i32
    %eq3A_27 = arith.constant 15 : i32
    %eq3A_28 = arith.cmpi eq, %arg1, %eq3A_27 : i32
    %and3A_29 = arith.andi %ne3A_26, %eq3A_28 : i1
    %convert_element_type3A_30 = arith.extui %and3A_29 : i1 to i32
    %cond3A_31 = arith.constant 0 : i32
    %cond3A_32 = arith.cmpi ne, %convert_element_type3A_30, %cond3A_31 : i32
    scf.if %cond3A_32 {
      %dma_start3A_191 = arith.constant 0 : i32
      %dma_start3A_192 = tpu.memref_slice %arg11[%mul3A_0, %dma_start3A_191] : memref<10240x64xf32, #tpu.memory_space<vmem_shared>> -> memref<400x64xf32, #tpu.memory_space<vmem_shared>>
      %dma_start3A_193 = arith.constant 0 : i32
      %dma_start3A_194 = tpu.memref_slice %arg3[%mul3A_0, %dma_start3A_193] : memref<10240x64xf32, #tpu.memory_space<hbm>> -> memref<400x64xf32, #tpu.memory_space<hbm>>
      tpu.enqueue_dma source(%dma_start3A_194 : memref<400x64xf32, #tpu.memory_space<hbm>>) target(%dma_start3A_192 : memref<400x64xf32, #tpu.memory_space<vmem_shared>>) target_semaphore(%arg19 : memref<!tpu.dma_semaphore, #tpu.memory_space<semaphore_mem>>)
    } else {
    }
    %add3A = arith.constant 0 : i32
    %add3A_33 = arith.addi %mul3A_0, %add3A : i32
    %dma_start3A = arith.constant 0 : i32
    %dma_start3A_34 = tpu.memref_slice %arg12[%add3A_33, %dma_start3A] : memref<10240x64xf32, #tpu.memory_space<vmem_shared>> -> memref<128x64xf32, #tpu.memory_space<vmem_shared>>
    %dma_start3A_35 = arith.constant 0 : i32
    %dma_start3A_36 = tpu.memref_slice %arg12[%add3A_33, %dma_start3A_35] : memref<10240x64xf32, #tpu.memory_space<vmem_shared>> -> memref<128x64xf32, #tpu.memory_space<vmem_shared>>
    tpu.enqueue_dma source(%arg15 : memref<128x64xf32, #tpu.memory_space<vmem>>) target(%dma_start3A_36 : memref<128x64xf32, #tpu.memory_space<vmem_shared>>) target_semaphore(%arg23 : memref<!tpu.dma_semaphore, #tpu.memory_space<semaphore_mem>>)
    %add3A_37 = arith.constant 128 : i32
    %add3A_38 = arith.addi %mul3A_0, %add3A_37 : i32
    %dma_start3A_39 = arith.constant 0 : i32
    %dma_start3A_40 = tpu.memref_slice %arg12[%add3A_38, %dma_start3A_39] : memref<10240x64xf32, #tpu.memory_space<vmem_shared>> -> memref<128x64xf32, #tpu.memory_space<vmem_shared>>
    %dma_start3A_41 = arith.constant 0 : i32
    %dma_start3A_42 = tpu.memref_slice %arg12[%add3A_38, %dma_start3A_41] : memref<10240x64xf32, #tpu.memory_space<vmem_shared>> -> memref<128x64xf32, #tpu.memory_space<vmem_shared>>
    tpu.enqueue_dma source(%arg15 : memref<128x64xf32, #tpu.memory_space<vmem>>) target(%dma_start3A_42 : memref<128x64xf32, #tpu.memory_space<vmem_shared>>) target_semaphore(%arg23 : memref<!tpu.dma_semaphore, #tpu.memory_space<semaphore_mem>>)
    %add3A_43 = arith.constant 256 : i32
    %add3A_44 = arith.addi %mul3A_0, %add3A_43 : i32
    %dma_start3A_45 = arith.constant 0 : i32
    %dma_start3A_46 = tpu.memref_slice %arg12[%add3A_44, %dma_start3A_45] : memref<10240x64xf32, #tpu.memory_space<vmem_shared>> -> memref<128x64xf32, #tpu.memory_space<vmem_shared>>
    %dma_start3A_47 = arith.constant 0 : i32
    %dma_start3A_48 = tpu.memref_slice %arg12[%add3A_44, %dma_start3A_47] : memref<10240x64xf32, #tpu.memory_space<vmem_shared>> -> memref<128x64xf32, #tpu.memory_space<vmem_shared>>
    tpu.enqueue_dma source(%arg15 : memref<128x64xf32, #tpu.memory_space<vmem>>) target(%dma_start3A_48 : memref<128x64xf32, #tpu.memory_space<vmem_shared>>) target_semaphore(%arg23 : memref<!tpu.dma_semaphore, #tpu.memory_space<semaphore_mem>>)
    %add3A_49 = arith.constant 384 : i32
    %add3A_50 = arith.addi %mul3A_0, %add3A_49 : i32
    %dma_start3A_51 = arith.constant 0 : i32
    %dma_start3A_52 = tpu.memref_slice %arg12[%add3A_50, %dma_start3A_51] : memref<10240x64xf32, #tpu.memory_space<vmem_shared>> -> memref<128x64xf32, #tpu.memory_space<vmem_shared>>
    %dma_start3A_53 = arith.constant 0 : i32
    %dma_start3A_54 = tpu.memref_slice %arg12[%add3A_50, %dma_start3A_53] : memref<10240x64xf32, #tpu.memory_space<vmem_shared>> -> memref<128x64xf32, #tpu.memory_space<vmem_shared>>
    tpu.enqueue_dma source(%arg15 : memref<128x64xf32, #tpu.memory_space<vmem>>) target(%dma_start3A_54 : memref<128x64xf32, #tpu.memory_space<vmem_shared>>) target_semaphore(%arg23 : memref<!tpu.dma_semaphore, #tpu.memory_space<semaphore_mem>>)
    %add3A_55 = arith.constant 512 : i32
    %add3A_56 = arith.addi %mul3A_0, %add3A_55 : i32
    %dma_start3A_57 = arith.constant 0 : i32
    %dma_start3A_58 = tpu.memref_slice %arg12[%add3A_56, %dma_start3A_57] : memref<10240x64xf32, #tpu.memory_space<vmem_shared>> -> memref<128x64xf32, #tpu.memory_space<vmem_shared>>
    %dma_start3A_59 = arith.constant 0 : i32
    %dma_start3A_60 = tpu.memref_slice %arg12[%add3A_56, %dma_start3A_59] : memref<10240x64xf32, #tpu.memory_space<vmem_shared>> -> memref<128x64xf32, #tpu.memory_space<vmem_shared>>
    tpu.enqueue_dma source(%arg15 : memref<128x64xf32, #tpu.memory_space<vmem>>) target(%dma_start3A_60 : memref<128x64xf32, #tpu.memory_space<vmem_shared>>) target_semaphore(%arg23 : memref<!tpu.dma_semaphore, #tpu.memory_space<semaphore_mem>>)
    %eq3A_61 = arith.constant 0 : i32
    %eq3A_62 = arith.cmpi eq, %arg0, %eq3A_61 : i32
    %ne3A_63 = arith.constant 15 : i32
    %ne3A_64 = arith.cmpi ne, %arg1, %ne3A_63 : i32
    %and3A_65 = arith.andi %eq3A_62, %ne3A_64 : i1
    %convert_element_type3A_66 = arith.extui %and3A_65 : i1 to i32
    %cond3A_67 = arith.constant 0 : i32
    %cond3A_68 = arith.cmpi ne, %convert_element_type3A_66, %cond3A_67 : i32
    scf.if %cond3A_68 {
      %dma_wait3A_191 = arith.constant 0 : i32
      %dma_wait3A_192 = tpu.memref_slice %arg11[%mul3A_0, %dma_wait3A_191] : memref<10240x64xf32, #tpu.memory_space<vmem_shared>> -> memref<640x64xf32, #tpu.memory_space<vmem_shared>>
      %dma_wait3A_193 = arith.constant 0 : i32
      %dma_wait3A_194 = tpu.memref_slice %arg2[%mul3A_0, %dma_wait3A_193] : memref<10240x64xf32, #tpu.memory_space<hbm>> -> memref<640x64xf32, #tpu.memory_space<hbm>>
      tpu.wait_dma2 semaphore(%arg19 : memref<!tpu.dma_semaphore, #tpu.memory_space<semaphore_mem>>) src(%dma_wait3A_194 : memref<640x64xf32, #tpu.memory_space<hbm>>) dst(%dma_wait3A_192 : memref<640x64xf32, #tpu.memory_space<vmem_shared>>)
    } else {
    }
    %ne3A_69 = arith.constant 0 : i32
    %ne3A_70 = arith.cmpi ne, %arg0, %ne3A_69 : i32
    %ne3A_71 = arith.constant 15 : i32
    %ne3A_72 = arith.cmpi ne, %arg1, %ne3A_71 : i32
    %and3A_73 = arith.andi %ne3A_70, %ne3A_72 : i1
    %convert_element_type3A_74 = arith.extui %and3A_73 : i1 to i32
    %cond3A_75 = arith.constant 0 : i32
    %cond3A_76 = arith.cmpi ne, %convert_element_type3A_74, %cond3A_75 : i32
    scf.if %cond3A_76 {
      %dma_wait3A_191 = arith.constant 0 : i32
      %dma_wait3A_192 = tpu.memref_slice %arg11[%mul3A_0, %dma_wait3A_191] : memref<10240x64xf32, #tpu.memory_space<vmem_shared>> -> memref<640x64xf32, #tpu.memory_space<vmem_shared>>
      %dma_wait3A_193 = arith.constant 0 : i32
      %dma_wait3A_194 = tpu.memref_slice %arg3[%mul3A_0, %dma_wait3A_193] : memref<10240x64xf32, #tpu.memory_space<hbm>> -> memref<640x64xf32, #tpu.memory_space<hbm>>
      tpu.wait_dma2 semaphore(%arg19 : memref<!tpu.dma_semaphore, #tpu.memory_space<semaphore_mem>>) src(%dma_wait3A_194 : memref<640x64xf32, #tpu.memory_space<hbm>>) dst(%dma_wait3A_192 : memref<640x64xf32, #tpu.memory_space<vmem_shared>>)
    } else {
    }
    %eq3A_77 = arith.constant 0 : i32
    %eq3A_78 = arith.cmpi eq, %arg0, %eq3A_77 : i32
    %eq3A_79 = arith.constant 15 : i32
    %eq3A_80 = arith.cmpi eq, %arg1, %eq3A_79 : i32
    %and3A_81 = arith.andi %eq3A_78, %eq3A_80 : i1
    %convert_element_type3A_82 = arith.extui %and3A_81 : i1 to i32
    %cond3A_83 = arith.constant 0 : i32
    %cond3A_84 = arith.cmpi ne, %convert_element_type3A_82, %cond3A_83 : i32
    scf.if %cond3A_84 {
      %dma_wait3A_191 = arith.constant 0 : i32
      %dma_wait3A_192 = tpu.memref_slice %arg11[%mul3A_0, %dma_wait3A_191] : memref<10240x64xf32, #tpu.memory_space<vmem_shared>> -> memref<400x64xf32, #tpu.memory_space<vmem_shared>>
      %dma_wait3A_193 = arith.constant 0 : i32
      %dma_wait3A_194 = tpu.memref_slice %arg2[%mul3A_0, %dma_wait3A_193] : memref<10240x64xf32, #tpu.memory_space<hbm>> -> memref<400x64xf32, #tpu.memory_space<hbm>>
      tpu.wait_dma2 semaphore(%arg19 : memref<!tpu.dma_semaphore, #tpu.memory_space<semaphore_mem>>) src(%dma_wait3A_194 : memref<400x64xf32, #tpu.memory_space<hbm>>) dst(%dma_wait3A_192 : memref<400x64xf32, #tpu.memory_space<vmem_shared>>)
    } else {
    }
    %ne3A_85 = arith.constant 0 : i32
    %ne3A_86 = arith.cmpi ne, %arg0, %ne3A_85 : i32
    %eq3A_87 = arith.constant 15 : i32
    %eq3A_88 = arith.cmpi eq, %arg1, %eq3A_87 : i32
    %and3A_89 = arith.andi %ne3A_86, %eq3A_88 : i1
    %convert_element_type3A_90 = arith.extui %and3A_89 : i1 to i32
    %cond3A_91 = arith.constant 0 : i32
    %cond3A_92 = arith.cmpi ne, %convert_element_type3A_90, %cond3A_91 : i32
    scf.if %cond3A_92 {
      %dma_wait3A_191 = arith.constant 0 : i32
      %dma_wait3A_192 = tpu.memref_slice %arg11[%mul3A_0, %dma_wait3A_191] : memref<10240x64xf32, #tpu.memory_space<vmem_shared>> -> memref<400x64xf32, #tpu.memory_space<vmem_shared>>
      %dma_wait3A_193 = arith.constant 0 : i32
      %dma_wait3A_194 = tpu.memref_slice %arg3[%mul3A_0, %dma_wait3A_193] : memref<10240x64xf32, #tpu.memory_space<hbm>> -> memref<400x64xf32, #tpu.memory_space<hbm>>
      tpu.wait_dma2 semaphore(%arg19 : memref<!tpu.dma_semaphore, #tpu.memory_space<semaphore_mem>>) src(%dma_wait3A_194 : memref<400x64xf32, #tpu.memory_space<hbm>>) dst(%dma_wait3A_192 : memref<400x64xf32, #tpu.memory_space<vmem_shared>>)
    } else {
    }
    %dma_wait3A = arith.constant 0 : i32
    %dma_wait3A_93 = tpu.memref_slice %arg12[%mul3A_0, %dma_wait3A] : memref<10240x64xf32, #tpu.memory_space<vmem_shared>> -> memref<128x64xf32, #tpu.memory_space<vmem_shared>>
    %dma_wait3A_94 = arith.constant 0 : i32
    %dma_wait3A_95 = tpu.memref_slice %arg12[%mul3A_0, %dma_wait3A_94] : memref<10240x64xf32, #tpu.memory_space<vmem_shared>> -> memref<128x64xf32, #tpu.memory_space<vmem_shared>>
    tpu.wait_dma2 semaphore(%arg23 : memref<!tpu.dma_semaphore, #tpu.memory_space<semaphore_mem>>) src(%arg15 : memref<128x64xf32, #tpu.memory_space<vmem>>) dst(%dma_wait3A_95 : memref<128x64xf32, #tpu.memory_space<vmem_shared>>)
    %dma_wait3A_96 = arith.constant 0 : i32
    %dma_wait3A_97 = tpu.memref_slice %arg12[%mul3A_0, %dma_wait3A_96] : memref<10240x64xf32, #tpu.memory_space<vmem_shared>> -> memref<128x64xf32, #tpu.memory_space<vmem_shared>>
    %dma_wait3A_98 = arith.constant 0 : i32
    %dma_wait3A_99 = tpu.memref_slice %arg12[%mul3A_0, %dma_wait3A_98] : memref<10240x64xf32, #tpu.memory_space<vmem_shared>> -> memref<128x64xf32, #tpu.memory_space<vmem_shared>>
    tpu.wait_dma2 semaphore(%arg23 : memref<!tpu.dma_semaphore, #tpu.memory_space<semaphore_mem>>) src(%arg15 : memref<128x64xf32, #tpu.memory_space<vmem>>) dst(%dma_wait3A_99 : memref<128x64xf32, #tpu.memory_space<vmem_shared>>)
    %dma_wait3A_100 = arith.constant 0 : i32
    %dma_wait3A_101 = tpu.memref_slice %arg12[%mul3A_0, %dma_wait3A_100] : memref<10240x64xf32, #tpu.memory_space<vmem_shared>> -> memref<128x64xf32, #tpu.memory_space<vmem_shared>>
    %dma_wait3A_102 = arith.constant 0 : i32
    %dma_wait3A_103 = tpu.memref_slice %arg12[%mul3A_0, %dma_wait3A_102] : memref<10240x64xf32, #tpu.memory_space<vmem_shared>> -> memref<128x64xf32, #tpu.memory_space<vmem_shared>>
    tpu.wait_dma2 semaphore(%arg23 : memref<!tpu.dma_semaphore, #tpu.memory_space<semaphore_mem>>) src(%arg15 : memref<128x64xf32, #tpu.memory_space<vmem>>) dst(%dma_wait3A_103 : memref<128x64xf32, #tpu.memory_space<vmem_shared>>)
    %dma_wait3A_104 = arith.constant 0 : i32
    %dma_wait3A_105 = tpu.memref_slice %arg12[%mul3A_0, %dma_wait3A_104] : memref<10240x64xf32, #tpu.memory_space<vmem_shared>> -> memref<128x64xf32, #tpu.memory_space<vmem_shared>>
    %dma_wait3A_106 = arith.constant 0 : i32
    %dma_wait3A_107 = tpu.memref_slice %arg12[%mul3A_0, %dma_wait3A_106] : memref<10240x64xf32, #tpu.memory_space<vmem_shared>> -> memref<128x64xf32, #tpu.memory_space<vmem_shared>>
    tpu.wait_dma2 semaphore(%arg23 : memref<!tpu.dma_semaphore, #tpu.memory_space<semaphore_mem>>) src(%arg15 : memref<128x64xf32, #tpu.memory_space<vmem>>) dst(%dma_wait3A_107 : memref<128x64xf32, #tpu.memory_space<vmem_shared>>)
    %dma_wait3A_108 = arith.constant 0 : i32
    %dma_wait3A_109 = tpu.memref_slice %arg12[%mul3A_0, %dma_wait3A_108] : memref<10240x64xf32, #tpu.memory_space<vmem_shared>> -> memref<128x64xf32, #tpu.memory_space<vmem_shared>>
    %dma_wait3A_110 = arith.constant 0 : i32
    %dma_wait3A_111 = tpu.memref_slice %arg12[%mul3A_0, %dma_wait3A_110] : memref<10240x64xf32, #tpu.memory_space<vmem_shared>> -> memref<128x64xf32, #tpu.memory_space<vmem_shared>>
    tpu.wait_dma2 semaphore(%arg23 : memref<!tpu.dma_semaphore, #tpu.memory_space<semaphore_mem>>) src(%arg15 : memref<128x64xf32, #tpu.memory_space<vmem>>) dst(%dma_wait3A_111 : memref<128x64xf32, #tpu.memory_space<vmem_shared>>)
    %barrier3A = arith.constant 0 : index
    tpu.barrier barrier_id(%barrier3A)
    %scan3A_112 = arith.constant 0 : i32
    %scan3A_113 = arith.constant 4 : i32
    %scan3A_114 = arith.addi %scan3A_112, %scan3A_113 : i32
    %scan3A_115 = arith.constant 1 : i32
    scf.for %scan3A_191 = %scan3A_112 to %scan3A_114 step %scan3A_115  : i32 {
      %mul3A_192 = arith.constant 1 : i32
      %mul3A_193 = arith.muli %scan3A_191, %mul3A_192 : i32
      %add3A_194 = arith.constant 0 : i32
      %add3A_195 = arith.addi %add3A_194, %mul3A_193 : i32
      %eq3A_196 = arith.constant 0 : i32
      %eq3A_197 = arith.cmpi eq, %arg0, %eq3A_196 : i32
      %convert_element_type3A_198 = arith.extui %eq3A_197 : i1 to i32
      %cond3A_199 = arith.constant 0 : i32
      %cond3A_200 = arith.cmpi ne, %convert_element_type3A_198, %cond3A_199 : i32
      scf.if %cond3A_200 {
        "tpu.region"() ({
          %run_scoped3A = tpu.sem_alloc : memref<!tpu.dma_semaphore, #tpu.memory_space<semaphore_mem>>
          %dma_start3A_281 = arith.constant 0 : i32
          %dma_start3A_282 = arith.constant 0 : i32
          %dma_start3A_283 = tpu.memref_slice %arg4[%arg1, %add3A_195, %dma_start3A_281, %dma_start3A_282] : memref<16x4x40x125xi32, #tpu.memory_space<hbm>> -> memref<1x1x40x125xi32, #tpu.memory_space<hbm>>
          %dma_start3A_284 = tpu.memref_squeeze %dma_start3A_283 : memref<1x1x40x125xi32, #tpu.memory_space<hbm>> -> memref<40x125xi32, #tpu.memory_space<hbm>>
          %dma_start3A_285 = arith.constant 0 : i32
          %dma_start3A_286 = arith.constant 0 : i32
          %dma_start3A_287 = tpu.memref_slice %arg4[%arg1, %add3A_195, %dma_start3A_285, %dma_start3A_286] : memref<16x4x40x125xi32, #tpu.memory_space<hbm>> -> memref<1x1x40x125xi32, #tpu.memory_space<hbm>>
          %dma_start3A_288 = tpu.memref_squeeze %dma_start3A_287 : memref<1x1x40x125xi32, #tpu.memory_space<hbm>> -> memref<40x125xi32, #tpu.memory_space<hbm>>
          tpu.enqueue_dma source(%dma_start3A_288 : memref<40x125xi32, #tpu.memory_space<hbm>>) target(%arg13 : memref<40x125xi32, #tpu.memory_space<vmem>>) target_semaphore(%run_scoped3A : memref<!tpu.dma_semaphore, #tpu.memory_space<semaphore_mem>>)
          %dma_wait3A_289 = arith.constant 0 : i32
          %dma_wait3A_290 = arith.constant 0 : i32
          %dma_wait3A_291 = tpu.memref_slice %arg4[%arg1, %add3A_195, %dma_wait3A_289, %dma_wait3A_290] : memref<16x4x40x125xi32, #tpu.memory_space<hbm>> -> memref<1x1x40x125xi32, #tpu.memory_space<hbm>>
          %dma_wait3A_292 = tpu.memref_squeeze %dma_wait3A_291 : memref<1x1x40x125xi32, #tpu.memory_space<hbm>> -> memref<40x125xi32, #tpu.memory_space<hbm>>
          %dma_wait3A_293 = arith.constant 0 : i32
          %dma_wait3A_294 = arith.constant 0 : i32
          %dma_wait3A_295 = tpu.memref_slice %arg4[%arg1, %add3A_195, %dma_wait3A_293, %dma_wait3A_294] : memref<16x4x40x125xi32, #tpu.memory_space<hbm>> -> memref<1x1x40x125xi32, #tpu.memory_space<hbm>>
          %dma_wait3A_296 = tpu.memref_squeeze %dma_wait3A_295 : memref<1x1x40x125xi32, #tpu.memory_space<hbm>> -> memref<40x125xi32, #tpu.memory_space<hbm>>
          tpu.wait_dma2 semaphore(%run_scoped3A : memref<!tpu.dma_semaphore, #tpu.memory_space<semaphore_mem>>) src(%dma_wait3A_296 : memref<40x125xi32, #tpu.memory_space<hbm>>) dst(%arg13 : memref<40x125xi32, #tpu.memory_space<vmem>>)
          tpu.yield
        }) : () -> ()
        "tpu.region"() ({
          %run_scoped3A = tpu.sem_alloc : memref<!tpu.dma_semaphore, #tpu.memory_space<semaphore_mem>>
          %dma_start3A_281 = arith.constant 0 : i32
          %dma_start3A_282 = arith.constant 0 : i32
          %dma_start3A_283 = tpu.memref_slice %arg5[%arg1, %add3A_195, %dma_start3A_281, %dma_start3A_282] : memref<16x4x40x125xi32, #tpu.memory_space<hbm>> -> memref<1x1x40x125xi32, #tpu.memory_space<hbm>>
          %dma_start3A_284 = tpu.memref_squeeze %dma_start3A_283 : memref<1x1x40x125xi32, #tpu.memory_space<hbm>> -> memref<40x125xi32, #tpu.memory_space<hbm>>
          %dma_start3A_285 = arith.constant 0 : i32
          %dma_start3A_286 = arith.constant 0 : i32
          %dma_start3A_287 = tpu.memref_slice %arg5[%arg1, %add3A_195, %dma_start3A_285, %dma_start3A_286] : memref<16x4x40x125xi32, #tpu.memory_space<hbm>> -> memref<1x1x40x125xi32, #tpu.memory_space<hbm>>
          %dma_start3A_288 = tpu.memref_squeeze %dma_start3A_287 : memref<1x1x40x125xi32, #tpu.memory_space<hbm>> -> memref<40x125xi32, #tpu.memory_space<hbm>>
          tpu.enqueue_dma source(%dma_start3A_288 : memref<40x125xi32, #tpu.memory_space<hbm>>) target(%arg14 : memref<40x125xi32, #tpu.memory_space<vmem>>) target_semaphore(%run_scoped3A : memref<!tpu.dma_semaphore, #tpu.memory_space<semaphore_mem>>)
          %dma_wait3A_289 = arith.constant 0 : i32
          %dma_wait3A_290 = arith.constant 0 : i32
          %dma_wait3A_291 = tpu.memref_slice %arg5[%arg1, %add3A_195, %dma_wait3A_289, %dma_wait3A_290] : memref<16x4x40x125xi32, #tpu.memory_space<hbm>> -> memref<1x1x40x125xi32, #tpu.memory_space<hbm>>
          %dma_wait3A_292 = tpu.memref_squeeze %dma_wait3A_291 : memref<1x1x40x125xi32, #tpu.memory_space<hbm>> -> memref<40x125xi32, #tpu.memory_space<hbm>>
          %dma_wait3A_293 = arith.constant 0 : i32
          %dma_wait3A_294 = arith.constant 0 : i32
          %dma_wait3A_295 = tpu.memref_slice %arg5[%arg1, %add3A_195, %dma_wait3A_293, %dma_wait3A_294] : memref<16x4x40x125xi32, #tpu.memory_space<hbm>> -> memref<1x1x40x125xi32, #tpu.memory_space<hbm>>
          %dma_wait3A_296 = tpu.memref_squeeze %dma_wait3A_295 : memref<1x1x40x125xi32, #tpu.memory_space<hbm>> -> memref<40x125xi32, #tpu.memory_space<hbm>>
          tpu.wait_dma2 semaphore(%run_scoped3A : memref<!tpu.dma_semaphore, #tpu.memory_space<semaphore_mem>>) src(%dma_wait3A_296 : memref<40x125xi32, #tpu.memory_space<hbm>>) dst(%arg14 : memref<40x125xi32, #tpu.memory_space<vmem>>)
          tpu.yield
        }) : () -> ()
      } else {
      }
      %ne3A_201 = arith.constant 0 : i32
      %ne3A_202 = arith.cmpi ne, %arg0, %ne3A_201 : i32
      %convert_element_type3A_203 = arith.extui %ne3A_202 : i1 to i32
      %cond3A_204 = arith.constant 0 : i32
      %cond3A_205 = arith.cmpi ne, %convert_element_type3A_203, %cond3A_204 : i32
      scf.if %cond3A_205 {
        "tpu.region"() ({
          %run_scoped3A = tpu.sem_alloc : memref<!tpu.dma_semaphore, #tpu.memory_space<semaphore_mem>>
          %dma_start3A_281 = arith.constant 0 : i32
          %dma_start3A_282 = arith.constant 0 : i32
          %dma_start3A_283 = tpu.memref_slice %arg6[%arg1, %add3A_195, %dma_start3A_281, %dma_start3A_282] : memref<16x4x40x125xi32, #tpu.memory_space<hbm>> -> memref<1x1x40x125xi32, #tpu.memory_space<hbm>>
          %dma_start3A_284 = tpu.memref_squeeze %dma_start3A_283 : memref<1x1x40x125xi32, #tpu.memory_space<hbm>> -> memref<40x125xi32, #tpu.memory_space<hbm>>
          %dma_start3A_285 = arith.constant 0 : i32
          %dma_start3A_286 = arith.constant 0 : i32
          %dma_start3A_287 = tpu.memref_slice %arg6[%arg1, %add3A_195, %dma_start3A_285, %dma_start3A_286] : memref<16x4x40x125xi32, #tpu.memory_space<hbm>> -> memref<1x1x40x125xi32, #tpu.memory_space<hbm>>
          %dma_start3A_288 = tpu.memref_squeeze %dma_start3A_287 : memref<1x1x40x125xi32, #tpu.memory_space<hbm>> -> memref<40x125xi32, #tpu.memory_space<hbm>>
          tpu.enqueue_dma source(%dma_start3A_288 : memref<40x125xi32, #tpu.memory_space<hbm>>) target(%arg13 : memref<40x125xi32, #tpu.memory_space<vmem>>) target_semaphore(%run_scoped3A : memref<!tpu.dma_semaphore, #tpu.memory_space<semaphore_mem>>)
          %dma_wait3A_289 = arith.constant 0 : i32
          %dma_wait3A_290 = arith.constant 0 : i32
          %dma_wait3A_291 = tpu.memref_slice %arg6[%arg1, %add3A_195, %dma_wait3A_289, %dma_wait3A_290] : memref<16x4x40x125xi32, #tpu.memory_space<hbm>> -> memref<1x1x40x125xi32, #tpu.memory_space<hbm>>
          %dma_wait3A_292 = tpu.memref_squeeze %dma_wait3A_291 : memref<1x1x40x125xi32, #tpu.memory_space<hbm>> -> memref<40x125xi32, #tpu.memory_space<hbm>>
          %dma_wait3A_293 = arith.constant 0 : i32
          %dma_wait3A_294 = arith.constant 0 : i32
          %dma_wait3A_295 = tpu.memref_slice %arg6[%arg1, %add3A_195, %dma_wait3A_293, %dma_wait3A_294] : memref<16x4x40x125xi32, #tpu.memory_space<hbm>> -> memref<1x1x40x125xi32, #tpu.memory_space<hbm>>
          %dma_wait3A_296 = tpu.memref_squeeze %dma_wait3A_295 : memref<1x1x40x125xi32, #tpu.memory_space<hbm>> -> memref<40x125xi32, #tpu.memory_space<hbm>>
          tpu.wait_dma2 semaphore(%run_scoped3A : memref<!tpu.dma_semaphore, #tpu.memory_space<semaphore_mem>>) src(%dma_wait3A_296 : memref<40x125xi32, #tpu.memory_space<hbm>>) dst(%arg13 : memref<40x125xi32, #tpu.memory_space<vmem>>)
          tpu.yield
        }) : () -> ()
        "tpu.region"() ({
          %run_scoped3A = tpu.sem_alloc : memref<!tpu.dma_semaphore, #tpu.memory_space<semaphore_mem>>
          %dma_start3A_281 = arith.constant 0 : i32
          %dma_start3A_282 = arith.constant 0 : i32
          %dma_start3A_283 = tpu.memref_slice %arg7[%arg1, %add3A_195, %dma_start3A_281, %dma_start3A_282] : memref<16x4x40x125xi32, #tpu.memory_space<hbm>> -> memref<1x1x40x125xi32, #tpu.memory_space<hbm>>
          %dma_start3A_284 = tpu.memref_squeeze %dma_start3A_283 : memref<1x1x40x125xi32, #tpu.memory_space<hbm>> -> memref<40x125xi32, #tpu.memory_space<hbm>>
          %dma_start3A_285 = arith.constant 0 : i32
          %dma_start3A_286 = arith.constant 0 : i32
          %dma_start3A_287 = tpu.memref_slice %arg7[%arg1, %add3A_195, %dma_start3A_285, %dma_start3A_286] : memref<16x4x40x125xi32, #tpu.memory_space<hbm>> -> memref<1x1x40x125xi32, #tpu.memory_space<hbm>>
          %dma_start3A_288 = tpu.memref_squeeze %dma_start3A_287 : memref<1x1x40x125xi32, #tpu.memory_space<hbm>> -> memref<40x125xi32, #tpu.memory_space<hbm>>
          tpu.enqueue_dma source(%dma_start3A_288 : memref<40x125xi32, #tpu.memory_space<hbm>>) target(%arg14 : memref<40x125xi32, #tpu.memory_space<vmem>>) target_semaphore(%run_scoped3A : memref<!tpu.dma_semaphore, #tpu.memory_space<semaphore_mem>>)
          %dma_wait3A_289 = arith.constant 0 : i32
          %dma_wait3A_290 = arith.constant 0 : i32
          %dma_wait3A_291 = tpu.memref_slice %arg7[%arg1, %add3A_195, %dma_wait3A_289, %dma_wait3A_290] : memref<16x4x40x125xi32, #tpu.memory_space<hbm>> -> memref<1x1x40x125xi32, #tpu.memory_space<hbm>>
          %dma_wait3A_292 = tpu.memref_squeeze %dma_wait3A_291 : memref<1x1x40x125xi32, #tpu.memory_space<hbm>> -> memref<40x125xi32, #tpu.memory_space<hbm>>
          %dma_wait3A_293 = arith.constant 0 : i32
          %dma_wait3A_294 = arith.constant 0 : i32
          %dma_wait3A_295 = tpu.memref_slice %arg7[%arg1, %add3A_195, %dma_wait3A_293, %dma_wait3A_294] : memref<16x4x40x125xi32, #tpu.memory_space<hbm>> -> memref<1x1x40x125xi32, #tpu.memory_space<hbm>>
          %dma_wait3A_296 = tpu.memref_squeeze %dma_wait3A_295 : memref<1x1x40x125xi32, #tpu.memory_space<hbm>> -> memref<40x125xi32, #tpu.memory_space<hbm>>
          tpu.wait_dma2 semaphore(%run_scoped3A : memref<!tpu.dma_semaphore, #tpu.memory_space<semaphore_mem>>) src(%dma_wait3A_296 : memref<40x125xi32, #tpu.memory_space<hbm>>) dst(%arg14 : memref<40x125xi32, #tpu.memory_space<vmem>>)
          tpu.yield
        }) : () -> ()
      } else {
      }
      %dma_start3A_206 = arith.constant 0 : i32
      %dma_start3A_207 = arith.constant 0 : i32
      %dma_start3A_208 = arith.constant 0 : i32
      %dma_start3A_209 = tpu.memref_slice %arg15[%dma_start3A_207, %dma_start3A_208] : memref<128x64xf32, #tpu.memory_space<vmem>> -> memref<125x64xf32, #tpu.memory_space<vmem>>
      %dma_start3A_210 = arith.constant 0 : i32
      %dma_start3A_211 = tpu.memref_slice %arg13[%dma_start3A_206, %dma_start3A_210] : memref<40x125xi32, #tpu.memory_space<vmem>> -> memref<1x125xi32, #tpu.memory_space<vmem>>
      %dma_start3A_212 = tpu.memref_squeeze %dma_start3A_211 : memref<1x125xi32, #tpu.memory_space<vmem>> -> memref<125xi32, #tpu.memory_space<vmem>>
      %dma_start3A_213 = arith.constant 0 : i32
      %dma_start3A_214 = arith.constant 0 : i32
      %dma_start3A_215 = tpu.memref_slice %arg11[%dma_start3A_213, %dma_start3A_214] : memref<10240x64xf32, #tpu.memory_space<vmem_shared>> -> memref<10240x64xf32, #tpu.memory_space<vmem_shared>>
      tpu.enqueue_indirect_dma source(%dma_start3A_215 : memref<10240x64xf32, #tpu.memory_space<vmem_shared>>) target(%dma_start3A_209 : memref<125x64xf32, #tpu.memory_space<vmem>>) offsets(%dma_start3A_212 : memref<125xi32, #tpu.memory_space<vmem>>) semaphore(%arg19 : memref<!tpu.dma_semaphore, #tpu.memory_space<semaphore_mem>>)
      %dma_start3A_216 = arith.constant 1 : i32
      %dma_start3A_217 = arith.constant 0 : i32
      %dma_start3A_218 = arith.constant 0 : i32
      %dma_start3A_219 = tpu.memref_slice %arg16[%dma_start3A_217, %dma_start3A_218] : memref<128x64xf32, #tpu.memory_space<vmem>> -> memref<125x64xf32, #tpu.memory_space<vmem>>
      %dma_start3A_220 = arith.constant 0 : i32
      %dma_start3A_221 = tpu.memref_slice %arg13[%dma_start3A_216, %dma_start3A_220] : memref<40x125xi32, #tpu.memory_space<vmem>> -> memref<1x125xi32, #tpu.memory_space<vmem>>
      %dma_start3A_222 = tpu.memref_squeeze %dma_start3A_221 : memref<1x125xi32, #tpu.memory_space<vmem>> -> memref<125xi32, #tpu.memory_space<vmem>>
      %dma_start3A_223 = arith.constant 0 : i32
      %dma_start3A_224 = arith.constant 0 : i32
      %dma_start3A_225 = tpu.memref_slice %arg11[%dma_start3A_223, %dma_start3A_224] : memref<10240x64xf32, #tpu.memory_space<vmem_shared>> -> memref<10240x64xf32, #tpu.memory_space<vmem_shared>>
      tpu.enqueue_indirect_dma source(%dma_start3A_225 : memref<10240x64xf32, #tpu.memory_space<vmem_shared>>) target(%dma_start3A_219 : memref<125x64xf32, #tpu.memory_space<vmem>>) offsets(%dma_start3A_222 : memref<125xi32, #tpu.memory_space<vmem>>) semaphore(%arg20 : memref<!tpu.dma_semaphore, #tpu.memory_space<semaphore_mem>>)
      %dma_start3A_226 = arith.constant 2 : i32
      %dma_start3A_227 = arith.constant 0 : i32
      %dma_start3A_228 = arith.constant 0 : i32
      %dma_start3A_229 = tpu.memref_slice %arg17[%dma_start3A_227, %dma_start3A_228] : memref<128x64xf32, #tpu.memory_space<vmem>> -> memref<125x64xf32, #tpu.memory_space<vmem>>
      %dma_start3A_230 = arith.constant 0 : i32
      %dma_start3A_231 = tpu.memref_slice %arg13[%dma_start3A_226, %dma_start3A_230] : memref<40x125xi32, #tpu.memory_space<vmem>> -> memref<1x125xi32, #tpu.memory_space<vmem>>
      %dma_start3A_232 = tpu.memref_squeeze %dma_start3A_231 : memref<1x125xi32, #tpu.memory_space<vmem>> -> memref<125xi32, #tpu.memory_space<vmem>>
      %dma_start3A_233 = arith.constant 0 : i32
      %dma_start3A_234 = arith.constant 0 : i32
      %dma_start3A_235 = tpu.memref_slice %arg11[%dma_start3A_233, %dma_start3A_234] : memref<10240x64xf32, #tpu.memory_space<vmem_shared>> -> memref<10240x64xf32, #tpu.memory_space<vmem_shared>>
      tpu.enqueue_indirect_dma source(%dma_start3A_235 : memref<10240x64xf32, #tpu.memory_space<vmem_shared>>) target(%dma_start3A_229 : memref<125x64xf32, #tpu.memory_space<vmem>>) offsets(%dma_start3A_232 : memref<125xi32, #tpu.memory_space<vmem>>) semaphore(%arg21 : memref<!tpu.dma_semaphore, #tpu.memory_space<semaphore_mem>>)
      %scan3A_236 = arith.constant 0 : i32
      %scan3A_237 = arith.constant 5 : i32
      %scan3A_238 = arith.addi %scan3A_236, %scan3A_237 : i32
      %scan3A_239 = arith.constant 1 : i32
      scf.for %scan3A_281 = %scan3A_236 to %scan3A_238 step %scan3A_239  : i32 {
        %mul3A_282 = arith.constant 1 : i32
        %mul3A_283 = arith.muli %scan3A_281, %mul3A_282 : i32
        %add3A_284 = arith.constant 0 : i32
        %add3A_285 = arith.addi %add3A_284, %mul3A_283 : i32
        %mul3A_286 = arith.constant 8 : i32
        %mul3A_287 = arith.muli %add3A_285, %mul3A_286 : i32
        %add3A_288 = arith.constant 0 : i32
        %add3A_289 = arith.addi %mul3A_287, %add3A_288 : i32
        %dma_wait3A_290 = arith.constant 0 : i32
        %dma_wait3A_291 = arith.constant 0 : i32
        %dma_wait3A_292 = arith.constant 0 : i32
        %dma_wait3A_293 = tpu.memref_slice %arg15[%dma_wait3A_291, %dma_wait3A_292] : memref<128x64xf32, #tpu.memory_space<vmem>> -> memref<125x64xf32, #tpu.memory_space<vmem>>
        %dma_wait3A_294 = arith.constant 0 : i32
        %dma_wait3A_295 = tpu.memref_slice %arg13[%dma_wait3A_290, %dma_wait3A_294] : memref<40x125xi32, #tpu.memory_space<vmem>> -> memref<1x125xi32, #tpu.memory_space<vmem>>
        %dma_wait3A_296 = tpu.memref_squeeze %dma_wait3A_295 : memref<1x125xi32, #tpu.memory_space<vmem>> -> memref<125xi32, #tpu.memory_space<vmem>>
        %dma_wait3A_297 = arith.constant 0 : i32
        %dma_wait3A_298 = arith.constant 0 : i32
        %dma_wait3A_299 = tpu.memref_slice %arg11[%dma_wait3A_297, %dma_wait3A_298] : memref<10240x64xf32, #tpu.memory_space<vmem_shared>> -> memref<10240x64xf32, #tpu.memory_space<vmem_shared>>
        tpu.wait_indirect_dma semaphore(%arg19 : memref<!tpu.dma_semaphore, #tpu.memory_space<semaphore_mem>>) src(%dma_wait3A_299 : memref<10240x64xf32, #tpu.memory_space<vmem_shared>>) dst(%dma_wait3A_293 : memref<125x64xf32, #tpu.memory_space<vmem>>)
        %dma_start3A_300 = arith.constant 0 : i32
        %dma_start3A_301 = arith.constant 0 : i32
        %dma_start3A_302 = tpu.memref_slice %arg15[%dma_start3A_300, %dma_start3A_301] : memref<128x64xf32, #tpu.memory_space<vmem>> -> memref<125x64xf32, #tpu.memory_space<vmem>>
        %dma_start3A_303 = arith.constant 0 : i32
        %dma_start3A_304 = tpu.memref_slice %arg14[%add3A_289, %dma_start3A_303] : memref<40x125xi32, #tpu.memory_space<vmem>> -> memref<1x125xi32, #tpu.memory_space<vmem>>
        %dma_start3A_305 = tpu.memref_squeeze %dma_start3A_304 : memref<1x125xi32, #tpu.memory_space<vmem>> -> memref<125xi32, #tpu.memory_space<vmem>>
        %dma_start3A_306 = arith.constant 0 : i32
        %dma_start3A_307 = arith.constant 0 : i32
        %dma_start3A_308 = tpu.memref_slice %arg12[%dma_start3A_306, %dma_start3A_307] : memref<10240x64xf32, #tpu.memory_space<vmem_shared>> -> memref<10240x64xf32, #tpu.memory_space<vmem_shared>>
        tpu.enqueue_indirect_dma source(%dma_start3A_302 : memref<125x64xf32, #tpu.memory_space<vmem>>) target(%dma_start3A_308 : memref<10240x64xf32, #tpu.memory_space<vmem_shared>>) offsets(%dma_start3A_305 : memref<125xi32, #tpu.memory_space<vmem>>) semaphore(%arg23 : memref<!tpu.dma_semaphore, #tpu.memory_space<semaphore_mem>>) {add = true}
        %add3A_309 = arith.constant 3 : i32
        %add3A_310 = arith.addi %add3A_289, %add3A_309 : i32
        %lt3A = arith.constant 40 : i32
        %lt3A_311 = arith.cmpi slt, %add3A_310, %lt3A : i32
        %convert_element_type3A_312 = arith.extui %lt3A_311 : i1 to i32
        %cond3A_313 = arith.constant 0 : i32
        %cond3A_314 = arith.cmpi ne, %convert_element_type3A_312, %cond3A_313 : i32
        scf.if %cond3A_314 {
          %ge3A = arith.constant 1 : i32
          %ge3A_525 = arith.cmpi sge, %add3A_289, %ge3A : i32
          %convert_element_type3A_526 = arith.extui %ge3A_525 : i1 to i32
          %cond3A_527 = arith.constant 0 : i32
          %cond3A_528 = arith.cmpi ne, %convert_element_type3A_526, %cond3A_527 : i32
          scf.if %cond3A_528 {
            %dma_wait3A_539 = arith.constant 0 : i32
            %dma_wait3A_540 = arith.constant 0 : i32
            %dma_wait3A_541 = arith.constant 0 : i32
            %dma_wait3A_542 = tpu.memref_slice %arg18[%dma_wait3A_540, %dma_wait3A_541] : memref<128x64xf32, #tpu.memory_space<vmem>> -> memref<125x64xf32, #tpu.memory_space<vmem>>
            %dma_wait3A_543 = arith.constant 0 : i32
            %dma_wait3A_544 = tpu.memref_slice %arg14[%dma_wait3A_539, %dma_wait3A_543] : memref<40x125xi32, #tpu.memory_space<vmem>> -> memref<1x125xi32, #tpu.memory_space<vmem>>
            %dma_wait3A_545 = tpu.memref_squeeze %dma_wait3A_544 : memref<1x125xi32, #tpu.memory_space<vmem>> -> memref<125xi32, #tpu.memory_space<vmem>>
            %dma_wait3A_546 = arith.constant 0 : i32
            %dma_wait3A_547 = arith.constant 0 : i32
            %dma_wait3A_548 = tpu.memref_slice %arg12[%dma_wait3A_546, %dma_wait3A_547] : memref<10240x64xf32, #tpu.memory_space<vmem_shared>> -> memref<10240x64xf32, #tpu.memory_space<vmem_shared>>
            tpu.wait_indirect_dma semaphore(%arg26 : memref<!tpu.dma_semaphore, #tpu.memory_space<semaphore_mem>>) src(%dma_wait3A_542 : memref<125x64xf32, #tpu.memory_space<vmem>>) dst(%dma_wait3A_548 : memref<10240x64xf32, #tpu.memory_space<vmem_shared>>)
          } else {
          }
          %eq3A_529 = arith.constant 0 : i32
          %eq3A_530 = arith.cmpi eq, %arg0, %eq3A_529 : i32
          %convert_element_type3A_531 = arith.extui %eq3A_530 : i1 to i32
          %cond3A_532 = arith.constant 0 : i32
          %cond3A_533 = arith.cmpi ne, %convert_element_type3A_531, %cond3A_532 : i32
          scf.if %cond3A_533 {
            %add3A_539 = arith.constant 3 : i32
            %add3A_540 = arith.addi %add3A_289, %add3A_539 : i32
            %dma_start3A_541 = arith.constant 0 : i32
            %dma_start3A_542 = arith.constant 0 : i32
            %dma_start3A_543 = tpu.memref_slice %arg18[%dma_start3A_541, %dma_start3A_542] : memref<128x64xf32, #tpu.memory_space<vmem>> -> memref<125x64xf32, #tpu.memory_space<vmem>>
            %dma_start3A_544 = arith.constant 0 : i32
            %dma_start3A_545 = tpu.memref_slice %arg13[%add3A_540, %dma_start3A_544] : memref<40x125xi32, #tpu.memory_space<vmem>> -> memref<1x125xi32, #tpu.memory_space<vmem>>
            %dma_start3A_546 = tpu.memref_squeeze %dma_start3A_545 : memref<1x125xi32, #tpu.memory_space<vmem>> -> memref<125xi32, #tpu.memory_space<vmem>>
            %dma_start3A_547 = arith.constant 0 : i32
            %dma_start3A_548 = arith.constant 0 : i32
            %dma_start3A_549 = tpu.memref_slice %arg2[%dma_start3A_547, %dma_start3A_548] : memref<10240x64xf32, #tpu.memory_space<hbm>> -> memref<10240x64xf32, #tpu.memory_space<hbm>>
            tpu.enqueue_indirect_dma source(%dma_start3A_549 : memref<10240x64xf32, #tpu.memory_space<hbm>>) target(%dma_start3A_543 : memref<125x64xf32, #tpu.memory_space<vmem>>) offsets(%dma_start3A_546 : memref<125xi32, #tpu.memory_space<vmem>>) semaphore(%arg22 : memref<!tpu.dma_semaphore, #tpu.memory_space<semaphore_mem>>)
          } else {
          }
          %ne3A_534 = arith.constant 0 : i32
          %ne3A_535 = arith.cmpi ne, %arg0, %ne3A_534 : i32
          %convert_element_type3A_536 = arith.extui %ne3A_535 : i1 to i32
          %cond3A_537 = arith.constant 0 : i32
          %cond3A_538 = arith.cmpi ne, %convert_element_type3A_536, %cond3A_537 : i32
          scf.if %cond3A_538 {
            %add3A_539 = arith.constant 3 : i32
            %add3A_540 = arith.addi %add3A_289, %add3A_539 : i32
            %dma_start3A_541 = arith.constant 0 : i32
            %dma_start3A_542 = arith.constant 0 : i32
            %dma_start3A_543 = tpu.memref_slice %arg18[%dma_start3A_541, %dma_start3A_542] : memref<128x64xf32, #tpu.memory_space<vmem>> -> memref<125x64xf32, #tpu.memory_space<vmem>>
            %dma_start3A_544 = arith.constant 0 : i32
            %dma_start3A_545 = tpu.memref_slice %arg13[%add3A_540, %dma_start3A_544] : memref<40x125xi32, #tpu.memory_space<vmem>> -> memref<1x125xi32, #tpu.memory_space<vmem>>
            %dma_start3A_546 = tpu.memref_squeeze %dma_start3A_545 : memref<1x125xi32, #tpu.memory_space<vmem>> -> memref<125xi32, #tpu.memory_space<vmem>>
            %dma_start3A_547 = arith.constant 0 : i32
            %dma_start3A_548 = arith.constant 0 : i32
            %dma_start3A_549 = tpu.memref_slice %arg3[%dma_start3A_547, %dma_start3A_548] : memref<10240x64xf32, #tpu.memory_space<hbm>> -> memref<10240x64xf32, #tpu.memory_space<hbm>>
            tpu.enqueue_indirect_dma source(%dma_start3A_549 : memref<10240x64xf32, #tpu.memory_space<hbm>>) target(%dma_start3A_543 : memref<125x64xf32, #tpu.memory_space<vmem>>) offsets(%dma_start3A_546 : memref<125xi32, #tpu.memory_space<vmem>>) semaphore(%arg22 : memref<!tpu.dma_semaphore, #tpu.memory_space<semaphore_mem>>)
          } else {
          }
        } else {
        }
        %mul3A_315 = arith.constant 8 : i32
        %mul3A_316 = arith.muli %add3A_285, %mul3A_315 : i32
        %add3A_317 = arith.constant 1 : i32
        %add3A_318 = arith.addi %mul3A_316, %add3A_317 : i32
        %dma_wait3A_319 = arith.constant 0 : i32
        %dma_wait3A_320 = arith.constant 0 : i32
        %dma_wait3A_321 = arith.constant 0 : i32
        %dma_wait3A_322 = tpu.memref_slice %arg16[%dma_wait3A_320, %dma_wait3A_321] : memref<128x64xf32, #tpu.memory_space<vmem>> -> memref<125x64xf32, #tpu.memory_space<vmem>>
        %dma_wait3A_323 = arith.constant 0 : i32
        %dma_wait3A_324 = tpu.memref_slice %arg13[%dma_wait3A_319, %dma_wait3A_323] : memref<40x125xi32, #tpu.memory_space<vmem>> -> memref<1x125xi32, #tpu.memory_space<vmem>>
        %dma_wait3A_325 = tpu.memref_squeeze %dma_wait3A_324 : memref<1x125xi32, #tpu.memory_space<vmem>> -> memref<125xi32, #tpu.memory_space<vmem>>
        %dma_wait3A_326 = arith.constant 0 : i32
        %dma_wait3A_327 = arith.constant 0 : i32
        %dma_wait3A_328 = tpu.memref_slice %arg11[%dma_wait3A_326, %dma_wait3A_327] : memref<10240x64xf32, #tpu.memory_space<vmem_shared>> -> memref<10240x64xf32, #tpu.memory_space<vmem_shared>>
        tpu.wait_indirect_dma semaphore(%arg20 : memref<!tpu.dma_semaphore, #tpu.memory_space<semaphore_mem>>) src(%dma_wait3A_328 : memref<10240x64xf32, #tpu.memory_space<vmem_shared>>) dst(%dma_wait3A_322 : memref<125x64xf32, #tpu.memory_space<vmem>>)
        %dma_start3A_329 = arith.constant 0 : i32
        %dma_start3A_330 = arith.constant 0 : i32
        %dma_start3A_331 = tpu.memref_slice %arg16[%dma_start3A_329, %dma_start3A_330] : memref<128x64xf32, #tpu.memory_space<vmem>> -> memref<125x64xf32, #tpu.memory_space<vmem>>
        %dma_start3A_332 = arith.constant 0 : i32
        %dma_start3A_333 = tpu.memref_slice %arg14[%add3A_318, %dma_start3A_332] : memref<40x125xi32, #tpu.memory_space<vmem>> -> memref<1x125xi32, #tpu.memory_space<vmem>>
        %dma_start3A_334 = tpu.memref_squeeze %dma_start3A_333 : memref<1x125xi32, #tpu.memory_space<vmem>> -> memref<125xi32, #tpu.memory_space<vmem>>
        %dma_start3A_335 = arith.constant 0 : i32
        %dma_start3A_336 = arith.constant 0 : i32
        %dma_start3A_337 = tpu.memref_slice %arg12[%dma_start3A_335, %dma_start3A_336] : memref<10240x64xf32, #tpu.memory_space<vmem_shared>> -> memref<10240x64xf32, #tpu.memory_space<vmem_shared>>
        tpu.enqueue_indirect_dma source(%dma_start3A_331 : memref<125x64xf32, #tpu.memory_space<vmem>>) target(%dma_start3A_337 : memref<10240x64xf32, #tpu.memory_space<vmem_shared>>) offsets(%dma_start3A_334 : memref<125xi32, #tpu.memory_space<vmem>>) semaphore(%arg24 : memref<!tpu.dma_semaphore, #tpu.memory_space<semaphore_mem>>) {add = true}
        %add3A_338 = arith.constant 3 : i32
        %add3A_339 = arith.addi %add3A_318, %add3A_338 : i32
        %lt3A_340 = arith.constant 40 : i32
        %lt3A_341 = arith.cmpi slt, %add3A_339, %lt3A_340 : i32
        %convert_element_type3A_342 = arith.extui %lt3A_341 : i1 to i32
        %cond3A_343 = arith.constant 0 : i32
        %cond3A_344 = arith.cmpi ne, %convert_element_type3A_342, %cond3A_343 : i32
        scf.if %cond3A_344 {
          %ge3A = arith.constant 1 : i32
          %ge3A_525 = arith.cmpi sge, %add3A_318, %ge3A : i32
          %convert_element_type3A_526 = arith.extui %ge3A_525 : i1 to i32
          %cond3A_527 = arith.constant 0 : i32
          %cond3A_528 = arith.cmpi ne, %convert_element_type3A_526, %cond3A_527 : i32
          scf.if %cond3A_528 {
            %dma_wait3A_540 = arith.constant 0 : i32
            %dma_wait3A_541 = arith.constant 0 : i32
            %dma_wait3A_542 = arith.constant 0 : i32
            %dma_wait3A_543 = tpu.memref_slice %arg15[%dma_wait3A_541, %dma_wait3A_542] : memref<128x64xf32, #tpu.memory_space<vmem>> -> memref<125x64xf32, #tpu.memory_space<vmem>>
            %dma_wait3A_544 = arith.constant 0 : i32
            %dma_wait3A_545 = tpu.memref_slice %arg14[%dma_wait3A_540, %dma_wait3A_544] : memref<40x125xi32, #tpu.memory_space<vmem>> -> memref<1x125xi32, #tpu.memory_space<vmem>>
            %dma_wait3A_546 = tpu.memref_squeeze %dma_wait3A_545 : memref<1x125xi32, #tpu.memory_space<vmem>> -> memref<125xi32, #tpu.memory_space<vmem>>
            %dma_wait3A_547 = arith.constant 0 : i32
            %dma_wait3A_548 = arith.constant 0 : i32
            %dma_wait3A_549 = tpu.memref_slice %arg12[%dma_wait3A_547, %dma_wait3A_548] : memref<10240x64xf32, #tpu.memory_space<vmem_shared>> -> memref<10240x64xf32, #tpu.memory_space<vmem_shared>>
            tpu.wait_indirect_dma semaphore(%arg23 : memref<!tpu.dma_semaphore, #tpu.memory_space<semaphore_mem>>) src(%dma_wait3A_543 : memref<125x64xf32, #tpu.memory_space<vmem>>) dst(%dma_wait3A_549 : memref<10240x64xf32, #tpu.memory_space<vmem_shared>>)
          } else {
          }
          %add3A_529 = arith.constant 3 : i32
          %add3A_530 = arith.addi %add3A_318, %add3A_529 : i32
          %dma_start3A_531 = arith.constant 0 : i32
          %dma_start3A_532 = arith.constant 0 : i32
          %dma_start3A_533 = tpu.memref_slice %arg15[%dma_start3A_531, %dma_start3A_532] : memref<128x64xf32, #tpu.memory_space<vmem>> -> memref<125x64xf32, #tpu.memory_space<vmem>>
          %dma_start3A_534 = arith.constant 0 : i32
          %dma_start3A_535 = tpu.memref_slice %arg13[%add3A_530, %dma_start3A_534] : memref<40x125xi32, #tpu.memory_space<vmem>> -> memref<1x125xi32, #tpu.memory_space<vmem>>
          %dma_start3A_536 = tpu.memref_squeeze %dma_start3A_535 : memref<1x125xi32, #tpu.memory_space<vmem>> -> memref<125xi32, #tpu.memory_space<vmem>>
          %dma_start3A_537 = arith.constant 0 : i32
          %dma_start3A_538 = arith.constant 0 : i32
          %dma_start3A_539 = tpu.memref_slice %arg11[%dma_start3A_537, %dma_start3A_538] : memref<10240x64xf32, #tpu.memory_space<vmem_shared>> -> memref<10240x64xf32, #tpu.memory_space<vmem_shared>>
          tpu.enqueue_indirect_dma source(%dma_start3A_539 : memref<10240x64xf32, #tpu.memory_space<vmem_shared>>) target(%dma_start3A_533 : memref<125x64xf32, #tpu.memory_space<vmem>>) offsets(%dma_start3A_536 : memref<125xi32, #tpu.memory_space<vmem>>) semaphore(%arg19 : memref<!tpu.dma_semaphore, #tpu.memory_space<semaphore_mem>>)
        } else {
        }
        %mul3A_345 = arith.constant 8 : i32
        %mul3A_346 = arith.muli %add3A_285, %mul3A_345 : i32
        %add3A_347 = arith.constant 2 : i32
        %add3A_348 = arith.addi %mul3A_346, %add3A_347 : i32
        %dma_wait3A_349 = arith.constant 0 : i32
        %dma_wait3A_350 = arith.constant 0 : i32
        %dma_wait3A_351 = arith.constant 0 : i32
        %dma_wait3A_352 = tpu.memref_slice %arg17[%dma_wait3A_350, %dma_wait3A_351] : memref<128x64xf32, #tpu.memory_space<vmem>> -> memref<125x64xf32, #tpu.memory_space<vmem>>
        %dma_wait3A_353 = arith.constant 0 : i32
        %dma_wait3A_354 = tpu.memref_slice %arg13[%dma_wait3A_349, %dma_wait3A_353] : memref<40x125xi32, #tpu.memory_space<vmem>> -> memref<1x125xi32, #tpu.memory_space<vmem>>
        %dma_wait3A_355 = tpu.memref_squeeze %dma_wait3A_354 : memref<1x125xi32, #tpu.memory_space<vmem>> -> memref<125xi32, #tpu.memory_space<vmem>>
        %dma_wait3A_356 = arith.constant 0 : i32
        %dma_wait3A_357 = arith.constant 0 : i32
        %dma_wait3A_358 = tpu.memref_slice %arg11[%dma_wait3A_356, %dma_wait3A_357] : memref<10240x64xf32, #tpu.memory_space<vmem_shared>> -> memref<10240x64xf32, #tpu.memory_space<vmem_shared>>
        tpu.wait_indirect_dma semaphore(%arg21 : memref<!tpu.dma_semaphore, #tpu.memory_space<semaphore_mem>>) src(%dma_wait3A_358 : memref<10240x64xf32, #tpu.memory_space<vmem_shared>>) dst(%dma_wait3A_352 : memref<125x64xf32, #tpu.memory_space<vmem>>)
        %dma_start3A_359 = arith.constant 0 : i32
        %dma_start3A_360 = arith.constant 0 : i32
        %dma_start3A_361 = tpu.memref_slice %arg17[%dma_start3A_359, %dma_start3A_360] : memref<128x64xf32, #tpu.memory_space<vmem>> -> memref<125x64xf32, #tpu.memory_space<vmem>>
        %dma_start3A_362 = arith.constant 0 : i32
        %dma_start3A_363 = tpu.memref_slice %arg14[%add3A_348, %dma_start3A_362] : memref<40x125xi32, #tpu.memory_space<vmem>> -> memref<1x125xi32, #tpu.memory_space<vmem>>
        %dma_start3A_364 = tpu.memref_squeeze %dma_start3A_363 : memref<1x125xi32, #tpu.memory_space<vmem>> -> memref<125xi32, #tpu.memory_space<vmem>>
        %dma_start3A_365 = arith.constant 0 : i32
        %dma_start3A_366 = arith.constant 0 : i32
        %dma_start3A_367 = tpu.memref_slice %arg12[%dma_start3A_365, %dma_start3A_366] : memref<10240x64xf32, #tpu.memory_space<vmem_shared>> -> memref<10240x64xf32, #tpu.memory_space<vmem_shared>>
        tpu.enqueue_indirect_dma source(%dma_start3A_361 : memref<125x64xf32, #tpu.memory_space<vmem>>) target(%dma_start3A_367 : memref<10240x64xf32, #tpu.memory_space<vmem_shared>>) offsets(%dma_start3A_364 : memref<125xi32, #tpu.memory_space<vmem>>) semaphore(%arg25 : memref<!tpu.dma_semaphore, #tpu.memory_space<semaphore_mem>>) {add = true}
        %add3A_368 = arith.constant 3 : i32
        %add3A_369 = arith.addi %add3A_348, %add3A_368 : i32
        %lt3A_370 = arith.constant 40 : i32
        %lt3A_371 = arith.cmpi slt, %add3A_369, %lt3A_370 : i32
        %convert_element_type3A_372 = arith.extui %lt3A_371 : i1 to i32
        %cond3A_373 = arith.constant 0 : i32
        %cond3A_374 = arith.cmpi ne, %convert_element_type3A_372, %cond3A_373 : i32
        scf.if %cond3A_374 {
          %ge3A = arith.constant 1 : i32
          %ge3A_525 = arith.cmpi sge, %add3A_348, %ge3A : i32
          %convert_element_type3A_526 = arith.extui %ge3A_525 : i1 to i32
          %cond3A_527 = arith.constant 0 : i32
          %cond3A_528 = arith.cmpi ne, %convert_element_type3A_526, %cond3A_527 : i32
          scf.if %cond3A_528 {
            %dma_wait3A_540 = arith.constant 0 : i32
            %dma_wait3A_541 = arith.constant 0 : i32
            %dma_wait3A_542 = arith.constant 0 : i32
            %dma_wait3A_543 = tpu.memref_slice %arg16[%dma_wait3A_541, %dma_wait3A_542] : memref<128x64xf32, #tpu.memory_space<vmem>> -> memref<125x64xf32, #tpu.memory_space<vmem>>
            %dma_wait3A_544 = arith.constant 0 : i32
            %dma_wait3A_545 = tpu.memref_slice %arg14[%dma_wait3A_540, %dma_wait3A_544] : memref<40x125xi32, #tpu.memory_space<vmem>> -> memref<1x125xi32, #tpu.memory_space<vmem>>
            %dma_wait3A_546 = tpu.memref_squeeze %dma_wait3A_545 : memref<1x125xi32, #tpu.memory_space<vmem>> -> memref<125xi32, #tpu.memory_space<vmem>>
            %dma_wait3A_547 = arith.constant 0 : i32
            %dma_wait3A_548 = arith.constant 0 : i32
            %dma_wait3A_549 = tpu.memref_slice %arg12[%dma_wait3A_547, %dma_wait3A_548] : memref<10240x64xf32, #tpu.memory_space<vmem_shared>> -> memref<10240x64xf32, #tpu.memory_space<vmem_shared>>
            tpu.wait_indirect_dma semaphore(%arg24 : memref<!tpu.dma_semaphore, #tpu.memory_space<semaphore_mem>>) src(%dma_wait3A_543 : memref<125x64xf32, #tpu.memory_space<vmem>>) dst(%dma_wait3A_549 : memref<10240x64xf32, #tpu.memory_space<vmem_shared>>)
          } else {
          }
          %add3A_529 = arith.constant 3 : i32
          %add3A_530 = arith.addi %add3A_348, %add3A_529 : i32
          %dma_start3A_531 = arith.constant 0 : i32
          %dma_start3A_532 = arith.constant 0 : i32
          %dma_start3A_533 = tpu.memref_slice %arg16[%dma_start3A_531, %dma_start3A_532] : memref<128x64xf32, #tpu.memory_space<vmem>> -> memref<125x64xf32, #tpu.memory_space<vmem>>
          %dma_start3A_534 = arith.constant 0 : i32
          %dma_start3A_535 = tpu.memref_slice %arg13[%add3A_530, %dma_start3A_534] : memref<40x125xi32, #tpu.memory_space<vmem>> -> memref<1x125xi32, #tpu.memory_space<vmem>>
          %dma_start3A_536 = tpu.memref_squeeze %dma_start3A_535 : memref<1x125xi32, #tpu.memory_space<vmem>> -> memref<125xi32, #tpu.memory_space<vmem>>
          %dma_start3A_537 = arith.constant 0 : i32
          %dma_start3A_538 = arith.constant 0 : i32
          %dma_start3A_539 = tpu.memref_slice %arg11[%dma_start3A_537, %dma_start3A_538] : memref<10240x64xf32, #tpu.memory_space<vmem_shared>> -> memref<10240x64xf32, #tpu.memory_space<vmem_shared>>
          tpu.enqueue_indirect_dma source(%dma_start3A_539 : memref<10240x64xf32, #tpu.memory_space<vmem_shared>>) target(%dma_start3A_533 : memref<125x64xf32, #tpu.memory_space<vmem>>) offsets(%dma_start3A_536 : memref<125xi32, #tpu.memory_space<vmem>>) semaphore(%arg20 : memref<!tpu.dma_semaphore, #tpu.memory_space<semaphore_mem>>)
        } else {
        }
        %mul3A_375 = arith.constant 8 : i32
        %mul3A_376 = arith.muli %add3A_285, %mul3A_375 : i32
        %add3A_377 = arith.constant 3 : i32
        %add3A_378 = arith.addi %mul3A_376, %add3A_377 : i32
        %dma_wait3A_379 = arith.constant 0 : i32
        %dma_wait3A_380 = arith.constant 0 : i32
        %dma_wait3A_381 = arith.constant 0 : i32
        %dma_wait3A_382 = tpu.memref_slice %arg18[%dma_wait3A_380, %dma_wait3A_381] : memref<128x64xf32, #tpu.memory_space<vmem>> -> memref<125x64xf32, #tpu.memory_space<vmem>>
        %dma_wait3A_383 = arith.constant 0 : i32
        %dma_wait3A_384 = tpu.memref_slice %arg13[%dma_wait3A_379, %dma_wait3A_383] : memref<40x125xi32, #tpu.memory_space<vmem>> -> memref<1x125xi32, #tpu.memory_space<vmem>>
        %dma_wait3A_385 = tpu.memref_squeeze %dma_wait3A_384 : memref<1x125xi32, #tpu.memory_space<vmem>> -> memref<125xi32, #tpu.memory_space<vmem>>
        %dma_wait3A_386 = arith.constant 0 : i32
        %dma_wait3A_387 = arith.constant 0 : i32
        %dma_wait3A_388 = tpu.memref_slice %arg11[%dma_wait3A_386, %dma_wait3A_387] : memref<10240x64xf32, #tpu.memory_space<vmem_shared>> -> memref<10240x64xf32, #tpu.memory_space<vmem_shared>>
        tpu.wait_indirect_dma semaphore(%arg22 : memref<!tpu.dma_semaphore, #tpu.memory_space<semaphore_mem>>) src(%dma_wait3A_388 : memref<10240x64xf32, #tpu.memory_space<vmem_shared>>) dst(%dma_wait3A_382 : memref<125x64xf32, #tpu.memory_space<vmem>>)
        %dma_start3A_389 = arith.constant 0 : i32
        %dma_start3A_390 = arith.constant 0 : i32
        %dma_start3A_391 = tpu.memref_slice %arg18[%dma_start3A_389, %dma_start3A_390] : memref<128x64xf32, #tpu.memory_space<vmem>> -> memref<125x64xf32, #tpu.memory_space<vmem>>
        %dma_start3A_392 = arith.constant 0 : i32
        %dma_start3A_393 = tpu.memref_slice %arg14[%add3A_378, %dma_start3A_392] : memref<40x125xi32, #tpu.memory_space<vmem>> -> memref<1x125xi32, #tpu.memory_space<vmem>>
        %dma_start3A_394 = tpu.memref_squeeze %dma_start3A_393 : memref<1x125xi32, #tpu.memory_space<vmem>> -> memref<125xi32, #tpu.memory_space<vmem>>
        %dma_start3A_395 = arith.constant 0 : i32
        %dma_start3A_396 = arith.constant 0 : i32
        %dma_start3A_397 = tpu.memref_slice %arg12[%dma_start3A_395, %dma_start3A_396] : memref<10240x64xf32, #tpu.memory_space<vmem_shared>> -> memref<10240x64xf32, #tpu.memory_space<vmem_shared>>
        tpu.enqueue_indirect_dma source(%dma_start3A_391 : memref<125x64xf32, #tpu.memory_space<vmem>>) target(%dma_start3A_397 : memref<10240x64xf32, #tpu.memory_space<vmem_shared>>) offsets(%dma_start3A_394 : memref<125xi32, #tpu.memory_space<vmem>>) semaphore(%arg26 : memref<!tpu.dma_semaphore, #tpu.memory_space<semaphore_mem>>) {add = true}
        %add3A_398 = arith.constant 3 : i32
        %add3A_399 = arith.addi %add3A_378, %add3A_398 : i32
        %lt3A_400 = arith.constant 40 : i32
        %lt3A_401 = arith.cmpi slt, %add3A_399, %lt3A_400 : i32
        %convert_element_type3A_402 = arith.extui %lt3A_401 : i1 to i32
        %cond3A_403 = arith.constant 0 : i32
        %cond3A_404 = arith.cmpi ne, %convert_element_type3A_402, %cond3A_403 : i32
        scf.if %cond3A_404 {
          %ge3A = arith.constant 1 : i32
          %ge3A_525 = arith.cmpi sge, %add3A_378, %ge3A : i32
          %convert_element_type3A_526 = arith.extui %ge3A_525 : i1 to i32
          %cond3A_527 = arith.constant 0 : i32
          %cond3A_528 = arith.cmpi ne, %convert_element_type3A_526, %cond3A_527 : i32
          scf.if %cond3A_528 {
            %dma_wait3A_540 = arith.constant 0 : i32
            %dma_wait3A_541 = arith.constant 0 : i32
            %dma_wait3A_542 = arith.constant 0 : i32
            %dma_wait3A_543 = tpu.memref_slice %arg17[%dma_wait3A_541, %dma_wait3A_542] : memref<128x64xf32, #tpu.memory_space<vmem>> -> memref<125x64xf32, #tpu.memory_space<vmem>>
            %dma_wait3A_544 = arith.constant 0 : i32
            %dma_wait3A_545 = tpu.memref_slice %arg14[%dma_wait3A_540, %dma_wait3A_544] : memref<40x125xi32, #tpu.memory_space<vmem>> -> memref<1x125xi32, #tpu.memory_space<vmem>>
            %dma_wait3A_546 = tpu.memref_squeeze %dma_wait3A_545 : memref<1x125xi32, #tpu.memory_space<vmem>> -> memref<125xi32, #tpu.memory_space<vmem>>
            %dma_wait3A_547 = arith.constant 0 : i32
            %dma_wait3A_548 = arith.constant 0 : i32
            %dma_wait3A_549 = tpu.memref_slice %arg12[%dma_wait3A_547, %dma_wait3A_548] : memref<10240x64xf32, #tpu.memory_space<vmem_shared>> -> memref<10240x64xf32, #tpu.memory_space<vmem_shared>>
            tpu.wait_indirect_dma semaphore(%arg25 : memref<!tpu.dma_semaphore, #tpu.memory_space<semaphore_mem>>) src(%dma_wait3A_543 : memref<125x64xf32, #tpu.memory_space<vmem>>) dst(%dma_wait3A_549 : memref<10240x64xf32, #tpu.memory_space<vmem_shared>>)
          } else {
          }
          %add3A_529 = arith.constant 3 : i32
          %add3A_530 = arith.addi %add3A_378, %add3A_529 : i32
          %dma_start3A_531 = arith.constant 0 : i32
          %dma_start3A_532 = arith.constant 0 : i32
          %dma_start3A_533 = tpu.memref_slice %arg17[%dma_start3A_531, %dma_start3A_532] : memref<128x64xf32, #tpu.memory_space<vmem>> -> memref<125x64xf32, #tpu.memory_space<vmem>>
          %dma_start3A_534 = arith.constant 0 : i32
          %dma_start3A_535 = tpu.memref_slice %arg13[%add3A_530, %dma_start3A_534] : memref<40x125xi32, #tpu.memory_space<vmem>> -> memref<1x125xi32, #tpu.memory_space<vmem>>
          %dma_start3A_536 = tpu.memref_squeeze %dma_start3A_535 : memref<1x125xi32, #tpu.memory_space<vmem>> -> memref<125xi32, #tpu.memory_space<vmem>>
          %dma_start3A_537 = arith.constant 0 : i32
          %dma_start3A_538 = arith.constant 0 : i32
          %dma_start3A_539 = tpu.memref_slice %arg11[%dma_start3A_537, %dma_start3A_538] : memref<10240x64xf32, #tpu.memory_space<vmem_shared>> -> memref<10240x64xf32, #tpu.memory_space<vmem_shared>>
          tpu.enqueue_indirect_dma source(%dma_start3A_539 : memref<10240x64xf32, #tpu.memory_space<vmem_shared>>) target(%dma_start3A_533 : memref<125x64xf32, #tpu.memory_space<vmem>>) offsets(%dma_start3A_536 : memref<125xi32, #tpu.memory_space<vmem>>) semaphore(%arg21 : memref<!tpu.dma_semaphore, #tpu.memory_space<semaphore_mem>>)
        } else {
        }
        %mul3A_405 = arith.constant 8 : i32
        %mul3A_406 = arith.muli %add3A_285, %mul3A_405 : i32
        %add3A_407 = arith.constant 4 : i32
        %add3A_408 = arith.addi %mul3A_406, %add3A_407 : i32
        %dma_wait3A_409 = arith.constant 0 : i32
        %dma_wait3A_410 = arith.constant 0 : i32
        %dma_wait3A_411 = arith.constant 0 : i32
        %dma_wait3A_412 = tpu.memref_slice %arg15[%dma_wait3A_410, %dma_wait3A_411] : memref<128x64xf32, #tpu.memory_space<vmem>> -> memref<125x64xf32, #tpu.memory_space<vmem>>
        %dma_wait3A_413 = arith.constant 0 : i32
        %dma_wait3A_414 = tpu.memref_slice %arg13[%dma_wait3A_409, %dma_wait3A_413] : memref<40x125xi32, #tpu.memory_space<vmem>> -> memref<1x125xi32, #tpu.memory_space<vmem>>
        %dma_wait3A_415 = tpu.memref_squeeze %dma_wait3A_414 : memref<1x125xi32, #tpu.memory_space<vmem>> -> memref<125xi32, #tpu.memory_space<vmem>>
        %dma_wait3A_416 = arith.constant 0 : i32
        %dma_wait3A_417 = arith.constant 0 : i32
        %dma_wait3A_418 = tpu.memref_slice %arg11[%dma_wait3A_416, %dma_wait3A_417] : memref<10240x64xf32, #tpu.memory_space<vmem_shared>> -> memref<10240x64xf32, #tpu.memory_space<vmem_shared>>
        tpu.wait_indirect_dma semaphore(%arg19 : memref<!tpu.dma_semaphore, #tpu.memory_space<semaphore_mem>>) src(%dma_wait3A_418 : memref<10240x64xf32, #tpu.memory_space<vmem_shared>>) dst(%dma_wait3A_412 : memref<125x64xf32, #tpu.memory_space<vmem>>)
        %dma_start3A_419 = arith.constant 0 : i32
        %dma_start3A_420 = arith.constant 0 : i32
        %dma_start3A_421 = tpu.memref_slice %arg15[%dma_start3A_419, %dma_start3A_420] : memref<128x64xf32, #tpu.memory_space<vmem>> -> memref<125x64xf32, #tpu.memory_space<vmem>>
        %dma_start3A_422 = arith.constant 0 : i32
        %dma_start3A_423 = tpu.memref_slice %arg14[%add3A_408, %dma_start3A_422] : memref<40x125xi32, #tpu.memory_space<vmem>> -> memref<1x125xi32, #tpu.memory_space<vmem>>
        %dma_start3A_424 = tpu.memref_squeeze %dma_start3A_423 : memref<1x125xi32, #tpu.memory_space<vmem>> -> memref<125xi32, #tpu.memory_space<vmem>>
        %dma_start3A_425 = arith.constant 0 : i32
        %dma_start3A_426 = arith.constant 0 : i32
        %dma_start3A_427 = tpu.memref_slice %arg12[%dma_start3A_425, %dma_start3A_426] : memref<10240x64xf32, #tpu.memory_space<vmem_shared>> -> memref<10240x64xf32, #tpu.memory_space<vmem_shared>>
        tpu.enqueue_indirect_dma source(%dma_start3A_421 : memref<125x64xf32, #tpu.memory_space<vmem>>) target(%dma_start3A_427 : memref<10240x64xf32, #tpu.memory_space<vmem_shared>>) offsets(%dma_start3A_424 : memref<125xi32, #tpu.memory_space<vmem>>) semaphore(%arg23 : memref<!tpu.dma_semaphore, #tpu.memory_space<semaphore_mem>>) {add = true}
        %add3A_428 = arith.constant 3 : i32
        %add3A_429 = arith.addi %add3A_408, %add3A_428 : i32
        %lt3A_430 = arith.constant 40 : i32
        %lt3A_431 = arith.cmpi slt, %add3A_429, %lt3A_430 : i32
        %convert_element_type3A_432 = arith.extui %lt3A_431 : i1 to i32
        %cond3A_433 = arith.constant 0 : i32
        %cond3A_434 = arith.cmpi ne, %convert_element_type3A_432, %cond3A_433 : i32
        scf.if %cond3A_434 {
          %ge3A = arith.constant 1 : i32
          %ge3A_525 = arith.cmpi sge, %add3A_408, %ge3A : i32
          %convert_element_type3A_526 = arith.extui %ge3A_525 : i1 to i32
          %cond3A_527 = arith.constant 0 : i32
          %cond3A_528 = arith.cmpi ne, %convert_element_type3A_526, %cond3A_527 : i32
          scf.if %cond3A_528 {
            %dma_wait3A_539 = arith.constant 0 : i32
            %dma_wait3A_540 = arith.constant 0 : i32
            %dma_wait3A_541 = arith.constant 0 : i32
            %dma_wait3A_542 = tpu.memref_slice %arg18[%dma_wait3A_540, %dma_wait3A_541] : memref<128x64xf32, #tpu.memory_space<vmem>> -> memref<125x64xf32, #tpu.memory_space<vmem>>
            %dma_wait3A_543 = arith.constant 0 : i32
            %dma_wait3A_544 = tpu.memref_slice %arg14[%dma_wait3A_539, %dma_wait3A_543] : memref<40x125xi32, #tpu.memory_space<vmem>> -> memref<1x125xi32, #tpu.memory_space<vmem>>
            %dma_wait3A_545 = tpu.memref_squeeze %dma_wait3A_544 : memref<1x125xi32, #tpu.memory_space<vmem>> -> memref<125xi32, #tpu.memory_space<vmem>>
            %dma_wait3A_546 = arith.constant 0 : i32
            %dma_wait3A_547 = arith.constant 0 : i32
            %dma_wait3A_548 = tpu.memref_slice %arg12[%dma_wait3A_546, %dma_wait3A_547] : memref<10240x64xf32, #tpu.memory_space<vmem_shared>> -> memref<10240x64xf32, #tpu.memory_space<vmem_shared>>
            tpu.wait_indirect_dma semaphore(%arg26 : memref<!tpu.dma_semaphore, #tpu.memory_space<semaphore_mem>>) src(%dma_wait3A_542 : memref<125x64xf32, #tpu.memory_space<vmem>>) dst(%dma_wait3A_548 : memref<10240x64xf32, #tpu.memory_space<vmem_shared>>)
          } else {
          }
          %eq3A_529 = arith.constant 0 : i32
          %eq3A_530 = arith.cmpi eq, %arg0, %eq3A_529 : i32
          %convert_element_type3A_531 = arith.extui %eq3A_530 : i1 to i32
          %cond3A_532 = arith.constant 0 : i32
          %cond3A_533 = arith.cmpi ne, %convert_element_type3A_531, %cond3A_532 : i32
          scf.if %cond3A_533 {
            %add3A_539 = arith.constant 3 : i32
            %add3A_540 = arith.addi %add3A_408, %add3A_539 : i32
            %dma_start3A_541 = arith.constant 0 : i32
            %dma_start3A_542 = arith.constant 0 : i32
            %dma_start3A_543 = tpu.memref_slice %arg18[%dma_start3A_541, %dma_start3A_542] : memref<128x64xf32, #tpu.memory_space<vmem>> -> memref<125x64xf32, #tpu.memory_space<vmem>>
            %dma_start3A_544 = arith.constant 0 : i32
            %dma_start3A_545 = tpu.memref_slice %arg13[%add3A_540, %dma_start3A_544] : memref<40x125xi32, #tpu.memory_space<vmem>> -> memref<1x125xi32, #tpu.memory_space<vmem>>
            %dma_start3A_546 = tpu.memref_squeeze %dma_start3A_545 : memref<1x125xi32, #tpu.memory_space<vmem>> -> memref<125xi32, #tpu.memory_space<vmem>>
            %dma_start3A_547 = arith.constant 0 : i32
            %dma_start3A_548 = arith.constant 0 : i32
            %dma_start3A_549 = tpu.memref_slice %arg2[%dma_start3A_547, %dma_start3A_548] : memref<10240x64xf32, #tpu.memory_space<hbm>> -> memref<10240x64xf32, #tpu.memory_space<hbm>>
            tpu.enqueue_indirect_dma source(%dma_start3A_549 : memref<10240x64xf32, #tpu.memory_space<hbm>>) target(%dma_start3A_543 : memref<125x64xf32, #tpu.memory_space<vmem>>) offsets(%dma_start3A_546 : memref<125xi32, #tpu.memory_space<vmem>>) semaphore(%arg22 : memref<!tpu.dma_semaphore, #tpu.memory_space<semaphore_mem>>)
          } else {
          }
          %ne3A_534 = arith.constant 0 : i32
          %ne3A_535 = arith.cmpi ne, %arg0, %ne3A_534 : i32
          %convert_element_type3A_536 = arith.extui %ne3A_535 : i1 to i32
          %cond3A_537 = arith.constant 0 : i32
          %cond3A_538 = arith.cmpi ne, %convert_element_type3A_536, %cond3A_537 : i32
          scf.if %cond3A_538 {
            %add3A_539 = arith.constant 3 : i32
            %add3A_540 = arith.addi %add3A_408, %add3A_539 : i32
            %dma_start3A_541 = arith.constant 0 : i32
            %dma_start3A_542 = arith.constant 0 : i32
            %dma_start3A_543 = tpu.memref_slice %arg18[%dma_start3A_541, %dma_start3A_542] : memref<128x64xf32, #tpu.memory_space<vmem>> -> memref<125x64xf32, #tpu.memory_space<vmem>>
            %dma_start3A_544 = arith.constant 0 : i32
            %dma_start3A_545 = tpu.memref_slice %arg13[%add3A_540, %dma_start3A_544] : memref<40x125xi32, #tpu.memory_space<vmem>> -> memref<1x125xi32, #tpu.memory_space<vmem>>
            %dma_start3A_546 = tpu.memref_squeeze %dma_start3A_545 : memref<1x125xi32, #tpu.memory_space<vmem>> -> memref<125xi32, #tpu.memory_space<vmem>>
            %dma_start3A_547 = arith.constant 0 : i32
            %dma_start3A_548 = arith.constant 0 : i32
            %dma_start3A_549 = tpu.memref_slice %arg3[%dma_start3A_547, %dma_start3A_548] : memref<10240x64xf32, #tpu.memory_space<hbm>> -> memref<10240x64xf32, #tpu.memory_space<hbm>>
            tpu.enqueue_indirect_dma source(%dma_start3A_549 : memref<10240x64xf32, #tpu.memory_space<hbm>>) target(%dma_start3A_543 : memref<125x64xf32, #tpu.memory_space<vmem>>) offsets(%dma_start3A_546 : memref<125xi32, #tpu.memory_space<vmem>>) semaphore(%arg22 : memref<!tpu.dma_semaphore, #tpu.memory_space<semaphore_mem>>)
          } else {
          }
        } else {
        }
        %mul3A_435 = arith.constant 8 : i32
        %mul3A_436 = arith.muli %add3A_285, %mul3A_435 : i32
        %add3A_437 = arith.constant 5 : i32
        %add3A_438 = arith.addi %mul3A_436, %add3A_437 : i32
        %dma_wait3A_439 = arith.constant 0 : i32
        %dma_wait3A_440 = arith.constant 0 : i32
        %dma_wait3A_441 = arith.constant 0 : i32
        %dma_wait3A_442 = tpu.memref_slice %arg16[%dma_wait3A_440, %dma_wait3A_441] : memref<128x64xf32, #tpu.memory_space<vmem>> -> memref<125x64xf32, #tpu.memory_space<vmem>>
        %dma_wait3A_443 = arith.constant 0 : i32
        %dma_wait3A_444 = tpu.memref_slice %arg13[%dma_wait3A_439, %dma_wait3A_443] : memref<40x125xi32, #tpu.memory_space<vmem>> -> memref<1x125xi32, #tpu.memory_space<vmem>>
        %dma_wait3A_445 = tpu.memref_squeeze %dma_wait3A_444 : memref<1x125xi32, #tpu.memory_space<vmem>> -> memref<125xi32, #tpu.memory_space<vmem>>
        %dma_wait3A_446 = arith.constant 0 : i32
        %dma_wait3A_447 = arith.constant 0 : i32
        %dma_wait3A_448 = tpu.memref_slice %arg11[%dma_wait3A_446, %dma_wait3A_447] : memref<10240x64xf32, #tpu.memory_space<vmem_shared>> -> memref<10240x64xf32, #tpu.memory_space<vmem_shared>>
        tpu.wait_indirect_dma semaphore(%arg20 : memref<!tpu.dma_semaphore, #tpu.memory_space<semaphore_mem>>) src(%dma_wait3A_448 : memref<10240x64xf32, #tpu.memory_space<vmem_shared>>) dst(%dma_wait3A_442 : memref<125x64xf32, #tpu.memory_space<vmem>>)
        %dma_start3A_449 = arith.constant 0 : i32
        %dma_start3A_450 = arith.constant 0 : i32
        %dma_start3A_451 = tpu.memref_slice %arg16[%dma_start3A_449, %dma_start3A_450] : memref<128x64xf32, #tpu.memory_space<vmem>> -> memref<125x64xf32, #tpu.memory_space<vmem>>
        %dma_start3A_452 = arith.constant 0 : i32
        %dma_start3A_453 = tpu.memref_slice %arg14[%add3A_438, %dma_start3A_452] : memref<40x125xi32, #tpu.memory_space<vmem>> -> memref<1x125xi32, #tpu.memory_space<vmem>>
        %dma_start3A_454 = tpu.memref_squeeze %dma_start3A_453 : memref<1x125xi32, #tpu.memory_space<vmem>> -> memref<125xi32, #tpu.memory_space<vmem>>
        %dma_start3A_455 = arith.constant 0 : i32
        %dma_start3A_456 = arith.constant 0 : i32
        %dma_start3A_457 = tpu.memref_slice %arg12[%dma_start3A_455, %dma_start3A_456] : memref<10240x64xf32, #tpu.memory_space<vmem_shared>> -> memref<10240x64xf32, #tpu.memory_space<vmem_shared>>
        tpu.enqueue_indirect_dma source(%dma_start3A_451 : memref<125x64xf32, #tpu.memory_space<vmem>>) target(%dma_start3A_457 : memref<10240x64xf32, #tpu.memory_space<vmem_shared>>) offsets(%dma_start3A_454 : memref<125xi32, #tpu.memory_space<vmem>>) semaphore(%arg24 : memref<!tpu.dma_semaphore, #tpu.memory_space<semaphore_mem>>) {add = true}
        %add3A_458 = arith.constant 3 : i32
        %add3A_459 = arith.addi %add3A_438, %add3A_458 : i32
        %lt3A_460 = arith.constant 40 : i32
        %lt3A_461 = arith.cmpi slt, %add3A_459, %lt3A_460 : i32
        %convert_element_type3A_462 = arith.extui %lt3A_461 : i1 to i32
        %cond3A_463 = arith.constant 0 : i32
        %cond3A_464 = arith.cmpi ne, %convert_element_type3A_462, %cond3A_463 : i32
        scf.if %cond3A_464 {
          %ge3A = arith.constant 1 : i32
          %ge3A_525 = arith.cmpi sge, %add3A_438, %ge3A : i32
          %convert_element_type3A_526 = arith.extui %ge3A_525 : i1 to i32
          %cond3A_527 = arith.constant 0 : i32
          %cond3A_528 = arith.cmpi ne, %convert_element_type3A_526, %cond3A_527 : i32
          scf.if %cond3A_528 {
            %dma_wait3A_540 = arith.constant 0 : i32
            %dma_wait3A_541 = arith.constant 0 : i32
            %dma_wait3A_542 = arith.constant 0 : i32
            %dma_wait3A_543 = tpu.memref_slice %arg15[%dma_wait3A_541, %dma_wait3A_542] : memref<128x64xf32, #tpu.memory_space<vmem>> -> memref<125x64xf32, #tpu.memory_space<vmem>>
            %dma_wait3A_544 = arith.constant 0 : i32
            %dma_wait3A_545 = tpu.memref_slice %arg14[%dma_wait3A_540, %dma_wait3A_544] : memref<40x125xi32, #tpu.memory_space<vmem>> -> memref<1x125xi32, #tpu.memory_space<vmem>>
            %dma_wait3A_546 = tpu.memref_squeeze %dma_wait3A_545 : memref<1x125xi32, #tpu.memory_space<vmem>> -> memref<125xi32, #tpu.memory_space<vmem>>
            %dma_wait3A_547 = arith.constant 0 : i32
            %dma_wait3A_548 = arith.constant 0 : i32
            %dma_wait3A_549 = tpu.memref_slice %arg12[%dma_wait3A_547, %dma_wait3A_548] : memref<10240x64xf32, #tpu.memory_space<vmem_shared>> -> memref<10240x64xf32, #tpu.memory_space<vmem_shared>>
            tpu.wait_indirect_dma semaphore(%arg23 : memref<!tpu.dma_semaphore, #tpu.memory_space<semaphore_mem>>) src(%dma_wait3A_543 : memref<125x64xf32, #tpu.memory_space<vmem>>) dst(%dma_wait3A_549 : memref<10240x64xf32, #tpu.memory_space<vmem_shared>>)
          } else {
          }
          %add3A_529 = arith.constant 3 : i32
          %add3A_530 = arith.addi %add3A_438, %add3A_529 : i32
          %dma_start3A_531 = arith.constant 0 : i32
          %dma_start3A_532 = arith.constant 0 : i32
          %dma_start3A_533 = tpu.memref_slice %arg15[%dma_start3A_531, %dma_start3A_532] : memref<128x64xf32, #tpu.memory_space<vmem>> -> memref<125x64xf32, #tpu.memory_space<vmem>>
          %dma_start3A_534 = arith.constant 0 : i32
          %dma_start3A_535 = tpu.memref_slice %arg13[%add3A_530, %dma_start3A_534] : memref<40x125xi32, #tpu.memory_space<vmem>> -> memref<1x125xi32, #tpu.memory_space<vmem>>
          %dma_start3A_536 = tpu.memref_squeeze %dma_start3A_535 : memref<1x125xi32, #tpu.memory_space<vmem>> -> memref<125xi32, #tpu.memory_space<vmem>>
          %dma_start3A_537 = arith.constant 0 : i32
          %dma_start3A_538 = arith.constant 0 : i32
          %dma_start3A_539 = tpu.memref_slice %arg11[%dma_start3A_537, %dma_start3A_538] : memref<10240x64xf32, #tpu.memory_space<vmem_shared>> -> memref<10240x64xf32, #tpu.memory_space<vmem_shared>>
          tpu.enqueue_indirect_dma source(%dma_start3A_539 : memref<10240x64xf32, #tpu.memory_space<vmem_shared>>) target(%dma_start3A_533 : memref<125x64xf32, #tpu.memory_space<vmem>>) offsets(%dma_start3A_536 : memref<125xi32, #tpu.memory_space<vmem>>) semaphore(%arg19 : memref<!tpu.dma_semaphore, #tpu.memory_space<semaphore_mem>>)
        } else {
        }
        %mul3A_465 = arith.constant 8 : i32
        %mul3A_466 = arith.muli %add3A_285, %mul3A_465 : i32
        %add3A_467 = arith.constant 6 : i32
        %add3A_468 = arith.addi %mul3A_466, %add3A_467 : i32
        %dma_wait3A_469 = arith.constant 0 : i32
        %dma_wait3A_470 = arith.constant 0 : i32
        %dma_wait3A_471 = arith.constant 0 : i32
        %dma_wait3A_472 = tpu.memref_slice %arg17[%dma_wait3A_470, %dma_wait3A_471] : memref<128x64xf32, #tpu.memory_space<vmem>> -> memref<125x64xf32, #tpu.memory_space<vmem>>
        %dma_wait3A_473 = arith.constant 0 : i32
        %dma_wait3A_474 = tpu.memref_slice %arg13[%dma_wait3A_469, %dma_wait3A_473] : memref<40x125xi32, #tpu.memory_space<vmem>> -> memref<1x125xi32, #tpu.memory_space<vmem>>
        %dma_wait3A_475 = tpu.memref_squeeze %dma_wait3A_474 : memref<1x125xi32, #tpu.memory_space<vmem>> -> memref<125xi32, #tpu.memory_space<vmem>>
        %dma_wait3A_476 = arith.constant 0 : i32
        %dma_wait3A_477 = arith.constant 0 : i32
        %dma_wait3A_478 = tpu.memref_slice %arg11[%dma_wait3A_476, %dma_wait3A_477] : memref<10240x64xf32, #tpu.memory_space<vmem_shared>> -> memref<10240x64xf32, #tpu.memory_space<vmem_shared>>
        tpu.wait_indirect_dma semaphore(%arg21 : memref<!tpu.dma_semaphore, #tpu.memory_space<semaphore_mem>>) src(%dma_wait3A_478 : memref<10240x64xf32, #tpu.memory_space<vmem_shared>>) dst(%dma_wait3A_472 : memref<125x64xf32, #tpu.memory_space<vmem>>)
        %dma_start3A_479 = arith.constant 0 : i32
        %dma_start3A_480 = arith.constant 0 : i32
        %dma_start3A_481 = tpu.memref_slice %arg17[%dma_start3A_479, %dma_start3A_480] : memref<128x64xf32, #tpu.memory_space<vmem>> -> memref<125x64xf32, #tpu.memory_space<vmem>>
        %dma_start3A_482 = arith.constant 0 : i32
        %dma_start3A_483 = tpu.memref_slice %arg14[%add3A_468, %dma_start3A_482] : memref<40x125xi32, #tpu.memory_space<vmem>> -> memref<1x125xi32, #tpu.memory_space<vmem>>
        %dma_start3A_484 = tpu.memref_squeeze %dma_start3A_483 : memref<1x125xi32, #tpu.memory_space<vmem>> -> memref<125xi32, #tpu.memory_space<vmem>>
        %dma_start3A_485 = arith.constant 0 : i32
        %dma_start3A_486 = arith.constant 0 : i32
        %dma_start3A_487 = tpu.memref_slice %arg12[%dma_start3A_485, %dma_start3A_486] : memref<10240x64xf32, #tpu.memory_space<vmem_shared>> -> memref<10240x64xf32, #tpu.memory_space<vmem_shared>>
        tpu.enqueue_indirect_dma source(%dma_start3A_481 : memref<125x64xf32, #tpu.memory_space<vmem>>) target(%dma_start3A_487 : memref<10240x64xf32, #tpu.memory_space<vmem_shared>>) offsets(%dma_start3A_484 : memref<125xi32, #tpu.memory_space<vmem>>) semaphore(%arg25 : memref<!tpu.dma_semaphore, #tpu.memory_space<semaphore_mem>>) {add = true}
        %add3A_488 = arith.constant 3 : i32
        %add3A_489 = arith.addi %add3A_468, %add3A_488 : i32
        %lt3A_490 = arith.constant 40 : i32
        %lt3A_491 = arith.cmpi slt, %add3A_489, %lt3A_490 : i32
        %convert_element_type3A_492 = arith.extui %lt3A_491 : i1 to i32
        %cond3A_493 = arith.constant 0 : i32
        %cond3A_494 = arith.cmpi ne, %convert_element_type3A_492, %cond3A_493 : i32
        scf.if %cond3A_494 {
          %ge3A = arith.constant 1 : i32
          %ge3A_525 = arith.cmpi sge, %add3A_468, %ge3A : i32
          %convert_element_type3A_526 = arith.extui %ge3A_525 : i1 to i32
          %cond3A_527 = arith.constant 0 : i32
          %cond3A_528 = arith.cmpi ne, %convert_element_type3A_526, %cond3A_527 : i32
          scf.if %cond3A_528 {
            %dma_wait3A_540 = arith.constant 0 : i32
            %dma_wait3A_541 = arith.constant 0 : i32
            %dma_wait3A_542 = arith.constant 0 : i32
            %dma_wait3A_543 = tpu.memref_slice %arg16[%dma_wait3A_541, %dma_wait3A_542] : memref<128x64xf32, #tpu.memory_space<vmem>> -> memref<125x64xf32, #tpu.memory_space<vmem>>
            %dma_wait3A_544 = arith.constant 0 : i32
            %dma_wait3A_545 = tpu.memref_slice %arg14[%dma_wait3A_540, %dma_wait3A_544] : memref<40x125xi32, #tpu.memory_space<vmem>> -> memref<1x125xi32, #tpu.memory_space<vmem>>
            %dma_wait3A_546 = tpu.memref_squeeze %dma_wait3A_545 : memref<1x125xi32, #tpu.memory_space<vmem>> -> memref<125xi32, #tpu.memory_space<vmem>>
            %dma_wait3A_547 = arith.constant 0 : i32
            %dma_wait3A_548 = arith.constant 0 : i32
            %dma_wait3A_549 = tpu.memref_slice %arg12[%dma_wait3A_547, %dma_wait3A_548] : memref<10240x64xf32, #tpu.memory_space<vmem_shared>> -> memref<10240x64xf32, #tpu.memory_space<vmem_shared>>
            tpu.wait_indirect_dma semaphore(%arg24 : memref<!tpu.dma_semaphore, #tpu.memory_space<semaphore_mem>>) src(%dma_wait3A_543 : memref<125x64xf32, #tpu.memory_space<vmem>>) dst(%dma_wait3A_549 : memref<10240x64xf32, #tpu.memory_space<vmem_shared>>)
          } else {
          }
          %add3A_529 = arith.constant 3 : i32
          %add3A_530 = arith.addi %add3A_468, %add3A_529 : i32
          %dma_start3A_531 = arith.constant 0 : i32
          %dma_start3A_532 = arith.constant 0 : i32
          %dma_start3A_533 = tpu.memref_slice %arg16[%dma_start3A_531, %dma_start3A_532] : memref<128x64xf32, #tpu.memory_space<vmem>> -> memref<125x64xf32, #tpu.memory_space<vmem>>
          %dma_start3A_534 = arith.constant 0 : i32
          %dma_start3A_535 = tpu.memref_slice %arg13[%add3A_530, %dma_start3A_534] : memref<40x125xi32, #tpu.memory_space<vmem>> -> memref<1x125xi32, #tpu.memory_space<vmem>>
          %dma_start3A_536 = tpu.memref_squeeze %dma_start3A_535 : memref<1x125xi32, #tpu.memory_space<vmem>> -> memref<125xi32, #tpu.memory_space<vmem>>
          %dma_start3A_537 = arith.constant 0 : i32
          %dma_start3A_538 = arith.constant 0 : i32
          %dma_start3A_539 = tpu.memref_slice %arg11[%dma_start3A_537, %dma_start3A_538] : memref<10240x64xf32, #tpu.memory_space<vmem_shared>> -> memref<10240x64xf32, #tpu.memory_space<vmem_shared>>
          tpu.enqueue_indirect_dma source(%dma_start3A_539 : memref<10240x64xf32, #tpu.memory_space<vmem_shared>>) target(%dma_start3A_533 : memref<125x64xf32, #tpu.memory_space<vmem>>) offsets(%dma_start3A_536 : memref<125xi32, #tpu.memory_space<vmem>>) semaphore(%arg20 : memref<!tpu.dma_semaphore, #tpu.memory_space<semaphore_mem>>)
        } else {
        }
        %mul3A_495 = arith.constant 8 : i32
        %mul3A_496 = arith.muli %add3A_285, %mul3A_495 : i32
        %add3A_497 = arith.constant 7 : i32
        %add3A_498 = arith.addi %mul3A_496, %add3A_497 : i32
        %dma_wait3A_499 = arith.constant 0 : i32
        %dma_wait3A_500 = arith.constant 0 : i32
        %dma_wait3A_501 = arith.constant 0 : i32
        %dma_wait3A_502 = tpu.memref_slice %arg18[%dma_wait3A_500, %dma_wait3A_501] : memref<128x64xf32, #tpu.memory_space<vmem>> -> memref<125x64xf32, #tpu.memory_space<vmem>>
        %dma_wait3A_503 = arith.constant 0 : i32
        %dma_wait3A_504 = tpu.memref_slice %arg13[%dma_wait3A_499, %dma_wait3A_503] : memref<40x125xi32, #tpu.memory_space<vmem>> -> memref<1x125xi32, #tpu.memory_space<vmem>>
        %dma_wait3A_505 = tpu.memref_squeeze %dma_wait3A_504 : memref<1x125xi32, #tpu.memory_space<vmem>> -> memref<125xi32, #tpu.memory_space<vmem>>
        %dma_wait3A_506 = arith.constant 0 : i32
        %dma_wait3A_507 = arith.constant 0 : i32
        %dma_wait3A_508 = tpu.memref_slice %arg11[%dma_wait3A_506, %dma_wait3A_507] : memref<10240x64xf32, #tpu.memory_space<vmem_shared>> -> memref<10240x64xf32, #tpu.memory_space<vmem_shared>>
        tpu.wait_indirect_dma semaphore(%arg22 : memref<!tpu.dma_semaphore, #tpu.memory_space<semaphore_mem>>) src(%dma_wait3A_508 : memref<10240x64xf32, #tpu.memory_space<vmem_shared>>) dst(%dma_wait3A_502 : memref<125x64xf32, #tpu.memory_space<vmem>>)
        %dma_start3A_509 = arith.constant 0 : i32
        %dma_start3A_510 = arith.constant 0 : i32
        %dma_start3A_511 = tpu.memref_slice %arg18[%dma_start3A_509, %dma_start3A_510] : memref<128x64xf32, #tpu.memory_space<vmem>> -> memref<125x64xf32, #tpu.memory_space<vmem>>
        %dma_start3A_512 = arith.constant 0 : i32
        %dma_start3A_513 = tpu.memref_slice %arg14[%add3A_498, %dma_start3A_512] : memref<40x125xi32, #tpu.memory_space<vmem>> -> memref<1x125xi32, #tpu.memory_space<vmem>>
        %dma_start3A_514 = tpu.memref_squeeze %dma_start3A_513 : memref<1x125xi32, #tpu.memory_space<vmem>> -> memref<125xi32, #tpu.memory_space<vmem>>
        %dma_start3A_515 = arith.constant 0 : i32
        %dma_start3A_516 = arith.constant 0 : i32
        %dma_start3A_517 = tpu.memref_slice %arg12[%dma_start3A_515, %dma_start3A_516] : memref<10240x64xf32, #tpu.memory_space<vmem_shared>> -> memref<10240x64xf32, #tpu.memory_space<vmem_shared>>
        tpu.enqueue_indirect_dma source(%dma_start3A_511 : memref<125x64xf32, #tpu.memory_space<vmem>>) target(%dma_start3A_517 : memref<10240x64xf32, #tpu.memory_space<vmem_shared>>) offsets(%dma_start3A_514 : memref<125xi32, #tpu.memory_space<vmem>>) semaphore(%arg26 : memref<!tpu.dma_semaphore, #tpu.memory_space<semaphore_mem>>) {add = true}
        %add3A_518 = arith.constant 3 : i32
        %add3A_519 = arith.addi %add3A_498, %add3A_518 : i32
        %lt3A_520 = arith.constant 40 : i32
        %lt3A_521 = arith.cmpi slt, %add3A_519, %lt3A_520 : i32
        %convert_element_type3A_522 = arith.extui %lt3A_521 : i1 to i32
        %cond3A_523 = arith.constant 0 : i32
        %cond3A_524 = arith.cmpi ne, %convert_element_type3A_522, %cond3A_523 : i32
        scf.if %cond3A_524 {
          %ge3A = arith.constant 1 : i32
          %ge3A_525 = arith.cmpi sge, %add3A_498, %ge3A : i32
          %convert_element_type3A_526 = arith.extui %ge3A_525 : i1 to i32
          %cond3A_527 = arith.constant 0 : i32
          %cond3A_528 = arith.cmpi ne, %convert_element_type3A_526, %cond3A_527 : i32
          scf.if %cond3A_528 {
            %dma_wait3A_540 = arith.constant 0 : i32
            %dma_wait3A_541 = arith.constant 0 : i32
            %dma_wait3A_542 = arith.constant 0 : i32
            %dma_wait3A_543 = tpu.memref_slice %arg17[%dma_wait3A_541, %dma_wait3A_542] : memref<128x64xf32, #tpu.memory_space<vmem>> -> memref<125x64xf32, #tpu.memory_space<vmem>>
            %dma_wait3A_544 = arith.constant 0 : i32
            %dma_wait3A_545 = tpu.memref_slice %arg14[%dma_wait3A_540, %dma_wait3A_544] : memref<40x125xi32, #tpu.memory_space<vmem>> -> memref<1x125xi32, #tpu.memory_space<vmem>>
            %dma_wait3A_546 = tpu.memref_squeeze %dma_wait3A_545 : memref<1x125xi32, #tpu.memory_space<vmem>> -> memref<125xi32, #tpu.memory_space<vmem>>
            %dma_wait3A_547 = arith.constant 0 : i32
            %dma_wait3A_548 = arith.constant 0 : i32
            %dma_wait3A_549 = tpu.memref_slice %arg12[%dma_wait3A_547, %dma_wait3A_548] : memref<10240x64xf32, #tpu.memory_space<vmem_shared>> -> memref<10240x64xf32, #tpu.memory_space<vmem_shared>>
            tpu.wait_indirect_dma semaphore(%arg25 : memref<!tpu.dma_semaphore, #tpu.memory_space<semaphore_mem>>) src(%dma_wait3A_543 : memref<125x64xf32, #tpu.memory_space<vmem>>) dst(%dma_wait3A_549 : memref<10240x64xf32, #tpu.memory_space<vmem_shared>>)
          } else {
          }
          %add3A_529 = arith.constant 3 : i32
          %add3A_530 = arith.addi %add3A_498, %add3A_529 : i32
          %dma_start3A_531 = arith.constant 0 : i32
          %dma_start3A_532 = arith.constant 0 : i32
          %dma_start3A_533 = tpu.memref_slice %arg17[%dma_start3A_531, %dma_start3A_532] : memref<128x64xf32, #tpu.memory_space<vmem>> -> memref<125x64xf32, #tpu.memory_space<vmem>>
          %dma_start3A_534 = arith.constant 0 : i32
          %dma_start3A_535 = tpu.memref_slice %arg13[%add3A_530, %dma_start3A_534] : memref<40x125xi32, #tpu.memory_space<vmem>> -> memref<1x125xi32, #tpu.memory_space<vmem>>
          %dma_start3A_536 = tpu.memref_squeeze %dma_start3A_535 : memref<1x125xi32, #tpu.memory_space<vmem>> -> memref<125xi32, #tpu.memory_space<vmem>>
          %dma_start3A_537 = arith.constant 0 : i32
          %dma_start3A_538 = arith.constant 0 : i32
          %dma_start3A_539 = tpu.memref_slice %arg11[%dma_start3A_537, %dma_start3A_538] : memref<10240x64xf32, #tpu.memory_space<vmem_shared>> -> memref<10240x64xf32, #tpu.memory_space<vmem_shared>>
          tpu.enqueue_indirect_dma source(%dma_start3A_539 : memref<10240x64xf32, #tpu.memory_space<vmem_shared>>) target(%dma_start3A_533 : memref<125x64xf32, #tpu.memory_space<vmem>>) offsets(%dma_start3A_536 : memref<125xi32, #tpu.memory_space<vmem>>) semaphore(%arg21 : memref<!tpu.dma_semaphore, #tpu.memory_space<semaphore_mem>>)
        } else {
        }
      }
      %scan3A_240 = arith.constant 5 : i32
      %dma_wait3A_241 = arith.constant 0 : i32
      %dma_wait3A_242 = arith.constant 0 : i32
      %dma_wait3A_243 = arith.constant 0 : i32
      %dma_wait3A_244 = tpu.memref_slice %arg15[%dma_wait3A_242, %dma_wait3A_243] : memref<128x64xf32, #tpu.memory_space<vmem>> -> memref<125x64xf32, #tpu.memory_space<vmem>>
      %dma_wait3A_245 = arith.constant 0 : i32
      %dma_wait3A_246 = tpu.memref_slice %arg14[%dma_wait3A_241, %dma_wait3A_245] : memref<40x125xi32, #tpu.memory_space<vmem>> -> memref<1x125xi32, #tpu.memory_space<vmem>>
      %dma_wait3A_247 = tpu.memref_squeeze %dma_wait3A_246 : memref<1x125xi32, #tpu.memory_space<vmem>> -> memref<125xi32, #tpu.memory_space<vmem>>
      %dma_wait3A_248 = arith.constant 0 : i32
      %dma_wait3A_249 = arith.constant 0 : i32
      %dma_wait3A_250 = tpu.memref_slice %arg12[%dma_wait3A_248, %dma_wait3A_249] : memref<10240x64xf32, #tpu.memory_space<vmem_shared>> -> memref<10240x64xf32, #tpu.memory_space<vmem_shared>>
      tpu.wait_indirect_dma semaphore(%arg23 : memref<!tpu.dma_semaphore, #tpu.memory_space<semaphore_mem>>) src(%dma_wait3A_244 : memref<125x64xf32, #tpu.memory_space<vmem>>) dst(%dma_wait3A_250 : memref<10240x64xf32, #tpu.memory_space<vmem_shared>>)
      %dma_wait3A_251 = arith.constant 0 : i32
      %dma_wait3A_252 = arith.constant 0 : i32
      %dma_wait3A_253 = arith.constant 0 : i32
      %dma_wait3A_254 = tpu.memref_slice %arg16[%dma_wait3A_252, %dma_wait3A_253] : memref<128x64xf32, #tpu.memory_space<vmem>> -> memref<125x64xf32, #tpu.memory_space<vmem>>
      %dma_wait3A_255 = arith.constant 0 : i32
      %dma_wait3A_256 = tpu.memref_slice %arg14[%dma_wait3A_251, %dma_wait3A_255] : memref<40x125xi32, #tpu.memory_space<vmem>> -> memref<1x125xi32, #tpu.memory_space<vmem>>
      %dma_wait3A_257 = tpu.memref_squeeze %dma_wait3A_256 : memref<1x125xi32, #tpu.memory_space<vmem>> -> memref<125xi32, #tpu.memory_space<vmem>>
      %dma_wait3A_258 = arith.constant 0 : i32
      %dma_wait3A_259 = arith.constant 0 : i32
      %dma_wait3A_260 = tpu.memref_slice %arg12[%dma_wait3A_258, %dma_wait3A_259] : memref<10240x64xf32, #tpu.memory_space<vmem_shared>> -> memref<10240x64xf32, #tpu.memory_space<vmem_shared>>
      tpu.wait_indirect_dma semaphore(%arg24 : memref<!tpu.dma_semaphore, #tpu.memory_space<semaphore_mem>>) src(%dma_wait3A_254 : memref<125x64xf32, #tpu.memory_space<vmem>>) dst(%dma_wait3A_260 : memref<10240x64xf32, #tpu.memory_space<vmem_shared>>)
      %dma_wait3A_261 = arith.constant 0 : i32
      %dma_wait3A_262 = arith.constant 0 : i32
      %dma_wait3A_263 = arith.constant 0 : i32
      %dma_wait3A_264 = tpu.memref_slice %arg17[%dma_wait3A_262, %dma_wait3A_263] : memref<128x64xf32, #tpu.memory_space<vmem>> -> memref<125x64xf32, #tpu.memory_space<vmem>>
      %dma_wait3A_265 = arith.constant 0 : i32
      %dma_wait3A_266 = tpu.memref_slice %arg14[%dma_wait3A_261, %dma_wait3A_265] : memref<40x125xi32, #tpu.memory_space<vmem>> -> memref<1x125xi32, #tpu.memory_space<vmem>>
      %dma_wait3A_267 = tpu.memref_squeeze %dma_wait3A_266 : memref<1x125xi32, #tpu.memory_space<vmem>> -> memref<125xi32, #tpu.memory_space<vmem>>
      %dma_wait3A_268 = arith.constant 0 : i32
      %dma_wait3A_269 = arith.constant 0 : i32
      %dma_wait3A_270 = tpu.memref_slice %arg12[%dma_wait3A_268, %dma_wait3A_269] : memref<10240x64xf32, #tpu.memory_space<vmem_shared>> -> memref<10240x64xf32, #tpu.memory_space<vmem_shared>>
      tpu.wait_indirect_dma semaphore(%arg25 : memref<!tpu.dma_semaphore, #tpu.memory_space<semaphore_mem>>) src(%dma_wait3A_264 : memref<125x64xf32, #tpu.memory_space<vmem>>) dst(%dma_wait3A_270 : memref<10240x64xf32, #tpu.memory_space<vmem_shared>>)
      %dma_wait3A_271 = arith.constant 0 : i32
      %dma_wait3A_272 = arith.constant 0 : i32
      %dma_wait3A_273 = arith.constant 0 : i32
      %dma_wait3A_274 = tpu.memref_slice %arg18[%dma_wait3A_272, %dma_wait3A_273] : memref<128x64xf32, #tpu.memory_space<vmem>> -> memref<125x64xf32, #tpu.memory_space<vmem>>
      %dma_wait3A_275 = arith.constant 0 : i32
      %dma_wait3A_276 = tpu.memref_slice %arg14[%dma_wait3A_271, %dma_wait3A_275] : memref<40x125xi32, #tpu.memory_space<vmem>> -> memref<1x125xi32, #tpu.memory_space<vmem>>
      %dma_wait3A_277 = tpu.memref_squeeze %dma_wait3A_276 : memref<1x125xi32, #tpu.memory_space<vmem>> -> memref<125xi32, #tpu.memory_space<vmem>>
      %dma_wait3A_278 = arith.constant 0 : i32
      %dma_wait3A_279 = arith.constant 0 : i32
      %dma_wait3A_280 = tpu.memref_slice %arg12[%dma_wait3A_278, %dma_wait3A_279] : memref<10240x64xf32, #tpu.memory_space<vmem_shared>> -> memref<10240x64xf32, #tpu.memory_space<vmem_shared>>
      tpu.wait_indirect_dma semaphore(%arg26 : memref<!tpu.dma_semaphore, #tpu.memory_space<semaphore_mem>>) src(%dma_wait3A_274 : memref<125x64xf32, #tpu.memory_space<vmem>>) dst(%dma_wait3A_280 : memref<10240x64xf32, #tpu.memory_space<vmem_shared>>)
    }
    %scan3A_116 = arith.constant 4 : i32
    %barrier3A_117 = arith.constant 0 : index
    tpu.barrier barrier_id(%barrier3A_117)
    %broadcast_in_dim3A_118 = arith.constant 0.000000e+00 : f32
    %broadcast_in_dim3A_119 = vector.broadcast %broadcast_in_dim3A_118 : f32 to vector<16xf32>
    %broadcast_in_dim3A_120 = arith.constant 0.000000e+00 : f32
    %broadcast_in_dim3A_121 = vector.broadcast %broadcast_in_dim3A_120 : f32 to vector<16xf32>
    %broadcast_in_dim3A_122 = arith.constant 0.000000e+00 : f32
    %broadcast_in_dim3A_123 = vector.broadcast %broadcast_in_dim3A_122 : f32 to vector<16xf32>
    %broadcast_in_dim3A_124 = arith.constant 0.000000e+00 : f32
    %broadcast_in_dim3A_125 = vector.broadcast %broadcast_in_dim3A_124 : f32 to vector<16xf32>
    %add3A_126 = arith.constant 0 : i32
    %add3A_127 = arith.addi %mul3A_0, %add3A_126 : i32
    "tpu.region"() ({
      %run_scoped3A = tpu.sem_alloc : memref<!tpu.dma_semaphore, #tpu.memory_space<semaphore_mem>>
      %dma_start3A_191 = arith.constant 0 : i32
      %dma_start3A_192 = tpu.memref_slice %arg12[%add3A_127, %dma_start3A_191] : memref<10240x64xf32, #tpu.memory_space<vmem_shared>> -> memref<128x64xf32, #tpu.memory_space<vmem_shared>>
      %dma_start3A_193 = arith.constant 0 : i32
      %dma_start3A_194 = tpu.memref_slice %arg12[%add3A_127, %dma_start3A_193] : memref<10240x64xf32, #tpu.memory_space<vmem_shared>> -> memref<128x64xf32, #tpu.memory_space<vmem_shared>>
      tpu.enqueue_dma source(%dma_start3A_194 : memref<128x64xf32, #tpu.memory_space<vmem_shared>>) target(%arg15 : memref<128x64xf32, #tpu.memory_space<vmem>>) target_semaphore(%run_scoped3A : memref<!tpu.dma_semaphore, #tpu.memory_space<semaphore_mem>>)
      %dma_wait3A_195 = arith.constant 0 : i32
      %dma_wait3A_196 = tpu.memref_slice %arg12[%add3A_127, %dma_wait3A_195] : memref<10240x64xf32, #tpu.memory_space<vmem_shared>> -> memref<128x64xf32, #tpu.memory_space<vmem_shared>>
      %dma_wait3A_197 = arith.constant 0 : i32
      %dma_wait3A_198 = tpu.memref_slice %arg12[%add3A_127, %dma_wait3A_197] : memref<10240x64xf32, #tpu.memory_space<vmem_shared>> -> memref<128x64xf32, #tpu.memory_space<vmem_shared>>
      tpu.wait_dma2 semaphore(%run_scoped3A : memref<!tpu.dma_semaphore, #tpu.memory_space<semaphore_mem>>) src(%dma_wait3A_198 : memref<128x64xf32, #tpu.memory_space<vmem_shared>>) dst(%arg15 : memref<128x64xf32, #tpu.memory_space<vmem>>)
      tpu.yield
    }) : () -> ()
    %scan3A_128 = arith.constant 0 : i32
    %scan3A_129 = arith.constant 128 : i32
    %scan3A_130 = arith.addi %scan3A_128, %scan3A_129 : i32
    %scan3A_131 = arith.constant 1 : i32
    %scan3A_132:4 = scf.for %scan3A_191 = %scan3A_128 to %scan3A_130 step %scan3A_131 iter_args(%scan3A_192 = %broadcast_in_dim3A_119, %scan3A_193 = %broadcast_in_dim3A_121, %scan3A_194 = %broadcast_in_dim3A_123, %scan3A_195 = %broadcast_in_dim3A_125) -> (vector<16xf32>, vector<16xf32>, vector<16xf32>, vector<16xf32>)  : i32 {
      %add3A_196 = arith.constant 0 : i32
      %add3A_197 = arith.addi %mul3A_0, %add3A_196 : i32
      %add3A_198 = arith.addi %add3A_197, %scan3A_191 : i32
      %get3A = arith.index_cast %scan3A_191 : i32 to index
      %get3A_199 = arith.constant 0 : index
      %get3A_200 = tpu.vector_load %arg15[%get3A, %get3A_199] {strides = array<i32>} : memref<128x64xf32, #tpu.memory_space<vmem>>, vector<1x16xf32>,
      %get3A_201 = vector.shape_cast %get3A_200 : vector<1x16xf32> to vector<16xf32>
      %get3A_202 = arith.constant 0 : index
      %get3A_203 = tpu.vector_load %arg27[%get3A_202] {strides = array<i32>} : memref<64xf32, #tpu.memory_space<vmem>>, vector<16xf32>,
      %get3A_204 = vector.shape_cast %get3A_203 : vector<16xf32> to vector<16xf32>
      %add3A_205 = arith.addf %get3A_201, %get3A_204 : vector<16xf32>
      %lt3A = arith.constant 10000 : i32
      %lt3A_206 = arith.cmpi slt, %add3A_198, %lt3A : i32
      %max3A = arith.constant 0.000000e+00 : f32
      %max3A_207 = vector.broadcast %max3A : f32 to vector<16xf32>
      %max3A_208 = arith.maximumf %add3A_205, %max3A_207 : vector<16xf32>
      %jit3A = arith.constant 0.000000e+00 : f32
      %broadcast_in_dim3A_209 = vector.broadcast %jit3A : f32 to vector<16xf32>
      %select_n3A = arith.select %lt3A_206, %max3A_208, %broadcast_in_dim3A_209 : vector<16xf32>
      %add3A_210 = arith.addf %scan3A_192, %select_n3A : vector<16xf32>
      %get3A_211 = arith.index_cast %scan3A_191 : i32 to index
      %get3A_212 = arith.constant 16 : index
      %get3A_213 = tpu.vector_load %arg15[%get3A_211, %get3A_212] {strides = array<i32>} : memref<128x64xf32, #tpu.memory_space<vmem>>, vector<1x16xf32>,
      %get3A_214 = vector.shape_cast %get3A_213 : vector<1x16xf32> to vector<16xf32>
      %get3A_215 = arith.constant 16 : index
      %get3A_216 = tpu.vector_load %arg27[%get3A_215] {strides = array<i32>} : memref<64xf32, #tpu.memory_space<vmem>>, vector<16xf32>,
      %get3A_217 = vector.shape_cast %get3A_216 : vector<16xf32> to vector<16xf32>
      %add3A_218 = arith.addf %get3A_214, %get3A_217 : vector<16xf32>
      %lt3A_219 = arith.constant 10000 : i32
      %lt3A_220 = arith.cmpi slt, %add3A_198, %lt3A_219 : i32
      %max3A_221 = arith.constant 0.000000e+00 : f32
      %max3A_222 = vector.broadcast %max3A_221 : f32 to vector<16xf32>
      %max3A_223 = arith.maximumf %add3A_218, %max3A_222 : vector<16xf32>
      %jit3A_224 = arith.constant 0.000000e+00 : f32
      %broadcast_in_dim3A_225 = vector.broadcast %jit3A_224 : f32 to vector<16xf32>
      %select_n3A_226 = arith.select %lt3A_220, %max3A_223, %broadcast_in_dim3A_225 : vector<16xf32>
      %add3A_227 = arith.addf %scan3A_193, %select_n3A_226 : vector<16xf32>
      %get3A_228 = arith.index_cast %scan3A_191 : i32 to index
      %get3A_229 = arith.constant 32 : index
      %get3A_230 = tpu.vector_load %arg15[%get3A_228, %get3A_229] {strides = array<i32>} : memref<128x64xf32, #tpu.memory_space<vmem>>, vector<1x16xf32>,
      %get3A_231 = vector.shape_cast %get3A_230 : vector<1x16xf32> to vector<16xf32>
      %get3A_232 = arith.constant 32 : index
      %get3A_233 = tpu.vector_load %arg27[%get3A_232] {strides = array<i32>} : memref<64xf32, #tpu.memory_space<vmem>>, vector<16xf32>,
      %get3A_234 = vector.shape_cast %get3A_233 : vector<16xf32> to vector<16xf32>
      %add3A_235 = arith.addf %get3A_231, %get3A_234 : vector<16xf32>
      %lt3A_236 = arith.constant 10000 : i32
      %lt3A_237 = arith.cmpi slt, %add3A_198, %lt3A_236 : i32
      %max3A_238 = arith.constant 0.000000e+00 : f32
      %max3A_239 = vector.broadcast %max3A_238 : f32 to vector<16xf32>
      %max3A_240 = arith.maximumf %add3A_235, %max3A_239 : vector<16xf32>
      %jit3A_241 = arith.constant 0.000000e+00 : f32
      %broadcast_in_dim3A_242 = vector.broadcast %jit3A_241 : f32 to vector<16xf32>
      %select_n3A_243 = arith.select %lt3A_237, %max3A_240, %broadcast_in_dim3A_242 : vector<16xf32>
      %add3A_244 = arith.addf %scan3A_194, %select_n3A_243 : vector<16xf32>
      %get3A_245 = arith.index_cast %scan3A_191 : i32 to index
      %get3A_246 = arith.constant 48 : index
      %get3A_247 = tpu.vector_load %arg15[%get3A_245, %get3A_246] {strides = array<i32>} : memref<128x64xf32, #tpu.memory_space<vmem>>, vector<1x16xf32>,
      %get3A_248 = vector.shape_cast %get3A_247 : vector<1x16xf32> to vector<16xf32>
      %get3A_249 = arith.constant 48 : index
      %get3A_250 = tpu.vector_load %arg27[%get3A_249] {strides = array<i32>} : memref<64xf32, #tpu.memory_space<vmem>>, vector<16xf32>,
      %get3A_251 = vector.shape_cast %get3A_250 : vector<16xf32> to vector<16xf32>
      %add3A_252 = arith.addf %get3A_248, %get3A_251 : vector<16xf32>
      %lt3A_253 = arith.constant 10000 : i32
      %lt3A_254 = arith.cmpi slt, %add3A_198, %lt3A_253 : i32
      %max3A_255 = arith.constant 0.000000e+00 : f32
      %max3A_256 = vector.broadcast %max3A_255 : f32 to vector<16xf32>
      %max3A_257 = arith.maximumf %add3A_252, %max3A_256 : vector<16xf32>
      %jit3A_258 = arith.constant 0.000000e+00 : f32
      %broadcast_in_dim3A_259 = vector.broadcast %jit3A_258 : f32 to vector<16xf32>
      %select_n3A_260 = arith.select %lt3A_254, %max3A_257, %broadcast_in_dim3A_259 : vector<16xf32>
      %add3A_261 = arith.addf %scan3A_195, %select_n3A_260 : vector<16xf32>
      scf.yield %add3A_210, %add3A_227, %add3A_244, %add3A_261 : vector<16xf32>, vector<16xf32>, vector<16xf32>, vector<16xf32>
    }
    %scan3A_133 = arith.constant 128 : i32
    %add3A_134 = arith.constant 128 : i32
    %add3A_135 = arith.addi %mul3A_0, %add3A_134 : i32
    "tpu.region"() ({
      %run_scoped3A = tpu.sem_alloc : memref<!tpu.dma_semaphore, #tpu.memory_space<semaphore_mem>>
      %dma_start3A_191 = arith.constant 0 : i32
      %dma_start3A_192 = tpu.memref_slice %arg12[%add3A_135, %dma_start3A_191] : memref<10240x64xf32, #tpu.memory_space<vmem_shared>> -> memref<128x64xf32, #tpu.memory_space<vmem_shared>>
      %dma_start3A_193 = arith.constant 0 : i32
      %dma_start3A_194 = tpu.memref_slice %arg12[%add3A_135, %dma_start3A_193] : memref<10240x64xf32, #tpu.memory_space<vmem_shared>> -> memref<128x64xf32, #tpu.memory_space<vmem_shared>>
      tpu.enqueue_dma source(%dma_start3A_194 : memref<128x64xf32, #tpu.memory_space<vmem_shared>>) target(%arg15 : memref<128x64xf32, #tpu.memory_space<vmem>>) target_semaphore(%run_scoped3A : memref<!tpu.dma_semaphore, #tpu.memory_space<semaphore_mem>>)
      %dma_wait3A_195 = arith.constant 0 : i32
      %dma_wait3A_196 = tpu.memref_slice %arg12[%add3A_135, %dma_wait3A_195] : memref<10240x64xf32, #tpu.memory_space<vmem_shared>> -> memref<128x64xf32, #tpu.memory_space<vmem_shared>>
      %dma_wait3A_197 = arith.constant 0 : i32
      %dma_wait3A_198 = tpu.memref_slice %arg12[%add3A_135, %dma_wait3A_197] : memref<10240x64xf32, #tpu.memory_space<vmem_shared>> -> memref<128x64xf32, #tpu.memory_space<vmem_shared>>
      tpu.wait_dma2 semaphore(%run_scoped3A : memref<!tpu.dma_semaphore, #tpu.memory_space<semaphore_mem>>) src(%dma_wait3A_198 : memref<128x64xf32, #tpu.memory_space<vmem_shared>>) dst(%arg15 : memref<128x64xf32, #tpu.memory_space<vmem>>)
      tpu.yield
    }) : () -> ()
    %scan3A_136 = arith.constant 0 : i32
    %scan3A_137 = arith.constant 128 : i32
    %scan3A_138 = arith.addi %scan3A_136, %scan3A_137 : i32
    %scan3A_139 = arith.constant 1 : i32
    %scan3A_140:4 = scf.for %scan3A_191 = %scan3A_136 to %scan3A_138 step %scan3A_139 iter_args(%scan3A_192 = %scan3A_132#0, %scan3A_193 = %scan3A_132#1, %scan3A_194 = %scan3A_132#2, %scan3A_195 = %scan3A_132#3) -> (vector<16xf32>, vector<16xf32>, vector<16xf32>, vector<16xf32>)  : i32 {
      %add3A_196 = arith.constant 128 : i32
      %add3A_197 = arith.addi %mul3A_0, %add3A_196 : i32
      %add3A_198 = arith.addi %add3A_197, %scan3A_191 : i32
      %get3A = arith.index_cast %scan3A_191 : i32 to index
      %get3A_199 = arith.constant 0 : index
      %get3A_200 = tpu.vector_load %arg15[%get3A, %get3A_199] {strides = array<i32>} : memref<128x64xf32, #tpu.memory_space<vmem>>, vector<1x16xf32>,
      %get3A_201 = vector.shape_cast %get3A_200 : vector<1x16xf32> to vector<16xf32>
      %get3A_202 = arith.constant 0 : index
      %get3A_203 = tpu.vector_load %arg27[%get3A_202] {strides = array<i32>} : memref<64xf32, #tpu.memory_space<vmem>>, vector<16xf32>,
      %get3A_204 = vector.shape_cast %get3A_203 : vector<16xf32> to vector<16xf32>
      %add3A_205 = arith.addf %get3A_201, %get3A_204 : vector<16xf32>
      %lt3A = arith.constant 10000 : i32
      %lt3A_206 = arith.cmpi slt, %add3A_198, %lt3A : i32
      %max3A = arith.constant 0.000000e+00 : f32
      %max3A_207 = vector.broadcast %max3A : f32 to vector<16xf32>
      %max3A_208 = arith.maximumf %add3A_205, %max3A_207 : vector<16xf32>
      %jit3A = arith.constant 0.000000e+00 : f32
      %broadcast_in_dim3A_209 = vector.broadcast %jit3A : f32 to vector<16xf32>
      %select_n3A = arith.select %lt3A_206, %max3A_208, %broadcast_in_dim3A_209 : vector<16xf32>
      %add3A_210 = arith.addf %scan3A_192, %select_n3A : vector<16xf32>
      %get3A_211 = arith.index_cast %scan3A_191 : i32 to index
      %get3A_212 = arith.constant 16 : index
      %get3A_213 = tpu.vector_load %arg15[%get3A_211, %get3A_212] {strides = array<i32>} : memref<128x64xf32, #tpu.memory_space<vmem>>, vector<1x16xf32>,
      %get3A_214 = vector.shape_cast %get3A_213 : vector<1x16xf32> to vector<16xf32>
      %get3A_215 = arith.constant 16 : index
      %get3A_216 = tpu.vector_load %arg27[%get3A_215] {strides = array<i32>} : memref<64xf32, #tpu.memory_space<vmem>>, vector<16xf32>,
      %get3A_217 = vector.shape_cast %get3A_216 : vector<16xf32> to vector<16xf32>
      %add3A_218 = arith.addf %get3A_214, %get3A_217 : vector<16xf32>
      %lt3A_219 = arith.constant 10000 : i32
      %lt3A_220 = arith.cmpi slt, %add3A_198, %lt3A_219 : i32
      %max3A_221 = arith.constant 0.000000e+00 : f32
      %max3A_222 = vector.broadcast %max3A_221 : f32 to vector<16xf32>
      %max3A_223 = arith.maximumf %add3A_218, %max3A_222 : vector<16xf32>
      %jit3A_224 = arith.constant 0.000000e+00 : f32
      %broadcast_in_dim3A_225 = vector.broadcast %jit3A_224 : f32 to vector<16xf32>
      %select_n3A_226 = arith.select %lt3A_220, %max3A_223, %broadcast_in_dim3A_225 : vector<16xf32>
      %add3A_227 = arith.addf %scan3A_193, %select_n3A_226 : vector<16xf32>
      %get3A_228 = arith.index_cast %scan3A_191 : i32 to index
      %get3A_229 = arith.constant 32 : index
      %get3A_230 = tpu.vector_load %arg15[%get3A_228, %get3A_229] {strides = array<i32>} : memref<128x64xf32, #tpu.memory_space<vmem>>, vector<1x16xf32>,
      %get3A_231 = vector.shape_cast %get3A_230 : vector<1x16xf32> to vector<16xf32>
      %get3A_232 = arith.constant 32 : index
      %get3A_233 = tpu.vector_load %arg27[%get3A_232] {strides = array<i32>} : memref<64xf32, #tpu.memory_space<vmem>>, vector<16xf32>,
      %get3A_234 = vector.shape_cast %get3A_233 : vector<16xf32> to vector<16xf32>
      %add3A_235 = arith.addf %get3A_231, %get3A_234 : vector<16xf32>
      %lt3A_236 = arith.constant 10000 : i32
      %lt3A_237 = arith.cmpi slt, %add3A_198, %lt3A_236 : i32
      %max3A_238 = arith.constant 0.000000e+00 : f32
      %max3A_239 = vector.broadcast %max3A_238 : f32 to vector<16xf32>
      %max3A_240 = arith.maximumf %add3A_235, %max3A_239 : vector<16xf32>
      %jit3A_241 = arith.constant 0.000000e+00 : f32
      %broadcast_in_dim3A_242 = vector.broadcast %jit3A_241 : f32 to vector<16xf32>
      %select_n3A_243 = arith.select %lt3A_237, %max3A_240, %broadcast_in_dim3A_242 : vector<16xf32>
      %add3A_244 = arith.addf %scan3A_194, %select_n3A_243 : vector<16xf32>
      %get3A_245 = arith.index_cast %scan3A_191 : i32 to index
      %get3A_246 = arith.constant 48 : index
      %get3A_247 = tpu.vector_load %arg15[%get3A_245, %get3A_246] {strides = array<i32>} : memref<128x64xf32, #tpu.memory_space<vmem>>, vector<1x16xf32>,
      %get3A_248 = vector.shape_cast %get3A_247 : vector<1x16xf32> to vector<16xf32>
      %get3A_249 = arith.constant 48 : index
      %get3A_250 = tpu.vector_load %arg27[%get3A_249] {strides = array<i32>} : memref<64xf32, #tpu.memory_space<vmem>>, vector<16xf32>,
      %get3A_251 = vector.shape_cast %get3A_250 : vector<16xf32> to vector<16xf32>
      %add3A_252 = arith.addf %get3A_248, %get3A_251 : vector<16xf32>
      %lt3A_253 = arith.constant 10000 : i32
      %lt3A_254 = arith.cmpi slt, %add3A_198, %lt3A_253 : i32
      %max3A_255 = arith.constant 0.000000e+00 : f32
      %max3A_256 = vector.broadcast %max3A_255 : f32 to vector<16xf32>
      %max3A_257 = arith.maximumf %add3A_252, %max3A_256 : vector<16xf32>
      %jit3A_258 = arith.constant 0.000000e+00 : f32
      %broadcast_in_dim3A_259 = vector.broadcast %jit3A_258 : f32 to vector<16xf32>
      %select_n3A_260 = arith.select %lt3A_254, %max3A_257, %broadcast_in_dim3A_259 : vector<16xf32>
      %add3A_261 = arith.addf %scan3A_195, %select_n3A_260 : vector<16xf32>
      scf.yield %add3A_210, %add3A_227, %add3A_244, %add3A_261 : vector<16xf32>, vector<16xf32>, vector<16xf32>, vector<16xf32>
    }
    %scan3A_141 = arith.constant 128 : i32
    %add3A_142 = arith.constant 256 : i32
    %add3A_143 = arith.addi %mul3A_0, %add3A_142 : i32
    "tpu.region"() ({
      %run_scoped3A = tpu.sem_alloc : memref<!tpu.dma_semaphore, #tpu.memory_space<semaphore_mem>>
      %dma_start3A_191 = arith.constant 0 : i32
      %dma_start3A_192 = tpu.memref_slice %arg12[%add3A_143, %dma_start3A_191] : memref<10240x64xf32, #tpu.memory_space<vmem_shared>> -> memref<128x64xf32, #tpu.memory_space<vmem_shared>>
      %dma_start3A_193 = arith.constant 0 : i32
      %dma_start3A_194 = tpu.memref_slice %arg12[%add3A_143, %dma_start3A_193] : memref<10240x64xf32, #tpu.memory_space<vmem_shared>> -> memref<128x64xf32, #tpu.memory_space<vmem_shared>>
      tpu.enqueue_dma source(%dma_start3A_194 : memref<128x64xf32, #tpu.memory_space<vmem_shared>>) target(%arg15 : memref<128x64xf32, #tpu.memory_space<vmem>>) target_semaphore(%run_scoped3A : memref<!tpu.dma_semaphore, #tpu.memory_space<semaphore_mem>>)
      %dma_wait3A_195 = arith.constant 0 : i32
      %dma_wait3A_196 = tpu.memref_slice %arg12[%add3A_143, %dma_wait3A_195] : memref<10240x64xf32, #tpu.memory_space<vmem_shared>> -> memref<128x64xf32, #tpu.memory_space<vmem_shared>>
      %dma_wait3A_197 = arith.constant 0 : i32
      %dma_wait3A_198 = tpu.memref_slice %arg12[%add3A_143, %dma_wait3A_197] : memref<10240x64xf32, #tpu.memory_space<vmem_shared>> -> memref<128x64xf32, #tpu.memory_space<vmem_shared>>
      tpu.wait_dma2 semaphore(%run_scoped3A : memref<!tpu.dma_semaphore, #tpu.memory_space<semaphore_mem>>) src(%dma_wait3A_198 : memref<128x64xf32, #tpu.memory_space<vmem_shared>>) dst(%arg15 : memref<128x64xf32, #tpu.memory_space<vmem>>)
      tpu.yield
    }) : () -> ()
    %scan3A_144 = arith.constant 0 : i32
    %scan3A_145 = arith.constant 128 : i32
    %scan3A_146 = arith.addi %scan3A_144, %scan3A_145 : i32
    %scan3A_147 = arith.constant 1 : i32
    %scan3A_148:4 = scf.for %scan3A_191 = %scan3A_144 to %scan3A_146 step %scan3A_147 iter_args(%scan3A_192 = %scan3A_140#0, %scan3A_193 = %scan3A_140#1, %scan3A_194 = %scan3A_140#2, %scan3A_195 = %scan3A_140#3) -> (vector<16xf32>, vector<16xf32>, vector<16xf32>, vector<16xf32>)  : i32 {
      %add3A_196 = arith.constant 256 : i32
      %add3A_197 = arith.addi %mul3A_0, %add3A_196 : i32
      %add3A_198 = arith.addi %add3A_197, %scan3A_191 : i32
      %get3A = arith.index_cast %scan3A_191 : i32 to index
      %get3A_199 = arith.constant 0 : index
      %get3A_200 = tpu.vector_load %arg15[%get3A, %get3A_199] {strides = array<i32>} : memref<128x64xf32, #tpu.memory_space<vmem>>, vector<1x16xf32>,
      %get3A_201 = vector.shape_cast %get3A_200 : vector<1x16xf32> to vector<16xf32>
      %get3A_202 = arith.constant 0 : index
      %get3A_203 = tpu.vector_load %arg27[%get3A_202] {strides = array<i32>} : memref<64xf32, #tpu.memory_space<vmem>>, vector<16xf32>,
      %get3A_204 = vector.shape_cast %get3A_203 : vector<16xf32> to vector<16xf32>
      %add3A_205 = arith.addf %get3A_201, %get3A_204 : vector<16xf32>
      %lt3A = arith.constant 10000 : i32
      %lt3A_206 = arith.cmpi slt, %add3A_198, %lt3A : i32
      %max3A = arith.constant 0.000000e+00 : f32
      %max3A_207 = vector.broadcast %max3A : f32 to vector<16xf32>
      %max3A_208 = arith.maximumf %add3A_205, %max3A_207 : vector<16xf32>
      %jit3A = arith.constant 0.000000e+00 : f32
      %broadcast_in_dim3A_209 = vector.broadcast %jit3A : f32 to vector<16xf32>
      %select_n3A = arith.select %lt3A_206, %max3A_208, %broadcast_in_dim3A_209 : vector<16xf32>
      %add3A_210 = arith.addf %scan3A_192, %select_n3A : vector<16xf32>
      %get3A_211 = arith.index_cast %scan3A_191 : i32 to index
      %get3A_212 = arith.constant 16 : index
      %get3A_213 = tpu.vector_load %arg15[%get3A_211, %get3A_212] {strides = array<i32>} : memref<128x64xf32, #tpu.memory_space<vmem>>, vector<1x16xf32>,
      %get3A_214 = vector.shape_cast %get3A_213 : vector<1x16xf32> to vector<16xf32>
      %get3A_215 = arith.constant 16 : index
      %get3A_216 = tpu.vector_load %arg27[%get3A_215] {strides = array<i32>} : memref<64xf32, #tpu.memory_space<vmem>>, vector<16xf32>,
      %get3A_217 = vector.shape_cast %get3A_216 : vector<16xf32> to vector<16xf32>
      %add3A_218 = arith.addf %get3A_214, %get3A_217 : vector<16xf32>
      %lt3A_219 = arith.constant 10000 : i32
      %lt3A_220 = arith.cmpi slt, %add3A_198, %lt3A_219 : i32
      %max3A_221 = arith.constant 0.000000e+00 : f32
      %max3A_222 = vector.broadcast %max3A_221 : f32 to vector<16xf32>
      %max3A_223 = arith.maximumf %add3A_218, %max3A_222 : vector<16xf32>
      %jit3A_224 = arith.constant 0.000000e+00 : f32
      %broadcast_in_dim3A_225 = vector.broadcast %jit3A_224 : f32 to vector<16xf32>
      %select_n3A_226 = arith.select %lt3A_220, %max3A_223, %broadcast_in_dim3A_225 : vector<16xf32>
      %add3A_227 = arith.addf %scan3A_193, %select_n3A_226 : vector<16xf32>
      %get3A_228 = arith.index_cast %scan3A_191 : i32 to index
      %get3A_229 = arith.constant 32 : index
      %get3A_230 = tpu.vector_load %arg15[%get3A_228, %get3A_229] {strides = array<i32>} : memref<128x64xf32, #tpu.memory_space<vmem>>, vector<1x16xf32>,
      %get3A_231 = vector.shape_cast %get3A_230 : vector<1x16xf32> to vector<16xf32>
      %get3A_232 = arith.constant 32 : index
      %get3A_233 = tpu.vector_load %arg27[%get3A_232] {strides = array<i32>} : memref<64xf32, #tpu.memory_space<vmem>>, vector<16xf32>,
      %get3A_234 = vector.shape_cast %get3A_233 : vector<16xf32> to vector<16xf32>
      %add3A_235 = arith.addf %get3A_231, %get3A_234 : vector<16xf32>
      %lt3A_236 = arith.constant 10000 : i32
      %lt3A_237 = arith.cmpi slt, %add3A_198, %lt3A_236 : i32
      %max3A_238 = arith.constant 0.000000e+00 : f32
      %max3A_239 = vector.broadcast %max3A_238 : f32 to vector<16xf32>
      %max3A_240 = arith.maximumf %add3A_235, %max3A_239 : vector<16xf32>
      %jit3A_241 = arith.constant 0.000000e+00 : f32
      %broadcast_in_dim3A_242 = vector.broadcast %jit3A_241 : f32 to vector<16xf32>
      %select_n3A_243 = arith.select %lt3A_237, %max3A_240, %broadcast_in_dim3A_242 : vector<16xf32>
      %add3A_244 = arith.addf %scan3A_194, %select_n3A_243 : vector<16xf32>
      %get3A_245 = arith.index_cast %scan3A_191 : i32 to index
      %get3A_246 = arith.constant 48 : index
      %get3A_247 = tpu.vector_load %arg15[%get3A_245, %get3A_246] {strides = array<i32>} : memref<128x64xf32, #tpu.memory_space<vmem>>, vector<1x16xf32>,
      %get3A_248 = vector.shape_cast %get3A_247 : vector<1x16xf32> to vector<16xf32>
      %get3A_249 = arith.constant 48 : index
      %get3A_250 = tpu.vector_load %arg27[%get3A_249] {strides = array<i32>} : memref<64xf32, #tpu.memory_space<vmem>>, vector<16xf32>,
      %get3A_251 = vector.shape_cast %get3A_250 : vector<16xf32> to vector<16xf32>
      %add3A_252 = arith.addf %get3A_248, %get3A_251 : vector<16xf32>
      %lt3A_253 = arith.constant 10000 : i32
      %lt3A_254 = arith.cmpi slt, %add3A_198, %lt3A_253 : i32
      %max3A_255 = arith.constant 0.000000e+00 : f32
      %max3A_256 = vector.broadcast %max3A_255 : f32 to vector<16xf32>
      %max3A_257 = arith.maximumf %add3A_252, %max3A_256 : vector<16xf32>
      %jit3A_258 = arith.constant 0.000000e+00 : f32
      %broadcast_in_dim3A_259 = vector.broadcast %jit3A_258 : f32 to vector<16xf32>
      %select_n3A_260 = arith.select %lt3A_254, %max3A_257, %broadcast_in_dim3A_259 : vector<16xf32>
      %add3A_261 = arith.addf %scan3A_195, %select_n3A_260 : vector<16xf32>
      scf.yield %add3A_210, %add3A_227, %add3A_244, %add3A_261 : vector<16xf32>, vector<16xf32>, vector<16xf32>, vector<16xf32>
    }
    %scan3A_149 = arith.constant 128 : i32
    %add3A_150 = arith.constant 384 : i32
    %add3A_151 = arith.addi %mul3A_0, %add3A_150 : i32
    "tpu.region"() ({
      %run_scoped3A = tpu.sem_alloc : memref<!tpu.dma_semaphore, #tpu.memory_space<semaphore_mem>>
      %dma_start3A_191 = arith.constant 0 : i32
      %dma_start3A_192 = tpu.memref_slice %arg12[%add3A_151, %dma_start3A_191] : memref<10240x64xf32, #tpu.memory_space<vmem_shared>> -> memref<128x64xf32, #tpu.memory_space<vmem_shared>>
      %dma_start3A_193 = arith.constant 0 : i32
      %dma_start3A_194 = tpu.memref_slice %arg12[%add3A_151, %dma_start3A_193] : memref<10240x64xf32, #tpu.memory_space<vmem_shared>> -> memref<128x64xf32, #tpu.memory_space<vmem_shared>>
      tpu.enqueue_dma source(%dma_start3A_194 : memref<128x64xf32, #tpu.memory_space<vmem_shared>>) target(%arg15 : memref<128x64xf32, #tpu.memory_space<vmem>>) target_semaphore(%run_scoped3A : memref<!tpu.dma_semaphore, #tpu.memory_space<semaphore_mem>>)
      %dma_wait3A_195 = arith.constant 0 : i32
      %dma_wait3A_196 = tpu.memref_slice %arg12[%add3A_151, %dma_wait3A_195] : memref<10240x64xf32, #tpu.memory_space<vmem_shared>> -> memref<128x64xf32, #tpu.memory_space<vmem_shared>>
      %dma_wait3A_197 = arith.constant 0 : i32
      %dma_wait3A_198 = tpu.memref_slice %arg12[%add3A_151, %dma_wait3A_197] : memref<10240x64xf32, #tpu.memory_space<vmem_shared>> -> memref<128x64xf32, #tpu.memory_space<vmem_shared>>
      tpu.wait_dma2 semaphore(%run_scoped3A : memref<!tpu.dma_semaphore, #tpu.memory_space<semaphore_mem>>) src(%dma_wait3A_198 : memref<128x64xf32, #tpu.memory_space<vmem_shared>>) dst(%arg15 : memref<128x64xf32, #tpu.memory_space<vmem>>)
      tpu.yield
    }) : () -> ()
    %scan3A_152 = arith.constant 0 : i32
    %scan3A_153 = arith.constant 128 : i32
    %scan3A_154 = arith.addi %scan3A_152, %scan3A_153 : i32
    %scan3A_155 = arith.constant 1 : i32
    %scan3A_156:4 = scf.for %scan3A_191 = %scan3A_152 to %scan3A_154 step %scan3A_155 iter_args(%scan3A_192 = %scan3A_148#0, %scan3A_193 = %scan3A_148#1, %scan3A_194 = %scan3A_148#2, %scan3A_195 = %scan3A_148#3) -> (vector<16xf32>, vector<16xf32>, vector<16xf32>, vector<16xf32>)  : i32 {
      %add3A_196 = arith.constant 384 : i32
      %add3A_197 = arith.addi %mul3A_0, %add3A_196 : i32
      %add3A_198 = arith.addi %add3A_197, %scan3A_191 : i32
      %get3A = arith.index_cast %scan3A_191 : i32 to index
      %get3A_199 = arith.constant 0 : index
      %get3A_200 = tpu.vector_load %arg15[%get3A, %get3A_199] {strides = array<i32>} : memref<128x64xf32, #tpu.memory_space<vmem>>, vector<1x16xf32>,
      %get3A_201 = vector.shape_cast %get3A_200 : vector<1x16xf32> to vector<16xf32>
      %get3A_202 = arith.constant 0 : index
      %get3A_203 = tpu.vector_load %arg27[%get3A_202] {strides = array<i32>} : memref<64xf32, #tpu.memory_space<vmem>>, vector<16xf32>,
      %get3A_204 = vector.shape_cast %get3A_203 : vector<16xf32> to vector<16xf32>
      %add3A_205 = arith.addf %get3A_201, %get3A_204 : vector<16xf32>
      %lt3A = arith.constant 10000 : i32
      %lt3A_206 = arith.cmpi slt, %add3A_198, %lt3A : i32
      %max3A = arith.constant 0.000000e+00 : f32
      %max3A_207 = vector.broadcast %max3A : f32 to vector<16xf32>
      %max3A_208 = arith.maximumf %add3A_205, %max3A_207 : vector<16xf32>
      %jit3A = arith.constant 0.000000e+00 : f32
      %broadcast_in_dim3A_209 = vector.broadcast %jit3A : f32 to vector<16xf32>
      %select_n3A = arith.select %lt3A_206, %max3A_208, %broadcast_in_dim3A_209 : vector<16xf32>
      %add3A_210 = arith.addf %scan3A_192, %select_n3A : vector<16xf32>
      %get3A_211 = arith.index_cast %scan3A_191 : i32 to index
      %get3A_212 = arith.constant 16 : index
      %get3A_213 = tpu.vector_load %arg15[%get3A_211, %get3A_212] {strides = array<i32>} : memref<128x64xf32, #tpu.memory_space<vmem>>, vector<1x16xf32>,
      %get3A_214 = vector.shape_cast %get3A_213 : vector<1x16xf32> to vector<16xf32>
      %get3A_215 = arith.constant 16 : index
      %get3A_216 = tpu.vector_load %arg27[%get3A_215] {strides = array<i32>} : memref<64xf32, #tpu.memory_space<vmem>>, vector<16xf32>,
      %get3A_217 = vector.shape_cast %get3A_216 : vector<16xf32> to vector<16xf32>
      %add3A_218 = arith.addf %get3A_214, %get3A_217 : vector<16xf32>
      %lt3A_219 = arith.constant 10000 : i32
      %lt3A_220 = arith.cmpi slt, %add3A_198, %lt3A_219 : i32
      %max3A_221 = arith.constant 0.000000e+00 : f32
      %max3A_222 = vector.broadcast %max3A_221 : f32 to vector<16xf32>
      %max3A_223 = arith.maximumf %add3A_218, %max3A_222 : vector<16xf32>
      %jit3A_224 = arith.constant 0.000000e+00 : f32
      %broadcast_in_dim3A_225 = vector.broadcast %jit3A_224 : f32 to vector<16xf32>
      %select_n3A_226 = arith.select %lt3A_220, %max3A_223, %broadcast_in_dim3A_225 : vector<16xf32>
      %add3A_227 = arith.addf %scan3A_193, %select_n3A_226 : vector<16xf32>
      %get3A_228 = arith.index_cast %scan3A_191 : i32 to index
      %get3A_229 = arith.constant 32 : index
      %get3A_230 = tpu.vector_load %arg15[%get3A_228, %get3A_229] {strides = array<i32>} : memref<128x64xf32, #tpu.memory_space<vmem>>, vector<1x16xf32>,
      %get3A_231 = vector.shape_cast %get3A_230 : vector<1x16xf32> to vector<16xf32>
      %get3A_232 = arith.constant 32 : index
      %get3A_233 = tpu.vector_load %arg27[%get3A_232] {strides = array<i32>} : memref<64xf32, #tpu.memory_space<vmem>>, vector<16xf32>,
      %get3A_234 = vector.shape_cast %get3A_233 : vector<16xf32> to vector<16xf32>
      %add3A_235 = arith.addf %get3A_231, %get3A_234 : vector<16xf32>
      %lt3A_236 = arith.constant 10000 : i32
      %lt3A_237 = arith.cmpi slt, %add3A_198, %lt3A_236 : i32
      %max3A_238 = arith.constant 0.000000e+00 : f32
      %max3A_239 = vector.broadcast %max3A_238 : f32 to vector<16xf32>
      %max3A_240 = arith.maximumf %add3A_235, %max3A_239 : vector<16xf32>
      %jit3A_241 = arith.constant 0.000000e+00 : f32
      %broadcast_in_dim3A_242 = vector.broadcast %jit3A_241 : f32 to vector<16xf32>
      %select_n3A_243 = arith.select %lt3A_237, %max3A_240, %broadcast_in_dim3A_242 : vector<16xf32>
      %add3A_244 = arith.addf %scan3A_194, %select_n3A_243 : vector<16xf32>
      %get3A_245 = arith.index_cast %scan3A_191 : i32 to index
      %get3A_246 = arith.constant 48 : index
      %get3A_247 = tpu.vector_load %arg15[%get3A_245, %get3A_246] {strides = array<i32>} : memref<128x64xf32, #tpu.memory_space<vmem>>, vector<1x16xf32>,
      %get3A_248 = vector.shape_cast %get3A_247 : vector<1x16xf32> to vector<16xf32>
      %get3A_249 = arith.constant 48 : index
      %get3A_250 = tpu.vector_load %arg27[%get3A_249] {strides = array<i32>} : memref<64xf32, #tpu.memory_space<vmem>>, vector<16xf32>,
      %get3A_251 = vector.shape_cast %get3A_250 : vector<16xf32> to vector<16xf32>
      %add3A_252 = arith.addf %get3A_248, %get3A_251 : vector<16xf32>
      %lt3A_253 = arith.constant 10000 : i32
      %lt3A_254 = arith.cmpi slt, %add3A_198, %lt3A_253 : i32
      %max3A_255 = arith.constant 0.000000e+00 : f32
      %max3A_256 = vector.broadcast %max3A_255 : f32 to vector<16xf32>
      %max3A_257 = arith.maximumf %add3A_252, %max3A_256 : vector<16xf32>
      %jit3A_258 = arith.constant 0.000000e+00 : f32
      %broadcast_in_dim3A_259 = vector.broadcast %jit3A_258 : f32 to vector<16xf32>
      %select_n3A_260 = arith.select %lt3A_254, %max3A_257, %broadcast_in_dim3A_259 : vector<16xf32>
      %add3A_261 = arith.addf %scan3A_195, %select_n3A_260 : vector<16xf32>
      scf.yield %add3A_210, %add3A_227, %add3A_244, %add3A_261 : vector<16xf32>, vector<16xf32>, vector<16xf32>, vector<16xf32>
    }
    %scan3A_157 = arith.constant 128 : i32
    %add3A_158 = arith.constant 512 : i32
    %add3A_159 = arith.addi %mul3A_0, %add3A_158 : i32
    "tpu.region"() ({
      %run_scoped3A = tpu.sem_alloc : memref<!tpu.dma_semaphore, #tpu.memory_space<semaphore_mem>>
      %dma_start3A_191 = arith.constant 0 : i32
      %dma_start3A_192 = tpu.memref_slice %arg12[%add3A_159, %dma_start3A_191] : memref<10240x64xf32, #tpu.memory_space<vmem_shared>> -> memref<128x64xf32, #tpu.memory_space<vmem_shared>>
      %dma_start3A_193 = arith.constant 0 : i32
      %dma_start3A_194 = tpu.memref_slice %arg12[%add3A_159, %dma_start3A_193] : memref<10240x64xf32, #tpu.memory_space<vmem_shared>> -> memref<128x64xf32, #tpu.memory_space<vmem_shared>>
      tpu.enqueue_dma source(%dma_start3A_194 : memref<128x64xf32, #tpu.memory_space<vmem_shared>>) target(%arg15 : memref<128x64xf32, #tpu.memory_space<vmem>>) target_semaphore(%run_scoped3A : memref<!tpu.dma_semaphore, #tpu.memory_space<semaphore_mem>>)
      %dma_wait3A_195 = arith.constant 0 : i32
      %dma_wait3A_196 = tpu.memref_slice %arg12[%add3A_159, %dma_wait3A_195] : memref<10240x64xf32, #tpu.memory_space<vmem_shared>> -> memref<128x64xf32, #tpu.memory_space<vmem_shared>>
      %dma_wait3A_197 = arith.constant 0 : i32
      %dma_wait3A_198 = tpu.memref_slice %arg12[%add3A_159, %dma_wait3A_197] : memref<10240x64xf32, #tpu.memory_space<vmem_shared>> -> memref<128x64xf32, #tpu.memory_space<vmem_shared>>
      tpu.wait_dma2 semaphore(%run_scoped3A : memref<!tpu.dma_semaphore, #tpu.memory_space<semaphore_mem>>) src(%dma_wait3A_198 : memref<128x64xf32, #tpu.memory_space<vmem_shared>>) dst(%arg15 : memref<128x64xf32, #tpu.memory_space<vmem>>)
      tpu.yield
    }) : () -> ()
    %scan3A_160 = arith.constant 0 : i32
    %scan3A_161 = arith.constant 128 : i32
    %scan3A_162 = arith.addi %scan3A_160, %scan3A_161 : i32
    %scan3A_163 = arith.constant 1 : i32
    %scan3A_164:4 = scf.for %scan3A_191 = %scan3A_160 to %scan3A_162 step %scan3A_163 iter_args(%scan3A_192 = %scan3A_156#0, %scan3A_193 = %scan3A_156#1, %scan3A_194 = %scan3A_156#2, %scan3A_195 = %scan3A_156#3) -> (vector<16xf32>, vector<16xf32>, vector<16xf32>, vector<16xf32>)  : i32 {
      %add3A_196 = arith.constant 512 : i32
      %add3A_197 = arith.addi %mul3A_0, %add3A_196 : i32
      %add3A_198 = arith.addi %add3A_197, %scan3A_191 : i32
      %get3A = arith.index_cast %scan3A_191 : i32 to index
      %get3A_199 = arith.constant 0 : index
      %get3A_200 = tpu.vector_load %arg15[%get3A, %get3A_199] {strides = array<i32>} : memref<128x64xf32, #tpu.memory_space<vmem>>, vector<1x16xf32>,
      %get3A_201 = vector.shape_cast %get3A_200 : vector<1x16xf32> to vector<16xf32>
      %get3A_202 = arith.constant 0 : index
      %get3A_203 = tpu.vector_load %arg27[%get3A_202] {strides = array<i32>} : memref<64xf32, #tpu.memory_space<vmem>>, vector<16xf32>,
      %get3A_204 = vector.shape_cast %get3A_203 : vector<16xf32> to vector<16xf32>
      %add3A_205 = arith.addf %get3A_201, %get3A_204 : vector<16xf32>
      %lt3A = arith.constant 10000 : i32
      %lt3A_206 = arith.cmpi slt, %add3A_198, %lt3A : i32
      %max3A = arith.constant 0.000000e+00 : f32
      %max3A_207 = vector.broadcast %max3A : f32 to vector<16xf32>
      %max3A_208 = arith.maximumf %add3A_205, %max3A_207 : vector<16xf32>
      %jit3A = arith.constant 0.000000e+00 : f32
      %broadcast_in_dim3A_209 = vector.broadcast %jit3A : f32 to vector<16xf32>
      %select_n3A = arith.select %lt3A_206, %max3A_208, %broadcast_in_dim3A_209 : vector<16xf32>
      %add3A_210 = arith.addf %scan3A_192, %select_n3A : vector<16xf32>
      %get3A_211 = arith.index_cast %scan3A_191 : i32 to index
      %get3A_212 = arith.constant 16 : index
      %get3A_213 = tpu.vector_load %arg15[%get3A_211, %get3A_212] {strides = array<i32>} : memref<128x64xf32, #tpu.memory_space<vmem>>, vector<1x16xf32>,
      %get3A_214 = vector.shape_cast %get3A_213 : vector<1x16xf32> to vector<16xf32>
      %get3A_215 = arith.constant 16 : index
      %get3A_216 = tpu.vector_load %arg27[%get3A_215] {strides = array<i32>} : memref<64xf32, #tpu.memory_space<vmem>>, vector<16xf32>,
      %get3A_217 = vector.shape_cast %get3A_216 : vector<16xf32> to vector<16xf32>
      %add3A_218 = arith.addf %get3A_214, %get3A_217 : vector<16xf32>
      %lt3A_219 = arith.constant 10000 : i32
      %lt3A_220 = arith.cmpi slt, %add3A_198, %lt3A_219 : i32
      %max3A_221 = arith.constant 0.000000e+00 : f32
      %max3A_222 = vector.broadcast %max3A_221 : f32 to vector<16xf32>
      %max3A_223 = arith.maximumf %add3A_218, %max3A_222 : vector<16xf32>
      %jit3A_224 = arith.constant 0.000000e+00 : f32
      %broadcast_in_dim3A_225 = vector.broadcast %jit3A_224 : f32 to vector<16xf32>
      %select_n3A_226 = arith.select %lt3A_220, %max3A_223, %broadcast_in_dim3A_225 : vector<16xf32>
      %add3A_227 = arith.addf %scan3A_193, %select_n3A_226 : vector<16xf32>
      %get3A_228 = arith.index_cast %scan3A_191 : i32 to index
      %get3A_229 = arith.constant 32 : index
      %get3A_230 = tpu.vector_load %arg15[%get3A_228, %get3A_229] {strides = array<i32>} : memref<128x64xf32, #tpu.memory_space<vmem>>, vector<1x16xf32>,
      %get3A_231 = vector.shape_cast %get3A_230 : vector<1x16xf32> to vector<16xf32>
      %get3A_232 = arith.constant 32 : index
      %get3A_233 = tpu.vector_load %arg27[%get3A_232] {strides = array<i32>} : memref<64xf32, #tpu.memory_space<vmem>>, vector<16xf32>,
      %get3A_234 = vector.shape_cast %get3A_233 : vector<16xf32> to vector<16xf32>
      %add3A_235 = arith.addf %get3A_231, %get3A_234 : vector<16xf32>
      %lt3A_236 = arith.constant 10000 : i32
      %lt3A_237 = arith.cmpi slt, %add3A_198, %lt3A_236 : i32
      %max3A_238 = arith.constant 0.000000e+00 : f32
      %max3A_239 = vector.broadcast %max3A_238 : f32 to vector<16xf32>
      %max3A_240 = arith.maximumf %add3A_235, %max3A_239 : vector<16xf32>
      %jit3A_241 = arith.constant 0.000000e+00 : f32
      %broadcast_in_dim3A_242 = vector.broadcast %jit3A_241 : f32 to vector<16xf32>
      %select_n3A_243 = arith.select %lt3A_237, %max3A_240, %broadcast_in_dim3A_242 : vector<16xf32>
      %add3A_244 = arith.addf %scan3A_194, %select_n3A_243 : vector<16xf32>
      %get3A_245 = arith.index_cast %scan3A_191 : i32 to index
      %get3A_246 = arith.constant 48 : index
      %get3A_247 = tpu.vector_load %arg15[%get3A_245, %get3A_246] {strides = array<i32>} : memref<128x64xf32, #tpu.memory_space<vmem>>, vector<1x16xf32>,
      %get3A_248 = vector.shape_cast %get3A_247 : vector<1x16xf32> to vector<16xf32>
      %get3A_249 = arith.constant 48 : index
      %get3A_250 = tpu.vector_load %arg27[%get3A_249] {strides = array<i32>} : memref<64xf32, #tpu.memory_space<vmem>>, vector<16xf32>,
      %get3A_251 = vector.shape_cast %get3A_250 : vector<16xf32> to vector<16xf32>
      %add3A_252 = arith.addf %get3A_248, %get3A_251 : vector<16xf32>
      %lt3A_253 = arith.constant 10000 : i32
      %lt3A_254 = arith.cmpi slt, %add3A_198, %lt3A_253 : i32
      %max3A_255 = arith.constant 0.000000e+00 : f32
      %max3A_256 = vector.broadcast %max3A_255 : f32 to vector<16xf32>
      %max3A_257 = arith.maximumf %add3A_252, %max3A_256 : vector<16xf32>
      %jit3A_258 = arith.constant 0.000000e+00 : f32
      %broadcast_in_dim3A_259 = vector.broadcast %jit3A_258 : f32 to vector<16xf32>
      %select_n3A_260 = arith.select %lt3A_254, %max3A_257, %broadcast_in_dim3A_259 : vector<16xf32>
      %add3A_261 = arith.addf %scan3A_195, %select_n3A_260 : vector<16xf32>
      scf.yield %add3A_210, %add3A_227, %add3A_244, %add3A_261 : vector<16xf32>, vector<16xf32>, vector<16xf32>, vector<16xf32>
    }
    %scan3A_165 = arith.constant 128 : i32
    %swap3A = arith.constant 0 : index
    %swap3A_166 = tpu.vector_load %arg27[%swap3A] {strides = array<i32>} : memref<64xf32, #tpu.memory_space<vmem>>, vector<16xf32>,
    %swap3A_167 = vector.shape_cast %swap3A_166 : vector<16xf32> to vector<16xf32>
    %swap3A_168 = vector.shape_cast %scan3A_164#0 : vector<16xf32> to vector<16xf32>
    tpu.vector_store %arg27[%swap3A], %swap3A_168 {strides = array<i32>} : memref<64xf32, #tpu.memory_space<vmem>>, vector<16xf32>,
    %swap3A_169 = arith.constant 16 : index
    %swap3A_170 = tpu.vector_load %arg27[%swap3A_169] {strides = array<i32>} : memref<64xf32, #tpu.memory_space<vmem>>, vector<16xf32>,
    %swap3A_171 = vector.shape_cast %swap3A_170 : vector<16xf32> to vector<16xf32>
    %swap3A_172 = vector.shape_cast %scan3A_164#1 : vector<16xf32> to vector<16xf32>
    tpu.vector_store %arg27[%swap3A_169], %swap3A_172 {strides = array<i32>} : memref<64xf32, #tpu.memory_space<vmem>>, vector<16xf32>,
    %swap3A_173 = arith.constant 32 : index
    %swap3A_174 = tpu.vector_load %arg27[%swap3A_173] {strides = array<i32>} : memref<64xf32, #tpu.memory_space<vmem>>, vector<16xf32>,
    %swap3A_175 = vector.shape_cast %swap3A_174 : vector<16xf32> to vector<16xf32>
    %swap3A_176 = vector.shape_cast %scan3A_164#2 : vector<16xf32> to vector<16xf32>
    tpu.vector_store %arg27[%swap3A_173], %swap3A_176 {strides = array<i32>} : memref<64xf32, #tpu.memory_space<vmem>>, vector<16xf32>,
    %swap3A_177 = arith.constant 48 : index
    %swap3A_178 = tpu.vector_load %arg27[%swap3A_177] {strides = array<i32>} : memref<64xf32, #tpu.memory_space<vmem>>, vector<16xf32>,
    %swap3A_179 = vector.shape_cast %swap3A_178 : vector<16xf32> to vector<16xf32>
    %swap3A_180 = vector.shape_cast %scan3A_164#3 : vector<16xf32> to vector<16xf32>
    tpu.vector_store %arg27[%swap3A_177], %swap3A_180 {strides = array<i32>} : memref<64xf32, #tpu.memory_space<vmem>>, vector<16xf32>,
    %eq3A_181 = arith.constant 0 : i32
    %eq3A_182 = arith.cmpi eq, %arg0, %eq3A_181 : i32
    %convert_element_type3A_183 = arith.extui %eq3A_182 : i1 to i32
    %cond3A_184 = arith.constant 0 : i32
    %cond3A_185 = arith.cmpi ne, %convert_element_type3A_183, %cond3A_184 : i32
    scf.if %cond3A_185 {
      "tpu.region"() ({
        %run_scoped3A = tpu.sem_alloc : memref<!tpu.dma_semaphore, #tpu.memory_space<semaphore_mem>>
        %dma_start3A_191 = arith.constant 0 : i32
        %dma_start3A_192 = tpu.memref_slice %arg9[%arg1, %dma_start3A_191] : memref<16x64xf32, #tpu.memory_space<hbm>> -> memref<1x64xf32, #tpu.memory_space<hbm>>
        %dma_start3A_193 = tpu.memref_squeeze %dma_start3A_192 : memref<1x64xf32, #tpu.memory_space<hbm>> -> memref<64xf32, #tpu.memory_space<hbm>>
        %dma_start3A_194 = arith.constant 0 : i32
        %dma_start3A_195 = tpu.memref_slice %arg9[%arg1, %dma_start3A_194] : memref<16x64xf32, #tpu.memory_space<hbm>> -> memref<1x64xf32, #tpu.memory_space<hbm>>
        %dma_start3A_196 = tpu.memref_squeeze %dma_start3A_195 : memref<1x64xf32, #tpu.memory_space<hbm>> -> memref<64xf32, #tpu.memory_space<hbm>>
        tpu.enqueue_dma source(%arg27 : memref<64xf32, #tpu.memory_space<vmem>>) target(%dma_start3A_196 : memref<64xf32, #tpu.memory_space<hbm>>) target_semaphore(%run_scoped3A : memref<!tpu.dma_semaphore, #tpu.memory_space<semaphore_mem>>)
        %dma_wait3A_197 = arith.constant 0 : i32
        %dma_wait3A_198 = tpu.memref_slice %arg9[%arg1, %dma_wait3A_197] : memref<16x64xf32, #tpu.memory_space<hbm>> -> memref<1x64xf32, #tpu.memory_space<hbm>>
        %dma_wait3A_199 = tpu.memref_squeeze %dma_wait3A_198 : memref<1x64xf32, #tpu.memory_space<hbm>> -> memref<64xf32, #tpu.memory_space<hbm>>
        %dma_wait3A_200 = arith.constant 0 : i32
        %dma_wait3A_201 = tpu.memref_slice %arg9[%arg1, %dma_wait3A_200] : memref<16x64xf32, #tpu.memory_space<hbm>> -> memref<1x64xf32, #tpu.memory_space<hbm>>
        %dma_wait3A_202 = tpu.memref_squeeze %dma_wait3A_201 : memref<1x64xf32, #tpu.memory_space<hbm>> -> memref<64xf32, #tpu.memory_space<hbm>>
        tpu.wait_dma2 semaphore(%run_scoped3A : memref<!tpu.dma_semaphore, #tpu.memory_space<semaphore_mem>>) src(%arg27 : memref<64xf32, #tpu.memory_space<vmem>>) dst(%dma_wait3A_202 : memref<64xf32, #tpu.memory_space<hbm>>)
        tpu.yield
      }) : () -> ()
    } else {
    }
    %ne3A_186 = arith.constant 0 : i32
    %ne3A_187 = arith.cmpi ne, %arg0, %ne3A_186 : i32
    %convert_element_type3A_188 = arith.extui %ne3A_187 : i1 to i32
    %cond3A_189 = arith.constant 0 : i32
    %cond3A_190 = arith.cmpi ne, %convert_element_type3A_188, %cond3A_189 : i32
    scf.if %cond3A_190 {
      "tpu.region"() ({
        %run_scoped3A = tpu.sem_alloc : memref<!tpu.dma_semaphore, #tpu.memory_space<semaphore_mem>>
        %dma_start3A_191 = arith.constant 0 : i32
        %dma_start3A_192 = tpu.memref_slice %arg10[%arg1, %dma_start3A_191] : memref<16x64xf32, #tpu.memory_space<hbm>> -> memref<1x64xf32, #tpu.memory_space<hbm>>
        %dma_start3A_193 = tpu.memref_squeeze %dma_start3A_192 : memref<1x64xf32, #tpu.memory_space<hbm>> -> memref<64xf32, #tpu.memory_space<hbm>>
        %dma_start3A_194 = arith.constant 0 : i32
        %dma_start3A_195 = tpu.memref_slice %arg10[%arg1, %dma_start3A_194] : memref<16x64xf32, #tpu.memory_space<hbm>> -> memref<1x64xf32, #tpu.memory_space<hbm>>
        %dma_start3A_196 = tpu.memref_squeeze %dma_start3A_195 : memref<1x64xf32, #tpu.memory_space<hbm>> -> memref<64xf32, #tpu.memory_space<hbm>>
        tpu.enqueue_dma source(%arg27 : memref<64xf32, #tpu.memory_space<vmem>>) target(%dma_start3A_196 : memref<64xf32, #tpu.memory_space<hbm>>) target_semaphore(%run_scoped3A : memref<!tpu.dma_semaphore, #tpu.memory_space<semaphore_mem>>)
        %dma_wait3A_197 = arith.constant 0 : i32
        %dma_wait3A_198 = tpu.memref_slice %arg10[%arg1, %dma_wait3A_197] : memref<16x64xf32, #tpu.memory_space<hbm>> -> memref<1x64xf32, #tpu.memory_space<hbm>>
        %dma_wait3A_199 = tpu.memref_squeeze %dma_wait3A_198 : memref<1x64xf32, #tpu.memory_space<hbm>> -> memref<64xf32, #tpu.memory_space<hbm>>
        %dma_wait3A_200 = arith.constant 0 : i32
        %dma_wait3A_201 = tpu.memref_slice %arg10[%arg1, %dma_wait3A_200] : memref<16x64xf32, #tpu.memory_space<hbm>> -> memref<1x64xf32, #tpu.memory_space<hbm>>
        %dma_wait3A_202 = tpu.memref_squeeze %dma_wait3A_201 : memref<1x64xf32, #tpu.memory_space<hbm>> -> memref<64xf32, #tpu.memory_space<hbm>>
        tpu.wait_dma2 semaphore(%run_scoped3A : memref<!tpu.dma_semaphore, #tpu.memory_space<semaphore_mem>>) src(%arg27 : memref<64xf32, #tpu.memory_space<vmem>>) dst(%dma_wait3A_202 : memref<64xf32, #tpu.memory_space<hbm>>)
        tpu.yield
      }) : () -> ()
    } else {
    }
    return
  }
}

#map = affine_map<(d0, d1) -> (0, 0)>
#map1 = affine_map<(d0, d1) -> (0, 0, 0, 0)>
module attributes {stable_mosaic.version = 14 : i64} {
  func.func @sc_conv(%arg0: i32, %arg1: i32, %arg2: memref<10000x128xf32, #tpu.memory_space<hbm>>, %arg3: memref<10000x128xf32, #tpu.memory_space<hbm>>, %arg4: memref<16x4x40x125xi32, #tpu.memory_space<hbm>>, %arg5: memref<16x4x40x125xi32, #tpu.memory_space<hbm>>, %arg6: memref<16x4x40x125xi32, #tpu.memory_space<hbm>>, %arg7: memref<16x4x40x125xi32, #tpu.memory_space<hbm>>, %arg8: memref<10240x64xf32, #tpu.memory_space<hbm>>, %arg9: memref<10240x64xf32, #tpu.memory_space<hbm>>, %arg10: memref<10240x64xf32, #tpu.memory_space<hbm>>, %arg11: memref<10240x64xf32, #tpu.memory_space<hbm>>, %arg12: memref<10240x64xf32, #tpu.memory_space<vmem_shared>>, %arg13: memref<10240x64xf32, #tpu.memory_space<vmem_shared>>, %arg14: memref<40x125xi32, #tpu.memory_space<vmem>>, %arg15: memref<40x125xi32, #tpu.memory_space<vmem>>, %arg16: memref<128x64xf32, #tpu.memory_space<vmem>>, %arg17: memref<128x64xf32, #tpu.memory_space<vmem>>, %arg18: memref<128x64xf32, #tpu.memory_space<vmem>>, %arg19: memref<128x64xf32, #tpu.memory_space<vmem>>, %arg20: memref<!tpu.dma_semaphore, #tpu.memory_space<semaphore_mem>>, %arg21: memref<!tpu.dma_semaphore, #tpu.memory_space<semaphore_mem>>, %arg22: memref<!tpu.dma_semaphore, #tpu.memory_space<semaphore_mem>>, %arg23: memref<!tpu.dma_semaphore, #tpu.memory_space<semaphore_mem>>, %arg24: memref<!tpu.dma_semaphore, #tpu.memory_space<semaphore_mem>>, %arg25: memref<!tpu.dma_semaphore, #tpu.memory_space<semaphore_mem>>, %arg26: memref<!tpu.dma_semaphore, #tpu.memory_space<semaphore_mem>>, %arg27: memref<!tpu.dma_semaphore, #tpu.memory_space<semaphore_mem>>, %arg28: memref<64xf32, #tpu.memory_space<vmem>>) attributes {dimension_semantics = [#tpu.dimension_semantics<core_parallel>, #tpu.dimension_semantics<subcore_parallel>], iteration_bounds = array<i64: 2, 16>, scalar_prefetch = 0 : i64, scratch_operands = 17 : i64, tpu.core_type = #tpu.core_type<sc_vector_subcore>, window_params = [{transform_indices = #map}, {transform_indices = #map}, {transform_indices = #map1}, {transform_indices = #map1}, {transform_indices = #map1}, {transform_indices = #map1}, {transform_indices = #map}, {transform_indices = #map}, {transform_indices = #map}, {transform_indices = #map}]} {
    %mul3A = arith.constant 640 : i32
    %mul3A_0 = arith.muli %arg1, %mul3A : i32
    %broadcast_in_dim3A = arith.constant 0.000000e+00 : f32
    %broadcast_in_dim3A_1 = vector.broadcast %broadcast_in_dim3A : f32 to vector<16xf32>
    %scan3A = arith.constant 0 : i32
    %scan3A_2 = arith.constant 128 : i32
    %scan3A_3 = arith.addi %scan3A, %scan3A_2 : i32
    %scan3A_4 = arith.constant 1 : i32
    scf.for %scan3A_265 = %scan3A to %scan3A_3 step %scan3A_4  : i32 {
      %mul3A_266 = arith.constant 1 : i32
      %mul3A_267 = arith.muli %scan3A_265, %mul3A_266 : i32
      %add3A_268 = arith.constant 0 : i32
      %add3A_269 = arith.addi %add3A_268, %mul3A_267 : i32
      %swap3A = arith.index_cast %add3A_269 : i32 to index
      %swap3A_270 = arith.constant 0 : index
      %swap3A_271 = tpu.vector_load %arg16[%swap3A, %swap3A_270] {strides = array<i32>} : memref<128x64xf32, #tpu.memory_space<vmem>>, vector<1x16xf32>,
      %swap3A_272 = vector.shape_cast %swap3A_271 : vector<1x16xf32> to vector<16xf32>
      %swap3A_273 = vector.shape_cast %broadcast_in_dim3A_1 : vector<16xf32> to vector<1x16xf32>
      tpu.vector_store %arg16[%swap3A, %swap3A_270], %swap3A_273 {strides = array<i32>} : memref<128x64xf32, #tpu.memory_space<vmem>>, vector<1x16xf32>,
      %swap3A_274 = arith.index_cast %add3A_269 : i32 to index
      %swap3A_275 = arith.constant 16 : index
      %swap3A_276 = tpu.vector_load %arg16[%swap3A_274, %swap3A_275] {strides = array<i32>} : memref<128x64xf32, #tpu.memory_space<vmem>>, vector<1x16xf32>,
      %swap3A_277 = vector.shape_cast %swap3A_276 : vector<1x16xf32> to vector<16xf32>
      %swap3A_278 = vector.shape_cast %broadcast_in_dim3A_1 : vector<16xf32> to vector<1x16xf32>
      tpu.vector_store %arg16[%swap3A_274, %swap3A_275], %swap3A_278 {strides = array<i32>} : memref<128x64xf32, #tpu.memory_space<vmem>>, vector<1x16xf32>,
      %swap3A_279 = arith.index_cast %add3A_269 : i32 to index
      %swap3A_280 = arith.constant 32 : index
      %swap3A_281 = tpu.vector_load %arg16[%swap3A_279, %swap3A_280] {strides = array<i32>} : memref<128x64xf32, #tpu.memory_space<vmem>>, vector<1x16xf32>,
      %swap3A_282 = vector.shape_cast %swap3A_281 : vector<1x16xf32> to vector<16xf32>
      %swap3A_283 = vector.shape_cast %broadcast_in_dim3A_1 : vector<16xf32> to vector<1x16xf32>
      tpu.vector_store %arg16[%swap3A_279, %swap3A_280], %swap3A_283 {strides = array<i32>} : memref<128x64xf32, #tpu.memory_space<vmem>>, vector<1x16xf32>,
      %swap3A_284 = arith.index_cast %add3A_269 : i32 to index
      %swap3A_285 = arith.constant 48 : index
      %swap3A_286 = tpu.vector_load %arg16[%swap3A_284, %swap3A_285] {strides = array<i32>} : memref<128x64xf32, #tpu.memory_space<vmem>>, vector<1x16xf32>,
      %swap3A_287 = vector.shape_cast %swap3A_286 : vector<1x16xf32> to vector<16xf32>
      %swap3A_288 = vector.shape_cast %broadcast_in_dim3A_1 : vector<16xf32> to vector<1x16xf32>
      tpu.vector_store %arg16[%swap3A_284, %swap3A_285], %swap3A_288 {strides = array<i32>} : memref<128x64xf32, #tpu.memory_space<vmem>>, vector<1x16xf32>,
    }
    %scan3A_5 = arith.constant 128 : i32
    %eq3A = arith.constant 0 : i32
    %eq3A_6 = arith.cmpi eq, %arg0, %eq3A : i32
    %ne3A = arith.constant 15 : i32
    %ne3A_7 = arith.cmpi ne, %arg1, %ne3A : i32
    %and3A = arith.andi %eq3A_6, %ne3A_7 : i1
    %convert_element_type3A = arith.extui %and3A : i1 to i32
    %cond3A = arith.constant 0 : i32
    %cond3A_8 = arith.cmpi ne, %convert_element_type3A, %cond3A : i32
    scf.if %cond3A_8 {
      %dma_start3A_265 = arith.constant 0 : i32
      %dma_start3A_266 = tpu.memref_slice %arg12[%mul3A_0, %dma_start3A_265] : memref<10240x64xf32, #tpu.memory_space<vmem_shared>> -> memref<640x64xf32, #tpu.memory_space<vmem_shared>>
      %dma_start3A_267 = arith.constant 0 : i32
      %dma_start3A_268 = tpu.memref_slice %arg2[%mul3A_0, %dma_start3A_267] : memref<10000x128xf32, #tpu.memory_space<hbm>> -> memref<640x64xf32, #tpu.memory_space<hbm>>
      tpu.enqueue_dma source(%dma_start3A_268 : memref<640x64xf32, #tpu.memory_space<hbm>>) target(%dma_start3A_266 : memref<640x64xf32, #tpu.memory_space<vmem_shared>>) target_semaphore(%arg20 : memref<!tpu.dma_semaphore, #tpu.memory_space<semaphore_mem>>)
    } else {
    }
    %ne3A_9 = arith.constant 0 : i32
    %ne3A_10 = arith.cmpi ne, %arg0, %ne3A_9 : i32
    %ne3A_11 = arith.constant 15 : i32
    %ne3A_12 = arith.cmpi ne, %arg1, %ne3A_11 : i32
    %and3A_13 = arith.andi %ne3A_10, %ne3A_12 : i1
    %convert_element_type3A_14 = arith.extui %and3A_13 : i1 to i32
    %cond3A_15 = arith.constant 0 : i32
    %cond3A_16 = arith.cmpi ne, %convert_element_type3A_14, %cond3A_15 : i32
    scf.if %cond3A_16 {
      %dma_start3A_265 = arith.constant 0 : i32
      %dma_start3A_266 = tpu.memref_slice %arg12[%mul3A_0, %dma_start3A_265] : memref<10240x64xf32, #tpu.memory_space<vmem_shared>> -> memref<640x64xf32, #tpu.memory_space<vmem_shared>>
      %dma_start3A_267 = arith.constant 0 : i32
      %dma_start3A_268 = tpu.memref_slice %arg3[%mul3A_0, %dma_start3A_267] : memref<10000x128xf32, #tpu.memory_space<hbm>> -> memref<640x64xf32, #tpu.memory_space<hbm>>
      tpu.enqueue_dma source(%dma_start3A_268 : memref<640x64xf32, #tpu.memory_space<hbm>>) target(%dma_start3A_266 : memref<640x64xf32, #tpu.memory_space<vmem_shared>>) target_semaphore(%arg20 : memref<!tpu.dma_semaphore, #tpu.memory_space<semaphore_mem>>)
    } else {
    }
    %eq3A_17 = arith.constant 0 : i32
    %eq3A_18 = arith.cmpi eq, %arg0, %eq3A_17 : i32
    %eq3A_19 = arith.constant 15 : i32
    %eq3A_20 = arith.cmpi eq, %arg1, %eq3A_19 : i32
    %and3A_21 = arith.andi %eq3A_18, %eq3A_20 : i1
    %convert_element_type3A_22 = arith.extui %and3A_21 : i1 to i32
    %cond3A_23 = arith.constant 0 : i32
    %cond3A_24 = arith.cmpi ne, %convert_element_type3A_22, %cond3A_23 : i32
    scf.if %cond3A_24 {
      %dma_start3A_265 = arith.constant 0 : i32
      %dma_start3A_266 = tpu.memref_slice %arg12[%mul3A_0, %dma_start3A_265] : memref<10240x64xf32, #tpu.memory_space<vmem_shared>> -> memref<400x64xf32, #tpu.memory_space<vmem_shared>>
      %dma_start3A_267 = arith.constant 0 : i32
      %dma_start3A_268 = tpu.memref_slice %arg2[%mul3A_0, %dma_start3A_267] : memref<10000x128xf32, #tpu.memory_space<hbm>> -> memref<400x64xf32, #tpu.memory_space<hbm>>
      tpu.enqueue_dma source(%dma_start3A_268 : memref<400x64xf32, #tpu.memory_space<hbm>>) target(%dma_start3A_266 : memref<400x64xf32, #tpu.memory_space<vmem_shared>>) target_semaphore(%arg20 : memref<!tpu.dma_semaphore, #tpu.memory_space<semaphore_mem>>)
    } else {
    }
    %ne3A_25 = arith.constant 0 : i32
    %ne3A_26 = arith.cmpi ne, %arg0, %ne3A_25 : i32
    %eq3A_27 = arith.constant 15 : i32
    %eq3A_28 = arith.cmpi eq, %arg1, %eq3A_27 : i32
    %and3A_29 = arith.andi %ne3A_26, %eq3A_28 : i1
    %convert_element_type3A_30 = arith.extui %and3A_29 : i1 to i32
    %cond3A_31 = arith.constant 0 : i32
    %cond3A_32 = arith.cmpi ne, %convert_element_type3A_30, %cond3A_31 : i32
    scf.if %cond3A_32 {
      %dma_start3A_265 = arith.constant 0 : i32
      %dma_start3A_266 = tpu.memref_slice %arg12[%mul3A_0, %dma_start3A_265] : memref<10240x64xf32, #tpu.memory_space<vmem_shared>> -> memref<400x64xf32, #tpu.memory_space<vmem_shared>>
      %dma_start3A_267 = arith.constant 0 : i32
      %dma_start3A_268 = tpu.memref_slice %arg3[%mul3A_0, %dma_start3A_267] : memref<10000x128xf32, #tpu.memory_space<hbm>> -> memref<400x64xf32, #tpu.memory_space<hbm>>
      tpu.enqueue_dma source(%dma_start3A_268 : memref<400x64xf32, #tpu.memory_space<hbm>>) target(%dma_start3A_266 : memref<400x64xf32, #tpu.memory_space<vmem_shared>>) target_semaphore(%arg20 : memref<!tpu.dma_semaphore, #tpu.memory_space<semaphore_mem>>)
    } else {
    }
    %add3A = arith.constant 0 : i32
    %add3A_33 = arith.addi %mul3A_0, %add3A : i32
    %dma_start3A = arith.constant 0 : i32
    %dma_start3A_34 = tpu.memref_slice %arg13[%add3A_33, %dma_start3A] : memref<10240x64xf32, #tpu.memory_space<vmem_shared>> -> memref<128x64xf32, #tpu.memory_space<vmem_shared>>
    %dma_start3A_35 = arith.constant 0 : i32
    %dma_start3A_36 = tpu.memref_slice %arg13[%add3A_33, %dma_start3A_35] : memref<10240x64xf32, #tpu.memory_space<vmem_shared>> -> memref<128x64xf32, #tpu.memory_space<vmem_shared>>
    tpu.enqueue_dma source(%arg16 : memref<128x64xf32, #tpu.memory_space<vmem>>) target(%dma_start3A_36 : memref<128x64xf32, #tpu.memory_space<vmem_shared>>) target_semaphore(%arg24 : memref<!tpu.dma_semaphore, #tpu.memory_space<semaphore_mem>>)
    %add3A_37 = arith.constant 128 : i32
    %add3A_38 = arith.addi %mul3A_0, %add3A_37 : i32
    %dma_start3A_39 = arith.constant 0 : i32
    %dma_start3A_40 = tpu.memref_slice %arg13[%add3A_38, %dma_start3A_39] : memref<10240x64xf32, #tpu.memory_space<vmem_shared>> -> memref<128x64xf32, #tpu.memory_space<vmem_shared>>
    %dma_start3A_41 = arith.constant 0 : i32
    %dma_start3A_42 = tpu.memref_slice %arg13[%add3A_38, %dma_start3A_41] : memref<10240x64xf32, #tpu.memory_space<vmem_shared>> -> memref<128x64xf32, #tpu.memory_space<vmem_shared>>
    tpu.enqueue_dma source(%arg16 : memref<128x64xf32, #tpu.memory_space<vmem>>) target(%dma_start3A_42 : memref<128x64xf32, #tpu.memory_space<vmem_shared>>) target_semaphore(%arg24 : memref<!tpu.dma_semaphore, #tpu.memory_space<semaphore_mem>>)
    %add3A_43 = arith.constant 256 : i32
    %add3A_44 = arith.addi %mul3A_0, %add3A_43 : i32
    %dma_start3A_45 = arith.constant 0 : i32
    %dma_start3A_46 = tpu.memref_slice %arg13[%add3A_44, %dma_start3A_45] : memref<10240x64xf32, #tpu.memory_space<vmem_shared>> -> memref<128x64xf32, #tpu.memory_space<vmem_shared>>
    %dma_start3A_47 = arith.constant 0 : i32
    %dma_start3A_48 = tpu.memref_slice %arg13[%add3A_44, %dma_start3A_47] : memref<10240x64xf32, #tpu.memory_space<vmem_shared>> -> memref<128x64xf32, #tpu.memory_space<vmem_shared>>
    tpu.enqueue_dma source(%arg16 : memref<128x64xf32, #tpu.memory_space<vmem>>) target(%dma_start3A_48 : memref<128x64xf32, #tpu.memory_space<vmem_shared>>) target_semaphore(%arg24 : memref<!tpu.dma_semaphore, #tpu.memory_space<semaphore_mem>>)
    %add3A_49 = arith.constant 384 : i32
    %add3A_50 = arith.addi %mul3A_0, %add3A_49 : i32
    %dma_start3A_51 = arith.constant 0 : i32
    %dma_start3A_52 = tpu.memref_slice %arg13[%add3A_50, %dma_start3A_51] : memref<10240x64xf32, #tpu.memory_space<vmem_shared>> -> memref<128x64xf32, #tpu.memory_space<vmem_shared>>
    %dma_start3A_53 = arith.constant 0 : i32
    %dma_start3A_54 = tpu.memref_slice %arg13[%add3A_50, %dma_start3A_53] : memref<10240x64xf32, #tpu.memory_space<vmem_shared>> -> memref<128x64xf32, #tpu.memory_space<vmem_shared>>
    tpu.enqueue_dma source(%arg16 : memref<128x64xf32, #tpu.memory_space<vmem>>) target(%dma_start3A_54 : memref<128x64xf32, #tpu.memory_space<vmem_shared>>) target_semaphore(%arg24 : memref<!tpu.dma_semaphore, #tpu.memory_space<semaphore_mem>>)
    %add3A_55 = arith.constant 512 : i32
    %add3A_56 = arith.addi %mul3A_0, %add3A_55 : i32
    %dma_start3A_57 = arith.constant 0 : i32
    %dma_start3A_58 = tpu.memref_slice %arg13[%add3A_56, %dma_start3A_57] : memref<10240x64xf32, #tpu.memory_space<vmem_shared>> -> memref<128x64xf32, #tpu.memory_space<vmem_shared>>
    %dma_start3A_59 = arith.constant 0 : i32
    %dma_start3A_60 = tpu.memref_slice %arg13[%add3A_56, %dma_start3A_59] : memref<10240x64xf32, #tpu.memory_space<vmem_shared>> -> memref<128x64xf32, #tpu.memory_space<vmem_shared>>
    tpu.enqueue_dma source(%arg16 : memref<128x64xf32, #tpu.memory_space<vmem>>) target(%dma_start3A_60 : memref<128x64xf32, #tpu.memory_space<vmem_shared>>) target_semaphore(%arg24 : memref<!tpu.dma_semaphore, #tpu.memory_space<semaphore_mem>>)
    %eq3A_61 = arith.constant 0 : i32
    %eq3A_62 = arith.cmpi eq, %arg0, %eq3A_61 : i32
    %ne3A_63 = arith.constant 15 : i32
    %ne3A_64 = arith.cmpi ne, %arg1, %ne3A_63 : i32
    %and3A_65 = arith.andi %eq3A_62, %ne3A_64 : i1
    %convert_element_type3A_66 = arith.extui %and3A_65 : i1 to i32
    %cond3A_67 = arith.constant 0 : i32
    %cond3A_68 = arith.cmpi ne, %convert_element_type3A_66, %cond3A_67 : i32
    scf.if %cond3A_68 {
      %dma_wait3A_265 = arith.constant 0 : i32
      %dma_wait3A_266 = tpu.memref_slice %arg12[%mul3A_0, %dma_wait3A_265] : memref<10240x64xf32, #tpu.memory_space<vmem_shared>> -> memref<640x64xf32, #tpu.memory_space<vmem_shared>>
      %dma_wait3A_267 = arith.constant 0 : i32
      %dma_wait3A_268 = tpu.memref_slice %arg2[%mul3A_0, %dma_wait3A_267] : memref<10000x128xf32, #tpu.memory_space<hbm>> -> memref<640x64xf32, #tpu.memory_space<hbm>>
      tpu.wait_dma2 semaphore(%arg20 : memref<!tpu.dma_semaphore, #tpu.memory_space<semaphore_mem>>) src(%dma_wait3A_268 : memref<640x64xf32, #tpu.memory_space<hbm>>) dst(%dma_wait3A_266 : memref<640x64xf32, #tpu.memory_space<vmem_shared>>)
    } else {
    }
    %ne3A_69 = arith.constant 0 : i32
    %ne3A_70 = arith.cmpi ne, %arg0, %ne3A_69 : i32
    %ne3A_71 = arith.constant 15 : i32
    %ne3A_72 = arith.cmpi ne, %arg1, %ne3A_71 : i32
    %and3A_73 = arith.andi %ne3A_70, %ne3A_72 : i1
    %convert_element_type3A_74 = arith.extui %and3A_73 : i1 to i32
    %cond3A_75 = arith.constant 0 : i32
    %cond3A_76 = arith.cmpi ne, %convert_element_type3A_74, %cond3A_75 : i32
    scf.if %cond3A_76 {
      %dma_wait3A_265 = arith.constant 0 : i32
      %dma_wait3A_266 = tpu.memref_slice %arg12[%mul3A_0, %dma_wait3A_265] : memref<10240x64xf32, #tpu.memory_space<vmem_shared>> -> memref<640x64xf32, #tpu.memory_space<vmem_shared>>
      %dma_wait3A_267 = arith.constant 0 : i32
      %dma_wait3A_268 = tpu.memref_slice %arg3[%mul3A_0, %dma_wait3A_267] : memref<10000x128xf32, #tpu.memory_space<hbm>> -> memref<640x64xf32, #tpu.memory_space<hbm>>
      tpu.wait_dma2 semaphore(%arg20 : memref<!tpu.dma_semaphore, #tpu.memory_space<semaphore_mem>>) src(%dma_wait3A_268 : memref<640x64xf32, #tpu.memory_space<hbm>>) dst(%dma_wait3A_266 : memref<640x64xf32, #tpu.memory_space<vmem_shared>>)
    } else {
    }
    %eq3A_77 = arith.constant 0 : i32
    %eq3A_78 = arith.cmpi eq, %arg0, %eq3A_77 : i32
    %eq3A_79 = arith.constant 15 : i32
    %eq3A_80 = arith.cmpi eq, %arg1, %eq3A_79 : i32
    %and3A_81 = arith.andi %eq3A_78, %eq3A_80 : i1
    %convert_element_type3A_82 = arith.extui %and3A_81 : i1 to i32
    %cond3A_83 = arith.constant 0 : i32
    %cond3A_84 = arith.cmpi ne, %convert_element_type3A_82, %cond3A_83 : i32
    scf.if %cond3A_84 {
      %dma_wait3A_265 = arith.constant 0 : i32
      %dma_wait3A_266 = tpu.memref_slice %arg12[%mul3A_0, %dma_wait3A_265] : memref<10240x64xf32, #tpu.memory_space<vmem_shared>> -> memref<400x64xf32, #tpu.memory_space<vmem_shared>>
      %dma_wait3A_267 = arith.constant 0 : i32
      %dma_wait3A_268 = tpu.memref_slice %arg2[%mul3A_0, %dma_wait3A_267] : memref<10000x128xf32, #tpu.memory_space<hbm>> -> memref<400x64xf32, #tpu.memory_space<hbm>>
      tpu.wait_dma2 semaphore(%arg20 : memref<!tpu.dma_semaphore, #tpu.memory_space<semaphore_mem>>) src(%dma_wait3A_268 : memref<400x64xf32, #tpu.memory_space<hbm>>) dst(%dma_wait3A_266 : memref<400x64xf32, #tpu.memory_space<vmem_shared>>)
    } else {
    }
    %ne3A_85 = arith.constant 0 : i32
    %ne3A_86 = arith.cmpi ne, %arg0, %ne3A_85 : i32
    %eq3A_87 = arith.constant 15 : i32
    %eq3A_88 = arith.cmpi eq, %arg1, %eq3A_87 : i32
    %and3A_89 = arith.andi %ne3A_86, %eq3A_88 : i1
    %convert_element_type3A_90 = arith.extui %and3A_89 : i1 to i32
    %cond3A_91 = arith.constant 0 : i32
    %cond3A_92 = arith.cmpi ne, %convert_element_type3A_90, %cond3A_91 : i32
    scf.if %cond3A_92 {
      %dma_wait3A_265 = arith.constant 0 : i32
      %dma_wait3A_266 = tpu.memref_slice %arg12[%mul3A_0, %dma_wait3A_265] : memref<10240x64xf32, #tpu.memory_space<vmem_shared>> -> memref<400x64xf32, #tpu.memory_space<vmem_shared>>
      %dma_wait3A_267 = arith.constant 0 : i32
      %dma_wait3A_268 = tpu.memref_slice %arg3[%mul3A_0, %dma_wait3A_267] : memref<10000x128xf32, #tpu.memory_space<hbm>> -> memref<400x64xf32, #tpu.memory_space<hbm>>
      tpu.wait_dma2 semaphore(%arg20 : memref<!tpu.dma_semaphore, #tpu.memory_space<semaphore_mem>>) src(%dma_wait3A_268 : memref<400x64xf32, #tpu.memory_space<hbm>>) dst(%dma_wait3A_266 : memref<400x64xf32, #tpu.memory_space<vmem_shared>>)
    } else {
    }
    %dma_wait3A = arith.constant 0 : i32
    %dma_wait3A_93 = tpu.memref_slice %arg13[%mul3A_0, %dma_wait3A] : memref<10240x64xf32, #tpu.memory_space<vmem_shared>> -> memref<128x64xf32, #tpu.memory_space<vmem_shared>>
    %dma_wait3A_94 = arith.constant 0 : i32
    %dma_wait3A_95 = tpu.memref_slice %arg13[%mul3A_0, %dma_wait3A_94] : memref<10240x64xf32, #tpu.memory_space<vmem_shared>> -> memref<128x64xf32, #tpu.memory_space<vmem_shared>>
    tpu.wait_dma2 semaphore(%arg24 : memref<!tpu.dma_semaphore, #tpu.memory_space<semaphore_mem>>) src(%arg16 : memref<128x64xf32, #tpu.memory_space<vmem>>) dst(%dma_wait3A_95 : memref<128x64xf32, #tpu.memory_space<vmem_shared>>)
    %dma_wait3A_96 = arith.constant 0 : i32
    %dma_wait3A_97 = tpu.memref_slice %arg13[%mul3A_0, %dma_wait3A_96] : memref<10240x64xf32, #tpu.memory_space<vmem_shared>> -> memref<128x64xf32, #tpu.memory_space<vmem_shared>>
    %dma_wait3A_98 = arith.constant 0 : i32
    %dma_wait3A_99 = tpu.memref_slice %arg13[%mul3A_0, %dma_wait3A_98] : memref<10240x64xf32, #tpu.memory_space<vmem_shared>> -> memref<128x64xf32, #tpu.memory_space<vmem_shared>>
    tpu.wait_dma2 semaphore(%arg24 : memref<!tpu.dma_semaphore, #tpu.memory_space<semaphore_mem>>) src(%arg16 : memref<128x64xf32, #tpu.memory_space<vmem>>) dst(%dma_wait3A_99 : memref<128x64xf32, #tpu.memory_space<vmem_shared>>)
    %dma_wait3A_100 = arith.constant 0 : i32
    %dma_wait3A_101 = tpu.memref_slice %arg13[%mul3A_0, %dma_wait3A_100] : memref<10240x64xf32, #tpu.memory_space<vmem_shared>> -> memref<128x64xf32, #tpu.memory_space<vmem_shared>>
    %dma_wait3A_102 = arith.constant 0 : i32
    %dma_wait3A_103 = tpu.memref_slice %arg13[%mul3A_0, %dma_wait3A_102] : memref<10240x64xf32, #tpu.memory_space<vmem_shared>> -> memref<128x64xf32, #tpu.memory_space<vmem_shared>>
    tpu.wait_dma2 semaphore(%arg24 : memref<!tpu.dma_semaphore, #tpu.memory_space<semaphore_mem>>) src(%arg16 : memref<128x64xf32, #tpu.memory_space<vmem>>) dst(%dma_wait3A_103 : memref<128x64xf32, #tpu.memory_space<vmem_shared>>)
    %dma_wait3A_104 = arith.constant 0 : i32
    %dma_wait3A_105 = tpu.memref_slice %arg13[%mul3A_0, %dma_wait3A_104] : memref<10240x64xf32, #tpu.memory_space<vmem_shared>> -> memref<128x64xf32, #tpu.memory_space<vmem_shared>>
    %dma_wait3A_106 = arith.constant 0 : i32
    %dma_wait3A_107 = tpu.memref_slice %arg13[%mul3A_0, %dma_wait3A_106] : memref<10240x64xf32, #tpu.memory_space<vmem_shared>> -> memref<128x64xf32, #tpu.memory_space<vmem_shared>>
    tpu.wait_dma2 semaphore(%arg24 : memref<!tpu.dma_semaphore, #tpu.memory_space<semaphore_mem>>) src(%arg16 : memref<128x64xf32, #tpu.memory_space<vmem>>) dst(%dma_wait3A_107 : memref<128x64xf32, #tpu.memory_space<vmem_shared>>)
    %dma_wait3A_108 = arith.constant 0 : i32
    %dma_wait3A_109 = tpu.memref_slice %arg13[%mul3A_0, %dma_wait3A_108] : memref<10240x64xf32, #tpu.memory_space<vmem_shared>> -> memref<128x64xf32, #tpu.memory_space<vmem_shared>>
    %dma_wait3A_110 = arith.constant 0 : i32
    %dma_wait3A_111 = tpu.memref_slice %arg13[%mul3A_0, %dma_wait3A_110] : memref<10240x64xf32, #tpu.memory_space<vmem_shared>> -> memref<128x64xf32, #tpu.memory_space<vmem_shared>>
    tpu.wait_dma2 semaphore(%arg24 : memref<!tpu.dma_semaphore, #tpu.memory_space<semaphore_mem>>) src(%arg16 : memref<128x64xf32, #tpu.memory_space<vmem>>) dst(%dma_wait3A_111 : memref<128x64xf32, #tpu.memory_space<vmem_shared>>)
    %barrier3A = arith.constant 0 : index
    tpu.barrier barrier_id(%barrier3A)
    %scan3A_112 = arith.constant 0 : i32
    %scan3A_113 = arith.constant 4 : i32
    %scan3A_114 = arith.addi %scan3A_112, %scan3A_113 : i32
    %scan3A_115 = arith.constant 1 : i32
    scf.for %scan3A_265 = %scan3A_112 to %scan3A_114 step %scan3A_115  : i32 {
      %mul3A_266 = arith.constant 1 : i32
      %mul3A_267 = arith.muli %scan3A_265, %mul3A_266 : i32
      %add3A_268 = arith.constant 0 : i32
      %add3A_269 = arith.addi %add3A_268, %mul3A_267 : i32
      %eq3A_270 = arith.constant 0 : i32
      %eq3A_271 = arith.cmpi eq, %arg0, %eq3A_270 : i32
      %convert_element_type3A_272 = arith.extui %eq3A_271 : i1 to i32
      %cond3A_273 = arith.constant 0 : i32
      %cond3A_274 = arith.cmpi ne, %convert_element_type3A_272, %cond3A_273 : i32
      scf.if %cond3A_274 {
        "tpu.region"() ({
          %run_scoped3A = tpu.sem_alloc : memref<!tpu.dma_semaphore, #tpu.memory_space<semaphore_mem>>
          %dma_start3A_355 = arith.constant 0 : i32
          %dma_start3A_356 = arith.constant 0 : i32
          %dma_start3A_357 = tpu.memref_slice %arg4[%arg1, %add3A_269, %dma_start3A_355, %dma_start3A_356] : memref<16x4x40x125xi32, #tpu.memory_space<hbm>> -> memref<1x1x40x125xi32, #tpu.memory_space<hbm>>
          %dma_start3A_358 = tpu.memref_squeeze %dma_start3A_357 : memref<1x1x40x125xi32, #tpu.memory_space<hbm>> -> memref<40x125xi32, #tpu.memory_space<hbm>>
          %dma_start3A_359 = arith.constant 0 : i32
          %dma_start3A_360 = arith.constant 0 : i32
          %dma_start3A_361 = tpu.memref_slice %arg4[%arg1, %add3A_269, %dma_start3A_359, %dma_start3A_360] : memref<16x4x40x125xi32, #tpu.memory_space<hbm>> -> memref<1x1x40x125xi32, #tpu.memory_space<hbm>>
          %dma_start3A_362 = tpu.memref_squeeze %dma_start3A_361 : memref<1x1x40x125xi32, #tpu.memory_space<hbm>> -> memref<40x125xi32, #tpu.memory_space<hbm>>
          tpu.enqueue_dma source(%dma_start3A_362 : memref<40x125xi32, #tpu.memory_space<hbm>>) target(%arg14 : memref<40x125xi32, #tpu.memory_space<vmem>>) target_semaphore(%run_scoped3A : memref<!tpu.dma_semaphore, #tpu.memory_space<semaphore_mem>>)
          %dma_wait3A_363 = arith.constant 0 : i32
          %dma_wait3A_364 = arith.constant 0 : i32
          %dma_wait3A_365 = tpu.memref_slice %arg4[%arg1, %add3A_269, %dma_wait3A_363, %dma_wait3A_364] : memref<16x4x40x125xi32, #tpu.memory_space<hbm>> -> memref<1x1x40x125xi32, #tpu.memory_space<hbm>>
          %dma_wait3A_366 = tpu.memref_squeeze %dma_wait3A_365 : memref<1x1x40x125xi32, #tpu.memory_space<hbm>> -> memref<40x125xi32, #tpu.memory_space<hbm>>
          %dma_wait3A_367 = arith.constant 0 : i32
          %dma_wait3A_368 = arith.constant 0 : i32
          %dma_wait3A_369 = tpu.memref_slice %arg4[%arg1, %add3A_269, %dma_wait3A_367, %dma_wait3A_368] : memref<16x4x40x125xi32, #tpu.memory_space<hbm>> -> memref<1x1x40x125xi32, #tpu.memory_space<hbm>>
          %dma_wait3A_370 = tpu.memref_squeeze %dma_wait3A_369 : memref<1x1x40x125xi32, #tpu.memory_space<hbm>> -> memref<40x125xi32, #tpu.memory_space<hbm>>
          tpu.wait_dma2 semaphore(%run_scoped3A : memref<!tpu.dma_semaphore, #tpu.memory_space<semaphore_mem>>) src(%dma_wait3A_370 : memref<40x125xi32, #tpu.memory_space<hbm>>) dst(%arg14 : memref<40x125xi32, #tpu.memory_space<vmem>>)
          tpu.yield
        }) : () -> ()
        "tpu.region"() ({
          %run_scoped3A = tpu.sem_alloc : memref<!tpu.dma_semaphore, #tpu.memory_space<semaphore_mem>>
          %dma_start3A_355 = arith.constant 0 : i32
          %dma_start3A_356 = arith.constant 0 : i32
          %dma_start3A_357 = tpu.memref_slice %arg5[%arg1, %add3A_269, %dma_start3A_355, %dma_start3A_356] : memref<16x4x40x125xi32, #tpu.memory_space<hbm>> -> memref<1x1x40x125xi32, #tpu.memory_space<hbm>>
          %dma_start3A_358 = tpu.memref_squeeze %dma_start3A_357 : memref<1x1x40x125xi32, #tpu.memory_space<hbm>> -> memref<40x125xi32, #tpu.memory_space<hbm>>
          %dma_start3A_359 = arith.constant 0 : i32
          %dma_start3A_360 = arith.constant 0 : i32
          %dma_start3A_361 = tpu.memref_slice %arg5[%arg1, %add3A_269, %dma_start3A_359, %dma_start3A_360] : memref<16x4x40x125xi32, #tpu.memory_space<hbm>> -> memref<1x1x40x125xi32, #tpu.memory_space<hbm>>
          %dma_start3A_362 = tpu.memref_squeeze %dma_start3A_361 : memref<1x1x40x125xi32, #tpu.memory_space<hbm>> -> memref<40x125xi32, #tpu.memory_space<hbm>>
          tpu.enqueue_dma source(%dma_start3A_362 : memref<40x125xi32, #tpu.memory_space<hbm>>) target(%arg15 : memref<40x125xi32, #tpu.memory_space<vmem>>) target_semaphore(%run_scoped3A : memref<!tpu.dma_semaphore, #tpu.memory_space<semaphore_mem>>)
          %dma_wait3A_363 = arith.constant 0 : i32
          %dma_wait3A_364 = arith.constant 0 : i32
          %dma_wait3A_365 = tpu.memref_slice %arg5[%arg1, %add3A_269, %dma_wait3A_363, %dma_wait3A_364] : memref<16x4x40x125xi32, #tpu.memory_space<hbm>> -> memref<1x1x40x125xi32, #tpu.memory_space<hbm>>
          %dma_wait3A_366 = tpu.memref_squeeze %dma_wait3A_365 : memref<1x1x40x125xi32, #tpu.memory_space<hbm>> -> memref<40x125xi32, #tpu.memory_space<hbm>>
          %dma_wait3A_367 = arith.constant 0 : i32
          %dma_wait3A_368 = arith.constant 0 : i32
          %dma_wait3A_369 = tpu.memref_slice %arg5[%arg1, %add3A_269, %dma_wait3A_367, %dma_wait3A_368] : memref<16x4x40x125xi32, #tpu.memory_space<hbm>> -> memref<1x1x40x125xi32, #tpu.memory_space<hbm>>
          %dma_wait3A_370 = tpu.memref_squeeze %dma_wait3A_369 : memref<1x1x40x125xi32, #tpu.memory_space<hbm>> -> memref<40x125xi32, #tpu.memory_space<hbm>>
          tpu.wait_dma2 semaphore(%run_scoped3A : memref<!tpu.dma_semaphore, #tpu.memory_space<semaphore_mem>>) src(%dma_wait3A_370 : memref<40x125xi32, #tpu.memory_space<hbm>>) dst(%arg15 : memref<40x125xi32, #tpu.memory_space<vmem>>)
          tpu.yield
        }) : () -> ()
      } else {
      }
      %ne3A_275 = arith.constant 0 : i32
      %ne3A_276 = arith.cmpi ne, %arg0, %ne3A_275 : i32
      %convert_element_type3A_277 = arith.extui %ne3A_276 : i1 to i32
      %cond3A_278 = arith.constant 0 : i32
      %cond3A_279 = arith.cmpi ne, %convert_element_type3A_277, %cond3A_278 : i32
      scf.if %cond3A_279 {
        "tpu.region"() ({
          %run_scoped3A = tpu.sem_alloc : memref<!tpu.dma_semaphore, #tpu.memory_space<semaphore_mem>>
          %dma_start3A_355 = arith.constant 0 : i32
          %dma_start3A_356 = arith.constant 0 : i32
          %dma_start3A_357 = tpu.memref_slice %arg6[%arg1, %add3A_269, %dma_start3A_355, %dma_start3A_356] : memref<16x4x40x125xi32, #tpu.memory_space<hbm>> -> memref<1x1x40x125xi32, #tpu.memory_space<hbm>>
          %dma_start3A_358 = tpu.memref_squeeze %dma_start3A_357 : memref<1x1x40x125xi32, #tpu.memory_space<hbm>> -> memref<40x125xi32, #tpu.memory_space<hbm>>
          %dma_start3A_359 = arith.constant 0 : i32
          %dma_start3A_360 = arith.constant 0 : i32
          %dma_start3A_361 = tpu.memref_slice %arg6[%arg1, %add3A_269, %dma_start3A_359, %dma_start3A_360] : memref<16x4x40x125xi32, #tpu.memory_space<hbm>> -> memref<1x1x40x125xi32, #tpu.memory_space<hbm>>
          %dma_start3A_362 = tpu.memref_squeeze %dma_start3A_361 : memref<1x1x40x125xi32, #tpu.memory_space<hbm>> -> memref<40x125xi32, #tpu.memory_space<hbm>>
          tpu.enqueue_dma source(%dma_start3A_362 : memref<40x125xi32, #tpu.memory_space<hbm>>) target(%arg14 : memref<40x125xi32, #tpu.memory_space<vmem>>) target_semaphore(%run_scoped3A : memref<!tpu.dma_semaphore, #tpu.memory_space<semaphore_mem>>)
          %dma_wait3A_363 = arith.constant 0 : i32
          %dma_wait3A_364 = arith.constant 0 : i32
          %dma_wait3A_365 = tpu.memref_slice %arg6[%arg1, %add3A_269, %dma_wait3A_363, %dma_wait3A_364] : memref<16x4x40x125xi32, #tpu.memory_space<hbm>> -> memref<1x1x40x125xi32, #tpu.memory_space<hbm>>
          %dma_wait3A_366 = tpu.memref_squeeze %dma_wait3A_365 : memref<1x1x40x125xi32, #tpu.memory_space<hbm>> -> memref<40x125xi32, #tpu.memory_space<hbm>>
          %dma_wait3A_367 = arith.constant 0 : i32
          %dma_wait3A_368 = arith.constant 0 : i32
          %dma_wait3A_369 = tpu.memref_slice %arg6[%arg1, %add3A_269, %dma_wait3A_367, %dma_wait3A_368] : memref<16x4x40x125xi32, #tpu.memory_space<hbm>> -> memref<1x1x40x125xi32, #tpu.memory_space<hbm>>
          %dma_wait3A_370 = tpu.memref_squeeze %dma_wait3A_369 : memref<1x1x40x125xi32, #tpu.memory_space<hbm>> -> memref<40x125xi32, #tpu.memory_space<hbm>>
          tpu.wait_dma2 semaphore(%run_scoped3A : memref<!tpu.dma_semaphore, #tpu.memory_space<semaphore_mem>>) src(%dma_wait3A_370 : memref<40x125xi32, #tpu.memory_space<hbm>>) dst(%arg14 : memref<40x125xi32, #tpu.memory_space<vmem>>)
          tpu.yield
        }) : () -> ()
        "tpu.region"() ({
          %run_scoped3A = tpu.sem_alloc : memref<!tpu.dma_semaphore, #tpu.memory_space<semaphore_mem>>
          %dma_start3A_355 = arith.constant 0 : i32
          %dma_start3A_356 = arith.constant 0 : i32
          %dma_start3A_357 = tpu.memref_slice %arg7[%arg1, %add3A_269, %dma_start3A_355, %dma_start3A_356] : memref<16x4x40x125xi32, #tpu.memory_space<hbm>> -> memref<1x1x40x125xi32, #tpu.memory_space<hbm>>
          %dma_start3A_358 = tpu.memref_squeeze %dma_start3A_357 : memref<1x1x40x125xi32, #tpu.memory_space<hbm>> -> memref<40x125xi32, #tpu.memory_space<hbm>>
          %dma_start3A_359 = arith.constant 0 : i32
          %dma_start3A_360 = arith.constant 0 : i32
          %dma_start3A_361 = tpu.memref_slice %arg7[%arg1, %add3A_269, %dma_start3A_359, %dma_start3A_360] : memref<16x4x40x125xi32, #tpu.memory_space<hbm>> -> memref<1x1x40x125xi32, #tpu.memory_space<hbm>>
          %dma_start3A_362 = tpu.memref_squeeze %dma_start3A_361 : memref<1x1x40x125xi32, #tpu.memory_space<hbm>> -> memref<40x125xi32, #tpu.memory_space<hbm>>
          tpu.enqueue_dma source(%dma_start3A_362 : memref<40x125xi32, #tpu.memory_space<hbm>>) target(%arg15 : memref<40x125xi32, #tpu.memory_space<vmem>>) target_semaphore(%run_scoped3A : memref<!tpu.dma_semaphore, #tpu.memory_space<semaphore_mem>>)
          %dma_wait3A_363 = arith.constant 0 : i32
          %dma_wait3A_364 = arith.constant 0 : i32
          %dma_wait3A_365 = tpu.memref_slice %arg7[%arg1, %add3A_269, %dma_wait3A_363, %dma_wait3A_364] : memref<16x4x40x125xi32, #tpu.memory_space<hbm>> -> memref<1x1x40x125xi32, #tpu.memory_space<hbm>>
          %dma_wait3A_366 = tpu.memref_squeeze %dma_wait3A_365 : memref<1x1x40x125xi32, #tpu.memory_space<hbm>> -> memref<40x125xi32, #tpu.memory_space<hbm>>
          %dma_wait3A_367 = arith.constant 0 : i32
          %dma_wait3A_368 = arith.constant 0 : i32
          %dma_wait3A_369 = tpu.memref_slice %arg7[%arg1, %add3A_269, %dma_wait3A_367, %dma_wait3A_368] : memref<16x4x40x125xi32, #tpu.memory_space<hbm>> -> memref<1x1x40x125xi32, #tpu.memory_space<hbm>>
          %dma_wait3A_370 = tpu.memref_squeeze %dma_wait3A_369 : memref<1x1x40x125xi32, #tpu.memory_space<hbm>> -> memref<40x125xi32, #tpu.memory_space<hbm>>
          tpu.wait_dma2 semaphore(%run_scoped3A : memref<!tpu.dma_semaphore, #tpu.memory_space<semaphore_mem>>) src(%dma_wait3A_370 : memref<40x125xi32, #tpu.memory_space<hbm>>) dst(%arg15 : memref<40x125xi32, #tpu.memory_space<vmem>>)
          tpu.yield
        }) : () -> ()
      } else {
      }
      %dma_start3A_280 = arith.constant 0 : i32
      %dma_start3A_281 = arith.constant 0 : i32
      %dma_start3A_282 = arith.constant 0 : i32
      %dma_start3A_283 = tpu.memref_slice %arg16[%dma_start3A_281, %dma_start3A_282] : memref<128x64xf32, #tpu.memory_space<vmem>> -> memref<125x64xf32, #tpu.memory_space<vmem>>
      %dma_start3A_284 = arith.constant 0 : i32
      %dma_start3A_285 = tpu.memref_slice %arg14[%dma_start3A_280, %dma_start3A_284] : memref<40x125xi32, #tpu.memory_space<vmem>> -> memref<1x125xi32, #tpu.memory_space<vmem>>
      %dma_start3A_286 = tpu.memref_squeeze %dma_start3A_285 : memref<1x125xi32, #tpu.memory_space<vmem>> -> memref<125xi32, #tpu.memory_space<vmem>>
      %dma_start3A_287 = arith.constant 0 : i32
      %dma_start3A_288 = arith.constant 0 : i32
      %dma_start3A_289 = tpu.memref_slice %arg12[%dma_start3A_287, %dma_start3A_288] : memref<10240x64xf32, #tpu.memory_space<vmem_shared>> -> memref<10240x64xf32, #tpu.memory_space<vmem_shared>>
      tpu.enqueue_indirect_dma source(%dma_start3A_289 : memref<10240x64xf32, #tpu.memory_space<vmem_shared>>) target(%dma_start3A_283 : memref<125x64xf32, #tpu.memory_space<vmem>>) offsets(%dma_start3A_286 : memref<125xi32, #tpu.memory_space<vmem>>) semaphore(%arg20 : memref<!tpu.dma_semaphore, #tpu.memory_space<semaphore_mem>>)
      %dma_start3A_290 = arith.constant 1 : i32
      %dma_start3A_291 = arith.constant 0 : i32
      %dma_start3A_292 = arith.constant 0 : i32
      %dma_start3A_293 = tpu.memref_slice %arg17[%dma_start3A_291, %dma_start3A_292] : memref<128x64xf32, #tpu.memory_space<vmem>> -> memref<125x64xf32, #tpu.memory_space<vmem>>
      %dma_start3A_294 = arith.constant 0 : i32
      %dma_start3A_295 = tpu.memref_slice %arg14[%dma_start3A_290, %dma_start3A_294] : memref<40x125xi32, #tpu.memory_space<vmem>> -> memref<1x125xi32, #tpu.memory_space<vmem>>
      %dma_start3A_296 = tpu.memref_squeeze %dma_start3A_295 : memref<1x125xi32, #tpu.memory_space<vmem>> -> memref<125xi32, #tpu.memory_space<vmem>>
      %dma_start3A_297 = arith.constant 0 : i32
      %dma_start3A_298 = arith.constant 0 : i32
      %dma_start3A_299 = tpu.memref_slice %arg12[%dma_start3A_297, %dma_start3A_298] : memref<10240x64xf32, #tpu.memory_space<vmem_shared>> -> memref<10240x64xf32, #tpu.memory_space<vmem_shared>>
      tpu.enqueue_indirect_dma source(%dma_start3A_299 : memref<10240x64xf32, #tpu.memory_space<vmem_shared>>) target(%dma_start3A_293 : memref<125x64xf32, #tpu.memory_space<vmem>>) offsets(%dma_start3A_296 : memref<125xi32, #tpu.memory_space<vmem>>) semaphore(%arg21 : memref<!tpu.dma_semaphore, #tpu.memory_space<semaphore_mem>>)
      %dma_start3A_300 = arith.constant 2 : i32
      %dma_start3A_301 = arith.constant 0 : i32
      %dma_start3A_302 = arith.constant 0 : i32
      %dma_start3A_303 = tpu.memref_slice %arg18[%dma_start3A_301, %dma_start3A_302] : memref<128x64xf32, #tpu.memory_space<vmem>> -> memref<125x64xf32, #tpu.memory_space<vmem>>
      %dma_start3A_304 = arith.constant 0 : i32
      %dma_start3A_305 = tpu.memref_slice %arg14[%dma_start3A_300, %dma_start3A_304] : memref<40x125xi32, #tpu.memory_space<vmem>> -> memref<1x125xi32, #tpu.memory_space<vmem>>
      %dma_start3A_306 = tpu.memref_squeeze %dma_start3A_305 : memref<1x125xi32, #tpu.memory_space<vmem>> -> memref<125xi32, #tpu.memory_space<vmem>>
      %dma_start3A_307 = arith.constant 0 : i32
      %dma_start3A_308 = arith.constant 0 : i32
      %dma_start3A_309 = tpu.memref_slice %arg12[%dma_start3A_307, %dma_start3A_308] : memref<10240x64xf32, #tpu.memory_space<vmem_shared>> -> memref<10240x64xf32, #tpu.memory_space<vmem_shared>>
      tpu.enqueue_indirect_dma source(%dma_start3A_309 : memref<10240x64xf32, #tpu.memory_space<vmem_shared>>) target(%dma_start3A_303 : memref<125x64xf32, #tpu.memory_space<vmem>>) offsets(%dma_start3A_306 : memref<125xi32, #tpu.memory_space<vmem>>) semaphore(%arg22 : memref<!tpu.dma_semaphore, #tpu.memory_space<semaphore_mem>>)
      %scan3A_310 = arith.constant 0 : i32
      %scan3A_311 = arith.constant 5 : i32
      %scan3A_312 = arith.addi %scan3A_310, %scan3A_311 : i32
      %scan3A_313 = arith.constant 1 : i32
      scf.for %scan3A_355 = %scan3A_310 to %scan3A_312 step %scan3A_313  : i32 {
        %mul3A_356 = arith.constant 1 : i32
        %mul3A_357 = arith.muli %scan3A_355, %mul3A_356 : i32
        %add3A_358 = arith.constant 0 : i32
        %add3A_359 = arith.addi %add3A_358, %mul3A_357 : i32
        %mul3A_360 = arith.constant 8 : i32
        %mul3A_361 = arith.muli %add3A_359, %mul3A_360 : i32
        %add3A_362 = arith.constant 0 : i32
        %add3A_363 = arith.addi %mul3A_361, %add3A_362 : i32
        %dma_wait3A_364 = arith.constant 0 : i32
        %dma_wait3A_365 = arith.constant 0 : i32
        %dma_wait3A_366 = arith.constant 0 : i32
        %dma_wait3A_367 = tpu.memref_slice %arg16[%dma_wait3A_365, %dma_wait3A_366] : memref<128x64xf32, #tpu.memory_space<vmem>> -> memref<125x64xf32, #tpu.memory_space<vmem>>
        %dma_wait3A_368 = arith.constant 0 : i32
        %dma_wait3A_369 = tpu.memref_slice %arg14[%dma_wait3A_364, %dma_wait3A_368] : memref<40x125xi32, #tpu.memory_space<vmem>> -> memref<1x125xi32, #tpu.memory_space<vmem>>
        %dma_wait3A_370 = tpu.memref_squeeze %dma_wait3A_369 : memref<1x125xi32, #tpu.memory_space<vmem>> -> memref<125xi32, #tpu.memory_space<vmem>>
        %dma_wait3A_371 = arith.constant 0 : i32
        %dma_wait3A_372 = arith.constant 0 : i32
        %dma_wait3A_373 = tpu.memref_slice %arg12[%dma_wait3A_371, %dma_wait3A_372] : memref<10240x64xf32, #tpu.memory_space<vmem_shared>> -> memref<10240x64xf32, #tpu.memory_space<vmem_shared>>
        tpu.wait_indirect_dma semaphore(%arg20 : memref<!tpu.dma_semaphore, #tpu.memory_space<semaphore_mem>>) src(%dma_wait3A_373 : memref<10240x64xf32, #tpu.memory_space<vmem_shared>>) dst(%dma_wait3A_367 : memref<125x64xf32, #tpu.memory_space<vmem>>)
        %dma_start3A_374 = arith.constant 0 : i32
        %dma_start3A_375 = arith.constant 0 : i32
        %dma_start3A_376 = tpu.memref_slice %arg16[%dma_start3A_374, %dma_start3A_375] : memref<128x64xf32, #tpu.memory_space<vmem>> -> memref<125x64xf32, #tpu.memory_space<vmem>>
        %dma_start3A_377 = arith.constant 0 : i32
        %dma_start3A_378 = tpu.memref_slice %arg15[%add3A_363, %dma_start3A_377] : memref<40x125xi32, #tpu.memory_space<vmem>> -> memref<1x125xi32, #tpu.memory_space<vmem>>
        %dma_start3A_379 = tpu.memref_squeeze %dma_start3A_378 : memref<1x125xi32, #tpu.memory_space<vmem>> -> memref<125xi32, #tpu.memory_space<vmem>>
        %dma_start3A_380 = arith.constant 0 : i32
        %dma_start3A_381 = arith.constant 0 : i32
        %dma_start3A_382 = tpu.memref_slice %arg13[%dma_start3A_380, %dma_start3A_381] : memref<10240x64xf32, #tpu.memory_space<vmem_shared>> -> memref<10240x64xf32, #tpu.memory_space<vmem_shared>>
        tpu.enqueue_indirect_dma source(%dma_start3A_376 : memref<125x64xf32, #tpu.memory_space<vmem>>) target(%dma_start3A_382 : memref<10240x64xf32, #tpu.memory_space<vmem_shared>>) offsets(%dma_start3A_379 : memref<125xi32, #tpu.memory_space<vmem>>) semaphore(%arg24 : memref<!tpu.dma_semaphore, #tpu.memory_space<semaphore_mem>>) {add = true}
        %add3A_383 = arith.constant 3 : i32
        %add3A_384 = arith.addi %add3A_363, %add3A_383 : i32
        %lt3A = arith.constant 40 : i32
        %lt3A_385 = arith.cmpi slt, %add3A_384, %lt3A : i32
        %convert_element_type3A_386 = arith.extui %lt3A_385 : i1 to i32
        %cond3A_387 = arith.constant 0 : i32
        %cond3A_388 = arith.cmpi ne, %convert_element_type3A_386, %cond3A_387 : i32
        scf.if %cond3A_388 {
          %ge3A = arith.constant 1 : i32
          %ge3A_599 = arith.cmpi sge, %add3A_363, %ge3A : i32
          %convert_element_type3A_600 = arith.extui %ge3A_599 : i1 to i32
          %cond3A_601 = arith.constant 0 : i32
          %cond3A_602 = arith.cmpi ne, %convert_element_type3A_600, %cond3A_601 : i32
          scf.if %cond3A_602 {
            %dma_wait3A_614 = arith.constant 0 : i32
            %dma_wait3A_615 = arith.constant 0 : i32
            %dma_wait3A_616 = arith.constant 0 : i32
            %dma_wait3A_617 = tpu.memref_slice %arg19[%dma_wait3A_615, %dma_wait3A_616] : memref<128x64xf32, #tpu.memory_space<vmem>> -> memref<125x64xf32, #tpu.memory_space<vmem>>
            %dma_wait3A_618 = arith.constant 0 : i32
            %dma_wait3A_619 = tpu.memref_slice %arg15[%dma_wait3A_614, %dma_wait3A_618] : memref<40x125xi32, #tpu.memory_space<vmem>> -> memref<1x125xi32, #tpu.memory_space<vmem>>
            %dma_wait3A_620 = tpu.memref_squeeze %dma_wait3A_619 : memref<1x125xi32, #tpu.memory_space<vmem>> -> memref<125xi32, #tpu.memory_space<vmem>>
            %dma_wait3A_621 = arith.constant 0 : i32
            %dma_wait3A_622 = arith.constant 0 : i32
            %dma_wait3A_623 = tpu.memref_slice %arg13[%dma_wait3A_621, %dma_wait3A_622] : memref<10240x64xf32, #tpu.memory_space<vmem_shared>> -> memref<10240x64xf32, #tpu.memory_space<vmem_shared>>
            tpu.wait_indirect_dma semaphore(%arg27 : memref<!tpu.dma_semaphore, #tpu.memory_space<semaphore_mem>>) src(%dma_wait3A_617 : memref<125x64xf32, #tpu.memory_space<vmem>>) dst(%dma_wait3A_623 : memref<10240x64xf32, #tpu.memory_space<vmem_shared>>)
          } else {
          }
          %add3A_603 = arith.constant 3 : i32
          %add3A_604 = arith.addi %add3A_363, %add3A_603 : i32
          %dma_start3A_605 = arith.constant 0 : i32
          %dma_start3A_606 = arith.constant 0 : i32
          %dma_start3A_607 = tpu.memref_slice %arg19[%dma_start3A_605, %dma_start3A_606] : memref<128x64xf32, #tpu.memory_space<vmem>> -> memref<125x64xf32, #tpu.memory_space<vmem>>
          %dma_start3A_608 = arith.constant 0 : i32
          %dma_start3A_609 = tpu.memref_slice %arg14[%add3A_604, %dma_start3A_608] : memref<40x125xi32, #tpu.memory_space<vmem>> -> memref<1x125xi32, #tpu.memory_space<vmem>>
          %dma_start3A_610 = tpu.memref_squeeze %dma_start3A_609 : memref<1x125xi32, #tpu.memory_space<vmem>> -> memref<125xi32, #tpu.memory_space<vmem>>
          %dma_start3A_611 = arith.constant 0 : i32
          %dma_start3A_612 = arith.constant 0 : i32
          %dma_start3A_613 = tpu.memref_slice %arg12[%dma_start3A_611, %dma_start3A_612] : memref<10240x64xf32, #tpu.memory_space<vmem_shared>> -> memref<10240x64xf32, #tpu.memory_space<vmem_shared>>
          tpu.enqueue_indirect_dma source(%dma_start3A_613 : memref<10240x64xf32, #tpu.memory_space<vmem_shared>>) target(%dma_start3A_607 : memref<125x64xf32, #tpu.memory_space<vmem>>) offsets(%dma_start3A_610 : memref<125xi32, #tpu.memory_space<vmem>>) semaphore(%arg23 : memref<!tpu.dma_semaphore, #tpu.memory_space<semaphore_mem>>)
        } else {
        }
        %mul3A_389 = arith.constant 8 : i32
        %mul3A_390 = arith.muli %add3A_359, %mul3A_389 : i32
        %add3A_391 = arith.constant 1 : i32
        %add3A_392 = arith.addi %mul3A_390, %add3A_391 : i32
        %dma_wait3A_393 = arith.constant 0 : i32
        %dma_wait3A_394 = arith.constant 0 : i32
        %dma_wait3A_395 = arith.constant 0 : i32
        %dma_wait3A_396 = tpu.memref_slice %arg17[%dma_wait3A_394, %dma_wait3A_395] : memref<128x64xf32, #tpu.memory_space<vmem>> -> memref<125x64xf32, #tpu.memory_space<vmem>>
        %dma_wait3A_397 = arith.constant 0 : i32
        %dma_wait3A_398 = tpu.memref_slice %arg14[%dma_wait3A_393, %dma_wait3A_397] : memref<40x125xi32, #tpu.memory_space<vmem>> -> memref<1x125xi32, #tpu.memory_space<vmem>>
        %dma_wait3A_399 = tpu.memref_squeeze %dma_wait3A_398 : memref<1x125xi32, #tpu.memory_space<vmem>> -> memref<125xi32, #tpu.memory_space<vmem>>
        %dma_wait3A_400 = arith.constant 0 : i32
        %dma_wait3A_401 = arith.constant 0 : i32
        %dma_wait3A_402 = tpu.memref_slice %arg12[%dma_wait3A_400, %dma_wait3A_401] : memref<10240x64xf32, #tpu.memory_space<vmem_shared>> -> memref<10240x64xf32, #tpu.memory_space<vmem_shared>>
        tpu.wait_indirect_dma semaphore(%arg21 : memref<!tpu.dma_semaphore, #tpu.memory_space<semaphore_mem>>) src(%dma_wait3A_402 : memref<10240x64xf32, #tpu.memory_space<vmem_shared>>) dst(%dma_wait3A_396 : memref<125x64xf32, #tpu.memory_space<vmem>>)
        %dma_start3A_403 = arith.constant 0 : i32
        %dma_start3A_404 = arith.constant 0 : i32
        %dma_start3A_405 = tpu.memref_slice %arg17[%dma_start3A_403, %dma_start3A_404] : memref<128x64xf32, #tpu.memory_space<vmem>> -> memref<125x64xf32, #tpu.memory_space<vmem>>
        %dma_start3A_406 = arith.constant 0 : i32
        %dma_start3A_407 = tpu.memref_slice %arg15[%add3A_392, %dma_start3A_406] : memref<40x125xi32, #tpu.memory_space<vmem>> -> memref<1x125xi32, #tpu.memory_space<vmem>>
        %dma_start3A_408 = tpu.memref_squeeze %dma_start3A_407 : memref<1x125xi32, #tpu.memory_space<vmem>> -> memref<125xi32, #tpu.memory_space<vmem>>
        %dma_start3A_409 = arith.constant 0 : i32
        %dma_start3A_410 = arith.constant 0 : i32
        %dma_start3A_411 = tpu.memref_slice %arg13[%dma_start3A_409, %dma_start3A_410] : memref<10240x64xf32, #tpu.memory_space<vmem_shared>> -> memref<10240x64xf32, #tpu.memory_space<vmem_shared>>
        tpu.enqueue_indirect_dma source(%dma_start3A_405 : memref<125x64xf32, #tpu.memory_space<vmem>>) target(%dma_start3A_411 : memref<10240x64xf32, #tpu.memory_space<vmem_shared>>) offsets(%dma_start3A_408 : memref<125xi32, #tpu.memory_space<vmem>>) semaphore(%arg25 : memref<!tpu.dma_semaphore, #tpu.memory_space<semaphore_mem>>) {add = true}
        %add3A_412 = arith.constant 3 : i32
        %add3A_413 = arith.addi %add3A_392, %add3A_412 : i32
        %lt3A_414 = arith.constant 40 : i32
        %lt3A_415 = arith.cmpi slt, %add3A_413, %lt3A_414 : i32
        %convert_element_type3A_416 = arith.extui %lt3A_415 : i1 to i32
        %cond3A_417 = arith.constant 0 : i32
        %cond3A_418 = arith.cmpi ne, %convert_element_type3A_416, %cond3A_417 : i32
        scf.if %cond3A_418 {
          %ge3A = arith.constant 1 : i32
          %ge3A_599 = arith.cmpi sge, %add3A_392, %ge3A : i32
          %convert_element_type3A_600 = arith.extui %ge3A_599 : i1 to i32
          %cond3A_601 = arith.constant 0 : i32
          %cond3A_602 = arith.cmpi ne, %convert_element_type3A_600, %cond3A_601 : i32
          scf.if %cond3A_602 {
            %dma_wait3A_614 = arith.constant 0 : i32
            %dma_wait3A_615 = arith.constant 0 : i32
            %dma_wait3A_616 = arith.constant 0 : i32
            %dma_wait3A_617 = tpu.memref_slice %arg16[%dma_wait3A_615, %dma_wait3A_616] : memref<128x64xf32, #tpu.memory_space<vmem>> -> memref<125x64xf32, #tpu.memory_space<vmem>>
            %dma_wait3A_618 = arith.constant 0 : i32
            %dma_wait3A_619 = tpu.memref_slice %arg15[%dma_wait3A_614, %dma_wait3A_618] : memref<40x125xi32, #tpu.memory_space<vmem>> -> memref<1x125xi32, #tpu.memory_space<vmem>>
            %dma_wait3A_620 = tpu.memref_squeeze %dma_wait3A_619 : memref<1x125xi32, #tpu.memory_space<vmem>> -> memref<125xi32, #tpu.memory_space<vmem>>
            %dma_wait3A_621 = arith.constant 0 : i32
            %dma_wait3A_622 = arith.constant 0 : i32
            %dma_wait3A_623 = tpu.memref_slice %arg13[%dma_wait3A_621, %dma_wait3A_622] : memref<10240x64xf32, #tpu.memory_space<vmem_shared>> -> memref<10240x64xf32, #tpu.memory_space<vmem_shared>>
            tpu.wait_indirect_dma semaphore(%arg24 : memref<!tpu.dma_semaphore, #tpu.memory_space<semaphore_mem>>) src(%dma_wait3A_617 : memref<125x64xf32, #tpu.memory_space<vmem>>) dst(%dma_wait3A_623 : memref<10240x64xf32, #tpu.memory_space<vmem_shared>>)
          } else {
          }
          %add3A_603 = arith.constant 3 : i32
          %add3A_604 = arith.addi %add3A_392, %add3A_603 : i32
          %dma_start3A_605 = arith.constant 0 : i32
          %dma_start3A_606 = arith.constant 0 : i32
          %dma_start3A_607 = tpu.memref_slice %arg16[%dma_start3A_605, %dma_start3A_606] : memref<128x64xf32, #tpu.memory_space<vmem>> -> memref<125x64xf32, #tpu.memory_space<vmem>>
          %dma_start3A_608 = arith.constant 0 : i32
          %dma_start3A_609 = tpu.memref_slice %arg14[%add3A_604, %dma_start3A_608] : memref<40x125xi32, #tpu.memory_space<vmem>> -> memref<1x125xi32, #tpu.memory_space<vmem>>
          %dma_start3A_610 = tpu.memref_squeeze %dma_start3A_609 : memref<1x125xi32, #tpu.memory_space<vmem>> -> memref<125xi32, #tpu.memory_space<vmem>>
          %dma_start3A_611 = arith.constant 0 : i32
          %dma_start3A_612 = arith.constant 0 : i32
          %dma_start3A_613 = tpu.memref_slice %arg12[%dma_start3A_611, %dma_start3A_612] : memref<10240x64xf32, #tpu.memory_space<vmem_shared>> -> memref<10240x64xf32, #tpu.memory_space<vmem_shared>>
          tpu.enqueue_indirect_dma source(%dma_start3A_613 : memref<10240x64xf32, #tpu.memory_space<vmem_shared>>) target(%dma_start3A_607 : memref<125x64xf32, #tpu.memory_space<vmem>>) offsets(%dma_start3A_610 : memref<125xi32, #tpu.memory_space<vmem>>) semaphore(%arg20 : memref<!tpu.dma_semaphore, #tpu.memory_space<semaphore_mem>>)
        } else {
        }
        %mul3A_419 = arith.constant 8 : i32
        %mul3A_420 = arith.muli %add3A_359, %mul3A_419 : i32
        %add3A_421 = arith.constant 2 : i32
        %add3A_422 = arith.addi %mul3A_420, %add3A_421 : i32
        %dma_wait3A_423 = arith.constant 0 : i32
        %dma_wait3A_424 = arith.constant 0 : i32
        %dma_wait3A_425 = arith.constant 0 : i32
        %dma_wait3A_426 = tpu.memref_slice %arg18[%dma_wait3A_424, %dma_wait3A_425] : memref<128x64xf32, #tpu.memory_space<vmem>> -> memref<125x64xf32, #tpu.memory_space<vmem>>
        %dma_wait3A_427 = arith.constant 0 : i32
        %dma_wait3A_428 = tpu.memref_slice %arg14[%dma_wait3A_423, %dma_wait3A_427] : memref<40x125xi32, #tpu.memory_space<vmem>> -> memref<1x125xi32, #tpu.memory_space<vmem>>
        %dma_wait3A_429 = tpu.memref_squeeze %dma_wait3A_428 : memref<1x125xi32, #tpu.memory_space<vmem>> -> memref<125xi32, #tpu.memory_space<vmem>>
        %dma_wait3A_430 = arith.constant 0 : i32
        %dma_wait3A_431 = arith.constant 0 : i32
        %dma_wait3A_432 = tpu.memref_slice %arg12[%dma_wait3A_430, %dma_wait3A_431] : memref<10240x64xf32, #tpu.memory_space<vmem_shared>> -> memref<10240x64xf32, #tpu.memory_space<vmem_shared>>
        tpu.wait_indirect_dma semaphore(%arg22 : memref<!tpu.dma_semaphore, #tpu.memory_space<semaphore_mem>>) src(%dma_wait3A_432 : memref<10240x64xf32, #tpu.memory_space<vmem_shared>>) dst(%dma_wait3A_426 : memref<125x64xf32, #tpu.memory_space<vmem>>)
        %dma_start3A_433 = arith.constant 0 : i32
        %dma_start3A_434 = arith.constant 0 : i32
        %dma_start3A_435 = tpu.memref_slice %arg18[%dma_start3A_433, %dma_start3A_434] : memref<128x64xf32, #tpu.memory_space<vmem>> -> memref<125x64xf32, #tpu.memory_space<vmem>>
        %dma_start3A_436 = arith.constant 0 : i32
        %dma_start3A_437 = tpu.memref_slice %arg15[%add3A_422, %dma_start3A_436] : memref<40x125xi32, #tpu.memory_space<vmem>> -> memref<1x125xi32, #tpu.memory_space<vmem>>
        %dma_start3A_438 = tpu.memref_squeeze %dma_start3A_437 : memref<1x125xi32, #tpu.memory_space<vmem>> -> memref<125xi32, #tpu.memory_space<vmem>>
        %dma_start3A_439 = arith.constant 0 : i32
        %dma_start3A_440 = arith.constant 0 : i32
        %dma_start3A_441 = tpu.memref_slice %arg13[%dma_start3A_439, %dma_start3A_440] : memref<10240x64xf32, #tpu.memory_space<vmem_shared>> -> memref<10240x64xf32, #tpu.memory_space<vmem_shared>>
        tpu.enqueue_indirect_dma source(%dma_start3A_435 : memref<125x64xf32, #tpu.memory_space<vmem>>) target(%dma_start3A_441 : memref<10240x64xf32, #tpu.memory_space<vmem_shared>>) offsets(%dma_start3A_438 : memref<125xi32, #tpu.memory_space<vmem>>) semaphore(%arg26 : memref<!tpu.dma_semaphore, #tpu.memory_space<semaphore_mem>>) {add = true}
        %add3A_442 = arith.constant 3 : i32
        %add3A_443 = arith.addi %add3A_422, %add3A_442 : i32
        %lt3A_444 = arith.constant 40 : i32
        %lt3A_445 = arith.cmpi slt, %add3A_443, %lt3A_444 : i32
        %convert_element_type3A_446 = arith.extui %lt3A_445 : i1 to i32
        %cond3A_447 = arith.constant 0 : i32
        %cond3A_448 = arith.cmpi ne, %convert_element_type3A_446, %cond3A_447 : i32
        scf.if %cond3A_448 {
          %ge3A = arith.constant 1 : i32
          %ge3A_599 = arith.cmpi sge, %add3A_422, %ge3A : i32
          %convert_element_type3A_600 = arith.extui %ge3A_599 : i1 to i32
          %cond3A_601 = arith.constant 0 : i32
          %cond3A_602 = arith.cmpi ne, %convert_element_type3A_600, %cond3A_601 : i32
          scf.if %cond3A_602 {
            %dma_wait3A_614 = arith.constant 0 : i32
            %dma_wait3A_615 = arith.constant 0 : i32
            %dma_wait3A_616 = arith.constant 0 : i32
            %dma_wait3A_617 = tpu.memref_slice %arg17[%dma_wait3A_615, %dma_wait3A_616] : memref<128x64xf32, #tpu.memory_space<vmem>> -> memref<125x64xf32, #tpu.memory_space<vmem>>
            %dma_wait3A_618 = arith.constant 0 : i32
            %dma_wait3A_619 = tpu.memref_slice %arg15[%dma_wait3A_614, %dma_wait3A_618] : memref<40x125xi32, #tpu.memory_space<vmem>> -> memref<1x125xi32, #tpu.memory_space<vmem>>
            %dma_wait3A_620 = tpu.memref_squeeze %dma_wait3A_619 : memref<1x125xi32, #tpu.memory_space<vmem>> -> memref<125xi32, #tpu.memory_space<vmem>>
            %dma_wait3A_621 = arith.constant 0 : i32
            %dma_wait3A_622 = arith.constant 0 : i32
            %dma_wait3A_623 = tpu.memref_slice %arg13[%dma_wait3A_621, %dma_wait3A_622] : memref<10240x64xf32, #tpu.memory_space<vmem_shared>> -> memref<10240x64xf32, #tpu.memory_space<vmem_shared>>
            tpu.wait_indirect_dma semaphore(%arg25 : memref<!tpu.dma_semaphore, #tpu.memory_space<semaphore_mem>>) src(%dma_wait3A_617 : memref<125x64xf32, #tpu.memory_space<vmem>>) dst(%dma_wait3A_623 : memref<10240x64xf32, #tpu.memory_space<vmem_shared>>)
          } else {
          }
          %add3A_603 = arith.constant 3 : i32
          %add3A_604 = arith.addi %add3A_422, %add3A_603 : i32
          %dma_start3A_605 = arith.constant 0 : i32
          %dma_start3A_606 = arith.constant 0 : i32
          %dma_start3A_607 = tpu.memref_slice %arg17[%dma_start3A_605, %dma_start3A_606] : memref<128x64xf32, #tpu.memory_space<vmem>> -> memref<125x64xf32, #tpu.memory_space<vmem>>
          %dma_start3A_608 = arith.constant 0 : i32
          %dma_start3A_609 = tpu.memref_slice %arg14[%add3A_604, %dma_start3A_608] : memref<40x125xi32, #tpu.memory_space<vmem>> -> memref<1x125xi32, #tpu.memory_space<vmem>>
          %dma_start3A_610 = tpu.memref_squeeze %dma_start3A_609 : memref<1x125xi32, #tpu.memory_space<vmem>> -> memref<125xi32, #tpu.memory_space<vmem>>
          %dma_start3A_611 = arith.constant 0 : i32
          %dma_start3A_612 = arith.constant 0 : i32
          %dma_start3A_613 = tpu.memref_slice %arg12[%dma_start3A_611, %dma_start3A_612] : memref<10240x64xf32, #tpu.memory_space<vmem_shared>> -> memref<10240x64xf32, #tpu.memory_space<vmem_shared>>
          tpu.enqueue_indirect_dma source(%dma_start3A_613 : memref<10240x64xf32, #tpu.memory_space<vmem_shared>>) target(%dma_start3A_607 : memref<125x64xf32, #tpu.memory_space<vmem>>) offsets(%dma_start3A_610 : memref<125xi32, #tpu.memory_space<vmem>>) semaphore(%arg21 : memref<!tpu.dma_semaphore, #tpu.memory_space<semaphore_mem>>)
        } else {
        }
        %mul3A_449 = arith.constant 8 : i32
        %mul3A_450 = arith.muli %add3A_359, %mul3A_449 : i32
        %add3A_451 = arith.constant 3 : i32
        %add3A_452 = arith.addi %mul3A_450, %add3A_451 : i32
        %dma_wait3A_453 = arith.constant 0 : i32
        %dma_wait3A_454 = arith.constant 0 : i32
        %dma_wait3A_455 = arith.constant 0 : i32
        %dma_wait3A_456 = tpu.memref_slice %arg19[%dma_wait3A_454, %dma_wait3A_455] : memref<128x64xf32, #tpu.memory_space<vmem>> -> memref<125x64xf32, #tpu.memory_space<vmem>>
        %dma_wait3A_457 = arith.constant 0 : i32
        %dma_wait3A_458 = tpu.memref_slice %arg14[%dma_wait3A_453, %dma_wait3A_457] : memref<40x125xi32, #tpu.memory_space<vmem>> -> memref<1x125xi32, #tpu.memory_space<vmem>>
        %dma_wait3A_459 = tpu.memref_squeeze %dma_wait3A_458 : memref<1x125xi32, #tpu.memory_space<vmem>> -> memref<125xi32, #tpu.memory_space<vmem>>
        %dma_wait3A_460 = arith.constant 0 : i32
        %dma_wait3A_461 = arith.constant 0 : i32
        %dma_wait3A_462 = tpu.memref_slice %arg12[%dma_wait3A_460, %dma_wait3A_461] : memref<10240x64xf32, #tpu.memory_space<vmem_shared>> -> memref<10240x64xf32, #tpu.memory_space<vmem_shared>>
        tpu.wait_indirect_dma semaphore(%arg23 : memref<!tpu.dma_semaphore, #tpu.memory_space<semaphore_mem>>) src(%dma_wait3A_462 : memref<10240x64xf32, #tpu.memory_space<vmem_shared>>) dst(%dma_wait3A_456 : memref<125x64xf32, #tpu.memory_space<vmem>>)
        %dma_start3A_463 = arith.constant 0 : i32
        %dma_start3A_464 = arith.constant 0 : i32
        %dma_start3A_465 = tpu.memref_slice %arg19[%dma_start3A_463, %dma_start3A_464] : memref<128x64xf32, #tpu.memory_space<vmem>> -> memref<125x64xf32, #tpu.memory_space<vmem>>
        %dma_start3A_466 = arith.constant 0 : i32
        %dma_start3A_467 = tpu.memref_slice %arg15[%add3A_452, %dma_start3A_466] : memref<40x125xi32, #tpu.memory_space<vmem>> -> memref<1x125xi32, #tpu.memory_space<vmem>>
        %dma_start3A_468 = tpu.memref_squeeze %dma_start3A_467 : memref<1x125xi32, #tpu.memory_space<vmem>> -> memref<125xi32, #tpu.memory_space<vmem>>
        %dma_start3A_469 = arith.constant 0 : i32
        %dma_start3A_470 = arith.constant 0 : i32
        %dma_start3A_471 = tpu.memref_slice %arg13[%dma_start3A_469, %dma_start3A_470] : memref<10240x64xf32, #tpu.memory_space<vmem_shared>> -> memref<10240x64xf32, #tpu.memory_space<vmem_shared>>
        tpu.enqueue_indirect_dma source(%dma_start3A_465 : memref<125x64xf32, #tpu.memory_space<vmem>>) target(%dma_start3A_471 : memref<10240x64xf32, #tpu.memory_space<vmem_shared>>) offsets(%dma_start3A_468 : memref<125xi32, #tpu.memory_space<vmem>>) semaphore(%arg27 : memref<!tpu.dma_semaphore, #tpu.memory_space<semaphore_mem>>) {add = true}
        %add3A_472 = arith.constant 3 : i32
        %add3A_473 = arith.addi %add3A_452, %add3A_472 : i32
        %lt3A_474 = arith.constant 40 : i32
        %lt3A_475 = arith.cmpi slt, %add3A_473, %lt3A_474 : i32
        %convert_element_type3A_476 = arith.extui %lt3A_475 : i1 to i32
        %cond3A_477 = arith.constant 0 : i32
        %cond3A_478 = arith.cmpi ne, %convert_element_type3A_476, %cond3A_477 : i32
        scf.if %cond3A_478 {
          %ge3A = arith.constant 1 : i32
          %ge3A_599 = arith.cmpi sge, %add3A_452, %ge3A : i32
          %convert_element_type3A_600 = arith.extui %ge3A_599 : i1 to i32
          %cond3A_601 = arith.constant 0 : i32
          %cond3A_602 = arith.cmpi ne, %convert_element_type3A_600, %cond3A_601 : i32
          scf.if %cond3A_602 {
            %dma_wait3A_614 = arith.constant 0 : i32
            %dma_wait3A_615 = arith.constant 0 : i32
            %dma_wait3A_616 = arith.constant 0 : i32
            %dma_wait3A_617 = tpu.memref_slice %arg18[%dma_wait3A_615, %dma_wait3A_616] : memref<128x64xf32, #tpu.memory_space<vmem>> -> memref<125x64xf32, #tpu.memory_space<vmem>>
            %dma_wait3A_618 = arith.constant 0 : i32
            %dma_wait3A_619 = tpu.memref_slice %arg15[%dma_wait3A_614, %dma_wait3A_618] : memref<40x125xi32, #tpu.memory_space<vmem>> -> memref<1x125xi32, #tpu.memory_space<vmem>>
            %dma_wait3A_620 = tpu.memref_squeeze %dma_wait3A_619 : memref<1x125xi32, #tpu.memory_space<vmem>> -> memref<125xi32, #tpu.memory_space<vmem>>
            %dma_wait3A_621 = arith.constant 0 : i32
            %dma_wait3A_622 = arith.constant 0 : i32
            %dma_wait3A_623 = tpu.memref_slice %arg13[%dma_wait3A_621, %dma_wait3A_622] : memref<10240x64xf32, #tpu.memory_space<vmem_shared>> -> memref<10240x64xf32, #tpu.memory_space<vmem_shared>>
            tpu.wait_indirect_dma semaphore(%arg26 : memref<!tpu.dma_semaphore, #tpu.memory_space<semaphore_mem>>) src(%dma_wait3A_617 : memref<125x64xf32, #tpu.memory_space<vmem>>) dst(%dma_wait3A_623 : memref<10240x64xf32, #tpu.memory_space<vmem_shared>>)
          } else {
          }
          %add3A_603 = arith.constant 3 : i32
          %add3A_604 = arith.addi %add3A_452, %add3A_603 : i32
          %dma_start3A_605 = arith.constant 0 : i32
          %dma_start3A_606 = arith.constant 0 : i32
          %dma_start3A_607 = tpu.memref_slice %arg18[%dma_start3A_605, %dma_start3A_606] : memref<128x64xf32, #tpu.memory_space<vmem>> -> memref<125x64xf32, #tpu.memory_space<vmem>>
          %dma_start3A_608 = arith.constant 0 : i32
          %dma_start3A_609 = tpu.memref_slice %arg14[%add3A_604, %dma_start3A_608] : memref<40x125xi32, #tpu.memory_space<vmem>> -> memref<1x125xi32, #tpu.memory_space<vmem>>
          %dma_start3A_610 = tpu.memref_squeeze %dma_start3A_609 : memref<1x125xi32, #tpu.memory_space<vmem>> -> memref<125xi32, #tpu.memory_space<vmem>>
          %dma_start3A_611 = arith.constant 0 : i32
          %dma_start3A_612 = arith.constant 0 : i32
          %dma_start3A_613 = tpu.memref_slice %arg12[%dma_start3A_611, %dma_start3A_612] : memref<10240x64xf32, #tpu.memory_space<vmem_shared>> -> memref<10240x64xf32, #tpu.memory_space<vmem_shared>>
          tpu.enqueue_indirect_dma source(%dma_start3A_613 : memref<10240x64xf32, #tpu.memory_space<vmem_shared>>) target(%dma_start3A_607 : memref<125x64xf32, #tpu.memory_space<vmem>>) offsets(%dma_start3A_610 : memref<125xi32, #tpu.memory_space<vmem>>) semaphore(%arg22 : memref<!tpu.dma_semaphore, #tpu.memory_space<semaphore_mem>>)
        } else {
        }
        %mul3A_479 = arith.constant 8 : i32
        %mul3A_480 = arith.muli %add3A_359, %mul3A_479 : i32
        %add3A_481 = arith.constant 4 : i32
        %add3A_482 = arith.addi %mul3A_480, %add3A_481 : i32
        %dma_wait3A_483 = arith.constant 0 : i32
        %dma_wait3A_484 = arith.constant 0 : i32
        %dma_wait3A_485 = arith.constant 0 : i32
        %dma_wait3A_486 = tpu.memref_slice %arg16[%dma_wait3A_484, %dma_wait3A_485] : memref<128x64xf32, #tpu.memory_space<vmem>> -> memref<125x64xf32, #tpu.memory_space<vmem>>
        %dma_wait3A_487 = arith.constant 0 : i32
        %dma_wait3A_488 = tpu.memref_slice %arg14[%dma_wait3A_483, %dma_wait3A_487] : memref<40x125xi32, #tpu.memory_space<vmem>> -> memref<1x125xi32, #tpu.memory_space<vmem>>
        %dma_wait3A_489 = tpu.memref_squeeze %dma_wait3A_488 : memref<1x125xi32, #tpu.memory_space<vmem>> -> memref<125xi32, #tpu.memory_space<vmem>>
        %dma_wait3A_490 = arith.constant 0 : i32
        %dma_wait3A_491 = arith.constant 0 : i32
        %dma_wait3A_492 = tpu.memref_slice %arg12[%dma_wait3A_490, %dma_wait3A_491] : memref<10240x64xf32, #tpu.memory_space<vmem_shared>> -> memref<10240x64xf32, #tpu.memory_space<vmem_shared>>
        tpu.wait_indirect_dma semaphore(%arg20 : memref<!tpu.dma_semaphore, #tpu.memory_space<semaphore_mem>>) src(%dma_wait3A_492 : memref<10240x64xf32, #tpu.memory_space<vmem_shared>>) dst(%dma_wait3A_486 : memref<125x64xf32, #tpu.memory_space<vmem>>)
        %dma_start3A_493 = arith.constant 0 : i32
        %dma_start3A_494 = arith.constant 0 : i32
        %dma_start3A_495 = tpu.memref_slice %arg16[%dma_start3A_493, %dma_start3A_494] : memref<128x64xf32, #tpu.memory_space<vmem>> -> memref<125x64xf32, #tpu.memory_space<vmem>>
        %dma_start3A_496 = arith.constant 0 : i32
        %dma_start3A_497 = tpu.memref_slice %arg15[%add3A_482, %dma_start3A_496] : memref<40x125xi32, #tpu.memory_space<vmem>> -> memref<1x125xi32, #tpu.memory_space<vmem>>
        %dma_start3A_498 = tpu.memref_squeeze %dma_start3A_497 : memref<1x125xi32, #tpu.memory_space<vmem>> -> memref<125xi32, #tpu.memory_space<vmem>>
        %dma_start3A_499 = arith.constant 0 : i32
        %dma_start3A_500 = arith.constant 0 : i32
        %dma_start3A_501 = tpu.memref_slice %arg13[%dma_start3A_499, %dma_start3A_500] : memref<10240x64xf32, #tpu.memory_space<vmem_shared>> -> memref<10240x64xf32, #tpu.memory_space<vmem_shared>>
        tpu.enqueue_indirect_dma source(%dma_start3A_495 : memref<125x64xf32, #tpu.memory_space<vmem>>) target(%dma_start3A_501 : memref<10240x64xf32, #tpu.memory_space<vmem_shared>>) offsets(%dma_start3A_498 : memref<125xi32, #tpu.memory_space<vmem>>) semaphore(%arg24 : memref<!tpu.dma_semaphore, #tpu.memory_space<semaphore_mem>>) {add = true}
        %add3A_502 = arith.constant 3 : i32
        %add3A_503 = arith.addi %add3A_482, %add3A_502 : i32
        %lt3A_504 = arith.constant 40 : i32
        %lt3A_505 = arith.cmpi slt, %add3A_503, %lt3A_504 : i32
        %convert_element_type3A_506 = arith.extui %lt3A_505 : i1 to i32
        %cond3A_507 = arith.constant 0 : i32
        %cond3A_508 = arith.cmpi ne, %convert_element_type3A_506, %cond3A_507 : i32
        scf.if %cond3A_508 {
          %ge3A = arith.constant 1 : i32
          %ge3A_599 = arith.cmpi sge, %add3A_482, %ge3A : i32
          %convert_element_type3A_600 = arith.extui %ge3A_599 : i1 to i32
          %cond3A_601 = arith.constant 0 : i32
          %cond3A_602 = arith.cmpi ne, %convert_element_type3A_600, %cond3A_601 : i32
          scf.if %cond3A_602 {
            %dma_wait3A_614 = arith.constant 0 : i32
            %dma_wait3A_615 = arith.constant 0 : i32
            %dma_wait3A_616 = arith.constant 0 : i32
            %dma_wait3A_617 = tpu.memref_slice %arg19[%dma_wait3A_615, %dma_wait3A_616] : memref<128x64xf32, #tpu.memory_space<vmem>> -> memref<125x64xf32, #tpu.memory_space<vmem>>
            %dma_wait3A_618 = arith.constant 0 : i32
            %dma_wait3A_619 = tpu.memref_slice %arg15[%dma_wait3A_614, %dma_wait3A_618] : memref<40x125xi32, #tpu.memory_space<vmem>> -> memref<1x125xi32, #tpu.memory_space<vmem>>
            %dma_wait3A_620 = tpu.memref_squeeze %dma_wait3A_619 : memref<1x125xi32, #tpu.memory_space<vmem>> -> memref<125xi32, #tpu.memory_space<vmem>>
            %dma_wait3A_621 = arith.constant 0 : i32
            %dma_wait3A_622 = arith.constant 0 : i32
            %dma_wait3A_623 = tpu.memref_slice %arg13[%dma_wait3A_621, %dma_wait3A_622] : memref<10240x64xf32, #tpu.memory_space<vmem_shared>> -> memref<10240x64xf32, #tpu.memory_space<vmem_shared>>
            tpu.wait_indirect_dma semaphore(%arg27 : memref<!tpu.dma_semaphore, #tpu.memory_space<semaphore_mem>>) src(%dma_wait3A_617 : memref<125x64xf32, #tpu.memory_space<vmem>>) dst(%dma_wait3A_623 : memref<10240x64xf32, #tpu.memory_space<vmem_shared>>)
          } else {
          }
          %add3A_603 = arith.constant 3 : i32
          %add3A_604 = arith.addi %add3A_482, %add3A_603 : i32
          %dma_start3A_605 = arith.constant 0 : i32
          %dma_start3A_606 = arith.constant 0 : i32
          %dma_start3A_607 = tpu.memref_slice %arg19[%dma_start3A_605, %dma_start3A_606] : memref<128x64xf32, #tpu.memory_space<vmem>> -> memref<125x64xf32, #tpu.memory_space<vmem>>
          %dma_start3A_608 = arith.constant 0 : i32
          %dma_start3A_609 = tpu.memref_slice %arg14[%add3A_604, %dma_start3A_608] : memref<40x125xi32, #tpu.memory_space<vmem>> -> memref<1x125xi32, #tpu.memory_space<vmem>>
          %dma_start3A_610 = tpu.memref_squeeze %dma_start3A_609 : memref<1x125xi32, #tpu.memory_space<vmem>> -> memref<125xi32, #tpu.memory_space<vmem>>
          %dma_start3A_611 = arith.constant 0 : i32
          %dma_start3A_612 = arith.constant 0 : i32
          %dma_start3A_613 = tpu.memref_slice %arg12[%dma_start3A_611, %dma_start3A_612] : memref<10240x64xf32, #tpu.memory_space<vmem_shared>> -> memref<10240x64xf32, #tpu.memory_space<vmem_shared>>
          tpu.enqueue_indirect_dma source(%dma_start3A_613 : memref<10240x64xf32, #tpu.memory_space<vmem_shared>>) target(%dma_start3A_607 : memref<125x64xf32, #tpu.memory_space<vmem>>) offsets(%dma_start3A_610 : memref<125xi32, #tpu.memory_space<vmem>>) semaphore(%arg23 : memref<!tpu.dma_semaphore, #tpu.memory_space<semaphore_mem>>)
        } else {
        }
        %mul3A_509 = arith.constant 8 : i32
        %mul3A_510 = arith.muli %add3A_359, %mul3A_509 : i32
        %add3A_511 = arith.constant 5 : i32
        %add3A_512 = arith.addi %mul3A_510, %add3A_511 : i32
        %dma_wait3A_513 = arith.constant 0 : i32
        %dma_wait3A_514 = arith.constant 0 : i32
        %dma_wait3A_515 = arith.constant 0 : i32
        %dma_wait3A_516 = tpu.memref_slice %arg17[%dma_wait3A_514, %dma_wait3A_515] : memref<128x64xf32, #tpu.memory_space<vmem>> -> memref<125x64xf32, #tpu.memory_space<vmem>>
        %dma_wait3A_517 = arith.constant 0 : i32
        %dma_wait3A_518 = tpu.memref_slice %arg14[%dma_wait3A_513, %dma_wait3A_517] : memref<40x125xi32, #tpu.memory_space<vmem>> -> memref<1x125xi32, #tpu.memory_space<vmem>>
        %dma_wait3A_519 = tpu.memref_squeeze %dma_wait3A_518 : memref<1x125xi32, #tpu.memory_space<vmem>> -> memref<125xi32, #tpu.memory_space<vmem>>
        %dma_wait3A_520 = arith.constant 0 : i32
        %dma_wait3A_521 = arith.constant 0 : i32
        %dma_wait3A_522 = tpu.memref_slice %arg12[%dma_wait3A_520, %dma_wait3A_521] : memref<10240x64xf32, #tpu.memory_space<vmem_shared>> -> memref<10240x64xf32, #tpu.memory_space<vmem_shared>>
        tpu.wait_indirect_dma semaphore(%arg21 : memref<!tpu.dma_semaphore, #tpu.memory_space<semaphore_mem>>) src(%dma_wait3A_522 : memref<10240x64xf32, #tpu.memory_space<vmem_shared>>) dst(%dma_wait3A_516 : memref<125x64xf32, #tpu.memory_space<vmem>>)
        %dma_start3A_523 = arith.constant 0 : i32
        %dma_start3A_524 = arith.constant 0 : i32
        %dma_start3A_525 = tpu.memref_slice %arg17[%dma_start3A_523, %dma_start3A_524] : memref<128x64xf32, #tpu.memory_space<vmem>> -> memref<125x64xf32, #tpu.memory_space<vmem>>
        %dma_start3A_526 = arith.constant 0 : i32
        %dma_start3A_527 = tpu.memref_slice %arg15[%add3A_512, %dma_start3A_526] : memref<40x125xi32, #tpu.memory_space<vmem>> -> memref<1x125xi32, #tpu.memory_space<vmem>>
        %dma_start3A_528 = tpu.memref_squeeze %dma_start3A_527 : memref<1x125xi32, #tpu.memory_space<vmem>> -> memref<125xi32, #tpu.memory_space<vmem>>
        %dma_start3A_529 = arith.constant 0 : i32
        %dma_start3A_530 = arith.constant 0 : i32
        %dma_start3A_531 = tpu.memref_slice %arg13[%dma_start3A_529, %dma_start3A_530] : memref<10240x64xf32, #tpu.memory_space<vmem_shared>> -> memref<10240x64xf32, #tpu.memory_space<vmem_shared>>
        tpu.enqueue_indirect_dma source(%dma_start3A_525 : memref<125x64xf32, #tpu.memory_space<vmem>>) target(%dma_start3A_531 : memref<10240x64xf32, #tpu.memory_space<vmem_shared>>) offsets(%dma_start3A_528 : memref<125xi32, #tpu.memory_space<vmem>>) semaphore(%arg25 : memref<!tpu.dma_semaphore, #tpu.memory_space<semaphore_mem>>) {add = true}
        %add3A_532 = arith.constant 3 : i32
        %add3A_533 = arith.addi %add3A_512, %add3A_532 : i32
        %lt3A_534 = arith.constant 40 : i32
        %lt3A_535 = arith.cmpi slt, %add3A_533, %lt3A_534 : i32
        %convert_element_type3A_536 = arith.extui %lt3A_535 : i1 to i32
        %cond3A_537 = arith.constant 0 : i32
        %cond3A_538 = arith.cmpi ne, %convert_element_type3A_536, %cond3A_537 : i32
        scf.if %cond3A_538 {
          %ge3A = arith.constant 1 : i32
          %ge3A_599 = arith.cmpi sge, %add3A_512, %ge3A : i32
          %convert_element_type3A_600 = arith.extui %ge3A_599 : i1 to i32
          %cond3A_601 = arith.constant 0 : i32
          %cond3A_602 = arith.cmpi ne, %convert_element_type3A_600, %cond3A_601 : i32
          scf.if %cond3A_602 {
            %dma_wait3A_614 = arith.constant 0 : i32
            %dma_wait3A_615 = arith.constant 0 : i32
            %dma_wait3A_616 = arith.constant 0 : i32
            %dma_wait3A_617 = tpu.memref_slice %arg16[%dma_wait3A_615, %dma_wait3A_616] : memref<128x64xf32, #tpu.memory_space<vmem>> -> memref<125x64xf32, #tpu.memory_space<vmem>>
            %dma_wait3A_618 = arith.constant 0 : i32
            %dma_wait3A_619 = tpu.memref_slice %arg15[%dma_wait3A_614, %dma_wait3A_618] : memref<40x125xi32, #tpu.memory_space<vmem>> -> memref<1x125xi32, #tpu.memory_space<vmem>>
            %dma_wait3A_620 = tpu.memref_squeeze %dma_wait3A_619 : memref<1x125xi32, #tpu.memory_space<vmem>> -> memref<125xi32, #tpu.memory_space<vmem>>
            %dma_wait3A_621 = arith.constant 0 : i32
            %dma_wait3A_622 = arith.constant 0 : i32
            %dma_wait3A_623 = tpu.memref_slice %arg13[%dma_wait3A_621, %dma_wait3A_622] : memref<10240x64xf32, #tpu.memory_space<vmem_shared>> -> memref<10240x64xf32, #tpu.memory_space<vmem_shared>>
            tpu.wait_indirect_dma semaphore(%arg24 : memref<!tpu.dma_semaphore, #tpu.memory_space<semaphore_mem>>) src(%dma_wait3A_617 : memref<125x64xf32, #tpu.memory_space<vmem>>) dst(%dma_wait3A_623 : memref<10240x64xf32, #tpu.memory_space<vmem_shared>>)
          } else {
          }
          %add3A_603 = arith.constant 3 : i32
          %add3A_604 = arith.addi %add3A_512, %add3A_603 : i32
          %dma_start3A_605 = arith.constant 0 : i32
          %dma_start3A_606 = arith.constant 0 : i32
          %dma_start3A_607 = tpu.memref_slice %arg16[%dma_start3A_605, %dma_start3A_606] : memref<128x64xf32, #tpu.memory_space<vmem>> -> memref<125x64xf32, #tpu.memory_space<vmem>>
          %dma_start3A_608 = arith.constant 0 : i32
          %dma_start3A_609 = tpu.memref_slice %arg14[%add3A_604, %dma_start3A_608] : memref<40x125xi32, #tpu.memory_space<vmem>> -> memref<1x125xi32, #tpu.memory_space<vmem>>
          %dma_start3A_610 = tpu.memref_squeeze %dma_start3A_609 : memref<1x125xi32, #tpu.memory_space<vmem>> -> memref<125xi32, #tpu.memory_space<vmem>>
          %dma_start3A_611 = arith.constant 0 : i32
          %dma_start3A_612 = arith.constant 0 : i32
          %dma_start3A_613 = tpu.memref_slice %arg12[%dma_start3A_611, %dma_start3A_612] : memref<10240x64xf32, #tpu.memory_space<vmem_shared>> -> memref<10240x64xf32, #tpu.memory_space<vmem_shared>>
          tpu.enqueue_indirect_dma source(%dma_start3A_613 : memref<10240x64xf32, #tpu.memory_space<vmem_shared>>) target(%dma_start3A_607 : memref<125x64xf32, #tpu.memory_space<vmem>>) offsets(%dma_start3A_610 : memref<125xi32, #tpu.memory_space<vmem>>) semaphore(%arg20 : memref<!tpu.dma_semaphore, #tpu.memory_space<semaphore_mem>>)
        } else {
        }
        %mul3A_539 = arith.constant 8 : i32
        %mul3A_540 = arith.muli %add3A_359, %mul3A_539 : i32
        %add3A_541 = arith.constant 6 : i32
        %add3A_542 = arith.addi %mul3A_540, %add3A_541 : i32
        %dma_wait3A_543 = arith.constant 0 : i32
        %dma_wait3A_544 = arith.constant 0 : i32
        %dma_wait3A_545 = arith.constant 0 : i32
        %dma_wait3A_546 = tpu.memref_slice %arg18[%dma_wait3A_544, %dma_wait3A_545] : memref<128x64xf32, #tpu.memory_space<vmem>> -> memref<125x64xf32, #tpu.memory_space<vmem>>
        %dma_wait3A_547 = arith.constant 0 : i32
        %dma_wait3A_548 = tpu.memref_slice %arg14[%dma_wait3A_543, %dma_wait3A_547] : memref<40x125xi32, #tpu.memory_space<vmem>> -> memref<1x125xi32, #tpu.memory_space<vmem>>
        %dma_wait3A_549 = tpu.memref_squeeze %dma_wait3A_548 : memref<1x125xi32, #tpu.memory_space<vmem>> -> memref<125xi32, #tpu.memory_space<vmem>>
        %dma_wait3A_550 = arith.constant 0 : i32
        %dma_wait3A_551 = arith.constant 0 : i32
        %dma_wait3A_552 = tpu.memref_slice %arg12[%dma_wait3A_550, %dma_wait3A_551] : memref<10240x64xf32, #tpu.memory_space<vmem_shared>> -> memref<10240x64xf32, #tpu.memory_space<vmem_shared>>
        tpu.wait_indirect_dma semaphore(%arg22 : memref<!tpu.dma_semaphore, #tpu.memory_space<semaphore_mem>>) src(%dma_wait3A_552 : memref<10240x64xf32, #tpu.memory_space<vmem_shared>>) dst(%dma_wait3A_546 : memref<125x64xf32, #tpu.memory_space<vmem>>)
        %dma_start3A_553 = arith.constant 0 : i32
        %dma_start3A_554 = arith.constant 0 : i32
        %dma_start3A_555 = tpu.memref_slice %arg18[%dma_start3A_553, %dma_start3A_554] : memref<128x64xf32, #tpu.memory_space<vmem>> -> memref<125x64xf32, #tpu.memory_space<vmem>>
        %dma_start3A_556 = arith.constant 0 : i32
        %dma_start3A_557 = tpu.memref_slice %arg15[%add3A_542, %dma_start3A_556] : memref<40x125xi32, #tpu.memory_space<vmem>> -> memref<1x125xi32, #tpu.memory_space<vmem>>
        %dma_start3A_558 = tpu.memref_squeeze %dma_start3A_557 : memref<1x125xi32, #tpu.memory_space<vmem>> -> memref<125xi32, #tpu.memory_space<vmem>>
        %dma_start3A_559 = arith.constant 0 : i32
        %dma_start3A_560 = arith.constant 0 : i32
        %dma_start3A_561 = tpu.memref_slice %arg13[%dma_start3A_559, %dma_start3A_560] : memref<10240x64xf32, #tpu.memory_space<vmem_shared>> -> memref<10240x64xf32, #tpu.memory_space<vmem_shared>>
        tpu.enqueue_indirect_dma source(%dma_start3A_555 : memref<125x64xf32, #tpu.memory_space<vmem>>) target(%dma_start3A_561 : memref<10240x64xf32, #tpu.memory_space<vmem_shared>>) offsets(%dma_start3A_558 : memref<125xi32, #tpu.memory_space<vmem>>) semaphore(%arg26 : memref<!tpu.dma_semaphore, #tpu.memory_space<semaphore_mem>>) {add = true}
        %add3A_562 = arith.constant 3 : i32
        %add3A_563 = arith.addi %add3A_542, %add3A_562 : i32
        %lt3A_564 = arith.constant 40 : i32
        %lt3A_565 = arith.cmpi slt, %add3A_563, %lt3A_564 : i32
        %convert_element_type3A_566 = arith.extui %lt3A_565 : i1 to i32
        %cond3A_567 = arith.constant 0 : i32
        %cond3A_568 = arith.cmpi ne, %convert_element_type3A_566, %cond3A_567 : i32
        scf.if %cond3A_568 {
          %ge3A = arith.constant 1 : i32
          %ge3A_599 = arith.cmpi sge, %add3A_542, %ge3A : i32
          %convert_element_type3A_600 = arith.extui %ge3A_599 : i1 to i32
          %cond3A_601 = arith.constant 0 : i32
          %cond3A_602 = arith.cmpi ne, %convert_element_type3A_600, %cond3A_601 : i32
          scf.if %cond3A_602 {
            %dma_wait3A_614 = arith.constant 0 : i32
            %dma_wait3A_615 = arith.constant 0 : i32
            %dma_wait3A_616 = arith.constant 0 : i32
            %dma_wait3A_617 = tpu.memref_slice %arg17[%dma_wait3A_615, %dma_wait3A_616] : memref<128x64xf32, #tpu.memory_space<vmem>> -> memref<125x64xf32, #tpu.memory_space<vmem>>
            %dma_wait3A_618 = arith.constant 0 : i32
            %dma_wait3A_619 = tpu.memref_slice %arg15[%dma_wait3A_614, %dma_wait3A_618] : memref<40x125xi32, #tpu.memory_space<vmem>> -> memref<1x125xi32, #tpu.memory_space<vmem>>
            %dma_wait3A_620 = tpu.memref_squeeze %dma_wait3A_619 : memref<1x125xi32, #tpu.memory_space<vmem>> -> memref<125xi32, #tpu.memory_space<vmem>>
            %dma_wait3A_621 = arith.constant 0 : i32
            %dma_wait3A_622 = arith.constant 0 : i32
            %dma_wait3A_623 = tpu.memref_slice %arg13[%dma_wait3A_621, %dma_wait3A_622] : memref<10240x64xf32, #tpu.memory_space<vmem_shared>> -> memref<10240x64xf32, #tpu.memory_space<vmem_shared>>
            tpu.wait_indirect_dma semaphore(%arg25 : memref<!tpu.dma_semaphore, #tpu.memory_space<semaphore_mem>>) src(%dma_wait3A_617 : memref<125x64xf32, #tpu.memory_space<vmem>>) dst(%dma_wait3A_623 : memref<10240x64xf32, #tpu.memory_space<vmem_shared>>)
          } else {
          }
          %add3A_603 = arith.constant 3 : i32
          %add3A_604 = arith.addi %add3A_542, %add3A_603 : i32
          %dma_start3A_605 = arith.constant 0 : i32
          %dma_start3A_606 = arith.constant 0 : i32
          %dma_start3A_607 = tpu.memref_slice %arg17[%dma_start3A_605, %dma_start3A_606] : memref<128x64xf32, #tpu.memory_space<vmem>> -> memref<125x64xf32, #tpu.memory_space<vmem>>
          %dma_start3A_608 = arith.constant 0 : i32
          %dma_start3A_609 = tpu.memref_slice %arg14[%add3A_604, %dma_start3A_608] : memref<40x125xi32, #tpu.memory_space<vmem>> -> memref<1x125xi32, #tpu.memory_space<vmem>>
          %dma_start3A_610 = tpu.memref_squeeze %dma_start3A_609 : memref<1x125xi32, #tpu.memory_space<vmem>> -> memref<125xi32, #tpu.memory_space<vmem>>
          %dma_start3A_611 = arith.constant 0 : i32
          %dma_start3A_612 = arith.constant 0 : i32
          %dma_start3A_613 = tpu.memref_slice %arg12[%dma_start3A_611, %dma_start3A_612] : memref<10240x64xf32, #tpu.memory_space<vmem_shared>> -> memref<10240x64xf32, #tpu.memory_space<vmem_shared>>
          tpu.enqueue_indirect_dma source(%dma_start3A_613 : memref<10240x64xf32, #tpu.memory_space<vmem_shared>>) target(%dma_start3A_607 : memref<125x64xf32, #tpu.memory_space<vmem>>) offsets(%dma_start3A_610 : memref<125xi32, #tpu.memory_space<vmem>>) semaphore(%arg21 : memref<!tpu.dma_semaphore, #tpu.memory_space<semaphore_mem>>)
        } else {
        }
        %mul3A_569 = arith.constant 8 : i32
        %mul3A_570 = arith.muli %add3A_359, %mul3A_569 : i32
        %add3A_571 = arith.constant 7 : i32
        %add3A_572 = arith.addi %mul3A_570, %add3A_571 : i32
        %dma_wait3A_573 = arith.constant 0 : i32
        %dma_wait3A_574 = arith.constant 0 : i32
        %dma_wait3A_575 = arith.constant 0 : i32
        %dma_wait3A_576 = tpu.memref_slice %arg19[%dma_wait3A_574, %dma_wait3A_575] : memref<128x64xf32, #tpu.memory_space<vmem>> -> memref<125x64xf32, #tpu.memory_space<vmem>>
        %dma_wait3A_577 = arith.constant 0 : i32
        %dma_wait3A_578 = tpu.memref_slice %arg14[%dma_wait3A_573, %dma_wait3A_577] : memref<40x125xi32, #tpu.memory_space<vmem>> -> memref<1x125xi32, #tpu.memory_space<vmem>>
        %dma_wait3A_579 = tpu.memref_squeeze %dma_wait3A_578 : memref<1x125xi32, #tpu.memory_space<vmem>> -> memref<125xi32, #tpu.memory_space<vmem>>
        %dma_wait3A_580 = arith.constant 0 : i32
        %dma_wait3A_581 = arith.constant 0 : i32
        %dma_wait3A_582 = tpu.memref_slice %arg12[%dma_wait3A_580, %dma_wait3A_581] : memref<10240x64xf32, #tpu.memory_space<vmem_shared>> -> memref<10240x64xf32, #tpu.memory_space<vmem_shared>>
        tpu.wait_indirect_dma semaphore(%arg23 : memref<!tpu.dma_semaphore, #tpu.memory_space<semaphore_mem>>) src(%dma_wait3A_582 : memref<10240x64xf32, #tpu.memory_space<vmem_shared>>) dst(%dma_wait3A_576 : memref<125x64xf32, #tpu.memory_space<vmem>>)
        %dma_start3A_583 = arith.constant 0 : i32
        %dma_start3A_584 = arith.constant 0 : i32
        %dma_start3A_585 = tpu.memref_slice %arg19[%dma_start3A_583, %dma_start3A_584] : memref<128x64xf32, #tpu.memory_space<vmem>> -> memref<125x64xf32, #tpu.memory_space<vmem>>
        %dma_start3A_586 = arith.constant 0 : i32
        %dma_start3A_587 = tpu.memref_slice %arg15[%add3A_572, %dma_start3A_586] : memref<40x125xi32, #tpu.memory_space<vmem>> -> memref<1x125xi32, #tpu.memory_space<vmem>>
        %dma_start3A_588 = tpu.memref_squeeze %dma_start3A_587 : memref<1x125xi32, #tpu.memory_space<vmem>> -> memref<125xi32, #tpu.memory_space<vmem>>
        %dma_start3A_589 = arith.constant 0 : i32
        %dma_start3A_590 = arith.constant 0 : i32
        %dma_start3A_591 = tpu.memref_slice %arg13[%dma_start3A_589, %dma_start3A_590] : memref<10240x64xf32, #tpu.memory_space<vmem_shared>> -> memref<10240x64xf32, #tpu.memory_space<vmem_shared>>
        tpu.enqueue_indirect_dma source(%dma_start3A_585 : memref<125x64xf32, #tpu.memory_space<vmem>>) target(%dma_start3A_591 : memref<10240x64xf32, #tpu.memory_space<vmem_shared>>) offsets(%dma_start3A_588 : memref<125xi32, #tpu.memory_space<vmem>>) semaphore(%arg27 : memref<!tpu.dma_semaphore, #tpu.memory_space<semaphore_mem>>) {add = true}
        %add3A_592 = arith.constant 3 : i32
        %add3A_593 = arith.addi %add3A_572, %add3A_592 : i32
        %lt3A_594 = arith.constant 40 : i32
        %lt3A_595 = arith.cmpi slt, %add3A_593, %lt3A_594 : i32
        %convert_element_type3A_596 = arith.extui %lt3A_595 : i1 to i32
        %cond3A_597 = arith.constant 0 : i32
        %cond3A_598 = arith.cmpi ne, %convert_element_type3A_596, %cond3A_597 : i32
        scf.if %cond3A_598 {
          %ge3A = arith.constant 1 : i32
          %ge3A_599 = arith.cmpi sge, %add3A_572, %ge3A : i32
          %convert_element_type3A_600 = arith.extui %ge3A_599 : i1 to i32
          %cond3A_601 = arith.constant 0 : i32
          %cond3A_602 = arith.cmpi ne, %convert_element_type3A_600, %cond3A_601 : i32
          scf.if %cond3A_602 {
            %dma_wait3A_614 = arith.constant 0 : i32
            %dma_wait3A_615 = arith.constant 0 : i32
            %dma_wait3A_616 = arith.constant 0 : i32
            %dma_wait3A_617 = tpu.memref_slice %arg18[%dma_wait3A_615, %dma_wait3A_616] : memref<128x64xf32, #tpu.memory_space<vmem>> -> memref<125x64xf32, #tpu.memory_space<vmem>>
            %dma_wait3A_618 = arith.constant 0 : i32
            %dma_wait3A_619 = tpu.memref_slice %arg15[%dma_wait3A_614, %dma_wait3A_618] : memref<40x125xi32, #tpu.memory_space<vmem>> -> memref<1x125xi32, #tpu.memory_space<vmem>>
            %dma_wait3A_620 = tpu.memref_squeeze %dma_wait3A_619 : memref<1x125xi32, #tpu.memory_space<vmem>> -> memref<125xi32, #tpu.memory_space<vmem>>
            %dma_wait3A_621 = arith.constant 0 : i32
            %dma_wait3A_622 = arith.constant 0 : i32
            %dma_wait3A_623 = tpu.memref_slice %arg13[%dma_wait3A_621, %dma_wait3A_622] : memref<10240x64xf32, #tpu.memory_space<vmem_shared>> -> memref<10240x64xf32, #tpu.memory_space<vmem_shared>>
            tpu.wait_indirect_dma semaphore(%arg26 : memref<!tpu.dma_semaphore, #tpu.memory_space<semaphore_mem>>) src(%dma_wait3A_617 : memref<125x64xf32, #tpu.memory_space<vmem>>) dst(%dma_wait3A_623 : memref<10240x64xf32, #tpu.memory_space<vmem_shared>>)
          } else {
          }
          %add3A_603 = arith.constant 3 : i32
          %add3A_604 = arith.addi %add3A_572, %add3A_603 : i32
          %dma_start3A_605 = arith.constant 0 : i32
          %dma_start3A_606 = arith.constant 0 : i32
          %dma_start3A_607 = tpu.memref_slice %arg18[%dma_start3A_605, %dma_start3A_606] : memref<128x64xf32, #tpu.memory_space<vmem>> -> memref<125x64xf32, #tpu.memory_space<vmem>>
          %dma_start3A_608 = arith.constant 0 : i32
          %dma_start3A_609 = tpu.memref_slice %arg14[%add3A_604, %dma_start3A_608] : memref<40x125xi32, #tpu.memory_space<vmem>> -> memref<1x125xi32, #tpu.memory_space<vmem>>
          %dma_start3A_610 = tpu.memref_squeeze %dma_start3A_609 : memref<1x125xi32, #tpu.memory_space<vmem>> -> memref<125xi32, #tpu.memory_space<vmem>>
          %dma_start3A_611 = arith.constant 0 : i32
          %dma_start3A_612 = arith.constant 0 : i32
          %dma_start3A_613 = tpu.memref_slice %arg12[%dma_start3A_611, %dma_start3A_612] : memref<10240x64xf32, #tpu.memory_space<vmem_shared>> -> memref<10240x64xf32, #tpu.memory_space<vmem_shared>>
          tpu.enqueue_indirect_dma source(%dma_start3A_613 : memref<10240x64xf32, #tpu.memory_space<vmem_shared>>) target(%dma_start3A_607 : memref<125x64xf32, #tpu.memory_space<vmem>>) offsets(%dma_start3A_610 : memref<125xi32, #tpu.memory_space<vmem>>) semaphore(%arg22 : memref<!tpu.dma_semaphore, #tpu.memory_space<semaphore_mem>>)
        } else {
        }
      }
      %scan3A_314 = arith.constant 5 : i32
      %dma_wait3A_315 = arith.constant 0 : i32
      %dma_wait3A_316 = arith.constant 0 : i32
      %dma_wait3A_317 = arith.constant 0 : i32
      %dma_wait3A_318 = tpu.memref_slice %arg16[%dma_wait3A_316, %dma_wait3A_317] : memref<128x64xf32, #tpu.memory_space<vmem>> -> memref<125x64xf32, #tpu.memory_space<vmem>>
      %dma_wait3A_319 = arith.constant 0 : i32
      %dma_wait3A_320 = tpu.memref_slice %arg15[%dma_wait3A_315, %dma_wait3A_319] : memref<40x125xi32, #tpu.memory_space<vmem>> -> memref<1x125xi32, #tpu.memory_space<vmem>>
      %dma_wait3A_321 = tpu.memref_squeeze %dma_wait3A_320 : memref<1x125xi32, #tpu.memory_space<vmem>> -> memref<125xi32, #tpu.memory_space<vmem>>
      %dma_wait3A_322 = arith.constant 0 : i32
      %dma_wait3A_323 = arith.constant 0 : i32
      %dma_wait3A_324 = tpu.memref_slice %arg13[%dma_wait3A_322, %dma_wait3A_323] : memref<10240x64xf32, #tpu.memory_space<vmem_shared>> -> memref<10240x64xf32, #tpu.memory_space<vmem_shared>>
      tpu.wait_indirect_dma semaphore(%arg24 : memref<!tpu.dma_semaphore, #tpu.memory_space<semaphore_mem>>) src(%dma_wait3A_318 : memref<125x64xf32, #tpu.memory_space<vmem>>) dst(%dma_wait3A_324 : memref<10240x64xf32, #tpu.memory_space<vmem_shared>>)
      %dma_wait3A_325 = arith.constant 0 : i32
      %dma_wait3A_326 = arith.constant 0 : i32
      %dma_wait3A_327 = arith.constant 0 : i32
      %dma_wait3A_328 = tpu.memref_slice %arg17[%dma_wait3A_326, %dma_wait3A_327] : memref<128x64xf32, #tpu.memory_space<vmem>> -> memref<125x64xf32, #tpu.memory_space<vmem>>
      %dma_wait3A_329 = arith.constant 0 : i32
      %dma_wait3A_330 = tpu.memref_slice %arg15[%dma_wait3A_325, %dma_wait3A_329] : memref<40x125xi32, #tpu.memory_space<vmem>> -> memref<1x125xi32, #tpu.memory_space<vmem>>
      %dma_wait3A_331 = tpu.memref_squeeze %dma_wait3A_330 : memref<1x125xi32, #tpu.memory_space<vmem>> -> memref<125xi32, #tpu.memory_space<vmem>>
      %dma_wait3A_332 = arith.constant 0 : i32
      %dma_wait3A_333 = arith.constant 0 : i32
      %dma_wait3A_334 = tpu.memref_slice %arg13[%dma_wait3A_332, %dma_wait3A_333] : memref<10240x64xf32, #tpu.memory_space<vmem_shared>> -> memref<10240x64xf32, #tpu.memory_space<vmem_shared>>
      tpu.wait_indirect_dma semaphore(%arg25 : memref<!tpu.dma_semaphore, #tpu.memory_space<semaphore_mem>>) src(%dma_wait3A_328 : memref<125x64xf32, #tpu.memory_space<vmem>>) dst(%dma_wait3A_334 : memref<10240x64xf32, #tpu.memory_space<vmem_shared>>)
      %dma_wait3A_335 = arith.constant 0 : i32
      %dma_wait3A_336 = arith.constant 0 : i32
      %dma_wait3A_337 = arith.constant 0 : i32
      %dma_wait3A_338 = tpu.memref_slice %arg18[%dma_wait3A_336, %dma_wait3A_337] : memref<128x64xf32, #tpu.memory_space<vmem>> -> memref<125x64xf32, #tpu.memory_space<vmem>>
      %dma_wait3A_339 = arith.constant 0 : i32
      %dma_wait3A_340 = tpu.memref_slice %arg15[%dma_wait3A_335, %dma_wait3A_339] : memref<40x125xi32, #tpu.memory_space<vmem>> -> memref<1x125xi32, #tpu.memory_space<vmem>>
      %dma_wait3A_341 = tpu.memref_squeeze %dma_wait3A_340 : memref<1x125xi32, #tpu.memory_space<vmem>> -> memref<125xi32, #tpu.memory_space<vmem>>
      %dma_wait3A_342 = arith.constant 0 : i32
      %dma_wait3A_343 = arith.constant 0 : i32
      %dma_wait3A_344 = tpu.memref_slice %arg13[%dma_wait3A_342, %dma_wait3A_343] : memref<10240x64xf32, #tpu.memory_space<vmem_shared>> -> memref<10240x64xf32, #tpu.memory_space<vmem_shared>>
      tpu.wait_indirect_dma semaphore(%arg26 : memref<!tpu.dma_semaphore, #tpu.memory_space<semaphore_mem>>) src(%dma_wait3A_338 : memref<125x64xf32, #tpu.memory_space<vmem>>) dst(%dma_wait3A_344 : memref<10240x64xf32, #tpu.memory_space<vmem_shared>>)
      %dma_wait3A_345 = arith.constant 0 : i32
      %dma_wait3A_346 = arith.constant 0 : i32
      %dma_wait3A_347 = arith.constant 0 : i32
      %dma_wait3A_348 = tpu.memref_slice %arg19[%dma_wait3A_346, %dma_wait3A_347] : memref<128x64xf32, #tpu.memory_space<vmem>> -> memref<125x64xf32, #tpu.memory_space<vmem>>
      %dma_wait3A_349 = arith.constant 0 : i32
      %dma_wait3A_350 = tpu.memref_slice %arg15[%dma_wait3A_345, %dma_wait3A_349] : memref<40x125xi32, #tpu.memory_space<vmem>> -> memref<1x125xi32, #tpu.memory_space<vmem>>
      %dma_wait3A_351 = tpu.memref_squeeze %dma_wait3A_350 : memref<1x125xi32, #tpu.memory_space<vmem>> -> memref<125xi32, #tpu.memory_space<vmem>>
      %dma_wait3A_352 = arith.constant 0 : i32
      %dma_wait3A_353 = arith.constant 0 : i32
      %dma_wait3A_354 = tpu.memref_slice %arg13[%dma_wait3A_352, %dma_wait3A_353] : memref<10240x64xf32, #tpu.memory_space<vmem_shared>> -> memref<10240x64xf32, #tpu.memory_space<vmem_shared>>
      tpu.wait_indirect_dma semaphore(%arg27 : memref<!tpu.dma_semaphore, #tpu.memory_space<semaphore_mem>>) src(%dma_wait3A_348 : memref<125x64xf32, #tpu.memory_space<vmem>>) dst(%dma_wait3A_354 : memref<10240x64xf32, #tpu.memory_space<vmem_shared>>)
    }
    %scan3A_116 = arith.constant 4 : i32
    %barrier3A_117 = arith.constant 0 : index
    tpu.barrier barrier_id(%barrier3A_117)
    %eq3A_118 = arith.constant 0 : i32
    %eq3A_119 = arith.cmpi eq, %arg0, %eq3A_118 : i32
    %convert_element_type3A_120 = arith.extui %eq3A_119 : i1 to i32
    %cond3A_121 = arith.constant 0 : i32
    %cond3A_122 = arith.cmpi ne, %convert_element_type3A_120, %cond3A_121 : i32
    scf.if %cond3A_122 {
      "tpu.region"() ({
        %run_scoped3A = tpu.sem_alloc : memref<!tpu.dma_semaphore, #tpu.memory_space<semaphore_mem>>
        %dma_start3A_265 = arith.constant 0 : i32
        %dma_start3A_266 = tpu.memref_slice %arg8[%mul3A_0, %dma_start3A_265] : memref<10240x64xf32, #tpu.memory_space<hbm>> -> memref<640x64xf32, #tpu.memory_space<hbm>>
        %dma_start3A_267 = arith.constant 0 : i32
        %dma_start3A_268 = tpu.memref_slice %arg13[%mul3A_0, %dma_start3A_267] : memref<10240x64xf32, #tpu.memory_space<vmem_shared>> -> memref<640x64xf32, #tpu.memory_space<vmem_shared>>
        tpu.enqueue_dma source(%dma_start3A_268 : memref<640x64xf32, #tpu.memory_space<vmem_shared>>) target(%dma_start3A_266 : memref<640x64xf32, #tpu.memory_space<hbm>>) target_semaphore(%run_scoped3A : memref<!tpu.dma_semaphore, #tpu.memory_space<semaphore_mem>>)
        %dma_wait3A_269 = arith.constant 0 : i32
        %dma_wait3A_270 = tpu.memref_slice %arg8[%mul3A_0, %dma_wait3A_269] : memref<10240x64xf32, #tpu.memory_space<hbm>> -> memref<640x64xf32, #tpu.memory_space<hbm>>
        %dma_wait3A_271 = arith.constant 0 : i32
        %dma_wait3A_272 = tpu.memref_slice %arg13[%mul3A_0, %dma_wait3A_271] : memref<10240x64xf32, #tpu.memory_space<vmem_shared>> -> memref<640x64xf32, #tpu.memory_space<vmem_shared>>
        tpu.wait_dma2 semaphore(%run_scoped3A : memref<!tpu.dma_semaphore, #tpu.memory_space<semaphore_mem>>) src(%dma_wait3A_272 : memref<640x64xf32, #tpu.memory_space<vmem_shared>>) dst(%dma_wait3A_270 : memref<640x64xf32, #tpu.memory_space<hbm>>)
        tpu.yield
      }) : () -> ()
    } else {
    }
    %ne3A_123 = arith.constant 0 : i32
    %ne3A_124 = arith.cmpi ne, %arg0, %ne3A_123 : i32
    %convert_element_type3A_125 = arith.extui %ne3A_124 : i1 to i32
    %cond3A_126 = arith.constant 0 : i32
    %cond3A_127 = arith.cmpi ne, %convert_element_type3A_125, %cond3A_126 : i32
    scf.if %cond3A_127 {
      "tpu.region"() ({
        %run_scoped3A = tpu.sem_alloc : memref<!tpu.dma_semaphore, #tpu.memory_space<semaphore_mem>>
        %dma_start3A_265 = arith.constant 0 : i32
        %dma_start3A_266 = tpu.memref_slice %arg10[%mul3A_0, %dma_start3A_265] : memref<10240x64xf32, #tpu.memory_space<hbm>> -> memref<640x64xf32, #tpu.memory_space<hbm>>
        %dma_start3A_267 = arith.constant 0 : i32
        %dma_start3A_268 = tpu.memref_slice %arg13[%mul3A_0, %dma_start3A_267] : memref<10240x64xf32, #tpu.memory_space<vmem_shared>> -> memref<640x64xf32, #tpu.memory_space<vmem_shared>>
        tpu.enqueue_dma source(%dma_start3A_268 : memref<640x64xf32, #tpu.memory_space<vmem_shared>>) target(%dma_start3A_266 : memref<640x64xf32, #tpu.memory_space<hbm>>) target_semaphore(%run_scoped3A : memref<!tpu.dma_semaphore, #tpu.memory_space<semaphore_mem>>)
        %dma_wait3A_269 = arith.constant 0 : i32
        %dma_wait3A_270 = tpu.memref_slice %arg10[%mul3A_0, %dma_wait3A_269] : memref<10240x64xf32, #tpu.memory_space<hbm>> -> memref<640x64xf32, #tpu.memory_space<hbm>>
        %dma_wait3A_271 = arith.constant 0 : i32
        %dma_wait3A_272 = tpu.memref_slice %arg13[%mul3A_0, %dma_wait3A_271] : memref<10240x64xf32, #tpu.memory_space<vmem_shared>> -> memref<640x64xf32, #tpu.memory_space<vmem_shared>>
        tpu.wait_dma2 semaphore(%run_scoped3A : memref<!tpu.dma_semaphore, #tpu.memory_space<semaphore_mem>>) src(%dma_wait3A_272 : memref<640x64xf32, #tpu.memory_space<vmem_shared>>) dst(%dma_wait3A_270 : memref<640x64xf32, #tpu.memory_space<hbm>>)
        tpu.yield
      }) : () -> ()
    } else {
    }
    %barrier3A_128 = arith.constant 0 : index
    tpu.barrier barrier_id(%barrier3A_128)
    %scan3A_129 = arith.constant 0 : i32
    %scan3A_130 = arith.constant 128 : i32
    %scan3A_131 = arith.addi %scan3A_129, %scan3A_130 : i32
    %scan3A_132 = arith.constant 1 : i32
    scf.for %scan3A_265 = %scan3A_129 to %scan3A_131 step %scan3A_132  : i32 {
      %mul3A_266 = arith.constant 1 : i32
      %mul3A_267 = arith.muli %scan3A_265, %mul3A_266 : i32
      %add3A_268 = arith.constant 0 : i32
      %add3A_269 = arith.addi %add3A_268, %mul3A_267 : i32
      %swap3A = arith.index_cast %add3A_269 : i32 to index
      %swap3A_270 = arith.constant 0 : index
      %swap3A_271 = tpu.vector_load %arg16[%swap3A, %swap3A_270] {strides = array<i32>} : memref<128x64xf32, #tpu.memory_space<vmem>>, vector<1x16xf32>,
      %swap3A_272 = vector.shape_cast %swap3A_271 : vector<1x16xf32> to vector<16xf32>
      %swap3A_273 = vector.shape_cast %broadcast_in_dim3A_1 : vector<16xf32> to vector<1x16xf32>
      tpu.vector_store %arg16[%swap3A, %swap3A_270], %swap3A_273 {strides = array<i32>} : memref<128x64xf32, #tpu.memory_space<vmem>>, vector<1x16xf32>,
      %swap3A_274 = arith.index_cast %add3A_269 : i32 to index
      %swap3A_275 = arith.constant 16 : index
      %swap3A_276 = tpu.vector_load %arg16[%swap3A_274, %swap3A_275] {strides = array<i32>} : memref<128x64xf32, #tpu.memory_space<vmem>>, vector<1x16xf32>,
      %swap3A_277 = vector.shape_cast %swap3A_276 : vector<1x16xf32> to vector<16xf32>
      %swap3A_278 = vector.shape_cast %broadcast_in_dim3A_1 : vector<16xf32> to vector<1x16xf32>
      tpu.vector_store %arg16[%swap3A_274, %swap3A_275], %swap3A_278 {strides = array<i32>} : memref<128x64xf32, #tpu.memory_space<vmem>>, vector<1x16xf32>,
      %swap3A_279 = arith.index_cast %add3A_269 : i32 to index
      %swap3A_280 = arith.constant 32 : index
      %swap3A_281 = tpu.vector_load %arg16[%swap3A_279, %swap3A_280] {strides = array<i32>} : memref<128x64xf32, #tpu.memory_space<vmem>>, vector<1x16xf32>,
      %swap3A_282 = vector.shape_cast %swap3A_281 : vector<1x16xf32> to vector<16xf32>
      %swap3A_283 = vector.shape_cast %broadcast_in_dim3A_1 : vector<16xf32> to vector<1x16xf32>
      tpu.vector_store %arg16[%swap3A_279, %swap3A_280], %swap3A_283 {strides = array<i32>} : memref<128x64xf32, #tpu.memory_space<vmem>>, vector<1x16xf32>,
      %swap3A_284 = arith.index_cast %add3A_269 : i32 to index
      %swap3A_285 = arith.constant 48 : index
      %swap3A_286 = tpu.vector_load %arg16[%swap3A_284, %swap3A_285] {strides = array<i32>} : memref<128x64xf32, #tpu.memory_space<vmem>>, vector<1x16xf32>,
      %swap3A_287 = vector.shape_cast %swap3A_286 : vector<1x16xf32> to vector<16xf32>
      %swap3A_288 = vector.shape_cast %broadcast_in_dim3A_1 : vector<16xf32> to vector<1x16xf32>
      tpu.vector_store %arg16[%swap3A_284, %swap3A_285], %swap3A_288 {strides = array<i32>} : memref<128x64xf32, #tpu.memory_space<vmem>>, vector<1x16xf32>,
    }
    %scan3A_133 = arith.constant 128 : i32
    %eq3A_134 = arith.constant 0 : i32
    %eq3A_135 = arith.cmpi eq, %arg0, %eq3A_134 : i32
    %ne3A_136 = arith.constant 15 : i32
    %ne3A_137 = arith.cmpi ne, %arg1, %ne3A_136 : i32
    %and3A_138 = arith.andi %eq3A_135, %ne3A_137 : i1
    %convert_element_type3A_139 = arith.extui %and3A_138 : i1 to i32
    %cond3A_140 = arith.constant 0 : i32
    %cond3A_141 = arith.cmpi ne, %convert_element_type3A_139, %cond3A_140 : i32
    scf.if %cond3A_141 {
      %dma_start3A_265 = arith.constant 0 : i32
      %dma_start3A_266 = tpu.memref_slice %arg12[%mul3A_0, %dma_start3A_265] : memref<10240x64xf32, #tpu.memory_space<vmem_shared>> -> memref<640x64xf32, #tpu.memory_space<vmem_shared>>
      %dma_start3A_267 = arith.constant 64 : i32
      %dma_start3A_268 = tpu.memref_slice %arg2[%mul3A_0, %dma_start3A_267] : memref<10000x128xf32, #tpu.memory_space<hbm>> -> memref<640x64xf32, #tpu.memory_space<hbm>>
      tpu.enqueue_dma source(%dma_start3A_268 : memref<640x64xf32, #tpu.memory_space<hbm>>) target(%dma_start3A_266 : memref<640x64xf32, #tpu.memory_space<vmem_shared>>) target_semaphore(%arg20 : memref<!tpu.dma_semaphore, #tpu.memory_space<semaphore_mem>>)
    } else {
    }
    %ne3A_142 = arith.constant 0 : i32
    %ne3A_143 = arith.cmpi ne, %arg0, %ne3A_142 : i32
    %ne3A_144 = arith.constant 15 : i32
    %ne3A_145 = arith.cmpi ne, %arg1, %ne3A_144 : i32
    %and3A_146 = arith.andi %ne3A_143, %ne3A_145 : i1
    %convert_element_type3A_147 = arith.extui %and3A_146 : i1 to i32
    %cond3A_148 = arith.constant 0 : i32
    %cond3A_149 = arith.cmpi ne, %convert_element_type3A_147, %cond3A_148 : i32
    scf.if %cond3A_149 {
      %dma_start3A_265 = arith.constant 0 : i32
      %dma_start3A_266 = tpu.memref_slice %arg12[%mul3A_0, %dma_start3A_265] : memref<10240x64xf32, #tpu.memory_space<vmem_shared>> -> memref<640x64xf32, #tpu.memory_space<vmem_shared>>
      %dma_start3A_267 = arith.constant 64 : i32
      %dma_start3A_268 = tpu.memref_slice %arg3[%mul3A_0, %dma_start3A_267] : memref<10000x128xf32, #tpu.memory_space<hbm>> -> memref<640x64xf32, #tpu.memory_space<hbm>>
      tpu.enqueue_dma source(%dma_start3A_268 : memref<640x64xf32, #tpu.memory_space<hbm>>) target(%dma_start3A_266 : memref<640x64xf32, #tpu.memory_space<vmem_shared>>) target_semaphore(%arg20 : memref<!tpu.dma_semaphore, #tpu.memory_space<semaphore_mem>>)
    } else {
    }
    %eq3A_150 = arith.constant 0 : i32
    %eq3A_151 = arith.cmpi eq, %arg0, %eq3A_150 : i32
    %eq3A_152 = arith.constant 15 : i32
    %eq3A_153 = arith.cmpi eq, %arg1, %eq3A_152 : i32
    %and3A_154 = arith.andi %eq3A_151, %eq3A_153 : i1
    %convert_element_type3A_155 = arith.extui %and3A_154 : i1 to i32
    %cond3A_156 = arith.constant 0 : i32
    %cond3A_157 = arith.cmpi ne, %convert_element_type3A_155, %cond3A_156 : i32
    scf.if %cond3A_157 {
      %dma_start3A_265 = arith.constant 0 : i32
      %dma_start3A_266 = tpu.memref_slice %arg12[%mul3A_0, %dma_start3A_265] : memref<10240x64xf32, #tpu.memory_space<vmem_shared>> -> memref<400x64xf32, #tpu.memory_space<vmem_shared>>
      %dma_start3A_267 = arith.constant 64 : i32
      %dma_start3A_268 = tpu.memref_slice %arg2[%mul3A_0, %dma_start3A_267] : memref<10000x128xf32, #tpu.memory_space<hbm>> -> memref<400x64xf32, #tpu.memory_space<hbm>>
      tpu.enqueue_dma source(%dma_start3A_268 : memref<400x64xf32, #tpu.memory_space<hbm>>) target(%dma_start3A_266 : memref<400x64xf32, #tpu.memory_space<vmem_shared>>) target_semaphore(%arg20 : memref<!tpu.dma_semaphore, #tpu.memory_space<semaphore_mem>>)
    } else {
    }
    %ne3A_158 = arith.constant 0 : i32
    %ne3A_159 = arith.cmpi ne, %arg0, %ne3A_158 : i32
    %eq3A_160 = arith.constant 15 : i32
    %eq3A_161 = arith.cmpi eq, %arg1, %eq3A_160 : i32
    %and3A_162 = arith.andi %ne3A_159, %eq3A_161 : i1
    %convert_element_type3A_163 = arith.extui %and3A_162 : i1 to i32
    %cond3A_164 = arith.constant 0 : i32
    %cond3A_165 = arith.cmpi ne, %convert_element_type3A_163, %cond3A_164 : i32
    scf.if %cond3A_165 {
      %dma_start3A_265 = arith.constant 0 : i32
      %dma_start3A_266 = tpu.memref_slice %arg12[%mul3A_0, %dma_start3A_265] : memref<10240x64xf32, #tpu.memory_space<vmem_shared>> -> memref<400x64xf32, #tpu.memory_space<vmem_shared>>
      %dma_start3A_267 = arith.constant 64 : i32
      %dma_start3A_268 = tpu.memref_slice %arg3[%mul3A_0, %dma_start3A_267] : memref<10000x128xf32, #tpu.memory_space<hbm>> -> memref<400x64xf32, #tpu.memory_space<hbm>>
      tpu.enqueue_dma source(%dma_start3A_268 : memref<400x64xf32, #tpu.memory_space<hbm>>) target(%dma_start3A_266 : memref<400x64xf32, #tpu.memory_space<vmem_shared>>) target_semaphore(%arg20 : memref<!tpu.dma_semaphore, #tpu.memory_space<semaphore_mem>>)
    } else {
    }
    %add3A_166 = arith.constant 0 : i32
    %add3A_167 = arith.addi %mul3A_0, %add3A_166 : i32
    %dma_start3A_168 = arith.constant 0 : i32
    %dma_start3A_169 = tpu.memref_slice %arg13[%add3A_167, %dma_start3A_168] : memref<10240x64xf32, #tpu.memory_space<vmem_shared>> -> memref<128x64xf32, #tpu.memory_space<vmem_shared>>
    %dma_start3A_170 = arith.constant 0 : i32
    %dma_start3A_171 = tpu.memref_slice %arg13[%add3A_167, %dma_start3A_170] : memref<10240x64xf32, #tpu.memory_space<vmem_shared>> -> memref<128x64xf32, #tpu.memory_space<vmem_shared>>
    tpu.enqueue_dma source(%arg16 : memref<128x64xf32, #tpu.memory_space<vmem>>) target(%dma_start3A_171 : memref<128x64xf32, #tpu.memory_space<vmem_shared>>) target_semaphore(%arg24 : memref<!tpu.dma_semaphore, #tpu.memory_space<semaphore_mem>>)
    %add3A_172 = arith.constant 128 : i32
    %add3A_173 = arith.addi %mul3A_0, %add3A_172 : i32
    %dma_start3A_174 = arith.constant 0 : i32
    %dma_start3A_175 = tpu.memref_slice %arg13[%add3A_173, %dma_start3A_174] : memref<10240x64xf32, #tpu.memory_space<vmem_shared>> -> memref<128x64xf32, #tpu.memory_space<vmem_shared>>
    %dma_start3A_176 = arith.constant 0 : i32
    %dma_start3A_177 = tpu.memref_slice %arg13[%add3A_173, %dma_start3A_176] : memref<10240x64xf32, #tpu.memory_space<vmem_shared>> -> memref<128x64xf32, #tpu.memory_space<vmem_shared>>
    tpu.enqueue_dma source(%arg16 : memref<128x64xf32, #tpu.memory_space<vmem>>) target(%dma_start3A_177 : memref<128x64xf32, #tpu.memory_space<vmem_shared>>) target_semaphore(%arg24 : memref<!tpu.dma_semaphore, #tpu.memory_space<semaphore_mem>>)
    %add3A_178 = arith.constant 256 : i32
    %add3A_179 = arith.addi %mul3A_0, %add3A_178 : i32
    %dma_start3A_180 = arith.constant 0 : i32
    %dma_start3A_181 = tpu.memref_slice %arg13[%add3A_179, %dma_start3A_180] : memref<10240x64xf32, #tpu.memory_space<vmem_shared>> -> memref<128x64xf32, #tpu.memory_space<vmem_shared>>
    %dma_start3A_182 = arith.constant 0 : i32
    %dma_start3A_183 = tpu.memref_slice %arg13[%add3A_179, %dma_start3A_182] : memref<10240x64xf32, #tpu.memory_space<vmem_shared>> -> memref<128x64xf32, #tpu.memory_space<vmem_shared>>
    tpu.enqueue_dma source(%arg16 : memref<128x64xf32, #tpu.memory_space<vmem>>) target(%dma_start3A_183 : memref<128x64xf32, #tpu.memory_space<vmem_shared>>) target_semaphore(%arg24 : memref<!tpu.dma_semaphore, #tpu.memory_space<semaphore_mem>>)
    %add3A_184 = arith.constant 384 : i32
    %add3A_185 = arith.addi %mul3A_0, %add3A_184 : i32
    %dma_start3A_186 = arith.constant 0 : i32
    %dma_start3A_187 = tpu.memref_slice %arg13[%add3A_185, %dma_start3A_186] : memref<10240x64xf32, #tpu.memory_space<vmem_shared>> -> memref<128x64xf32, #tpu.memory_space<vmem_shared>>
    %dma_start3A_188 = arith.constant 0 : i32
    %dma_start3A_189 = tpu.memref_slice %arg13[%add3A_185, %dma_start3A_188] : memref<10240x64xf32, #tpu.memory_space<vmem_shared>> -> memref<128x64xf32, #tpu.memory_space<vmem_shared>>
    tpu.enqueue_dma source(%arg16 : memref<128x64xf32, #tpu.memory_space<vmem>>) target(%dma_start3A_189 : memref<128x64xf32, #tpu.memory_space<vmem_shared>>) target_semaphore(%arg24 : memref<!tpu.dma_semaphore, #tpu.memory_space<semaphore_mem>>)
    %add3A_190 = arith.constant 512 : i32
    %add3A_191 = arith.addi %mul3A_0, %add3A_190 : i32
    %dma_start3A_192 = arith.constant 0 : i32
    %dma_start3A_193 = tpu.memref_slice %arg13[%add3A_191, %dma_start3A_192] : memref<10240x64xf32, #tpu.memory_space<vmem_shared>> -> memref<128x64xf32, #tpu.memory_space<vmem_shared>>
    %dma_start3A_194 = arith.constant 0 : i32
    %dma_start3A_195 = tpu.memref_slice %arg13[%add3A_191, %dma_start3A_194] : memref<10240x64xf32, #tpu.memory_space<vmem_shared>> -> memref<128x64xf32, #tpu.memory_space<vmem_shared>>
    tpu.enqueue_dma source(%arg16 : memref<128x64xf32, #tpu.memory_space<vmem>>) target(%dma_start3A_195 : memref<128x64xf32, #tpu.memory_space<vmem_shared>>) target_semaphore(%arg24 : memref<!tpu.dma_semaphore, #tpu.memory_space<semaphore_mem>>)
    %eq3A_196 = arith.constant 0 : i32
    %eq3A_197 = arith.cmpi eq, %arg0, %eq3A_196 : i32
    %ne3A_198 = arith.constant 15 : i32
    %ne3A_199 = arith.cmpi ne, %arg1, %ne3A_198 : i32
    %and3A_200 = arith.andi %eq3A_197, %ne3A_199 : i1
    %convert_element_type3A_201 = arith.extui %and3A_200 : i1 to i32
    %cond3A_202 = arith.constant 0 : i32
    %cond3A_203 = arith.cmpi ne, %convert_element_type3A_201, %cond3A_202 : i32
    scf.if %cond3A_203 {
      %dma_wait3A_265 = arith.constant 0 : i32
      %dma_wait3A_266 = tpu.memref_slice %arg12[%mul3A_0, %dma_wait3A_265] : memref<10240x64xf32, #tpu.memory_space<vmem_shared>> -> memref<640x64xf32, #tpu.memory_space<vmem_shared>>
      %dma_wait3A_267 = arith.constant 64 : i32
      %dma_wait3A_268 = tpu.memref_slice %arg2[%mul3A_0, %dma_wait3A_267] : memref<10000x128xf32, #tpu.memory_space<hbm>> -> memref<640x64xf32, #tpu.memory_space<hbm>>
      tpu.wait_dma2 semaphore(%arg20 : memref<!tpu.dma_semaphore, #tpu.memory_space<semaphore_mem>>) src(%dma_wait3A_268 : memref<640x64xf32, #tpu.memory_space<hbm>>) dst(%dma_wait3A_266 : memref<640x64xf32, #tpu.memory_space<vmem_shared>>)
    } else {
    }
    %ne3A_204 = arith.constant 0 : i32
    %ne3A_205 = arith.cmpi ne, %arg0, %ne3A_204 : i32
    %ne3A_206 = arith.constant 15 : i32
    %ne3A_207 = arith.cmpi ne, %arg1, %ne3A_206 : i32
    %and3A_208 = arith.andi %ne3A_205, %ne3A_207 : i1
    %convert_element_type3A_209 = arith.extui %and3A_208 : i1 to i32
    %cond3A_210 = arith.constant 0 : i32
    %cond3A_211 = arith.cmpi ne, %convert_element_type3A_209, %cond3A_210 : i32
    scf.if %cond3A_211 {
      %dma_wait3A_265 = arith.constant 0 : i32
      %dma_wait3A_266 = tpu.memref_slice %arg12[%mul3A_0, %dma_wait3A_265] : memref<10240x64xf32, #tpu.memory_space<vmem_shared>> -> memref<640x64xf32, #tpu.memory_space<vmem_shared>>
      %dma_wait3A_267 = arith.constant 64 : i32
      %dma_wait3A_268 = tpu.memref_slice %arg3[%mul3A_0, %dma_wait3A_267] : memref<10000x128xf32, #tpu.memory_space<hbm>> -> memref<640x64xf32, #tpu.memory_space<hbm>>
      tpu.wait_dma2 semaphore(%arg20 : memref<!tpu.dma_semaphore, #tpu.memory_space<semaphore_mem>>) src(%dma_wait3A_268 : memref<640x64xf32, #tpu.memory_space<hbm>>) dst(%dma_wait3A_266 : memref<640x64xf32, #tpu.memory_space<vmem_shared>>)
    } else {
    }
    %eq3A_212 = arith.constant 0 : i32
    %eq3A_213 = arith.cmpi eq, %arg0, %eq3A_212 : i32
    %eq3A_214 = arith.constant 15 : i32
    %eq3A_215 = arith.cmpi eq, %arg1, %eq3A_214 : i32
    %and3A_216 = arith.andi %eq3A_213, %eq3A_215 : i1
    %convert_element_type3A_217 = arith.extui %and3A_216 : i1 to i32
    %cond3A_218 = arith.constant 0 : i32
    %cond3A_219 = arith.cmpi ne, %convert_element_type3A_217, %cond3A_218 : i32
    scf.if %cond3A_219 {
      %dma_wait3A_265 = arith.constant 0 : i32
      %dma_wait3A_266 = tpu.memref_slice %arg12[%mul3A_0, %dma_wait3A_265] : memref<10240x64xf32, #tpu.memory_space<vmem_shared>> -> memref<400x64xf32, #tpu.memory_space<vmem_shared>>
      %dma_wait3A_267 = arith.constant 64 : i32
      %dma_wait3A_268 = tpu.memref_slice %arg2[%mul3A_0, %dma_wait3A_267] : memref<10000x128xf32, #tpu.memory_space<hbm>> -> memref<400x64xf32, #tpu.memory_space<hbm>>
      tpu.wait_dma2 semaphore(%arg20 : memref<!tpu.dma_semaphore, #tpu.memory_space<semaphore_mem>>) src(%dma_wait3A_268 : memref<400x64xf32, #tpu.memory_space<hbm>>) dst(%dma_wait3A_266 : memref<400x64xf32, #tpu.memory_space<vmem_shared>>)
    } else {
    }
    %ne3A_220 = arith.constant 0 : i32
    %ne3A_221 = arith.cmpi ne, %arg0, %ne3A_220 : i32
    %eq3A_222 = arith.constant 15 : i32
    %eq3A_223 = arith.cmpi eq, %arg1, %eq3A_222 : i32
    %and3A_224 = arith.andi %ne3A_221, %eq3A_223 : i1
    %convert_element_type3A_225 = arith.extui %and3A_224 : i1 to i32
    %cond3A_226 = arith.constant 0 : i32
    %cond3A_227 = arith.cmpi ne, %convert_element_type3A_225, %cond3A_226 : i32
    scf.if %cond3A_227 {
      %dma_wait3A_265 = arith.constant 0 : i32
      %dma_wait3A_266 = tpu.memref_slice %arg12[%mul3A_0, %dma_wait3A_265] : memref<10240x64xf32, #tpu.memory_space<vmem_shared>> -> memref<400x64xf32, #tpu.memory_space<vmem_shared>>
      %dma_wait3A_267 = arith.constant 64 : i32
      %dma_wait3A_268 = tpu.memref_slice %arg3[%mul3A_0, %dma_wait3A_267] : memref<10000x128xf32, #tpu.memory_space<hbm>> -> memref<400x64xf32, #tpu.memory_space<hbm>>
      tpu.wait_dma2 semaphore(%arg20 : memref<!tpu.dma_semaphore, #tpu.memory_space<semaphore_mem>>) src(%dma_wait3A_268 : memref<400x64xf32, #tpu.memory_space<hbm>>) dst(%dma_wait3A_266 : memref<400x64xf32, #tpu.memory_space<vmem_shared>>)
    } else {
    }
    %dma_wait3A_228 = arith.constant 0 : i32
    %dma_wait3A_229 = tpu.memref_slice %arg13[%mul3A_0, %dma_wait3A_228] : memref<10240x64xf32, #tpu.memory_space<vmem_shared>> -> memref<128x64xf32, #tpu.memory_space<vmem_shared>>
    %dma_wait3A_230 = arith.constant 0 : i32
    %dma_wait3A_231 = tpu.memref_slice %arg13[%mul3A_0, %dma_wait3A_230] : memref<10240x64xf32, #tpu.memory_space<vmem_shared>> -> memref<128x64xf32, #tpu.memory_space<vmem_shared>>
    tpu.wait_dma2 semaphore(%arg24 : memref<!tpu.dma_semaphore, #tpu.memory_space<semaphore_mem>>) src(%arg16 : memref<128x64xf32, #tpu.memory_space<vmem>>) dst(%dma_wait3A_231 : memref<128x64xf32, #tpu.memory_space<vmem_shared>>)
    %dma_wait3A_232 = arith.constant 0 : i32
    %dma_wait3A_233 = tpu.memref_slice %arg13[%mul3A_0, %dma_wait3A_232] : memref<10240x64xf32, #tpu.memory_space<vmem_shared>> -> memref<128x64xf32, #tpu.memory_space<vmem_shared>>
    %dma_wait3A_234 = arith.constant 0 : i32
    %dma_wait3A_235 = tpu.memref_slice %arg13[%mul3A_0, %dma_wait3A_234] : memref<10240x64xf32, #tpu.memory_space<vmem_shared>> -> memref<128x64xf32, #tpu.memory_space<vmem_shared>>
    tpu.wait_dma2 semaphore(%arg24 : memref<!tpu.dma_semaphore, #tpu.memory_space<semaphore_mem>>) src(%arg16 : memref<128x64xf32, #tpu.memory_space<vmem>>) dst(%dma_wait3A_235 : memref<128x64xf32, #tpu.memory_space<vmem_shared>>)
    %dma_wait3A_236 = arith.constant 0 : i32
    %dma_wait3A_237 = tpu.memref_slice %arg13[%mul3A_0, %dma_wait3A_236] : memref<10240x64xf32, #tpu.memory_space<vmem_shared>> -> memref<128x64xf32, #tpu.memory_space<vmem_shared>>
    %dma_wait3A_238 = arith.constant 0 : i32
    %dma_wait3A_239 = tpu.memref_slice %arg13[%mul3A_0, %dma_wait3A_238] : memref<10240x64xf32, #tpu.memory_space<vmem_shared>> -> memref<128x64xf32, #tpu.memory_space<vmem_shared>>
    tpu.wait_dma2 semaphore(%arg24 : memref<!tpu.dma_semaphore, #tpu.memory_space<semaphore_mem>>) src(%arg16 : memref<128x64xf32, #tpu.memory_space<vmem>>) dst(%dma_wait3A_239 : memref<128x64xf32, #tpu.memory_space<vmem_shared>>)
    %dma_wait3A_240 = arith.constant 0 : i32
    %dma_wait3A_241 = tpu.memref_slice %arg13[%mul3A_0, %dma_wait3A_240] : memref<10240x64xf32, #tpu.memory_space<vmem_shared>> -> memref<128x64xf32, #tpu.memory_space<vmem_shared>>
    %dma_wait3A_242 = arith.constant 0 : i32
    %dma_wait3A_243 = tpu.memref_slice %arg13[%mul3A_0, %dma_wait3A_242] : memref<10240x64xf32, #tpu.memory_space<vmem_shared>> -> memref<128x64xf32, #tpu.memory_space<vmem_shared>>
    tpu.wait_dma2 semaphore(%arg24 : memref<!tpu.dma_semaphore, #tpu.memory_space<semaphore_mem>>) src(%arg16 : memref<128x64xf32, #tpu.memory_space<vmem>>) dst(%dma_wait3A_243 : memref<128x64xf32, #tpu.memory_space<vmem_shared>>)
    %dma_wait3A_244 = arith.constant 0 : i32
    %dma_wait3A_245 = tpu.memref_slice %arg13[%mul3A_0, %dma_wait3A_244] : memref<10240x64xf32, #tpu.memory_space<vmem_shared>> -> memref<128x64xf32, #tpu.memory_space<vmem_shared>>
    %dma_wait3A_246 = arith.constant 0 : i32
    %dma_wait3A_247 = tpu.memref_slice %arg13[%mul3A_0, %dma_wait3A_246] : memref<10240x64xf32, #tpu.memory_space<vmem_shared>> -> memref<128x64xf32, #tpu.memory_space<vmem_shared>>
    tpu.wait_dma2 semaphore(%arg24 : memref<!tpu.dma_semaphore, #tpu.memory_space<semaphore_mem>>) src(%arg16 : memref<128x64xf32, #tpu.memory_space<vmem>>) dst(%dma_wait3A_247 : memref<128x64xf32, #tpu.memory_space<vmem_shared>>)
    %barrier3A_248 = arith.constant 0 : index
    tpu.barrier barrier_id(%barrier3A_248)
    %scan3A_249 = arith.constant 0 : i32
    %scan3A_250 = arith.constant 4 : i32
    %scan3A_251 = arith.addi %scan3A_249, %scan3A_250 : i32
    %scan3A_252 = arith.constant 1 : i32
    scf.for %scan3A_265 = %scan3A_249 to %scan3A_251 step %scan3A_252  : i32 {
      %mul3A_266 = arith.constant 1 : i32
      %mul3A_267 = arith.muli %scan3A_265, %mul3A_266 : i32
      %add3A_268 = arith.constant 0 : i32
      %add3A_269 = arith.addi %add3A_268, %mul3A_267 : i32
      %eq3A_270 = arith.constant 0 : i32
      %eq3A_271 = arith.cmpi eq, %arg0, %eq3A_270 : i32
      %convert_element_type3A_272 = arith.extui %eq3A_271 : i1 to i32
      %cond3A_273 = arith.constant 0 : i32
      %cond3A_274 = arith.cmpi ne, %convert_element_type3A_272, %cond3A_273 : i32
      scf.if %cond3A_274 {
        "tpu.region"() ({
          %run_scoped3A = tpu.sem_alloc : memref<!tpu.dma_semaphore, #tpu.memory_space<semaphore_mem>>
          %dma_start3A_355 = arith.constant 0 : i32
          %dma_start3A_356 = arith.constant 0 : i32
          %dma_start3A_357 = tpu.memref_slice %arg4[%arg1, %add3A_269, %dma_start3A_355, %dma_start3A_356] : memref<16x4x40x125xi32, #tpu.memory_space<hbm>> -> memref<1x1x40x125xi32, #tpu.memory_space<hbm>>
          %dma_start3A_358 = tpu.memref_squeeze %dma_start3A_357 : memref<1x1x40x125xi32, #tpu.memory_space<hbm>> -> memref<40x125xi32, #tpu.memory_space<hbm>>
          %dma_start3A_359 = arith.constant 0 : i32
          %dma_start3A_360 = arith.constant 0 : i32
          %dma_start3A_361 = tpu.memref_slice %arg4[%arg1, %add3A_269, %dma_start3A_359, %dma_start3A_360] : memref<16x4x40x125xi32, #tpu.memory_space<hbm>> -> memref<1x1x40x125xi32, #tpu.memory_space<hbm>>
          %dma_start3A_362 = tpu.memref_squeeze %dma_start3A_361 : memref<1x1x40x125xi32, #tpu.memory_space<hbm>> -> memref<40x125xi32, #tpu.memory_space<hbm>>
          tpu.enqueue_dma source(%dma_start3A_362 : memref<40x125xi32, #tpu.memory_space<hbm>>) target(%arg14 : memref<40x125xi32, #tpu.memory_space<vmem>>) target_semaphore(%run_scoped3A : memref<!tpu.dma_semaphore, #tpu.memory_space<semaphore_mem>>)
          %dma_wait3A_363 = arith.constant 0 : i32
          %dma_wait3A_364 = arith.constant 0 : i32
          %dma_wait3A_365 = tpu.memref_slice %arg4[%arg1, %add3A_269, %dma_wait3A_363, %dma_wait3A_364] : memref<16x4x40x125xi32, #tpu.memory_space<hbm>> -> memref<1x1x40x125xi32, #tpu.memory_space<hbm>>
          %dma_wait3A_366 = tpu.memref_squeeze %dma_wait3A_365 : memref<1x1x40x125xi32, #tpu.memory_space<hbm>> -> memref<40x125xi32, #tpu.memory_space<hbm>>
          %dma_wait3A_367 = arith.constant 0 : i32
          %dma_wait3A_368 = arith.constant 0 : i32
          %dma_wait3A_369 = tpu.memref_slice %arg4[%arg1, %add3A_269, %dma_wait3A_367, %dma_wait3A_368] : memref<16x4x40x125xi32, #tpu.memory_space<hbm>> -> memref<1x1x40x125xi32, #tpu.memory_space<hbm>>
          %dma_wait3A_370 = tpu.memref_squeeze %dma_wait3A_369 : memref<1x1x40x125xi32, #tpu.memory_space<hbm>> -> memref<40x125xi32, #tpu.memory_space<hbm>>
          tpu.wait_dma2 semaphore(%run_scoped3A : memref<!tpu.dma_semaphore, #tpu.memory_space<semaphore_mem>>) src(%dma_wait3A_370 : memref<40x125xi32, #tpu.memory_space<hbm>>) dst(%arg14 : memref<40x125xi32, #tpu.memory_space<vmem>>)
          tpu.yield
        }) : () -> ()
        "tpu.region"() ({
          %run_scoped3A = tpu.sem_alloc : memref<!tpu.dma_semaphore, #tpu.memory_space<semaphore_mem>>
          %dma_start3A_355 = arith.constant 0 : i32
          %dma_start3A_356 = arith.constant 0 : i32
          %dma_start3A_357 = tpu.memref_slice %arg5[%arg1, %add3A_269, %dma_start3A_355, %dma_start3A_356] : memref<16x4x40x125xi32, #tpu.memory_space<hbm>> -> memref<1x1x40x125xi32, #tpu.memory_space<hbm>>
          %dma_start3A_358 = tpu.memref_squeeze %dma_start3A_357 : memref<1x1x40x125xi32, #tpu.memory_space<hbm>> -> memref<40x125xi32, #tpu.memory_space<hbm>>
          %dma_start3A_359 = arith.constant 0 : i32
          %dma_start3A_360 = arith.constant 0 : i32
          %dma_start3A_361 = tpu.memref_slice %arg5[%arg1, %add3A_269, %dma_start3A_359, %dma_start3A_360] : memref<16x4x40x125xi32, #tpu.memory_space<hbm>> -> memref<1x1x40x125xi32, #tpu.memory_space<hbm>>
          %dma_start3A_362 = tpu.memref_squeeze %dma_start3A_361 : memref<1x1x40x125xi32, #tpu.memory_space<hbm>> -> memref<40x125xi32, #tpu.memory_space<hbm>>
          tpu.enqueue_dma source(%dma_start3A_362 : memref<40x125xi32, #tpu.memory_space<hbm>>) target(%arg15 : memref<40x125xi32, #tpu.memory_space<vmem>>) target_semaphore(%run_scoped3A : memref<!tpu.dma_semaphore, #tpu.memory_space<semaphore_mem>>)
          %dma_wait3A_363 = arith.constant 0 : i32
          %dma_wait3A_364 = arith.constant 0 : i32
          %dma_wait3A_365 = tpu.memref_slice %arg5[%arg1, %add3A_269, %dma_wait3A_363, %dma_wait3A_364] : memref<16x4x40x125xi32, #tpu.memory_space<hbm>> -> memref<1x1x40x125xi32, #tpu.memory_space<hbm>>
          %dma_wait3A_366 = tpu.memref_squeeze %dma_wait3A_365 : memref<1x1x40x125xi32, #tpu.memory_space<hbm>> -> memref<40x125xi32, #tpu.memory_space<hbm>>
          %dma_wait3A_367 = arith.constant 0 : i32
          %dma_wait3A_368 = arith.constant 0 : i32
          %dma_wait3A_369 = tpu.memref_slice %arg5[%arg1, %add3A_269, %dma_wait3A_367, %dma_wait3A_368] : memref<16x4x40x125xi32, #tpu.memory_space<hbm>> -> memref<1x1x40x125xi32, #tpu.memory_space<hbm>>
          %dma_wait3A_370 = tpu.memref_squeeze %dma_wait3A_369 : memref<1x1x40x125xi32, #tpu.memory_space<hbm>> -> memref<40x125xi32, #tpu.memory_space<hbm>>
          tpu.wait_dma2 semaphore(%run_scoped3A : memref<!tpu.dma_semaphore, #tpu.memory_space<semaphore_mem>>) src(%dma_wait3A_370 : memref<40x125xi32, #tpu.memory_space<hbm>>) dst(%arg15 : memref<40x125xi32, #tpu.memory_space<vmem>>)
          tpu.yield
        }) : () -> ()
      } else {
      }
      %ne3A_275 = arith.constant 0 : i32
      %ne3A_276 = arith.cmpi ne, %arg0, %ne3A_275 : i32
      %convert_element_type3A_277 = arith.extui %ne3A_276 : i1 to i32
      %cond3A_278 = arith.constant 0 : i32
      %cond3A_279 = arith.cmpi ne, %convert_element_type3A_277, %cond3A_278 : i32
      scf.if %cond3A_279 {
        "tpu.region"() ({
          %run_scoped3A = tpu.sem_alloc : memref<!tpu.dma_semaphore, #tpu.memory_space<semaphore_mem>>
          %dma_start3A_355 = arith.constant 0 : i32
          %dma_start3A_356 = arith.constant 0 : i32
          %dma_start3A_357 = tpu.memref_slice %arg6[%arg1, %add3A_269, %dma_start3A_355, %dma_start3A_356] : memref<16x4x40x125xi32, #tpu.memory_space<hbm>> -> memref<1x1x40x125xi32, #tpu.memory_space<hbm>>
          %dma_start3A_358 = tpu.memref_squeeze %dma_start3A_357 : memref<1x1x40x125xi32, #tpu.memory_space<hbm>> -> memref<40x125xi32, #tpu.memory_space<hbm>>
          %dma_start3A_359 = arith.constant 0 : i32
          %dma_start3A_360 = arith.constant 0 : i32
          %dma_start3A_361 = tpu.memref_slice %arg6[%arg1, %add3A_269, %dma_start3A_359, %dma_start3A_360] : memref<16x4x40x125xi32, #tpu.memory_space<hbm>> -> memref<1x1x40x125xi32, #tpu.memory_space<hbm>>
          %dma_start3A_362 = tpu.memref_squeeze %dma_start3A_361 : memref<1x1x40x125xi32, #tpu.memory_space<hbm>> -> memref<40x125xi32, #tpu.memory_space<hbm>>
          tpu.enqueue_dma source(%dma_start3A_362 : memref<40x125xi32, #tpu.memory_space<hbm>>) target(%arg14 : memref<40x125xi32, #tpu.memory_space<vmem>>) target_semaphore(%run_scoped3A : memref<!tpu.dma_semaphore, #tpu.memory_space<semaphore_mem>>)
          %dma_wait3A_363 = arith.constant 0 : i32
          %dma_wait3A_364 = arith.constant 0 : i32
          %dma_wait3A_365 = tpu.memref_slice %arg6[%arg1, %add3A_269, %dma_wait3A_363, %dma_wait3A_364] : memref<16x4x40x125xi32, #tpu.memory_space<hbm>> -> memref<1x1x40x125xi32, #tpu.memory_space<hbm>>
          %dma_wait3A_366 = tpu.memref_squeeze %dma_wait3A_365 : memref<1x1x40x125xi32, #tpu.memory_space<hbm>> -> memref<40x125xi32, #tpu.memory_space<hbm>>
          %dma_wait3A_367 = arith.constant 0 : i32
          %dma_wait3A_368 = arith.constant 0 : i32
          %dma_wait3A_369 = tpu.memref_slice %arg6[%arg1, %add3A_269, %dma_wait3A_367, %dma_wait3A_368] : memref<16x4x40x125xi32, #tpu.memory_space<hbm>> -> memref<1x1x40x125xi32, #tpu.memory_space<hbm>>
          %dma_wait3A_370 = tpu.memref_squeeze %dma_wait3A_369 : memref<1x1x40x125xi32, #tpu.memory_space<hbm>> -> memref<40x125xi32, #tpu.memory_space<hbm>>
          tpu.wait_dma2 semaphore(%run_scoped3A : memref<!tpu.dma_semaphore, #tpu.memory_space<semaphore_mem>>) src(%dma_wait3A_370 : memref<40x125xi32, #tpu.memory_space<hbm>>) dst(%arg14 : memref<40x125xi32, #tpu.memory_space<vmem>>)
          tpu.yield
        }) : () -> ()
        "tpu.region"() ({
          %run_scoped3A = tpu.sem_alloc : memref<!tpu.dma_semaphore, #tpu.memory_space<semaphore_mem>>
          %dma_start3A_355 = arith.constant 0 : i32
          %dma_start3A_356 = arith.constant 0 : i32
          %dma_start3A_357 = tpu.memref_slice %arg7[%arg1, %add3A_269, %dma_start3A_355, %dma_start3A_356] : memref<16x4x40x125xi32, #tpu.memory_space<hbm>> -> memref<1x1x40x125xi32, #tpu.memory_space<hbm>>
          %dma_start3A_358 = tpu.memref_squeeze %dma_start3A_357 : memref<1x1x40x125xi32, #tpu.memory_space<hbm>> -> memref<40x125xi32, #tpu.memory_space<hbm>>
          %dma_start3A_359 = arith.constant 0 : i32
          %dma_start3A_360 = arith.constant 0 : i32
          %dma_start3A_361 = tpu.memref_slice %arg7[%arg1, %add3A_269, %dma_start3A_359, %dma_start3A_360] : memref<16x4x40x125xi32, #tpu.memory_space<hbm>> -> memref<1x1x40x125xi32, #tpu.memory_space<hbm>>
          %dma_start3A_362 = tpu.memref_squeeze %dma_start3A_361 : memref<1x1x40x125xi32, #tpu.memory_space<hbm>> -> memref<40x125xi32, #tpu.memory_space<hbm>>
          tpu.enqueue_dma source(%dma_start3A_362 : memref<40x125xi32, #tpu.memory_space<hbm>>) target(%arg15 : memref<40x125xi32, #tpu.memory_space<vmem>>) target_semaphore(%run_scoped3A : memref<!tpu.dma_semaphore, #tpu.memory_space<semaphore_mem>>)
          %dma_wait3A_363 = arith.constant 0 : i32
          %dma_wait3A_364 = arith.constant 0 : i32
          %dma_wait3A_365 = tpu.memref_slice %arg7[%arg1, %add3A_269, %dma_wait3A_363, %dma_wait3A_364] : memref<16x4x40x125xi32, #tpu.memory_space<hbm>> -> memref<1x1x40x125xi32, #tpu.memory_space<hbm>>
          %dma_wait3A_366 = tpu.memref_squeeze %dma_wait3A_365 : memref<1x1x40x125xi32, #tpu.memory_space<hbm>> -> memref<40x125xi32, #tpu.memory_space<hbm>>
          %dma_wait3A_367 = arith.constant 0 : i32
          %dma_wait3A_368 = arith.constant 0 : i32
          %dma_wait3A_369 = tpu.memref_slice %arg7[%arg1, %add3A_269, %dma_wait3A_367, %dma_wait3A_368] : memref<16x4x40x125xi32, #tpu.memory_space<hbm>> -> memref<1x1x40x125xi32, #tpu.memory_space<hbm>>
          %dma_wait3A_370 = tpu.memref_squeeze %dma_wait3A_369 : memref<1x1x40x125xi32, #tpu.memory_space<hbm>> -> memref<40x125xi32, #tpu.memory_space<hbm>>
          tpu.wait_dma2 semaphore(%run_scoped3A : memref<!tpu.dma_semaphore, #tpu.memory_space<semaphore_mem>>) src(%dma_wait3A_370 : memref<40x125xi32, #tpu.memory_space<hbm>>) dst(%arg15 : memref<40x125xi32, #tpu.memory_space<vmem>>)
          tpu.yield
        }) : () -> ()
      } else {
      }
      %dma_start3A_280 = arith.constant 0 : i32
      %dma_start3A_281 = arith.constant 0 : i32
      %dma_start3A_282 = arith.constant 0 : i32
      %dma_start3A_283 = tpu.memref_slice %arg16[%dma_start3A_281, %dma_start3A_282] : memref<128x64xf32, #tpu.memory_space<vmem>> -> memref<125x64xf32, #tpu.memory_space<vmem>>
      %dma_start3A_284 = arith.constant 0 : i32
      %dma_start3A_285 = tpu.memref_slice %arg14[%dma_start3A_280, %dma_start3A_284] : memref<40x125xi32, #tpu.memory_space<vmem>> -> memref<1x125xi32, #tpu.memory_space<vmem>>
      %dma_start3A_286 = tpu.memref_squeeze %dma_start3A_285 : memref<1x125xi32, #tpu.memory_space<vmem>> -> memref<125xi32, #tpu.memory_space<vmem>>
      %dma_start3A_287 = arith.constant 0 : i32
      %dma_start3A_288 = arith.constant 0 : i32
      %dma_start3A_289 = tpu.memref_slice %arg12[%dma_start3A_287, %dma_start3A_288] : memref<10240x64xf32, #tpu.memory_space<vmem_shared>> -> memref<10240x64xf32, #tpu.memory_space<vmem_shared>>
      tpu.enqueue_indirect_dma source(%dma_start3A_289 : memref<10240x64xf32, #tpu.memory_space<vmem_shared>>) target(%dma_start3A_283 : memref<125x64xf32, #tpu.memory_space<vmem>>) offsets(%dma_start3A_286 : memref<125xi32, #tpu.memory_space<vmem>>) semaphore(%arg20 : memref<!tpu.dma_semaphore, #tpu.memory_space<semaphore_mem>>)
      %dma_start3A_290 = arith.constant 1 : i32
      %dma_start3A_291 = arith.constant 0 : i32
      %dma_start3A_292 = arith.constant 0 : i32
      %dma_start3A_293 = tpu.memref_slice %arg17[%dma_start3A_291, %dma_start3A_292] : memref<128x64xf32, #tpu.memory_space<vmem>> -> memref<125x64xf32, #tpu.memory_space<vmem>>
      %dma_start3A_294 = arith.constant 0 : i32
      %dma_start3A_295 = tpu.memref_slice %arg14[%dma_start3A_290, %dma_start3A_294] : memref<40x125xi32, #tpu.memory_space<vmem>> -> memref<1x125xi32, #tpu.memory_space<vmem>>
      %dma_start3A_296 = tpu.memref_squeeze %dma_start3A_295 : memref<1x125xi32, #tpu.memory_space<vmem>> -> memref<125xi32, #tpu.memory_space<vmem>>
      %dma_start3A_297 = arith.constant 0 : i32
      %dma_start3A_298 = arith.constant 0 : i32
      %dma_start3A_299 = tpu.memref_slice %arg12[%dma_start3A_297, %dma_start3A_298] : memref<10240x64xf32, #tpu.memory_space<vmem_shared>> -> memref<10240x64xf32, #tpu.memory_space<vmem_shared>>
      tpu.enqueue_indirect_dma source(%dma_start3A_299 : memref<10240x64xf32, #tpu.memory_space<vmem_shared>>) target(%dma_start3A_293 : memref<125x64xf32, #tpu.memory_space<vmem>>) offsets(%dma_start3A_296 : memref<125xi32, #tpu.memory_space<vmem>>) semaphore(%arg21 : memref<!tpu.dma_semaphore, #tpu.memory_space<semaphore_mem>>)
      %dma_start3A_300 = arith.constant 2 : i32
      %dma_start3A_301 = arith.constant 0 : i32
      %dma_start3A_302 = arith.constant 0 : i32
      %dma_start3A_303 = tpu.memref_slice %arg18[%dma_start3A_301, %dma_start3A_302] : memref<128x64xf32, #tpu.memory_space<vmem>> -> memref<125x64xf32, #tpu.memory_space<vmem>>
      %dma_start3A_304 = arith.constant 0 : i32
      %dma_start3A_305 = tpu.memref_slice %arg14[%dma_start3A_300, %dma_start3A_304] : memref<40x125xi32, #tpu.memory_space<vmem>> -> memref<1x125xi32, #tpu.memory_space<vmem>>
      %dma_start3A_306 = tpu.memref_squeeze %dma_start3A_305 : memref<1x125xi32, #tpu.memory_space<vmem>> -> memref<125xi32, #tpu.memory_space<vmem>>
      %dma_start3A_307 = arith.constant 0 : i32
      %dma_start3A_308 = arith.constant 0 : i32
      %dma_start3A_309 = tpu.memref_slice %arg12[%dma_start3A_307, %dma_start3A_308] : memref<10240x64xf32, #tpu.memory_space<vmem_shared>> -> memref<10240x64xf32, #tpu.memory_space<vmem_shared>>
      tpu.enqueue_indirect_dma source(%dma_start3A_309 : memref<10240x64xf32, #tpu.memory_space<vmem_shared>>) target(%dma_start3A_303 : memref<125x64xf32, #tpu.memory_space<vmem>>) offsets(%dma_start3A_306 : memref<125xi32, #tpu.memory_space<vmem>>) semaphore(%arg22 : memref<!tpu.dma_semaphore, #tpu.memory_space<semaphore_mem>>)
      %scan3A_310 = arith.constant 0 : i32
      %scan3A_311 = arith.constant 5 : i32
      %scan3A_312 = arith.addi %scan3A_310, %scan3A_311 : i32
      %scan3A_313 = arith.constant 1 : i32
      scf.for %scan3A_355 = %scan3A_310 to %scan3A_312 step %scan3A_313  : i32 {
        %mul3A_356 = arith.constant 1 : i32
        %mul3A_357 = arith.muli %scan3A_355, %mul3A_356 : i32
        %add3A_358 = arith.constant 0 : i32
        %add3A_359 = arith.addi %add3A_358, %mul3A_357 : i32
        %mul3A_360 = arith.constant 8 : i32
        %mul3A_361 = arith.muli %add3A_359, %mul3A_360 : i32
        %add3A_362 = arith.constant 0 : i32
        %add3A_363 = arith.addi %mul3A_361, %add3A_362 : i32
        %dma_wait3A_364 = arith.constant 0 : i32
        %dma_wait3A_365 = arith.constant 0 : i32
        %dma_wait3A_366 = arith.constant 0 : i32
        %dma_wait3A_367 = tpu.memref_slice %arg16[%dma_wait3A_365, %dma_wait3A_366] : memref<128x64xf32, #tpu.memory_space<vmem>> -> memref<125x64xf32, #tpu.memory_space<vmem>>
        %dma_wait3A_368 = arith.constant 0 : i32
        %dma_wait3A_369 = tpu.memref_slice %arg14[%dma_wait3A_364, %dma_wait3A_368] : memref<40x125xi32, #tpu.memory_space<vmem>> -> memref<1x125xi32, #tpu.memory_space<vmem>>
        %dma_wait3A_370 = tpu.memref_squeeze %dma_wait3A_369 : memref<1x125xi32, #tpu.memory_space<vmem>> -> memref<125xi32, #tpu.memory_space<vmem>>
        %dma_wait3A_371 = arith.constant 0 : i32
        %dma_wait3A_372 = arith.constant 0 : i32
        %dma_wait3A_373 = tpu.memref_slice %arg12[%dma_wait3A_371, %dma_wait3A_372] : memref<10240x64xf32, #tpu.memory_space<vmem_shared>> -> memref<10240x64xf32, #tpu.memory_space<vmem_shared>>
        tpu.wait_indirect_dma semaphore(%arg20 : memref<!tpu.dma_semaphore, #tpu.memory_space<semaphore_mem>>) src(%dma_wait3A_373 : memref<10240x64xf32, #tpu.memory_space<vmem_shared>>) dst(%dma_wait3A_367 : memref<125x64xf32, #tpu.memory_space<vmem>>)
        %dma_start3A_374 = arith.constant 0 : i32
        %dma_start3A_375 = arith.constant 0 : i32
        %dma_start3A_376 = tpu.memref_slice %arg16[%dma_start3A_374, %dma_start3A_375] : memref<128x64xf32, #tpu.memory_space<vmem>> -> memref<125x64xf32, #tpu.memory_space<vmem>>
        %dma_start3A_377 = arith.constant 0 : i32
        %dma_start3A_378 = tpu.memref_slice %arg15[%add3A_363, %dma_start3A_377] : memref<40x125xi32, #tpu.memory_space<vmem>> -> memref<1x125xi32, #tpu.memory_space<vmem>>
        %dma_start3A_379 = tpu.memref_squeeze %dma_start3A_378 : memref<1x125xi32, #tpu.memory_space<vmem>> -> memref<125xi32, #tpu.memory_space<vmem>>
        %dma_start3A_380 = arith.constant 0 : i32
        %dma_start3A_381 = arith.constant 0 : i32
        %dma_start3A_382 = tpu.memref_slice %arg13[%dma_start3A_380, %dma_start3A_381] : memref<10240x64xf32, #tpu.memory_space<vmem_shared>> -> memref<10240x64xf32, #tpu.memory_space<vmem_shared>>
        tpu.enqueue_indirect_dma source(%dma_start3A_376 : memref<125x64xf32, #tpu.memory_space<vmem>>) target(%dma_start3A_382 : memref<10240x64xf32, #tpu.memory_space<vmem_shared>>) offsets(%dma_start3A_379 : memref<125xi32, #tpu.memory_space<vmem>>) semaphore(%arg24 : memref<!tpu.dma_semaphore, #tpu.memory_space<semaphore_mem>>) {add = true}
        %add3A_383 = arith.constant 3 : i32
        %add3A_384 = arith.addi %add3A_363, %add3A_383 : i32
        %lt3A = arith.constant 40 : i32
        %lt3A_385 = arith.cmpi slt, %add3A_384, %lt3A : i32
        %convert_element_type3A_386 = arith.extui %lt3A_385 : i1 to i32
        %cond3A_387 = arith.constant 0 : i32
        %cond3A_388 = arith.cmpi ne, %convert_element_type3A_386, %cond3A_387 : i32
        scf.if %cond3A_388 {
          %ge3A = arith.constant 1 : i32
          %ge3A_599 = arith.cmpi sge, %add3A_363, %ge3A : i32
          %convert_element_type3A_600 = arith.extui %ge3A_599 : i1 to i32
          %cond3A_601 = arith.constant 0 : i32
          %cond3A_602 = arith.cmpi ne, %convert_element_type3A_600, %cond3A_601 : i32
          scf.if %cond3A_602 {
            %dma_wait3A_614 = arith.constant 0 : i32
            %dma_wait3A_615 = arith.constant 0 : i32
            %dma_wait3A_616 = arith.constant 0 : i32
            %dma_wait3A_617 = tpu.memref_slice %arg19[%dma_wait3A_615, %dma_wait3A_616] : memref<128x64xf32, #tpu.memory_space<vmem>> -> memref<125x64xf32, #tpu.memory_space<vmem>>
            %dma_wait3A_618 = arith.constant 0 : i32
            %dma_wait3A_619 = tpu.memref_slice %arg15[%dma_wait3A_614, %dma_wait3A_618] : memref<40x125xi32, #tpu.memory_space<vmem>> -> memref<1x125xi32, #tpu.memory_space<vmem>>
            %dma_wait3A_620 = tpu.memref_squeeze %dma_wait3A_619 : memref<1x125xi32, #tpu.memory_space<vmem>> -> memref<125xi32, #tpu.memory_space<vmem>>
            %dma_wait3A_621 = arith.constant 0 : i32
            %dma_wait3A_622 = arith.constant 0 : i32
            %dma_wait3A_623 = tpu.memref_slice %arg13[%dma_wait3A_621, %dma_wait3A_622] : memref<10240x64xf32, #tpu.memory_space<vmem_shared>> -> memref<10240x64xf32, #tpu.memory_space<vmem_shared>>
            tpu.wait_indirect_dma semaphore(%arg27 : memref<!tpu.dma_semaphore, #tpu.memory_space<semaphore_mem>>) src(%dma_wait3A_617 : memref<125x64xf32, #tpu.memory_space<vmem>>) dst(%dma_wait3A_623 : memref<10240x64xf32, #tpu.memory_space<vmem_shared>>)
          } else {
          }
          %add3A_603 = arith.constant 3 : i32
          %add3A_604 = arith.addi %add3A_363, %add3A_603 : i32
          %dma_start3A_605 = arith.constant 0 : i32
          %dma_start3A_606 = arith.constant 0 : i32
          %dma_start3A_607 = tpu.memref_slice %arg19[%dma_start3A_605, %dma_start3A_606] : memref<128x64xf32, #tpu.memory_space<vmem>> -> memref<125x64xf32, #tpu.memory_space<vmem>>
          %dma_start3A_608 = arith.constant 0 : i32
          %dma_start3A_609 = tpu.memref_slice %arg14[%add3A_604, %dma_start3A_608] : memref<40x125xi32, #tpu.memory_space<vmem>> -> memref<1x125xi32, #tpu.memory_space<vmem>>
          %dma_start3A_610 = tpu.memref_squeeze %dma_start3A_609 : memref<1x125xi32, #tpu.memory_space<vmem>> -> memref<125xi32, #tpu.memory_space<vmem>>
          %dma_start3A_611 = arith.constant 0 : i32
          %dma_start3A_612 = arith.constant 0 : i32
          %dma_start3A_613 = tpu.memref_slice %arg12[%dma_start3A_611, %dma_start3A_612] : memref<10240x64xf32, #tpu.memory_space<vmem_shared>> -> memref<10240x64xf32, #tpu.memory_space<vmem_shared>>
          tpu.enqueue_indirect_dma source(%dma_start3A_613 : memref<10240x64xf32, #tpu.memory_space<vmem_shared>>) target(%dma_start3A_607 : memref<125x64xf32, #tpu.memory_space<vmem>>) offsets(%dma_start3A_610 : memref<125xi32, #tpu.memory_space<vmem>>) semaphore(%arg23 : memref<!tpu.dma_semaphore, #tpu.memory_space<semaphore_mem>>)
        } else {
        }
        %mul3A_389 = arith.constant 8 : i32
        %mul3A_390 = arith.muli %add3A_359, %mul3A_389 : i32
        %add3A_391 = arith.constant 1 : i32
        %add3A_392 = arith.addi %mul3A_390, %add3A_391 : i32
        %dma_wait3A_393 = arith.constant 0 : i32
        %dma_wait3A_394 = arith.constant 0 : i32
        %dma_wait3A_395 = arith.constant 0 : i32
        %dma_wait3A_396 = tpu.memref_slice %arg17[%dma_wait3A_394, %dma_wait3A_395] : memref<128x64xf32, #tpu.memory_space<vmem>> -> memref<125x64xf32, #tpu.memory_space<vmem>>
        %dma_wait3A_397 = arith.constant 0 : i32
        %dma_wait3A_398 = tpu.memref_slice %arg14[%dma_wait3A_393, %dma_wait3A_397] : memref<40x125xi32, #tpu.memory_space<vmem>> -> memref<1x125xi32, #tpu.memory_space<vmem>>
        %dma_wait3A_399 = tpu.memref_squeeze %dma_wait3A_398 : memref<1x125xi32, #tpu.memory_space<vmem>> -> memref<125xi32, #tpu.memory_space<vmem>>
        %dma_wait3A_400 = arith.constant 0 : i32
        %dma_wait3A_401 = arith.constant 0 : i32
        %dma_wait3A_402 = tpu.memref_slice %arg12[%dma_wait3A_400, %dma_wait3A_401] : memref<10240x64xf32, #tpu.memory_space<vmem_shared>> -> memref<10240x64xf32, #tpu.memory_space<vmem_shared>>
        tpu.wait_indirect_dma semaphore(%arg21 : memref<!tpu.dma_semaphore, #tpu.memory_space<semaphore_mem>>) src(%dma_wait3A_402 : memref<10240x64xf32, #tpu.memory_space<vmem_shared>>) dst(%dma_wait3A_396 : memref<125x64xf32, #tpu.memory_space<vmem>>)
        %dma_start3A_403 = arith.constant 0 : i32
        %dma_start3A_404 = arith.constant 0 : i32
        %dma_start3A_405 = tpu.memref_slice %arg17[%dma_start3A_403, %dma_start3A_404] : memref<128x64xf32, #tpu.memory_space<vmem>> -> memref<125x64xf32, #tpu.memory_space<vmem>>
        %dma_start3A_406 = arith.constant 0 : i32
        %dma_start3A_407 = tpu.memref_slice %arg15[%add3A_392, %dma_start3A_406] : memref<40x125xi32, #tpu.memory_space<vmem>> -> memref<1x125xi32, #tpu.memory_space<vmem>>
        %dma_start3A_408 = tpu.memref_squeeze %dma_start3A_407 : memref<1x125xi32, #tpu.memory_space<vmem>> -> memref<125xi32, #tpu.memory_space<vmem>>
        %dma_start3A_409 = arith.constant 0 : i32
        %dma_start3A_410 = arith.constant 0 : i32
        %dma_start3A_411 = tpu.memref_slice %arg13[%dma_start3A_409, %dma_start3A_410] : memref<10240x64xf32, #tpu.memory_space<vmem_shared>> -> memref<10240x64xf32, #tpu.memory_space<vmem_shared>>
        tpu.enqueue_indirect_dma source(%dma_start3A_405 : memref<125x64xf32, #tpu.memory_space<vmem>>) target(%dma_start3A_411 : memref<10240x64xf32, #tpu.memory_space<vmem_shared>>) offsets(%dma_start3A_408 : memref<125xi32, #tpu.memory_space<vmem>>) semaphore(%arg25 : memref<!tpu.dma_semaphore, #tpu.memory_space<semaphore_mem>>) {add = true}
        %add3A_412 = arith.constant 3 : i32
        %add3A_413 = arith.addi %add3A_392, %add3A_412 : i32
        %lt3A_414 = arith.constant 40 : i32
        %lt3A_415 = arith.cmpi slt, %add3A_413, %lt3A_414 : i32
        %convert_element_type3A_416 = arith.extui %lt3A_415 : i1 to i32
        %cond3A_417 = arith.constant 0 : i32
        %cond3A_418 = arith.cmpi ne, %convert_element_type3A_416, %cond3A_417 : i32
        scf.if %cond3A_418 {
          %ge3A = arith.constant 1 : i32
          %ge3A_599 = arith.cmpi sge, %add3A_392, %ge3A : i32
          %convert_element_type3A_600 = arith.extui %ge3A_599 : i1 to i32
          %cond3A_601 = arith.constant 0 : i32
          %cond3A_602 = arith.cmpi ne, %convert_element_type3A_600, %cond3A_601 : i32
          scf.if %cond3A_602 {
            %dma_wait3A_614 = arith.constant 0 : i32
            %dma_wait3A_615 = arith.constant 0 : i32
            %dma_wait3A_616 = arith.constant 0 : i32
            %dma_wait3A_617 = tpu.memref_slice %arg16[%dma_wait3A_615, %dma_wait3A_616] : memref<128x64xf32, #tpu.memory_space<vmem>> -> memref<125x64xf32, #tpu.memory_space<vmem>>
            %dma_wait3A_618 = arith.constant 0 : i32
            %dma_wait3A_619 = tpu.memref_slice %arg15[%dma_wait3A_614, %dma_wait3A_618] : memref<40x125xi32, #tpu.memory_space<vmem>> -> memref<1x125xi32, #tpu.memory_space<vmem>>
            %dma_wait3A_620 = tpu.memref_squeeze %dma_wait3A_619 : memref<1x125xi32, #tpu.memory_space<vmem>> -> memref<125xi32, #tpu.memory_space<vmem>>
            %dma_wait3A_621 = arith.constant 0 : i32
            %dma_wait3A_622 = arith.constant 0 : i32
            %dma_wait3A_623 = tpu.memref_slice %arg13[%dma_wait3A_621, %dma_wait3A_622] : memref<10240x64xf32, #tpu.memory_space<vmem_shared>> -> memref<10240x64xf32, #tpu.memory_space<vmem_shared>>
            tpu.wait_indirect_dma semaphore(%arg24 : memref<!tpu.dma_semaphore, #tpu.memory_space<semaphore_mem>>) src(%dma_wait3A_617 : memref<125x64xf32, #tpu.memory_space<vmem>>) dst(%dma_wait3A_623 : memref<10240x64xf32, #tpu.memory_space<vmem_shared>>)
          } else {
          }
          %add3A_603 = arith.constant 3 : i32
          %add3A_604 = arith.addi %add3A_392, %add3A_603 : i32
          %dma_start3A_605 = arith.constant 0 : i32
          %dma_start3A_606 = arith.constant 0 : i32
          %dma_start3A_607 = tpu.memref_slice %arg16[%dma_start3A_605, %dma_start3A_606] : memref<128x64xf32, #tpu.memory_space<vmem>> -> memref<125x64xf32, #tpu.memory_space<vmem>>
          %dma_start3A_608 = arith.constant 0 : i32
          %dma_start3A_609 = tpu.memref_slice %arg14[%add3A_604, %dma_start3A_608] : memref<40x125xi32, #tpu.memory_space<vmem>> -> memref<1x125xi32, #tpu.memory_space<vmem>>
          %dma_start3A_610 = tpu.memref_squeeze %dma_start3A_609 : memref<1x125xi32, #tpu.memory_space<vmem>> -> memref<125xi32, #tpu.memory_space<vmem>>
          %dma_start3A_611 = arith.constant 0 : i32
          %dma_start3A_612 = arith.constant 0 : i32
          %dma_start3A_613 = tpu.memref_slice %arg12[%dma_start3A_611, %dma_start3A_612] : memref<10240x64xf32, #tpu.memory_space<vmem_shared>> -> memref<10240x64xf32, #tpu.memory_space<vmem_shared>>
          tpu.enqueue_indirect_dma source(%dma_start3A_613 : memref<10240x64xf32, #tpu.memory_space<vmem_shared>>) target(%dma_start3A_607 : memref<125x64xf32, #tpu.memory_space<vmem>>) offsets(%dma_start3A_610 : memref<125xi32, #tpu.memory_space<vmem>>) semaphore(%arg20 : memref<!tpu.dma_semaphore, #tpu.memory_space<semaphore_mem>>)
        } else {
        }
        %mul3A_419 = arith.constant 8 : i32
        %mul3A_420 = arith.muli %add3A_359, %mul3A_419 : i32
        %add3A_421 = arith.constant 2 : i32
        %add3A_422 = arith.addi %mul3A_420, %add3A_421 : i32
        %dma_wait3A_423 = arith.constant 0 : i32
        %dma_wait3A_424 = arith.constant 0 : i32
        %dma_wait3A_425 = arith.constant 0 : i32
        %dma_wait3A_426 = tpu.memref_slice %arg18[%dma_wait3A_424, %dma_wait3A_425] : memref<128x64xf32, #tpu.memory_space<vmem>> -> memref<125x64xf32, #tpu.memory_space<vmem>>
        %dma_wait3A_427 = arith.constant 0 : i32
        %dma_wait3A_428 = tpu.memref_slice %arg14[%dma_wait3A_423, %dma_wait3A_427] : memref<40x125xi32, #tpu.memory_space<vmem>> -> memref<1x125xi32, #tpu.memory_space<vmem>>
        %dma_wait3A_429 = tpu.memref_squeeze %dma_wait3A_428 : memref<1x125xi32, #tpu.memory_space<vmem>> -> memref<125xi32, #tpu.memory_space<vmem>>
        %dma_wait3A_430 = arith.constant 0 : i32
        %dma_wait3A_431 = arith.constant 0 : i32
        %dma_wait3A_432 = tpu.memref_slice %arg12[%dma_wait3A_430, %dma_wait3A_431] : memref<10240x64xf32, #tpu.memory_space<vmem_shared>> -> memref<10240x64xf32, #tpu.memory_space<vmem_shared>>
        tpu.wait_indirect_dma semaphore(%arg22 : memref<!tpu.dma_semaphore, #tpu.memory_space<semaphore_mem>>) src(%dma_wait3A_432 : memref<10240x64xf32, #tpu.memory_space<vmem_shared>>) dst(%dma_wait3A_426 : memref<125x64xf32, #tpu.memory_space<vmem>>)
        %dma_start3A_433 = arith.constant 0 : i32
        %dma_start3A_434 = arith.constant 0 : i32
        %dma_start3A_435 = tpu.memref_slice %arg18[%dma_start3A_433, %dma_start3A_434] : memref<128x64xf32, #tpu.memory_space<vmem>> -> memref<125x64xf32, #tpu.memory_space<vmem>>
        %dma_start3A_436 = arith.constant 0 : i32
        %dma_start3A_437 = tpu.memref_slice %arg15[%add3A_422, %dma_start3A_436] : memref<40x125xi32, #tpu.memory_space<vmem>> -> memref<1x125xi32, #tpu.memory_space<vmem>>
        %dma_start3A_438 = tpu.memref_squeeze %dma_start3A_437 : memref<1x125xi32, #tpu.memory_space<vmem>> -> memref<125xi32, #tpu.memory_space<vmem>>
        %dma_start3A_439 = arith.constant 0 : i32
        %dma_start3A_440 = arith.constant 0 : i32
        %dma_start3A_441 = tpu.memref_slice %arg13[%dma_start3A_439, %dma_start3A_440] : memref<10240x64xf32, #tpu.memory_space<vmem_shared>> -> memref<10240x64xf32, #tpu.memory_space<vmem_shared>>
        tpu.enqueue_indirect_dma source(%dma_start3A_435 : memref<125x64xf32, #tpu.memory_space<vmem>>) target(%dma_start3A_441 : memref<10240x64xf32, #tpu.memory_space<vmem_shared>>) offsets(%dma_start3A_438 : memref<125xi32, #tpu.memory_space<vmem>>) semaphore(%arg26 : memref<!tpu.dma_semaphore, #tpu.memory_space<semaphore_mem>>) {add = true}
        %add3A_442 = arith.constant 3 : i32
        %add3A_443 = arith.addi %add3A_422, %add3A_442 : i32
        %lt3A_444 = arith.constant 40 : i32
        %lt3A_445 = arith.cmpi slt, %add3A_443, %lt3A_444 : i32
        %convert_element_type3A_446 = arith.extui %lt3A_445 : i1 to i32
        %cond3A_447 = arith.constant 0 : i32
        %cond3A_448 = arith.cmpi ne, %convert_element_type3A_446, %cond3A_447 : i32
        scf.if %cond3A_448 {
          %ge3A = arith.constant 1 : i32
          %ge3A_599 = arith.cmpi sge, %add3A_422, %ge3A : i32
          %convert_element_type3A_600 = arith.extui %ge3A_599 : i1 to i32
          %cond3A_601 = arith.constant 0 : i32
          %cond3A_602 = arith.cmpi ne, %convert_element_type3A_600, %cond3A_601 : i32
          scf.if %cond3A_602 {
            %dma_wait3A_614 = arith.constant 0 : i32
            %dma_wait3A_615 = arith.constant 0 : i32
            %dma_wait3A_616 = arith.constant 0 : i32
            %dma_wait3A_617 = tpu.memref_slice %arg17[%dma_wait3A_615, %dma_wait3A_616] : memref<128x64xf32, #tpu.memory_space<vmem>> -> memref<125x64xf32, #tpu.memory_space<vmem>>
            %dma_wait3A_618 = arith.constant 0 : i32
            %dma_wait3A_619 = tpu.memref_slice %arg15[%dma_wait3A_614, %dma_wait3A_618] : memref<40x125xi32, #tpu.memory_space<vmem>> -> memref<1x125xi32, #tpu.memory_space<vmem>>
            %dma_wait3A_620 = tpu.memref_squeeze %dma_wait3A_619 : memref<1x125xi32, #tpu.memory_space<vmem>> -> memref<125xi32, #tpu.memory_space<vmem>>
            %dma_wait3A_621 = arith.constant 0 : i32
            %dma_wait3A_622 = arith.constant 0 : i32
            %dma_wait3A_623 = tpu.memref_slice %arg13[%dma_wait3A_621, %dma_wait3A_622] : memref<10240x64xf32, #tpu.memory_space<vmem_shared>> -> memref<10240x64xf32, #tpu.memory_space<vmem_shared>>
            tpu.wait_indirect_dma semaphore(%arg25 : memref<!tpu.dma_semaphore, #tpu.memory_space<semaphore_mem>>) src(%dma_wait3A_617 : memref<125x64xf32, #tpu.memory_space<vmem>>) dst(%dma_wait3A_623 : memref<10240x64xf32, #tpu.memory_space<vmem_shared>>)
          } else {
          }
          %add3A_603 = arith.constant 3 : i32
          %add3A_604 = arith.addi %add3A_422, %add3A_603 : i32
          %dma_start3A_605 = arith.constant 0 : i32
          %dma_start3A_606 = arith.constant 0 : i32
          %dma_start3A_607 = tpu.memref_slice %arg17[%dma_start3A_605, %dma_start3A_606] : memref<128x64xf32, #tpu.memory_space<vmem>> -> memref<125x64xf32, #tpu.memory_space<vmem>>
          %dma_start3A_608 = arith.constant 0 : i32
          %dma_start3A_609 = tpu.memref_slice %arg14[%add3A_604, %dma_start3A_608] : memref<40x125xi32, #tpu.memory_space<vmem>> -> memref<1x125xi32, #tpu.memory_space<vmem>>
          %dma_start3A_610 = tpu.memref_squeeze %dma_start3A_609 : memref<1x125xi32, #tpu.memory_space<vmem>> -> memref<125xi32, #tpu.memory_space<vmem>>
          %dma_start3A_611 = arith.constant 0 : i32
          %dma_start3A_612 = arith.constant 0 : i32
          %dma_start3A_613 = tpu.memref_slice %arg12[%dma_start3A_611, %dma_start3A_612] : memref<10240x64xf32, #tpu.memory_space<vmem_shared>> -> memref<10240x64xf32, #tpu.memory_space<vmem_shared>>
          tpu.enqueue_indirect_dma source(%dma_start3A_613 : memref<10240x64xf32, #tpu.memory_space<vmem_shared>>) target(%dma_start3A_607 : memref<125x64xf32, #tpu.memory_space<vmem>>) offsets(%dma_start3A_610 : memref<125xi32, #tpu.memory_space<vmem>>) semaphore(%arg21 : memref<!tpu.dma_semaphore, #tpu.memory_space<semaphore_mem>>)
        } else {
        }
        %mul3A_449 = arith.constant 8 : i32
        %mul3A_450 = arith.muli %add3A_359, %mul3A_449 : i32
        %add3A_451 = arith.constant 3 : i32
        %add3A_452 = arith.addi %mul3A_450, %add3A_451 : i32
        %dma_wait3A_453 = arith.constant 0 : i32
        %dma_wait3A_454 = arith.constant 0 : i32
        %dma_wait3A_455 = arith.constant 0 : i32
        %dma_wait3A_456 = tpu.memref_slice %arg19[%dma_wait3A_454, %dma_wait3A_455] : memref<128x64xf32, #tpu.memory_space<vmem>> -> memref<125x64xf32, #tpu.memory_space<vmem>>
        %dma_wait3A_457 = arith.constant 0 : i32
        %dma_wait3A_458 = tpu.memref_slice %arg14[%dma_wait3A_453, %dma_wait3A_457] : memref<40x125xi32, #tpu.memory_space<vmem>> -> memref<1x125xi32, #tpu.memory_space<vmem>>
        %dma_wait3A_459 = tpu.memref_squeeze %dma_wait3A_458 : memref<1x125xi32, #tpu.memory_space<vmem>> -> memref<125xi32, #tpu.memory_space<vmem>>
        %dma_wait3A_460 = arith.constant 0 : i32
        %dma_wait3A_461 = arith.constant 0 : i32
        %dma_wait3A_462 = tpu.memref_slice %arg12[%dma_wait3A_460, %dma_wait3A_461] : memref<10240x64xf32, #tpu.memory_space<vmem_shared>> -> memref<10240x64xf32, #tpu.memory_space<vmem_shared>>
        tpu.wait_indirect_dma semaphore(%arg23 : memref<!tpu.dma_semaphore, #tpu.memory_space<semaphore_mem>>) src(%dma_wait3A_462 : memref<10240x64xf32, #tpu.memory_space<vmem_shared>>) dst(%dma_wait3A_456 : memref<125x64xf32, #tpu.memory_space<vmem>>)
        %dma_start3A_463 = arith.constant 0 : i32
        %dma_start3A_464 = arith.constant 0 : i32
        %dma_start3A_465 = tpu.memref_slice %arg19[%dma_start3A_463, %dma_start3A_464] : memref<128x64xf32, #tpu.memory_space<vmem>> -> memref<125x64xf32, #tpu.memory_space<vmem>>
        %dma_start3A_466 = arith.constant 0 : i32
        %dma_start3A_467 = tpu.memref_slice %arg15[%add3A_452, %dma_start3A_466] : memref<40x125xi32, #tpu.memory_space<vmem>> -> memref<1x125xi32, #tpu.memory_space<vmem>>
        %dma_start3A_468 = tpu.memref_squeeze %dma_start3A_467 : memref<1x125xi32, #tpu.memory_space<vmem>> -> memref<125xi32, #tpu.memory_space<vmem>>
        %dma_start3A_469 = arith.constant 0 : i32
        %dma_start3A_470 = arith.constant 0 : i32
        %dma_start3A_471 = tpu.memref_slice %arg13[%dma_start3A_469, %dma_start3A_470] : memref<10240x64xf32, #tpu.memory_space<vmem_shared>> -> memref<10240x64xf32, #tpu.memory_space<vmem_shared>>
        tpu.enqueue_indirect_dma source(%dma_start3A_465 : memref<125x64xf32, #tpu.memory_space<vmem>>) target(%dma_start3A_471 : memref<10240x64xf32, #tpu.memory_space<vmem_shared>>) offsets(%dma_start3A_468 : memref<125xi32, #tpu.memory_space<vmem>>) semaphore(%arg27 : memref<!tpu.dma_semaphore, #tpu.memory_space<semaphore_mem>>) {add = true}
        %add3A_472 = arith.constant 3 : i32
        %add3A_473 = arith.addi %add3A_452, %add3A_472 : i32
        %lt3A_474 = arith.constant 40 : i32
        %lt3A_475 = arith.cmpi slt, %add3A_473, %lt3A_474 : i32
        %convert_element_type3A_476 = arith.extui %lt3A_475 : i1 to i32
        %cond3A_477 = arith.constant 0 : i32
        %cond3A_478 = arith.cmpi ne, %convert_element_type3A_476, %cond3A_477 : i32
        scf.if %cond3A_478 {
          %ge3A = arith.constant 1 : i32
          %ge3A_599 = arith.cmpi sge, %add3A_452, %ge3A : i32
          %convert_element_type3A_600 = arith.extui %ge3A_599 : i1 to i32
          %cond3A_601 = arith.constant 0 : i32
          %cond3A_602 = arith.cmpi ne, %convert_element_type3A_600, %cond3A_601 : i32
          scf.if %cond3A_602 {
            %dma_wait3A_614 = arith.constant 0 : i32
            %dma_wait3A_615 = arith.constant 0 : i32
            %dma_wait3A_616 = arith.constant 0 : i32
            %dma_wait3A_617 = tpu.memref_slice %arg18[%dma_wait3A_615, %dma_wait3A_616] : memref<128x64xf32, #tpu.memory_space<vmem>> -> memref<125x64xf32, #tpu.memory_space<vmem>>
            %dma_wait3A_618 = arith.constant 0 : i32
            %dma_wait3A_619 = tpu.memref_slice %arg15[%dma_wait3A_614, %dma_wait3A_618] : memref<40x125xi32, #tpu.memory_space<vmem>> -> memref<1x125xi32, #tpu.memory_space<vmem>>
            %dma_wait3A_620 = tpu.memref_squeeze %dma_wait3A_619 : memref<1x125xi32, #tpu.memory_space<vmem>> -> memref<125xi32, #tpu.memory_space<vmem>>
            %dma_wait3A_621 = arith.constant 0 : i32
            %dma_wait3A_622 = arith.constant 0 : i32
            %dma_wait3A_623 = tpu.memref_slice %arg13[%dma_wait3A_621, %dma_wait3A_622] : memref<10240x64xf32, #tpu.memory_space<vmem_shared>> -> memref<10240x64xf32, #tpu.memory_space<vmem_shared>>
            tpu.wait_indirect_dma semaphore(%arg26 : memref<!tpu.dma_semaphore, #tpu.memory_space<semaphore_mem>>) src(%dma_wait3A_617 : memref<125x64xf32, #tpu.memory_space<vmem>>) dst(%dma_wait3A_623 : memref<10240x64xf32, #tpu.memory_space<vmem_shared>>)
          } else {
          }
          %add3A_603 = arith.constant 3 : i32
          %add3A_604 = arith.addi %add3A_452, %add3A_603 : i32
          %dma_start3A_605 = arith.constant 0 : i32
          %dma_start3A_606 = arith.constant 0 : i32
          %dma_start3A_607 = tpu.memref_slice %arg18[%dma_start3A_605, %dma_start3A_606] : memref<128x64xf32, #tpu.memory_space<vmem>> -> memref<125x64xf32, #tpu.memory_space<vmem>>
          %dma_start3A_608 = arith.constant 0 : i32
          %dma_start3A_609 = tpu.memref_slice %arg14[%add3A_604, %dma_start3A_608] : memref<40x125xi32, #tpu.memory_space<vmem>> -> memref<1x125xi32, #tpu.memory_space<vmem>>
          %dma_start3A_610 = tpu.memref_squeeze %dma_start3A_609 : memref<1x125xi32, #tpu.memory_space<vmem>> -> memref<125xi32, #tpu.memory_space<vmem>>
          %dma_start3A_611 = arith.constant 0 : i32
          %dma_start3A_612 = arith.constant 0 : i32
          %dma_start3A_613 = tpu.memref_slice %arg12[%dma_start3A_611, %dma_start3A_612] : memref<10240x64xf32, #tpu.memory_space<vmem_shared>> -> memref<10240x64xf32, #tpu.memory_space<vmem_shared>>
          tpu.enqueue_indirect_dma source(%dma_start3A_613 : memref<10240x64xf32, #tpu.memory_space<vmem_shared>>) target(%dma_start3A_607 : memref<125x64xf32, #tpu.memory_space<vmem>>) offsets(%dma_start3A_610 : memref<125xi32, #tpu.memory_space<vmem>>) semaphore(%arg22 : memref<!tpu.dma_semaphore, #tpu.memory_space<semaphore_mem>>)
        } else {
        }
        %mul3A_479 = arith.constant 8 : i32
        %mul3A_480 = arith.muli %add3A_359, %mul3A_479 : i32
        %add3A_481 = arith.constant 4 : i32
        %add3A_482 = arith.addi %mul3A_480, %add3A_481 : i32
        %dma_wait3A_483 = arith.constant 0 : i32
        %dma_wait3A_484 = arith.constant 0 : i32
        %dma_wait3A_485 = arith.constant 0 : i32
        %dma_wait3A_486 = tpu.memref_slice %arg16[%dma_wait3A_484, %dma_wait3A_485] : memref<128x64xf32, #tpu.memory_space<vmem>> -> memref<125x64xf32, #tpu.memory_space<vmem>>
        %dma_wait3A_487 = arith.constant 0 : i32
        %dma_wait3A_488 = tpu.memref_slice %arg14[%dma_wait3A_483, %dma_wait3A_487] : memref<40x125xi32, #tpu.memory_space<vmem>> -> memref<1x125xi32, #tpu.memory_space<vmem>>
        %dma_wait3A_489 = tpu.memref_squeeze %dma_wait3A_488 : memref<1x125xi32, #tpu.memory_space<vmem>> -> memref<125xi32, #tpu.memory_space<vmem>>
        %dma_wait3A_490 = arith.constant 0 : i32
        %dma_wait3A_491 = arith.constant 0 : i32
        %dma_wait3A_492 = tpu.memref_slice %arg12[%dma_wait3A_490, %dma_wait3A_491] : memref<10240x64xf32, #tpu.memory_space<vmem_shared>> -> memref<10240x64xf32, #tpu.memory_space<vmem_shared>>
        tpu.wait_indirect_dma semaphore(%arg20 : memref<!tpu.dma_semaphore, #tpu.memory_space<semaphore_mem>>) src(%dma_wait3A_492 : memref<10240x64xf32, #tpu.memory_space<vmem_shared>>) dst(%dma_wait3A_486 : memref<125x64xf32, #tpu.memory_space<vmem>>)
        %dma_start3A_493 = arith.constant 0 : i32
        %dma_start3A_494 = arith.constant 0 : i32
        %dma_start3A_495 = tpu.memref_slice %arg16[%dma_start3A_493, %dma_start3A_494] : memref<128x64xf32, #tpu.memory_space<vmem>> -> memref<125x64xf32, #tpu.memory_space<vmem>>
        %dma_start3A_496 = arith.constant 0 : i32
        %dma_start3A_497 = tpu.memref_slice %arg15[%add3A_482, %dma_start3A_496] : memref<40x125xi32, #tpu.memory_space<vmem>> -> memref<1x125xi32, #tpu.memory_space<vmem>>
        %dma_start3A_498 = tpu.memref_squeeze %dma_start3A_497 : memref<1x125xi32, #tpu.memory_space<vmem>> -> memref<125xi32, #tpu.memory_space<vmem>>
        %dma_start3A_499 = arith.constant 0 : i32
        %dma_start3A_500 = arith.constant 0 : i32
        %dma_start3A_501 = tpu.memref_slice %arg13[%dma_start3A_499, %dma_start3A_500] : memref<10240x64xf32, #tpu.memory_space<vmem_shared>> -> memref<10240x64xf32, #tpu.memory_space<vmem_shared>>
        tpu.enqueue_indirect_dma source(%dma_start3A_495 : memref<125x64xf32, #tpu.memory_space<vmem>>) target(%dma_start3A_501 : memref<10240x64xf32, #tpu.memory_space<vmem_shared>>) offsets(%dma_start3A_498 : memref<125xi32, #tpu.memory_space<vmem>>) semaphore(%arg24 : memref<!tpu.dma_semaphore, #tpu.memory_space<semaphore_mem>>) {add = true}
        %add3A_502 = arith.constant 3 : i32
        %add3A_503 = arith.addi %add3A_482, %add3A_502 : i32
        %lt3A_504 = arith.constant 40 : i32
        %lt3A_505 = arith.cmpi slt, %add3A_503, %lt3A_504 : i32
        %convert_element_type3A_506 = arith.extui %lt3A_505 : i1 to i32
        %cond3A_507 = arith.constant 0 : i32
        %cond3A_508 = arith.cmpi ne, %convert_element_type3A_506, %cond3A_507 : i32
        scf.if %cond3A_508 {
          %ge3A = arith.constant 1 : i32
          %ge3A_599 = arith.cmpi sge, %add3A_482, %ge3A : i32
          %convert_element_type3A_600 = arith.extui %ge3A_599 : i1 to i32
          %cond3A_601 = arith.constant 0 : i32
          %cond3A_602 = arith.cmpi ne, %convert_element_type3A_600, %cond3A_601 : i32
          scf.if %cond3A_602 {
            %dma_wait3A_614 = arith.constant 0 : i32
            %dma_wait3A_615 = arith.constant 0 : i32
            %dma_wait3A_616 = arith.constant 0 : i32
            %dma_wait3A_617 = tpu.memref_slice %arg19[%dma_wait3A_615, %dma_wait3A_616] : memref<128x64xf32, #tpu.memory_space<vmem>> -> memref<125x64xf32, #tpu.memory_space<vmem>>
            %dma_wait3A_618 = arith.constant 0 : i32
            %dma_wait3A_619 = tpu.memref_slice %arg15[%dma_wait3A_614, %dma_wait3A_618] : memref<40x125xi32, #tpu.memory_space<vmem>> -> memref<1x125xi32, #tpu.memory_space<vmem>>
            %dma_wait3A_620 = tpu.memref_squeeze %dma_wait3A_619 : memref<1x125xi32, #tpu.memory_space<vmem>> -> memref<125xi32, #tpu.memory_space<vmem>>
            %dma_wait3A_621 = arith.constant 0 : i32
            %dma_wait3A_622 = arith.constant 0 : i32
            %dma_wait3A_623 = tpu.memref_slice %arg13[%dma_wait3A_621, %dma_wait3A_622] : memref<10240x64xf32, #tpu.memory_space<vmem_shared>> -> memref<10240x64xf32, #tpu.memory_space<vmem_shared>>
            tpu.wait_indirect_dma semaphore(%arg27 : memref<!tpu.dma_semaphore, #tpu.memory_space<semaphore_mem>>) src(%dma_wait3A_617 : memref<125x64xf32, #tpu.memory_space<vmem>>) dst(%dma_wait3A_623 : memref<10240x64xf32, #tpu.memory_space<vmem_shared>>)
          } else {
          }
          %add3A_603 = arith.constant 3 : i32
          %add3A_604 = arith.addi %add3A_482, %add3A_603 : i32
          %dma_start3A_605 = arith.constant 0 : i32
          %dma_start3A_606 = arith.constant 0 : i32
          %dma_start3A_607 = tpu.memref_slice %arg19[%dma_start3A_605, %dma_start3A_606] : memref<128x64xf32, #tpu.memory_space<vmem>> -> memref<125x64xf32, #tpu.memory_space<vmem>>
          %dma_start3A_608 = arith.constant 0 : i32
          %dma_start3A_609 = tpu.memref_slice %arg14[%add3A_604, %dma_start3A_608] : memref<40x125xi32, #tpu.memory_space<vmem>> -> memref<1x125xi32, #tpu.memory_space<vmem>>
          %dma_start3A_610 = tpu.memref_squeeze %dma_start3A_609 : memref<1x125xi32, #tpu.memory_space<vmem>> -> memref<125xi32, #tpu.memory_space<vmem>>
          %dma_start3A_611 = arith.constant 0 : i32
          %dma_start3A_612 = arith.constant 0 : i32
          %dma_start3A_613 = tpu.memref_slice %arg12[%dma_start3A_611, %dma_start3A_612] : memref<10240x64xf32, #tpu.memory_space<vmem_shared>> -> memref<10240x64xf32, #tpu.memory_space<vmem_shared>>
          tpu.enqueue_indirect_dma source(%dma_start3A_613 : memref<10240x64xf32, #tpu.memory_space<vmem_shared>>) target(%dma_start3A_607 : memref<125x64xf32, #tpu.memory_space<vmem>>) offsets(%dma_start3A_610 : memref<125xi32, #tpu.memory_space<vmem>>) semaphore(%arg23 : memref<!tpu.dma_semaphore, #tpu.memory_space<semaphore_mem>>)
        } else {
        }
        %mul3A_509 = arith.constant 8 : i32
        %mul3A_510 = arith.muli %add3A_359, %mul3A_509 : i32
        %add3A_511 = arith.constant 5 : i32
        %add3A_512 = arith.addi %mul3A_510, %add3A_511 : i32
        %dma_wait3A_513 = arith.constant 0 : i32
        %dma_wait3A_514 = arith.constant 0 : i32
        %dma_wait3A_515 = arith.constant 0 : i32
        %dma_wait3A_516 = tpu.memref_slice %arg17[%dma_wait3A_514, %dma_wait3A_515] : memref<128x64xf32, #tpu.memory_space<vmem>> -> memref<125x64xf32, #tpu.memory_space<vmem>>
        %dma_wait3A_517 = arith.constant 0 : i32
        %dma_wait3A_518 = tpu.memref_slice %arg14[%dma_wait3A_513, %dma_wait3A_517] : memref<40x125xi32, #tpu.memory_space<vmem>> -> memref<1x125xi32, #tpu.memory_space<vmem>>
        %dma_wait3A_519 = tpu.memref_squeeze %dma_wait3A_518 : memref<1x125xi32, #tpu.memory_space<vmem>> -> memref<125xi32, #tpu.memory_space<vmem>>
        %dma_wait3A_520 = arith.constant 0 : i32
        %dma_wait3A_521 = arith.constant 0 : i32
        %dma_wait3A_522 = tpu.memref_slice %arg12[%dma_wait3A_520, %dma_wait3A_521] : memref<10240x64xf32, #tpu.memory_space<vmem_shared>> -> memref<10240x64xf32, #tpu.memory_space<vmem_shared>>
        tpu.wait_indirect_dma semaphore(%arg21 : memref<!tpu.dma_semaphore, #tpu.memory_space<semaphore_mem>>) src(%dma_wait3A_522 : memref<10240x64xf32, #tpu.memory_space<vmem_shared>>) dst(%dma_wait3A_516 : memref<125x64xf32, #tpu.memory_space<vmem>>)
        %dma_start3A_523 = arith.constant 0 : i32
        %dma_start3A_524 = arith.constant 0 : i32
        %dma_start3A_525 = tpu.memref_slice %arg17[%dma_start3A_523, %dma_start3A_524] : memref<128x64xf32, #tpu.memory_space<vmem>> -> memref<125x64xf32, #tpu.memory_space<vmem>>
        %dma_start3A_526 = arith.constant 0 : i32
        %dma_start3A_527 = tpu.memref_slice %arg15[%add3A_512, %dma_start3A_526] : memref<40x125xi32, #tpu.memory_space<vmem>> -> memref<1x125xi32, #tpu.memory_space<vmem>>
        %dma_start3A_528 = tpu.memref_squeeze %dma_start3A_527 : memref<1x125xi32, #tpu.memory_space<vmem>> -> memref<125xi32, #tpu.memory_space<vmem>>
        %dma_start3A_529 = arith.constant 0 : i32
        %dma_start3A_530 = arith.constant 0 : i32
        %dma_start3A_531 = tpu.memref_slice %arg13[%dma_start3A_529, %dma_start3A_530] : memref<10240x64xf32, #tpu.memory_space<vmem_shared>> -> memref<10240x64xf32, #tpu.memory_space<vmem_shared>>
        tpu.enqueue_indirect_dma source(%dma_start3A_525 : memref<125x64xf32, #tpu.memory_space<vmem>>) target(%dma_start3A_531 : memref<10240x64xf32, #tpu.memory_space<vmem_shared>>) offsets(%dma_start3A_528 : memref<125xi32, #tpu.memory_space<vmem>>) semaphore(%arg25 : memref<!tpu.dma_semaphore, #tpu.memory_space<semaphore_mem>>) {add = true}
        %add3A_532 = arith.constant 3 : i32
        %add3A_533 = arith.addi %add3A_512, %add3A_532 : i32
        %lt3A_534 = arith.constant 40 : i32
        %lt3A_535 = arith.cmpi slt, %add3A_533, %lt3A_534 : i32
        %convert_element_type3A_536 = arith.extui %lt3A_535 : i1 to i32
        %cond3A_537 = arith.constant 0 : i32
        %cond3A_538 = arith.cmpi ne, %convert_element_type3A_536, %cond3A_537 : i32
        scf.if %cond3A_538 {
          %ge3A = arith.constant 1 : i32
          %ge3A_599 = arith.cmpi sge, %add3A_512, %ge3A : i32
          %convert_element_type3A_600 = arith.extui %ge3A_599 : i1 to i32
          %cond3A_601 = arith.constant 0 : i32
          %cond3A_602 = arith.cmpi ne, %convert_element_type3A_600, %cond3A_601 : i32
          scf.if %cond3A_602 {
            %dma_wait3A_614 = arith.constant 0 : i32
            %dma_wait3A_615 = arith.constant 0 : i32
            %dma_wait3A_616 = arith.constant 0 : i32
            %dma_wait3A_617 = tpu.memref_slice %arg16[%dma_wait3A_615, %dma_wait3A_616] : memref<128x64xf32, #tpu.memory_space<vmem>> -> memref<125x64xf32, #tpu.memory_space<vmem>>
            %dma_wait3A_618 = arith.constant 0 : i32
            %dma_wait3A_619 = tpu.memref_slice %arg15[%dma_wait3A_614, %dma_wait3A_618] : memref<40x125xi32, #tpu.memory_space<vmem>> -> memref<1x125xi32, #tpu.memory_space<vmem>>
            %dma_wait3A_620 = tpu.memref_squeeze %dma_wait3A_619 : memref<1x125xi32, #tpu.memory_space<vmem>> -> memref<125xi32, #tpu.memory_space<vmem>>
            %dma_wait3A_621 = arith.constant 0 : i32
            %dma_wait3A_622 = arith.constant 0 : i32
            %dma_wait3A_623 = tpu.memref_slice %arg13[%dma_wait3A_621, %dma_wait3A_622] : memref<10240x64xf32, #tpu.memory_space<vmem_shared>> -> memref<10240x64xf32, #tpu.memory_space<vmem_shared>>
            tpu.wait_indirect_dma semaphore(%arg24 : memref<!tpu.dma_semaphore, #tpu.memory_space<semaphore_mem>>) src(%dma_wait3A_617 : memref<125x64xf32, #tpu.memory_space<vmem>>) dst(%dma_wait3A_623 : memref<10240x64xf32, #tpu.memory_space<vmem_shared>>)
          } else {
          }
          %add3A_603 = arith.constant 3 : i32
          %add3A_604 = arith.addi %add3A_512, %add3A_603 : i32
          %dma_start3A_605 = arith.constant 0 : i32
          %dma_start3A_606 = arith.constant 0 : i32
          %dma_start3A_607 = tpu.memref_slice %arg16[%dma_start3A_605, %dma_start3A_606] : memref<128x64xf32, #tpu.memory_space<vmem>> -> memref<125x64xf32, #tpu.memory_space<vmem>>
          %dma_start3A_608 = arith.constant 0 : i32
          %dma_start3A_609 = tpu.memref_slice %arg14[%add3A_604, %dma_start3A_608] : memref<40x125xi32, #tpu.memory_space<vmem>> -> memref<1x125xi32, #tpu.memory_space<vmem>>
          %dma_start3A_610 = tpu.memref_squeeze %dma_start3A_609 : memref<1x125xi32, #tpu.memory_space<vmem>> -> memref<125xi32, #tpu.memory_space<vmem>>
          %dma_start3A_611 = arith.constant 0 : i32
          %dma_start3A_612 = arith.constant 0 : i32
          %dma_start3A_613 = tpu.memref_slice %arg12[%dma_start3A_611, %dma_start3A_612] : memref<10240x64xf32, #tpu.memory_space<vmem_shared>> -> memref<10240x64xf32, #tpu.memory_space<vmem_shared>>
          tpu.enqueue_indirect_dma source(%dma_start3A_613 : memref<10240x64xf32, #tpu.memory_space<vmem_shared>>) target(%dma_start3A_607 : memref<125x64xf32, #tpu.memory_space<vmem>>) offsets(%dma_start3A_610 : memref<125xi32, #tpu.memory_space<vmem>>) semaphore(%arg20 : memref<!tpu.dma_semaphore, #tpu.memory_space<semaphore_mem>>)
        } else {
        }
        %mul3A_539 = arith.constant 8 : i32
        %mul3A_540 = arith.muli %add3A_359, %mul3A_539 : i32
        %add3A_541 = arith.constant 6 : i32
        %add3A_542 = arith.addi %mul3A_540, %add3A_541 : i32
        %dma_wait3A_543 = arith.constant 0 : i32
        %dma_wait3A_544 = arith.constant 0 : i32
        %dma_wait3A_545 = arith.constant 0 : i32
        %dma_wait3A_546 = tpu.memref_slice %arg18[%dma_wait3A_544, %dma_wait3A_545] : memref<128x64xf32, #tpu.memory_space<vmem>> -> memref<125x64xf32, #tpu.memory_space<vmem>>
        %dma_wait3A_547 = arith.constant 0 : i32
        %dma_wait3A_548 = tpu.memref_slice %arg14[%dma_wait3A_543, %dma_wait3A_547] : memref<40x125xi32, #tpu.memory_space<vmem>> -> memref<1x125xi32, #tpu.memory_space<vmem>>
        %dma_wait3A_549 = tpu.memref_squeeze %dma_wait3A_548 : memref<1x125xi32, #tpu.memory_space<vmem>> -> memref<125xi32, #tpu.memory_space<vmem>>
        %dma_wait3A_550 = arith.constant 0 : i32
        %dma_wait3A_551 = arith.constant 0 : i32
        %dma_wait3A_552 = tpu.memref_slice %arg12[%dma_wait3A_550, %dma_wait3A_551] : memref<10240x64xf32, #tpu.memory_space<vmem_shared>> -> memref<10240x64xf32, #tpu.memory_space<vmem_shared>>
        tpu.wait_indirect_dma semaphore(%arg22 : memref<!tpu.dma_semaphore, #tpu.memory_space<semaphore_mem>>) src(%dma_wait3A_552 : memref<10240x64xf32, #tpu.memory_space<vmem_shared>>) dst(%dma_wait3A_546 : memref<125x64xf32, #tpu.memory_space<vmem>>)
        %dma_start3A_553 = arith.constant 0 : i32
        %dma_start3A_554 = arith.constant 0 : i32
        %dma_start3A_555 = tpu.memref_slice %arg18[%dma_start3A_553, %dma_start3A_554] : memref<128x64xf32, #tpu.memory_space<vmem>> -> memref<125x64xf32, #tpu.memory_space<vmem>>
        %dma_start3A_556 = arith.constant 0 : i32
        %dma_start3A_557 = tpu.memref_slice %arg15[%add3A_542, %dma_start3A_556] : memref<40x125xi32, #tpu.memory_space<vmem>> -> memref<1x125xi32, #tpu.memory_space<vmem>>
        %dma_start3A_558 = tpu.memref_squeeze %dma_start3A_557 : memref<1x125xi32, #tpu.memory_space<vmem>> -> memref<125xi32, #tpu.memory_space<vmem>>
        %dma_start3A_559 = arith.constant 0 : i32
        %dma_start3A_560 = arith.constant 0 : i32
        %dma_start3A_561 = tpu.memref_slice %arg13[%dma_start3A_559, %dma_start3A_560] : memref<10240x64xf32, #tpu.memory_space<vmem_shared>> -> memref<10240x64xf32, #tpu.memory_space<vmem_shared>>
        tpu.enqueue_indirect_dma source(%dma_start3A_555 : memref<125x64xf32, #tpu.memory_space<vmem>>) target(%dma_start3A_561 : memref<10240x64xf32, #tpu.memory_space<vmem_shared>>) offsets(%dma_start3A_558 : memref<125xi32, #tpu.memory_space<vmem>>) semaphore(%arg26 : memref<!tpu.dma_semaphore, #tpu.memory_space<semaphore_mem>>) {add = true}
        %add3A_562 = arith.constant 3 : i32
        %add3A_563 = arith.addi %add3A_542, %add3A_562 : i32
        %lt3A_564 = arith.constant 40 : i32
        %lt3A_565 = arith.cmpi slt, %add3A_563, %lt3A_564 : i32
        %convert_element_type3A_566 = arith.extui %lt3A_565 : i1 to i32
        %cond3A_567 = arith.constant 0 : i32
        %cond3A_568 = arith.cmpi ne, %convert_element_type3A_566, %cond3A_567 : i32
        scf.if %cond3A_568 {
          %ge3A = arith.constant 1 : i32
          %ge3A_599 = arith.cmpi sge, %add3A_542, %ge3A : i32
          %convert_element_type3A_600 = arith.extui %ge3A_599 : i1 to i32
          %cond3A_601 = arith.constant 0 : i32
          %cond3A_602 = arith.cmpi ne, %convert_element_type3A_600, %cond3A_601 : i32
          scf.if %cond3A_602 {
            %dma_wait3A_614 = arith.constant 0 : i32
            %dma_wait3A_615 = arith.constant 0 : i32
            %dma_wait3A_616 = arith.constant 0 : i32
            %dma_wait3A_617 = tpu.memref_slice %arg17[%dma_wait3A_615, %dma_wait3A_616] : memref<128x64xf32, #tpu.memory_space<vmem>> -> memref<125x64xf32, #tpu.memory_space<vmem>>
            %dma_wait3A_618 = arith.constant 0 : i32
            %dma_wait3A_619 = tpu.memref_slice %arg15[%dma_wait3A_614, %dma_wait3A_618] : memref<40x125xi32, #tpu.memory_space<vmem>> -> memref<1x125xi32, #tpu.memory_space<vmem>>
            %dma_wait3A_620 = tpu.memref_squeeze %dma_wait3A_619 : memref<1x125xi32, #tpu.memory_space<vmem>> -> memref<125xi32, #tpu.memory_space<vmem>>
            %dma_wait3A_621 = arith.constant 0 : i32
            %dma_wait3A_622 = arith.constant 0 : i32
            %dma_wait3A_623 = tpu.memref_slice %arg13[%dma_wait3A_621, %dma_wait3A_622] : memref<10240x64xf32, #tpu.memory_space<vmem_shared>> -> memref<10240x64xf32, #tpu.memory_space<vmem_shared>>
            tpu.wait_indirect_dma semaphore(%arg25 : memref<!tpu.dma_semaphore, #tpu.memory_space<semaphore_mem>>) src(%dma_wait3A_617 : memref<125x64xf32, #tpu.memory_space<vmem>>) dst(%dma_wait3A_623 : memref<10240x64xf32, #tpu.memory_space<vmem_shared>>)
          } else {
          }
          %add3A_603 = arith.constant 3 : i32
          %add3A_604 = arith.addi %add3A_542, %add3A_603 : i32
          %dma_start3A_605 = arith.constant 0 : i32
          %dma_start3A_606 = arith.constant 0 : i32
          %dma_start3A_607 = tpu.memref_slice %arg17[%dma_start3A_605, %dma_start3A_606] : memref<128x64xf32, #tpu.memory_space<vmem>> -> memref<125x64xf32, #tpu.memory_space<vmem>>
          %dma_start3A_608 = arith.constant 0 : i32
          %dma_start3A_609 = tpu.memref_slice %arg14[%add3A_604, %dma_start3A_608] : memref<40x125xi32, #tpu.memory_space<vmem>> -> memref<1x125xi32, #tpu.memory_space<vmem>>
          %dma_start3A_610 = tpu.memref_squeeze %dma_start3A_609 : memref<1x125xi32, #tpu.memory_space<vmem>> -> memref<125xi32, #tpu.memory_space<vmem>>
          %dma_start3A_611 = arith.constant 0 : i32
          %dma_start3A_612 = arith.constant 0 : i32
          %dma_start3A_613 = tpu.memref_slice %arg12[%dma_start3A_611, %dma_start3A_612] : memref<10240x64xf32, #tpu.memory_space<vmem_shared>> -> memref<10240x64xf32, #tpu.memory_space<vmem_shared>>
          tpu.enqueue_indirect_dma source(%dma_start3A_613 : memref<10240x64xf32, #tpu.memory_space<vmem_shared>>) target(%dma_start3A_607 : memref<125x64xf32, #tpu.memory_space<vmem>>) offsets(%dma_start3A_610 : memref<125xi32, #tpu.memory_space<vmem>>) semaphore(%arg21 : memref<!tpu.dma_semaphore, #tpu.memory_space<semaphore_mem>>)
        } else {
        }
        %mul3A_569 = arith.constant 8 : i32
        %mul3A_570 = arith.muli %add3A_359, %mul3A_569 : i32
        %add3A_571 = arith.constant 7 : i32
        %add3A_572 = arith.addi %mul3A_570, %add3A_571 : i32
        %dma_wait3A_573 = arith.constant 0 : i32
        %dma_wait3A_574 = arith.constant 0 : i32
        %dma_wait3A_575 = arith.constant 0 : i32
        %dma_wait3A_576 = tpu.memref_slice %arg19[%dma_wait3A_574, %dma_wait3A_575] : memref<128x64xf32, #tpu.memory_space<vmem>> -> memref<125x64xf32, #tpu.memory_space<vmem>>
        %dma_wait3A_577 = arith.constant 0 : i32
        %dma_wait3A_578 = tpu.memref_slice %arg14[%dma_wait3A_573, %dma_wait3A_577] : memref<40x125xi32, #tpu.memory_space<vmem>> -> memref<1x125xi32, #tpu.memory_space<vmem>>
        %dma_wait3A_579 = tpu.memref_squeeze %dma_wait3A_578 : memref<1x125xi32, #tpu.memory_space<vmem>> -> memref<125xi32, #tpu.memory_space<vmem>>
        %dma_wait3A_580 = arith.constant 0 : i32
        %dma_wait3A_581 = arith.constant 0 : i32
        %dma_wait3A_582 = tpu.memref_slice %arg12[%dma_wait3A_580, %dma_wait3A_581] : memref<10240x64xf32, #tpu.memory_space<vmem_shared>> -> memref<10240x64xf32, #tpu.memory_space<vmem_shared>>
        tpu.wait_indirect_dma semaphore(%arg23 : memref<!tpu.dma_semaphore, #tpu.memory_space<semaphore_mem>>) src(%dma_wait3A_582 : memref<10240x64xf32, #tpu.memory_space<vmem_shared>>) dst(%dma_wait3A_576 : memref<125x64xf32, #tpu.memory_space<vmem>>)
        %dma_start3A_583 = arith.constant 0 : i32
        %dma_start3A_584 = arith.constant 0 : i32
        %dma_start3A_585 = tpu.memref_slice %arg19[%dma_start3A_583, %dma_start3A_584] : memref<128x64xf32, #tpu.memory_space<vmem>> -> memref<125x64xf32, #tpu.memory_space<vmem>>
        %dma_start3A_586 = arith.constant 0 : i32
        %dma_start3A_587 = tpu.memref_slice %arg15[%add3A_572, %dma_start3A_586] : memref<40x125xi32, #tpu.memory_space<vmem>> -> memref<1x125xi32, #tpu.memory_space<vmem>>
        %dma_start3A_588 = tpu.memref_squeeze %dma_start3A_587 : memref<1x125xi32, #tpu.memory_space<vmem>> -> memref<125xi32, #tpu.memory_space<vmem>>
        %dma_start3A_589 = arith.constant 0 : i32
        %dma_start3A_590 = arith.constant 0 : i32
        %dma_start3A_591 = tpu.memref_slice %arg13[%dma_start3A_589, %dma_start3A_590] : memref<10240x64xf32, #tpu.memory_space<vmem_shared>> -> memref<10240x64xf32, #tpu.memory_space<vmem_shared>>
        tpu.enqueue_indirect_dma source(%dma_start3A_585 : memref<125x64xf32, #tpu.memory_space<vmem>>) target(%dma_start3A_591 : memref<10240x64xf32, #tpu.memory_space<vmem_shared>>) offsets(%dma_start3A_588 : memref<125xi32, #tpu.memory_space<vmem>>) semaphore(%arg27 : memref<!tpu.dma_semaphore, #tpu.memory_space<semaphore_mem>>) {add = true}
        %add3A_592 = arith.constant 3 : i32
        %add3A_593 = arith.addi %add3A_572, %add3A_592 : i32
        %lt3A_594 = arith.constant 40 : i32
        %lt3A_595 = arith.cmpi slt, %add3A_593, %lt3A_594 : i32
        %convert_element_type3A_596 = arith.extui %lt3A_595 : i1 to i32
        %cond3A_597 = arith.constant 0 : i32
        %cond3A_598 = arith.cmpi ne, %convert_element_type3A_596, %cond3A_597 : i32
        scf.if %cond3A_598 {
          %ge3A = arith.constant 1 : i32
          %ge3A_599 = arith.cmpi sge, %add3A_572, %ge3A : i32
          %convert_element_type3A_600 = arith.extui %ge3A_599 : i1 to i32
          %cond3A_601 = arith.constant 0 : i32
          %cond3A_602 = arith.cmpi ne, %convert_element_type3A_600, %cond3A_601 : i32
          scf.if %cond3A_602 {
            %dma_wait3A_614 = arith.constant 0 : i32
            %dma_wait3A_615 = arith.constant 0 : i32
            %dma_wait3A_616 = arith.constant 0 : i32
            %dma_wait3A_617 = tpu.memref_slice %arg18[%dma_wait3A_615, %dma_wait3A_616] : memref<128x64xf32, #tpu.memory_space<vmem>> -> memref<125x64xf32, #tpu.memory_space<vmem>>
            %dma_wait3A_618 = arith.constant 0 : i32
            %dma_wait3A_619 = tpu.memref_slice %arg15[%dma_wait3A_614, %dma_wait3A_618] : memref<40x125xi32, #tpu.memory_space<vmem>> -> memref<1x125xi32, #tpu.memory_space<vmem>>
            %dma_wait3A_620 = tpu.memref_squeeze %dma_wait3A_619 : memref<1x125xi32, #tpu.memory_space<vmem>> -> memref<125xi32, #tpu.memory_space<vmem>>
            %dma_wait3A_621 = arith.constant 0 : i32
            %dma_wait3A_622 = arith.constant 0 : i32
            %dma_wait3A_623 = tpu.memref_slice %arg13[%dma_wait3A_621, %dma_wait3A_622] : memref<10240x64xf32, #tpu.memory_space<vmem_shared>> -> memref<10240x64xf32, #tpu.memory_space<vmem_shared>>
            tpu.wait_indirect_dma semaphore(%arg26 : memref<!tpu.dma_semaphore, #tpu.memory_space<semaphore_mem>>) src(%dma_wait3A_617 : memref<125x64xf32, #tpu.memory_space<vmem>>) dst(%dma_wait3A_623 : memref<10240x64xf32, #tpu.memory_space<vmem_shared>>)
          } else {
          }
          %add3A_603 = arith.constant 3 : i32
          %add3A_604 = arith.addi %add3A_572, %add3A_603 : i32
          %dma_start3A_605 = arith.constant 0 : i32
          %dma_start3A_606 = arith.constant 0 : i32
          %dma_start3A_607 = tpu.memref_slice %arg18[%dma_start3A_605, %dma_start3A_606] : memref<128x64xf32, #tpu.memory_space<vmem>> -> memref<125x64xf32, #tpu.memory_space<vmem>>
          %dma_start3A_608 = arith.constant 0 : i32
          %dma_start3A_609 = tpu.memref_slice %arg14[%add3A_604, %dma_start3A_608] : memref<40x125xi32, #tpu.memory_space<vmem>> -> memref<1x125xi32, #tpu.memory_space<vmem>>
          %dma_start3A_610 = tpu.memref_squeeze %dma_start3A_609 : memref<1x125xi32, #tpu.memory_space<vmem>> -> memref<125xi32, #tpu.memory_space<vmem>>
          %dma_start3A_611 = arith.constant 0 : i32
          %dma_start3A_612 = arith.constant 0 : i32
          %dma_start3A_613 = tpu.memref_slice %arg12[%dma_start3A_611, %dma_start3A_612] : memref<10240x64xf32, #tpu.memory_space<vmem_shared>> -> memref<10240x64xf32, #tpu.memory_space<vmem_shared>>
          tpu.enqueue_indirect_dma source(%dma_start3A_613 : memref<10240x64xf32, #tpu.memory_space<vmem_shared>>) target(%dma_start3A_607 : memref<125x64xf32, #tpu.memory_space<vmem>>) offsets(%dma_start3A_610 : memref<125xi32, #tpu.memory_space<vmem>>) semaphore(%arg22 : memref<!tpu.dma_semaphore, #tpu.memory_space<semaphore_mem>>)
        } else {
        }
      }
      %scan3A_314 = arith.constant 5 : i32
      %dma_wait3A_315 = arith.constant 0 : i32
      %dma_wait3A_316 = arith.constant 0 : i32
      %dma_wait3A_317 = arith.constant 0 : i32
      %dma_wait3A_318 = tpu.memref_slice %arg16[%dma_wait3A_316, %dma_wait3A_317] : memref<128x64xf32, #tpu.memory_space<vmem>> -> memref<125x64xf32, #tpu.memory_space<vmem>>
      %dma_wait3A_319 = arith.constant 0 : i32
      %dma_wait3A_320 = tpu.memref_slice %arg15[%dma_wait3A_315, %dma_wait3A_319] : memref<40x125xi32, #tpu.memory_space<vmem>> -> memref<1x125xi32, #tpu.memory_space<vmem>>
      %dma_wait3A_321 = tpu.memref_squeeze %dma_wait3A_320 : memref<1x125xi32, #tpu.memory_space<vmem>> -> memref<125xi32, #tpu.memory_space<vmem>>
      %dma_wait3A_322 = arith.constant 0 : i32
      %dma_wait3A_323 = arith.constant 0 : i32
      %dma_wait3A_324 = tpu.memref_slice %arg13[%dma_wait3A_322, %dma_wait3A_323] : memref<10240x64xf32, #tpu.memory_space<vmem_shared>> -> memref<10240x64xf32, #tpu.memory_space<vmem_shared>>
      tpu.wait_indirect_dma semaphore(%arg24 : memref<!tpu.dma_semaphore, #tpu.memory_space<semaphore_mem>>) src(%dma_wait3A_318 : memref<125x64xf32, #tpu.memory_space<vmem>>) dst(%dma_wait3A_324 : memref<10240x64xf32, #tpu.memory_space<vmem_shared>>)
      %dma_wait3A_325 = arith.constant 0 : i32
      %dma_wait3A_326 = arith.constant 0 : i32
      %dma_wait3A_327 = arith.constant 0 : i32
      %dma_wait3A_328 = tpu.memref_slice %arg17[%dma_wait3A_326, %dma_wait3A_327] : memref<128x64xf32, #tpu.memory_space<vmem>> -> memref<125x64xf32, #tpu.memory_space<vmem>>
      %dma_wait3A_329 = arith.constant 0 : i32
      %dma_wait3A_330 = tpu.memref_slice %arg15[%dma_wait3A_325, %dma_wait3A_329] : memref<40x125xi32, #tpu.memory_space<vmem>> -> memref<1x125xi32, #tpu.memory_space<vmem>>
      %dma_wait3A_331 = tpu.memref_squeeze %dma_wait3A_330 : memref<1x125xi32, #tpu.memory_space<vmem>> -> memref<125xi32, #tpu.memory_space<vmem>>
      %dma_wait3A_332 = arith.constant 0 : i32
      %dma_wait3A_333 = arith.constant 0 : i32
      %dma_wait3A_334 = tpu.memref_slice %arg13[%dma_wait3A_332, %dma_wait3A_333] : memref<10240x64xf32, #tpu.memory_space<vmem_shared>> -> memref<10240x64xf32, #tpu.memory_space<vmem_shared>>
      tpu.wait_indirect_dma semaphore(%arg25 : memref<!tpu.dma_semaphore, #tpu.memory_space<semaphore_mem>>) src(%dma_wait3A_328 : memref<125x64xf32, #tpu.memory_space<vmem>>) dst(%dma_wait3A_334 : memref<10240x64xf32, #tpu.memory_space<vmem_shared>>)
      %dma_wait3A_335 = arith.constant 0 : i32
      %dma_wait3A_336 = arith.constant 0 : i32
      %dma_wait3A_337 = arith.constant 0 : i32
      %dma_wait3A_338 = tpu.memref_slice %arg18[%dma_wait3A_336, %dma_wait3A_337] : memref<128x64xf32, #tpu.memory_space<vmem>> -> memref<125x64xf32, #tpu.memory_space<vmem>>
      %dma_wait3A_339 = arith.constant 0 : i32
      %dma_wait3A_340 = tpu.memref_slice %arg15[%dma_wait3A_335, %dma_wait3A_339] : memref<40x125xi32, #tpu.memory_space<vmem>> -> memref<1x125xi32, #tpu.memory_space<vmem>>
      %dma_wait3A_341 = tpu.memref_squeeze %dma_wait3A_340 : memref<1x125xi32, #tpu.memory_space<vmem>> -> memref<125xi32, #tpu.memory_space<vmem>>
      %dma_wait3A_342 = arith.constant 0 : i32
      %dma_wait3A_343 = arith.constant 0 : i32
      %dma_wait3A_344 = tpu.memref_slice %arg13[%dma_wait3A_342, %dma_wait3A_343] : memref<10240x64xf32, #tpu.memory_space<vmem_shared>> -> memref<10240x64xf32, #tpu.memory_space<vmem_shared>>
      tpu.wait_indirect_dma semaphore(%arg26 : memref<!tpu.dma_semaphore, #tpu.memory_space<semaphore_mem>>) src(%dma_wait3A_338 : memref<125x64xf32, #tpu.memory_space<vmem>>) dst(%dma_wait3A_344 : memref<10240x64xf32, #tpu.memory_space<vmem_shared>>)
      %dma_wait3A_345 = arith.constant 0 : i32
      %dma_wait3A_346 = arith.constant 0 : i32
      %dma_wait3A_347 = arith.constant 0 : i32
      %dma_wait3A_348 = tpu.memref_slice %arg19[%dma_wait3A_346, %dma_wait3A_347] : memref<128x64xf32, #tpu.memory_space<vmem>> -> memref<125x64xf32, #tpu.memory_space<vmem>>
      %dma_wait3A_349 = arith.constant 0 : i32
      %dma_wait3A_350 = tpu.memref_slice %arg15[%dma_wait3A_345, %dma_wait3A_349] : memref<40x125xi32, #tpu.memory_space<vmem>> -> memref<1x125xi32, #tpu.memory_space<vmem>>
      %dma_wait3A_351 = tpu.memref_squeeze %dma_wait3A_350 : memref<1x125xi32, #tpu.memory_space<vmem>> -> memref<125xi32, #tpu.memory_space<vmem>>
      %dma_wait3A_352 = arith.constant 0 : i32
      %dma_wait3A_353 = arith.constant 0 : i32
      %dma_wait3A_354 = tpu.memref_slice %arg13[%dma_wait3A_352, %dma_wait3A_353] : memref<10240x64xf32, #tpu.memory_space<vmem_shared>> -> memref<10240x64xf32, #tpu.memory_space<vmem_shared>>
      tpu.wait_indirect_dma semaphore(%arg27 : memref<!tpu.dma_semaphore, #tpu.memory_space<semaphore_mem>>) src(%dma_wait3A_348 : memref<125x64xf32, #tpu.memory_space<vmem>>) dst(%dma_wait3A_354 : memref<10240x64xf32, #tpu.memory_space<vmem_shared>>)
    }
    %scan3A_253 = arith.constant 4 : i32
    %barrier3A_254 = arith.constant 0 : index
    tpu.barrier barrier_id(%barrier3A_254)
    %eq3A_255 = arith.constant 0 : i32
    %eq3A_256 = arith.cmpi eq, %arg0, %eq3A_255 : i32
    %convert_element_type3A_257 = arith.extui %eq3A_256 : i1 to i32
    %cond3A_258 = arith.constant 0 : i32
    %cond3A_259 = arith.cmpi ne, %convert_element_type3A_257, %cond3A_258 : i32
    scf.if %cond3A_259 {
      "tpu.region"() ({
        %run_scoped3A = tpu.sem_alloc : memref<!tpu.dma_semaphore, #tpu.memory_space<semaphore_mem>>
        %dma_start3A_265 = arith.constant 0 : i32
        %dma_start3A_266 = tpu.memref_slice %arg9[%mul3A_0, %dma_start3A_265] : memref<10240x64xf32, #tpu.memory_space<hbm>> -> memref<640x64xf32, #tpu.memory_space<hbm>>
        %dma_start3A_267 = arith.constant 0 : i32
        %dma_start3A_268 = tpu.memref_slice %arg13[%mul3A_0, %dma_start3A_267] : memref<10240x64xf32, #tpu.memory_space<vmem_shared>> -> memref<640x64xf32, #tpu.memory_space<vmem_shared>>
        tpu.enqueue_dma source(%dma_start3A_268 : memref<640x64xf32, #tpu.memory_space<vmem_shared>>) target(%dma_start3A_266 : memref<640x64xf32, #tpu.memory_space<hbm>>) target_semaphore(%run_scoped3A : memref<!tpu.dma_semaphore, #tpu.memory_space<semaphore_mem>>)
        %dma_wait3A_269 = arith.constant 0 : i32
        %dma_wait3A_270 = tpu.memref_slice %arg9[%mul3A_0, %dma_wait3A_269] : memref<10240x64xf32, #tpu.memory_space<hbm>> -> memref<640x64xf32, #tpu.memory_space<hbm>>
        %dma_wait3A_271 = arith.constant 0 : i32
        %dma_wait3A_272 = tpu.memref_slice %arg13[%mul3A_0, %dma_wait3A_271] : memref<10240x64xf32, #tpu.memory_space<vmem_shared>> -> memref<640x64xf32, #tpu.memory_space<vmem_shared>>
        tpu.wait_dma2 semaphore(%run_scoped3A : memref<!tpu.dma_semaphore, #tpu.memory_space<semaphore_mem>>) src(%dma_wait3A_272 : memref<640x64xf32, #tpu.memory_space<vmem_shared>>) dst(%dma_wait3A_270 : memref<640x64xf32, #tpu.memory_space<hbm>>)
        tpu.yield
      }) : () -> ()
    } else {
    }
    %ne3A_260 = arith.constant 0 : i32
    %ne3A_261 = arith.cmpi ne, %arg0, %ne3A_260 : i32
    %convert_element_type3A_262 = arith.extui %ne3A_261 : i1 to i32
    %cond3A_263 = arith.constant 0 : i32
    %cond3A_264 = arith.cmpi ne, %convert_element_type3A_262, %cond3A_263 : i32
    scf.if %cond3A_264 {
      "tpu.region"() ({
        %run_scoped3A = tpu.sem_alloc : memref<!tpu.dma_semaphore, #tpu.memory_space<semaphore_mem>>
        %dma_start3A_265 = arith.constant 0 : i32
        %dma_start3A_266 = tpu.memref_slice %arg11[%mul3A_0, %dma_start3A_265] : memref<10240x64xf32, #tpu.memory_space<hbm>> -> memref<640x64xf32, #tpu.memory_space<hbm>>
        %dma_start3A_267 = arith.constant 0 : i32
        %dma_start3A_268 = tpu.memref_slice %arg13[%mul3A_0, %dma_start3A_267] : memref<10240x64xf32, #tpu.memory_space<vmem_shared>> -> memref<640x64xf32, #tpu.memory_space<vmem_shared>>
        tpu.enqueue_dma source(%dma_start3A_268 : memref<640x64xf32, #tpu.memory_space<vmem_shared>>) target(%dma_start3A_266 : memref<640x64xf32, #tpu.memory_space<hbm>>) target_semaphore(%run_scoped3A : memref<!tpu.dma_semaphore, #tpu.memory_space<semaphore_mem>>)
        %dma_wait3A_269 = arith.constant 0 : i32
        %dma_wait3A_270 = tpu.memref_slice %arg11[%mul3A_0, %dma_wait3A_269] : memref<10240x64xf32, #tpu.memory_space<hbm>> -> memref<640x64xf32, #tpu.memory_space<hbm>>
        %dma_wait3A_271 = arith.constant 0 : i32
        %dma_wait3A_272 = tpu.memref_slice %arg13[%mul3A_0, %dma_wait3A_271] : memref<10240x64xf32, #tpu.memory_space<vmem_shared>> -> memref<640x64xf32, #tpu.memory_space<vmem_shared>>
        tpu.wait_dma2 semaphore(%run_scoped3A : memref<!tpu.dma_semaphore, #tpu.memory_space<semaphore_mem>>) src(%dma_wait3A_272 : memref<640x64xf32, #tpu.memory_space<vmem_shared>>) dst(%dma_wait3A_270 : memref<640x64xf32, #tpu.memory_space<hbm>>)
        tpu.yield
      }) : () -> ()
    } else {
    }
    return
  }
}

module attributes {stable_mosaic.version = 14 : i64} {
  func.func @_mid_body(%arg0: i32, %arg1: memref<1024x64xf32, #tpu.memory_space<vmem>>, %arg2: memref<1024x64xf32, #tpu.memory_space<vmem>>, %arg3: memref<1024x64xf32, #tpu.memory_space<vmem>>, %arg4: memref<1024x64xf32, #tpu.memory_space<vmem>>, %arg5: memref<128x128xf32, #tpu.memory_space<vmem>>, %arg6: memref<128x128xf32, #tpu.memory_space<vmem>>, %arg7: memref<1x128xf32, #tpu.memory_space<vmem>>, %arg8: memref<1x128xf32, #tpu.memory_space<vmem>>, %arg9: memref<128x64xf32, #tpu.memory_space<vmem>>, %arg10: memref<128x64xf32, #tpu.memory_space<vmem>>, %arg11: memref<1024x64xf32, #tpu.memory_space<vmem>>, %arg12: memref<1024x64xf32, #tpu.memory_space<vmem>>) attributes {dimension_semantics = [#tpu.dimension_semantics<arbitrary>], iteration_bounds = array<i64: 10>, scalar_prefetch = 0 : i64, scratch_operands = 0 : i64, tpu.core_type = #tpu.core_type<tc>, window_params = [{transform_indices = @transform_0, window_bounds = array<i64: 1024, 64>}, {transform_indices = @transform_1, window_bounds = array<i64: 1024, 64>}, {transform_indices = @transform_2, window_bounds = array<i64: 1024, 64>}, {transform_indices = @transform_3, window_bounds = array<i64: 1024, 64>}, {pipeline_mode = #tpu.pipeline_mode<synchronous>, transform_indices = @transform_4, window_bounds = array<i64: 128, 128>}, {pipeline_mode = #tpu.pipeline_mode<synchronous>, transform_indices = @transform_5, window_bounds = array<i64: 128, 128>}, {pipeline_mode = #tpu.pipeline_mode<synchronous>, transform_indices = @transform_6, window_bounds = array<i64: 1, 128>}, {pipeline_mode = #tpu.pipeline_mode<synchronous>, transform_indices = @transform_7, window_bounds = array<i64: 1, 128>}, {pipeline_mode = #tpu.pipeline_mode<synchronous>, transform_indices = @transform_8, window_bounds = array<i64: 128, 64>}, {pipeline_mode = #tpu.pipeline_mode<synchronous>, transform_indices = @transform_9, window_bounds = array<i64: 128, 64>}, {transform_indices = @transform_10, window_bounds = array<i64: 1024, 64>}, {transform_indices = @transform_11, window_bounds = array<i64: 1024, 64>}]} {
    %get3A = arith.constant 0 : index
    %get3A_0 = arith.constant 0 : index
    %get3A_1 = vector.load %arg1[%get3A, %get3A_0] : memref<1024x64xf32, #tpu.memory_space<vmem>>, vector<1024x64xf32>
    %get3A_2 = arith.constant 0 : index
    %get3A_3 = arith.constant 0 : index
    %get3A_4 = vector.load %arg2[%get3A_2, %get3A_3] : memref<1024x64xf32, #tpu.memory_space<vmem>>, vector<1024x64xf32>
    %concatenate3A = tpu.concatenate %get3A_1, %get3A_4 in 1 : vector<1024x64xf32>, vector<1024x64xf32> -> vector<1024x128xf32>
    %get3A_5 = arith.constant 0 : index
    %get3A_6 = arith.constant 0 : index
    %get3A_7 = vector.load %arg3[%get3A_5, %get3A_6] : memref<1024x64xf32, #tpu.memory_space<vmem>>, vector<1024x64xf32>
    %get3A_8 = arith.constant 0 : index
    %get3A_9 = arith.constant 0 : index
    %get3A_10 = vector.load %arg4[%get3A_8, %get3A_9] : memref<1024x64xf32, #tpu.memory_space<vmem>>, vector<1024x64xf32>
    %concatenate3A_11 = tpu.concatenate %get3A_7, %get3A_10 in 1 : vector<1024x64xf32>, vector<1024x64xf32> -> vector<1024x128xf32>
    %get3A_12 = arith.constant 0 : index
    %get3A_13 = arith.constant 0 : index
    %get3A_14 = vector.load %arg5[%get3A_12, %get3A_13] : memref<128x128xf32, #tpu.memory_space<vmem>>, vector<128x128xf32>
    %dot_general3A = arith.constant dense<0.000000e+00> : vector<1024x128xf32>
    %dot_general3A_15 = tpu.matmul %concatenate3A, %get3A_14, %dot_general3A {dimension_numbers = #tpu.dot_dimension_numbers<[1], [0], [0], [1], [0, 0, 1, 1], [], []>, transpose_lhs_hint = false} : vector<1024x128xf32>, vector<128x128xf32>, vector<1024x128xf32> -> vector<1024x128xf32>
    %get3A_16 = arith.constant 0 : index
    %get3A_17 = arith.constant 0 : index
    %get3A_18 = vector.load %arg7[%get3A_16, %get3A_17] : memref<1x128xf32, #tpu.memory_space<vmem>>, vector<1x128xf32>
    %add3A = vector.broadcast %get3A_18 : vector<1x128xf32> to vector<1024x128xf32>
    %add3A_19 = arith.addf %dot_general3A_15, %add3A : vector<1024x128xf32>
    %max3A = arith.constant 0.000000e+00 : f32
    %max3A_20 = vector.broadcast %max3A : f32 to vector<1024x128xf32>
    %max3A_21 = arith.maximumf %add3A_19, %max3A_20 : vector<1024x128xf32>
    %get3A_22 = arith.constant 0 : index
    %get3A_23 = arith.constant 0 : index
    %get3A_24 = vector.load %arg6[%get3A_22, %get3A_23] : memref<128x128xf32, #tpu.memory_space<vmem>>, vector<128x128xf32>
    %dot_general3A_25 = arith.constant dense<0.000000e+00> : vector<1024x128xf32>
    %dot_general3A_26 = tpu.matmul %concatenate3A_11, %get3A_24, %dot_general3A_25 {dimension_numbers = #tpu.dot_dimension_numbers<[1], [0], [0], [1], [0, 0, 1, 1], [], []>, transpose_lhs_hint = false} : vector<1024x128xf32>, vector<128x128xf32>, vector<1024x128xf32> -> vector<1024x128xf32>
    %get3A_27 = arith.constant 0 : index
    %get3A_28 = arith.constant 0 : index
    %get3A_29 = vector.load %arg8[%get3A_27, %get3A_28] : memref<1x128xf32, #tpu.memory_space<vmem>>, vector<1x128xf32>
    %add3A_30 = vector.broadcast %get3A_29 : vector<1x128xf32> to vector<1024x128xf32>
    %add3A_31 = arith.addf %dot_general3A_26, %add3A_30 : vector<1024x128xf32>
    %max3A_32 = arith.constant 0.000000e+00 : f32
    %max3A_33 = vector.broadcast %max3A_32 : f32 to vector<1024x128xf32>
    %max3A_34 = arith.maximumf %add3A_31, %max3A_33 : vector<1024x128xf32>
    %get3A_35 = arith.constant 0 : index
    %get3A_36 = arith.constant 0 : index
    %get3A_37 = vector.load %arg9[%get3A_35, %get3A_36] : memref<128x64xf32, #tpu.memory_space<vmem>>, vector<128x64xf32>
    %dot_general3A_38 = arith.constant dense<0.000000e+00> : vector<1024x64xf32>
    %dot_general3A_39 = tpu.matmul %max3A_21, %get3A_37, %dot_general3A_38 {dimension_numbers = #tpu.dot_dimension_numbers<[1], [0], [0], [1], [0, 0, 1, 1], [], []>, transpose_lhs_hint = false} : vector<1024x128xf32>, vector<128x64xf32>, vector<1024x64xf32> -> vector<1024x64xf32>
    %swap3A = arith.constant 0 : index
    %swap3A_40 = arith.constant 0 : index
    %swap3A_41 = vector.load %arg11[%swap3A, %swap3A_40] : memref<1024x64xf32, #tpu.memory_space<vmem>>, vector<1024x64xf32>
    tpu.vector_store %arg11[%swap3A, %swap3A_40], %dot_general3A_39 {strides = array<i32>} : memref<1024x64xf32, #tpu.memory_space<vmem>>, vector<1024x64xf32>,
    %get3A_42 = arith.constant 0 : index
    %get3A_43 = arith.constant 0 : index
    %get3A_44 = vector.load %arg10[%get3A_42, %get3A_43] : memref<128x64xf32, #tpu.memory_space<vmem>>, vector<128x64xf32>
    %dot_general3A_45 = arith.constant dense<0.000000e+00> : vector<1024x64xf32>
    %dot_general3A_46 = tpu.matmul %max3A_34, %get3A_44, %dot_general3A_45 {dimension_numbers = #tpu.dot_dimension_numbers<[1], [0], [0], [1], [0, 0, 1, 1], [], []>, transpose_lhs_hint = false} : vector<1024x128xf32>, vector<128x64xf32>, vector<1024x64xf32> -> vector<1024x64xf32>
    %swap3A_47 = arith.constant 0 : index
    %swap3A_48 = arith.constant 0 : index
    %swap3A_49 = vector.load %arg12[%swap3A_47, %swap3A_48] : memref<1024x64xf32, #tpu.memory_space<vmem>>, vector<1024x64xf32>
    tpu.vector_store %arg12[%swap3A_47, %swap3A_48], %dot_general3A_46 {strides = array<i32>} : memref<1024x64xf32, #tpu.memory_space<vmem>>, vector<1024x64xf32>,
    return
  }
  func.func @transform_0(%arg0: i32) -> (i32, i32) {
    %c0_i32 = arith.constant 0 : i32
    %c0_i32_0 = arith.constant 0 : i32
    return %arg0, %c0_i32 : i32, i32
  }
  func.func @transform_1(%arg0: i32) -> (i32, i32) {
    %c0_i32 = arith.constant 0 : i32
    %c0_i32_0 = arith.constant 0 : i32
    return %arg0, %c0_i32 : i32, i32
  }
  func.func @transform_2(%arg0: i32) -> (i32, i32) {
    %c0_i32 = arith.constant 0 : i32
    %c0_i32_0 = arith.constant 0 : i32
    return %arg0, %c0_i32 : i32, i32
  }
  func.func @transform_3(%arg0: i32) -> (i32, i32) {
    %c0_i32 = arith.constant 0 : i32
    %c0_i32_0 = arith.constant 0 : i32
    return %arg0, %c0_i32 : i32, i32
  }
  func.func @transform_4(%arg0: i32) -> (i32, i32) {
    %c0_i32 = arith.constant 0 : i32
    %c0_i32_0 = arith.constant 0 : i32
    %c0_i32_1 = arith.constant 0 : i32
    return %c0_i32, %c0_i32_0 : i32, i32
  }
  func.func @transform_5(%arg0: i32) -> (i32, i32) {
    %c0_i32 = arith.constant 0 : i32
    %c0_i32_0 = arith.constant 0 : i32
    %c0_i32_1 = arith.constant 0 : i32
    return %c0_i32, %c0_i32_0 : i32, i32
  }
  func.func @transform_6(%arg0: i32) -> (i32, i32) {
    %c0_i32 = arith.constant 0 : i32
    %c0_i32_0 = arith.constant 0 : i32
    %c0_i32_1 = arith.constant 0 : i32
    return %c0_i32, %c0_i32_0 : i32, i32
  }
  func.func @transform_7(%arg0: i32) -> (i32, i32) {
    %c0_i32 = arith.constant 0 : i32
    %c0_i32_0 = arith.constant 0 : i32
    %c0_i32_1 = arith.constant 0 : i32
    return %c0_i32, %c0_i32_0 : i32, i32
  }
  func.func @transform_8(%arg0: i32) -> (i32, i32) {
    %c0_i32 = arith.constant 0 : i32
    %c0_i32_0 = arith.constant 0 : i32
    %c0_i32_1 = arith.constant 0 : i32
    return %c0_i32, %c0_i32_0 : i32, i32
  }
  func.func @transform_9(%arg0: i32) -> (i32, i32) {
    %c0_i32 = arith.constant 0 : i32
    %c0_i32_0 = arith.constant 0 : i32
    %c0_i32_1 = arith.constant 0 : i32
    return %c0_i32, %c0_i32_0 : i32, i32
  }
  func.func @transform_10(%arg0: i32) -> (i32, i32) {
    %c0_i32 = arith.constant 0 : i32
    %c0_i32_0 = arith.constant 0 : i32
    return %arg0, %c0_i32 : i32, i32
  }
  func.func @transform_11(%arg0: i32) -> (i32, i32) {
    %c0_i32 = arith.constant 0 : i32
    %c0_i32_0 = arith.constant 0 : i32
    return %arg0, %c0_i32 : i32, i32
  }
}

module attributes {stable_mosaic.version = 14 : i64} {
  func.func @_head_body(%arg0: memref<16x64xf32, #tpu.memory_space<vmem>>, %arg1: memref<16x64xf32, #tpu.memory_space<vmem>>, %arg2: memref<128x64xf32, #tpu.memory_space<vmem>>, %arg3: memref<1x64xf32, #tpu.memory_space<vmem>>, %arg4: memref<64x64xf32, #tpu.memory_space<vmem>>, %arg5: memref<1x64xf32, #tpu.memory_space<vmem>>, %arg6: memref<64x1xf32, #tpu.memory_space<vmem>>, %arg7: memref<1x1xf32, #tpu.memory_space<vmem>>, %arg8: memref<1x1xf32, #tpu.memory_space<vmem>>) attributes {dimension_semantics = [], scalar_prefetch = 0 : i64, scratch_operands = 0 : i64, tpu.core_type = #tpu.core_type<tc>} {
    %get3A = arith.constant 0 : index
    %get3A_0 = arith.constant 0 : index
    %get3A_1 = vector.load %arg0[%get3A, %get3A_0] : memref<16x64xf32, #tpu.memory_space<vmem>>, vector<16x64xf32>
    %reduce_sum3A = arith.constant dense<0.000000e+00> : vector<64xf32>
    %reduce_sum3A_2 = vector.multi_reduction <add>, %get3A_1, %reduce_sum3A [0] : vector<16x64xf32> to vector<64xf32>
    %broadcast_in_dim3A = vector.shape_cast %reduce_sum3A_2 : vector<64xf32> to vector<1x64xf32>
    %mul3A = arith.constant 9.99999974E-5 : f32
    %mul3A_3 = vector.broadcast %mul3A : f32 to vector<1x64xf32>
    %mul3A_4 = arith.mulf %broadcast_in_dim3A, %mul3A_3 : vector<1x64xf32>
    %get3A_5 = arith.constant 0 : index
    %get3A_6 = arith.constant 0 : index
    %get3A_7 = vector.load %arg1[%get3A_5, %get3A_6] : memref<16x64xf32, #tpu.memory_space<vmem>>, vector<16x64xf32>
    %reduce_sum3A_8 = arith.constant dense<0.000000e+00> : vector<64xf32>
    %reduce_sum3A_9 = vector.multi_reduction <add>, %get3A_7, %reduce_sum3A_8 [0] : vector<16x64xf32> to vector<64xf32>
    %broadcast_in_dim3A_10 = vector.shape_cast %reduce_sum3A_9 : vector<64xf32> to vector<1x64xf32>
    %mul3A_11 = arith.constant 9.99999974E-5 : f32
    %mul3A_12 = vector.broadcast %mul3A_11 : f32 to vector<1x64xf32>
    %mul3A_13 = arith.mulf %broadcast_in_dim3A_10, %mul3A_12 : vector<1x64xf32>
    %concatenate3A = tpu.concatenate %mul3A_4, %mul3A_13 in 1 : vector<1x64xf32>, vector<1x64xf32> -> vector<1x128xf32>
    %get3A_14 = arith.constant 0 : index
    %get3A_15 = arith.constant 0 : index
    %get3A_16 = vector.load %arg2[%get3A_14, %get3A_15] : memref<128x64xf32, #tpu.memory_space<vmem>>, vector<128x64xf32>
    %dot_general3A = arith.constant dense<0.000000e+00> : vector<1x64xf32>
    %dot_general3A_17 = tpu.matmul %concatenate3A, %get3A_16, %dot_general3A {dimension_numbers = #tpu.dot_dimension_numbers<[1], [0], [0], [1], [0, 0, 1, 1], [], []>, transpose_lhs_hint = false} : vector<1x128xf32>, vector<128x64xf32>, vector<1x64xf32> -> vector<1x64xf32>
    %get3A_18 = arith.constant 0 : index
    %get3A_19 = arith.constant 0 : index
    %get3A_20 = vector.load %arg3[%get3A_18, %get3A_19] : memref<1x64xf32, #tpu.memory_space<vmem>>, vector<1x64xf32>
    %add3A = arith.addf %dot_general3A_17, %get3A_20 : vector<1x64xf32>
    %max3A = arith.constant 0.000000e+00 : f32
    %max3A_21 = vector.broadcast %max3A : f32 to vector<1x64xf32>
    %max3A_22 = arith.maximumf %add3A, %max3A_21 : vector<1x64xf32>
    %get3A_23 = arith.constant 0 : index
    %get3A_24 = arith.constant 0 : index
    %get3A_25 = vector.load %arg4[%get3A_23, %get3A_24] : memref<64x64xf32, #tpu.memory_space<vmem>>, vector<64x64xf32>
    %dot_general3A_26 = arith.constant dense<0.000000e+00> : vector<1x64xf32>
    %dot_general3A_27 = tpu.matmul %max3A_22, %get3A_25, %dot_general3A_26 {dimension_numbers = #tpu.dot_dimension_numbers<[1], [0], [0], [1], [0, 0, 1, 1], [], []>, transpose_lhs_hint = false} : vector<1x64xf32>, vector<64x64xf32>, vector<1x64xf32> -> vector<1x64xf32>
    %get3A_28 = arith.constant 0 : index
    %get3A_29 = arith.constant 0 : index
    %get3A_30 = vector.load %arg5[%get3A_28, %get3A_29] : memref<1x64xf32, #tpu.memory_space<vmem>>, vector<1x64xf32>
    %add3A_31 = arith.addf %dot_general3A_27, %get3A_30 : vector<1x64xf32>
    %max3A_32 = arith.constant 0.000000e+00 : f32
    %max3A_33 = vector.broadcast %max3A_32 : f32 to vector<1x64xf32>
    %max3A_34 = arith.maximumf %add3A_31, %max3A_33 : vector<1x64xf32>
    %get3A_35 = arith.constant 0 : index
    %get3A_36 = arith.constant 0 : index
    %get3A_37 = vector.load %arg6[%get3A_35, %get3A_36] : memref<64x1xf32, #tpu.memory_space<vmem>>, vector<64x1xf32>
    %dot_general3A_38 = arith.constant dense<0.000000e+00> : vector<1x1xf32>
    %dot_general3A_39 = tpu.matmul %max3A_34, %get3A_37, %dot_general3A_38 {dimension_numbers = #tpu.dot_dimension_numbers<[1], [0], [0], [1], [0, 0, 1, 1], [], []>, transpose_lhs_hint = false} : vector<1x64xf32>, vector<64x1xf32>, vector<1x1xf32> -> vector<1x1xf32>
    %get3A_40 = arith.constant 0 : index
    %get3A_41 = arith.constant 0 : index
    %get3A_42 = vector.load %arg7[%get3A_40, %get3A_41] : memref<1x1xf32, #tpu.memory_space<vmem>>, vector<1x1xf32>
    %add3A_43 = arith.addf %dot_general3A_39, %get3A_42 : vector<1x1xf32>
    %neg3A = arith.constant 0.000000e+00 : f32
    %neg3A_44 = vector.broadcast %neg3A : f32 to vector<1x1xf32>
    %neg3A_45 = arith.subf %neg3A_44, %add3A_43 : vector<1x1xf32>
    %exp3A = math.exp %neg3A_45 : vector<1x1xf32>
    %add3A_46 = arith.constant 1.000000e+00 : f32
    %add3A_47 = vector.broadcast %add3A_46 : f32 to vector<1x1xf32>
    %add3A_48 = arith.addf %add3A_47, %exp3A : vector<1x1xf32>
    %div3A = arith.constant 1.000000e+00 : f32
    %div3A_49 = vector.broadcast %div3A : f32 to vector<1x1xf32>
    %div3A_50 = arith.divf %div3A_49, %add3A_48 : vector<1x1xf32>
    %swap3A = arith.constant 0 : index
    %swap3A_51 = arith.constant 0 : index
    %swap3A_52 = vector.load %arg8[%swap3A, %swap3A_51] : memref<1x1xf32, #tpu.memory_space<vmem>>, vector<1x1xf32>
    tpu.vector_store %arg8[%swap3A, %swap3A_51], %div3A_50 {strides = array<i32>} : memref<1x1xf32, #tpu.memory_space<vmem>>, vector<1x1xf32>,
    return
  }
}

</mosaic_0001>

<sc_bundles>
// kernel: kernel.6.cloned.1.call-start
scs
__scs_entry_jumppad:
0x0: {  	(pc) =	sbr.rel $0x88, $3  }
0x1: {  	(tag) =	ssettag $0x0;
	lr =	simm.s32 $0x1  }
0x2: {  	[smem:$0x3F8F] =	sst lr;
	_ =	strace $0xD0000000  }
0x3: {  	_ = 	snop  }
0x4: {  	_ = 	snop  }
0x5: {  	_ = 	snop  }
0x6: {  	_ = 	snop  }
0x7: {  	_ = 	snop  }
__scs_overlays_trampoline_lowered:
0x8: {  	[smem:$0x3F9E] =	sst s0  }
0x9: {  	[smem:$0x3F9F] =	sst s1  }
0xa: {  	[smem:$0x3FA0] =	sst s2  }
0xb: {  	[smem:$0x3FA1] =	sst s3  }
0xc: {  	[smem:$0x3FA2] =	sst s4  }
0xd: {  	[smem:$0x3FA3] =	sst s5  }
0xe: {  	[smem:$0x3FA4] =	sst s6  }
0xf: {  	[smem:$0x3FA5] =	sst s7  }
0x10: {  	[smem:$0x3FA6] =	sst s8  }
0x11: {  	[smem:$0x3FA7] =	sst s9;
	s0 =	simm.s32 @!p0 $0x0  }
0x12: {  	s1 =	sld [smem:$0x3F8D];
	s0 =	simm.s32 @p0 $0x1  }
0x13: {  	[smem:$0x3FA8] =	sst s0;
	s0 =	simm.s32 @!p1 $0x0  }
0x14: {  	s2 =	sld [smem:$0x3F8C];
	s0 =	simm.s32 @p1 $0x1  }
0x15: {  	[smem:$0x3FA9] =	sst s0;
	s0 =	simm.s32 @!p2 $0x0  }
0x16: {  	s3 =	sld [smem:$0x3FDB];
	s0 =	simm.s32 @p2 $0x1  }
0x17: {  	s4 =	simm.s32 $0x1BF5;
	[smem:$0x3FAB] =	sst s0  }
0x18: {  	s0 =	sld [smem:$0x3F8E];
	_ =	swait.ge [sflag:s4], $0x0  }
0x19: {  	s7 =	sld [smem:$0x3F8F]  }
0x1a: {  	s8 =	sadd.s32 $0xFFFFE003, lr  }
0x1b: {  	s9 =	sadd.s32 $0xFFFFFEF7, lr;
	s5 =	simm.s32 $0xFFFFFFFF;
	p2 =	slt.u32 s8, $0xFFFFF086  }
0x1c: {  	p1 =	slt.u32 s9, $0xF7A;
	s5 =	simm.s32 @!p2 $0x0  }
0x1d: {  	s5 =	simm.s32 @p1 $0x1;
	p0 =	seq.s32 s7, s2  }
0x1e: {  	s7 =	smul.u32 @!p0 $0xF7A, s2;
	p2 =	seq.s32 @!p0 s5, $0x0  }
0x1f: {  	s9 =	smul.u32 $0xF7A, s1;
	s8 =	simm.s32 @!p0 $0x1BF5;
	p2 =	por !p2, p0  }
0x20: {  	[sflag:s8] =	ssyncset.s32 @!p0 $0xFFFFF086;
	s6 =	sadd.s32 @!p0 s3, s7;
	s7 =	simm.s32 @!p0 $0x108  }
0x21: {  	s3 =	sadd.s32 s3, s9;
	s6 =	sadd.s32 @!p0 $0x88, s6;
	s7 =	simm.s32 @p2 $0x1082  }
0x22: {  	[simem:s7], [sflag:s8] =	dma.local @!p0 [hbm:s6], $0xF7A  }
0x23: {  	s9 =	sor.u32 $0xD0000000, s2;
	s6 =	simm.s32 $0x108;
	_ =	swait.ge @!p0 [sflag:s8], $0x0  }
0x24: {  	s3 =	sadd.s32 $0x88, s3;
	s6 =	simm.s32 @!p1 $0x1082;
	[sflag:s4] =	ssyncset.s32 $0xFFFFF086  }
0x25: {  	[simem:s6], [sflag:s4] =	dma.local [hbm:s3], $0xF7A  }
0x26: {  	[smem:$0x3F8F] =	sst s1;
	(tag) =	ssettag s2;
	_ =	strace s9  }
0x27: {  	s1 =	sld [smem:$0x3F9F]  }
0x28: {  	s2 =	sld [smem:$0x3FA0]  }
0x29: {  	s4 =	sld [smem:$0x3FA2]  }
0x2a: {  	p0 =	seq.s32 s5, $0x0;
	s5 =	sld [smem:$0x3FA3]  }
0x2b: {  	s6 =	sld [smem:$0x3FA4]  }
0x2c: {  	s7 =	sld [smem:$0x3FA5]  }
0x2d: {  	s3 =	simm.s32 $0x108;
	s8 =	sld [smem:$0x3FA6]  }
0x2e: {  	s3 =	simm.s32 @!p0 $0x1082;
	s9 =	sld [smem:$0x3FA7]  }
0x2f: {  	lr =	sadd.s32 s0, s3;
	s0 =	sld [smem:$0x3F9E]  }
0x30: {  	s3 =	sld [smem:$0x3FA1]  }
0x31: {  	[smem:$0x3FAA] =	sst s10  }
0x32: {  	s10 =	sld [smem:$0x3FA8];
	_ =	sdelay $0x3  }
0x33: {  	p0 =	seq.s32 s10, $0x1;
	s10 =	sld [smem:$0x3FAA];
	_ =	sdelay $0x3  }
0x34: {  	[smem:$0x3FAA] =	sst s10  }
0x35: {  	s10 =	sld [smem:$0x3FA9];
	_ =	sdelay $0x3  }
0x36: {  	p1 =	seq.s32 s10, $0x1;
	s10 =	sld [smem:$0x3FAA];
	_ =	sdelay $0x3  }
0x37: {  	[smem:$0x3FAA] =	sst s10  }
0x38: {  	s10 =	sld [smem:$0x3FAB]  }
0x39: {  	_ = 	snop;
	(pc) =	sbr.ind lr, $3  }
0x3a: {  	_ = 	snop  }
0x3b: {  	_ = 	snop  }
0x3c: {  	p2 =	seq.s32 s10, $0x1;
	s10 =	sld [smem:$0x3FAA]  }
0x3d: {  	_ =	shalt  }
0x3e: {  	_ =	shalt  }
0x3f: {  	_ =	shalt  }
0x40: {  	_ =	shalt  }
0x41: {  	_ =	shalt  }
0x42: {  	_ =	shalt  }
0x43: {  	_ =	shalt  }
0x44: {  	_ =	shalt  }
0x45: {  	_ =	shalt  }
0x46: {  	_ =	shalt  }
0x47: {  	_ =	shalt  }
0x48: {  	_ =	shalt  }
0x49: {  	_ =	shalt  }
0x4a: {  	_ =	shalt  }
0x4b: {  	_ =	shalt  }
0x4c: {  	_ =	shalt  }
0x4d: {  	_ =	shalt  }
0x4e: {  	_ =	shalt  }
0x4f: {  	_ =	shalt  }
0x50: {  	_ =	shalt  }
0x51: {  	_ =	shalt  }
0x52: {  	_ =	shalt  }
0x53: {  	_ =	shalt  }
0x54: {  	_ =	shalt  }
0x55: {  	_ =	shalt  }
0x56: {  	_ =	shalt  }
0x57: {  	_ =	shalt  }
0x58: {  	_ =	shalt  }
0x59: {  	_ =	shalt  }
0x5a: {  	_ =	shalt  }
0x5b: {  	_ =	shalt  }
0x5c: {  	_ =	shalt  }
0x5d: {  	_ =	shalt  }
0x5e: {  	_ =	shalt  }
0x5f: {  	_ =	shalt  }
0x60: {  	_ =	shalt  }
0x61: {  	_ =	shalt  }
0x62: {  	_ =	shalt  }
0x63: {  	_ =	shalt  }
0x64: {  	_ =	shalt  }
0x65: {  	_ =	shalt  }
0x66: {  	_ =	shalt  }
0x67: {  	_ =	shalt  }
0x68: {  	_ =	shalt  }
0x69: {  	_ =	shalt  }
0x6a: {  	_ =	shalt  }
0x6b: {  	_ =	shalt  }
0x6c: {  	_ =	shalt  }
0x6d: {  	_ =	shalt  }
0x6e: {  	_ =	shalt  }
0x6f: {  	_ =	shalt  }
0x70: {  	_ =	shalt  }
0x71: {  	_ =	shalt  }
0x72: {  	_ =	shalt  }
0x73: {  	_ =	shalt  }
0x74: {  	_ =	shalt  }
0x75: {  	_ =	shalt  }
0x76: {  	_ =	shalt  }
0x77: {  	_ =	shalt  }
0x78: {  	_ =	shalt  }
0x79: {  	_ =	shalt  }
0x7a: {  	_ =	shalt  }
0x7b: {  	_ =	shalt  }
0x7c: {  	_ =	shalt  }
0x7d: {  	_ =	shalt  }
0x7e: {  	_ =	shalt  }
0x7f: {  	_ =	shalt  }
0x80: {  	_ =	shalt  }
0x81: {  	_ =	shalt  }
0x82: {  	_ =	shalt  }
0x83: {  	_ =	shalt  }
0x84: {  	_ =	shalt  }
0x85: {  	_ =	shalt  }
0x86: {  	_ =	shalt  }
0x87: {  	_ =	shalt  }
.Lfunc_end0:
.L_simem_size_0:
called_computation_lowered:
.L_overlay_start_0:
0x88: {  	s2 =	sld [smem:$0x3FD9]  }
0x89: {  	s3 =	sld [smem:$0x3FFE];
	_ =	sdelay $0x1  }
0x8a: {  	s1 =	srdreg.scid  }
0x8b: {  	s0 =	sand.u32 $0x1, s1  }
0x8c: {  	s17 =	sshll.u32 s0, $0xA;
	s2 =	sadd.s32 s3, s2  }
0x8d: {  	s2 =	sadd.s32 s2, s17  }
0x8e: {  	[smem:$0x3FB6] =	sst s2  }
0x8f: {  	_ = 	snop  }
0x90: {  	s2 =	sld [smem:$0x3FC9]  }
0x91: {  	s18 =	sld [smem:$0x3FC7];
	(tm) =	ssettm $0x1  }
0x92: {  	s4 =	sld [smem:$0x3FFB];
	_ =	sdelay $0x3  }
0x93: {  	_ =	strace s4  }
0x94: {  	s4 =	sld [smem:$0x3FFC];
	_ =	sdelay $0x3  }
0x95: {  	_ =	strace s4  }
0x96: {  	s4 =	sld [smem:$0x3FFD];
	_ =	sdelay $0x3  }
0x97: {  	_ =	strace s4  }
0x98: {  	_ =	strace $0x8FFFFFFF  }
0x99: {  	s19 =	sld [smem:$0x3FDB];
	_ =	sdelay $0x1  }
0x9a: {  	s5 =	simm.s32 $_scs_section_size  }
0x9b: {  	s6 =	simm.s32 $_size__tile_overlayer_lowered;
	s7 =	simm.s32 $_tile_overlayer_lowered  }
0x9c: {  	s22 =	simm.s32 $0x1BFF;
	s21 =	sshll.u32 s7, $0x1;
	s4 =	sadd.s32 s5, s19  }
0x9d: {  	s8 =	simm.s32 $0x0;
	s20 =	sshll.u32 s6, $0x1;
	s6 =	sadd.s32 s21, s4  }
0x9e: {  	[timem:s8], [sflag:s22] =	dma.local [hbm:s6], s20  }
0x9f: {  	_ =	swait.ge [sflag:s22], s20  }
0xa0: {  	s5 =	ssub.s32 $0x0, s20;
	[sflag:s22] =	ssyncset.done $0x0  }
0xa1: {  	[sflag:s22] =	ssyncadd.s32 s5;
	_ =	sdelay $0x1  }
0xa2: {  	s23 =	simm.s32 $0x1B8B  }
0xa3: {  	_ =	swait.ge [sflag:s23], $0x1  }
0xa4: {  	[sflag:s23] =	ssyncset.done $0x0  }
0xa5: {  	s25 =	simm.s32 $0x1B8E;
	s24 =	sld [smem:$0x3FFE];
	[sflag:s23] =	ssyncadd.s32 $0xFFFFFFFF  }
0xa6: {  	s26 =	simm.s32 $execute0_lowered;
	[smem:$0x3FD2] =	sst s25  }
0xa7: {  	s6 =	sshll.u32 s26, $0x1;
	_ =	strace $0x80000046;
	[dreg:$0x1] =	wrdreg $0xFFFFFFFF  }
0xa8: {  	s28 =	simm.s32 $_size_execute0_lowered;
	s4 =	sadd.s32 s4, s6;
	[dreg:$0x0] =	wrdreg $0x0  }
0xa9: {  	s6 =	sshll.u32 s28, $0x1;
	[dreg:$0x2] =	wrdreg s4  }
0xaa: {  	[dreg:$0x3] =	wrdreg s6  }
0xab: {  	[dreg:$0x4] =	wrdreg $0xC0  }
0xac: {  	_ =	task [dreg:s8], $0x5FFFF  }
0xad: {  	[dreg:$0x1] =	wrdreg $0xFFFFFFFF  }
0xae: {  	[dreg:$0x0] =	wrdreg $0x60  }
0xaf: {  	[dreg:$0x2] =	wrdreg s2  }
0xb0: {  	[dreg:$0x3] =	wrdreg s18  }
0xb1: {  	[dreg:$0x4] =	wrdreg s24  }
0xb2: {  	[dreg:$0x5] =	wrdreg $0x0  }
0xb3: {  	[dreg:$0x6] =	wrdreg $0xA0000  }
0xb4: {  	[dreg:$0x7] =	wrdreg $0x9  }
0xb5: {  	_ =	task.clear_ibuf [dreg:s8], $0x8FFFF;
	_ =	strace $0x90000046  }
0xb6: {  	s29 =	simm.s32 $0x9;
	_ =	strace $0x80000048  }
0xb7: {  	_ =	swait.ge [sflag:s29], $0x1  }
0xb8: {  	[sflag:s29] =	ssyncadd.s32 $0xFFFFFFFF  }
0xb9: {  	_ =	strace $0x90000048  }
0xba: {  	_ =	sfence  }
0xbb: {  	s30 =	sld [smem:$0x0];
	_ =	sdelay $0x2  }
0xbc: {  	s31 =	sshll.u32 s1, $0xD;
	s1 =	sshrl.u32 s1, $0x2  }
0xbd: {  	s3 =	sand.u32 $0x4000, s31;
	s1 =	sadd.s32 s1, s30  }
0xbe: {  	s0 =	sor.u32 s3, s0;
	s1 =	sshll.u32 s1, $0x11  }
0xbf: {  	s0 =	sor.u32 s1, s0  }
0xc0: {  	s0 =	sadd.s32 $0x8F2B, s0  }
0xc1: {  	[sflag:s0] =	ssyncadd.remote.s32 $0x1  }
0xc2: {  	_ =	sfence.sel $0xFFFF  }
0xc3: {  	[dreg:$0x0] =	wrdreg $0xFFFFFFFF;
	(pc) =	sbr.abs _section_cstart, $3  }
0xc4: {  	[dreg:$0x1] =	wrdreg $0xFFFFFFFF  }
0xc5: {  	_ =	task.clear_ibuf [dreg:s8], $0x2FFFF;
	_ =	strace $0x9FFFFFFF  }
0xc6: {  	(tm) =	ssettm $0x7FFFFFFF  }
0xc7: {  	_ =	shalt  }
tec
execute0_lowered:
.L_overlay_start_1:
0x0: {  	(tag) =	ssettag $0x1  }
0x1: {  	s0 =	rddreg [dreg:$0x0]  }
0x2: {  	s3 =	rddreg [dreg:$0x1]  }
0x3: {  	s9 =	rddreg [dreg:$0x2]  }
0x4: {  	s1 =	rddreg [dreg:$0x3]  }
0x5: {  	s2 =	rddreg [dreg:$0x4];
	s16 =	simm.s32 $0x0;
	s18 =	stileid.u32  }
0x6: {  	s8 =	srdreg.scid;
	s30 =	simm.s32 $0x6;
	s31 =	simm.s32 $0x4  }
0x7: {  	[smem:$0x7FF] =	sst s16;
	s5 =	sadd.s32 $0x20200, s9;
	s10 =	smul.u32 $0xA000, s18  }
0x8: {  	s6 =	sadd.s32 $0x16200, s9;
	s7 =	sadd.s32 $0xC200, s9;
	s11 =	sand.u32 $0x1, s8  }
0x9: {  	s8 =	sadd.s32 $0x2200, s9;
	p3 =	sne.s32 s18, $0xF;
	s14 =	smul.u32 $0x28000, s18  }
0xa: {  	s23 =	smul.u32 $0x2800, s18;
	s17 =	sadd.s32 $0x25800, s0;
	s24 =	sadd.s32 $0x25800, s3  }
0xb: {  	s29 =	smul.u32 $0x5000, s18;
	_ =	strace $0x80000047;
	s13 =	ssub.s32 $0x2, s11  }
0xc: {  	p2 =	seq.s32 s11, $0x0;
	p1 =	seq.s32 s11, $0x1;
	[dreg:$0x9] =	wrdreg s17  }
0xd: {  	[dreg:$0xb] =	wrdreg s24;
	p5 =	sne.s32 s11, $0x0;
	s11 =	simm.s32 $0x5  }
0xe: {  	s12 =	sshrl.u32 s10, $0x3;
	s21 =	sshrl.u32 s13, $0x1;
	s25 =	sadd.s32 s10, s2  }
0xf: {  	s22 =	sshrl.u32 s14, $0x2;
	s10 =	sadd.s32 s10, s1;
	[dreg:$0xc] =	wrdreg s25  }
0x10: {  	s9 =	sadd.s32 s12, s9;
	s15 =	sadd.s32 s22, s1;
	[dreg:$0x13] =	wrdreg s10  }
0x11: {  	s12 =	ssub.s32 s13, s21;
	s21 =	sadd.s32 $0x25808, s3;
	[dreg:$0x7] =	wrdreg s15  }
0x12: {  	s13 =	sadd.s32 s22, s2;
	s25 =	sadd.s32 $0x96000, s1;
	[dreg:$0x15] =	wrdreg s21  }
0x13: {  	p0 =	por !p2, !p3;
	s26 =	sadd.s32 $0x2000, s13;
	[dreg:$0x19] =	wrdreg s25  }
0x14: {  	p3 =	por !p3, !p1;
	s28 =	sadd.s32 $0x4000, s13;
	[dreg:$0xd] =	wrdreg s26  }
0x15: {  	p6 =	por !p0, !p0;
	s17 =	sadd.s32 $0x6000, s13;
	[dreg:$0xe] =	wrdreg s28  }
0x16: {  	p0 =	seq.s32 s18, $0xF;
	s13 =	sadd.s32 $0x8000, s13;
	[dreg:$0xf] =	wrdreg s17  }
0x17: {  	p3 =	por !p3, !p3;
	s19 =	sadd.s32 $0x66200, s9;
	[dreg:$0x10] =	wrdreg s13  }
0x18: {  	s10 =	simm.s32 $0x1A800;
	s20 =	sadd.s32 $0x3E200, s9;
	[dreg:$0x11] =	wrdreg s19  }
0x19: {  	s15 =	sadd.s32 s0, s23;
	s0 =	sadd.s32 $0x25808, s0;
	[dreg:$0x12] =	wrdreg s20  }
0x1a: {  	s4 =	simm.s32 @!p0 $0x0;
	s22 =	sadd.s32 $0x52200, s9;
	[dreg:$0x14] =	wrdreg s0  }
0x1b: {  	p2 =	por !p2, !p0;
	s24 =	smax.u32 s12, $0x1;
	[dreg:$0x16] =	wrdreg s22  }
0x1c: {  	s25 =	simm.s32 $0x1C800;
	s12 =	simm.s32 $0x3;
	[dreg:$0x18] =	wrdreg s24  }
0x1d: {  	s4 =	simm.s32 @p0 $0x1;
	p0 =	por !p2, !p2;
	[dreg:$0x8] =	wrdreg s15  }
0x1e: {  	s26 =	sadd.s32 $0x8, s15;
	s13 =	simm.s32 $0x7D;
	s19 =	simm.s32 $0x14000  }
0x1f: {  	s20 =	simm.s32 $0x14080;
	s22 =	simm.s32 $0x18800;
	s24 =	simm.s32 $0x1  }
0x20: {  	s15 =	simm.s32 $0x8;
	[smem:$0x7FA] =	sst s4;
	s4 =	sadd.s32 s3, s23  }
0x21: {  	s23 =	sadd.s32 $0x2A200, s9;
	s0 =	simm.s32 @!p0 $0x0;
	[dreg:$0x1a] =	wrdreg s26  }
0x22: {  	s26 =	simm.s32 $0x2;
	s3 =	simm.s32 @!p6 $0x0;
	[dreg:$0x17] =	wrdreg s23  }
.Ltmp0:
0x23: {  	s0 =	simm.s32 @p0 $0x1;
	[dreg:$0xa] =	wrdreg s4;
	(pc) =	sbr.rel .LBB2_1-.Ltmp0, $4  }
0x24: {  	p0 =	por !p0, p3;
	s28 =	sadd.s32 $0x8, s4;
	[smem:$0x7FB] =	sst s0  }
0x25: {  	s3 =	simm.s32 @p6 $0x1;
	s0 =	simm.s32 @!p0 $0x0;
	[dreg:$0x1b] =	wrdreg s28  }
0x26: {  	s9 =	simm.s32 $0x7;
	[smem:$0x7FD] =	sst s3;
	s0 =	simm.s32 @p0 $0x1  }
0x27: {  	v0 =	vimm.f32 $0.0e+00;
	s23 =	simm.s32 $0x14100;
	[smem:$0x7FC] =	sst s0;
	s0 =	simm.s32 $0x16800  }
.LBB2_15:
0x28: {  	[bflag:$0x0] =	sbarrier.arrive $0xFFFF  }
0x29: {  	s3 =	rddreg [dreg:$0x16]  }
0x2a: {  	s4 =	rddreg [dreg:$0x1e]  }
0x2b: {  	s14 =	rddreg [dreg:$0x1f]  }
0x2c: {  	[hbm:s3], [sflag:s4] =	dma.local @!p5 [spmem:s14], $0x1400  }
0x2d: {  	s3 =	simm.s32 @!p5 $0x9  }
0x2e: {  	_ =	swait.ge @!p5 [sflag:s3], $0x1400  }
0x2f: {  	s4 =	sld [smem:$0x7F8]  }
0x30: {  	s14 =	sld [smem:$0x7F9]  }
0x31: {  	[sflag:s3] =	ssyncset.done @!p5 $0x0  }
0x32: {  	[sflag:s3] =	ssyncadd.s32 @!p5 $0xFFFFEC00;
	s3 =	rddreg [dreg:$0x17]  }
0x33: {  	[hbm:s3], [sflag:s4] =	dma.local @p1 [spmem:s14], $0x1400  }
0x34: {  	s3 =	simm.s32 @p1 $0x9  }
0x35: {  	_ =	swait.ge @p1 [sflag:s3], $0x1400  }
0x36: {  	s16 =	rddreg [dreg:$0x6]  }
0x37: {  	s28 =	rddreg [dreg:$0x18];
	s16 =	sadd.s32 $0x1, s16  }
0x38: {  	p0 =	sne.s32 s16, s28  }
.Ltmp1:
0x39: {  	_ = 	snop;
	(pc) =	sbr.rel @!p0 .LBB2_16-.Ltmp1, $3  }
0x3a: {  	_ =	sdelay $0x1  }
0x3b: {  	[sflag:s3] =	ssyncset.done @p1 $0x0  }
0x3c: {  	[sflag:s3] =	ssyncadd.s32 @p1 $0xFFFFEC00;
	s3 =	stileid.u32  }
.LBB2_1:
0x3d: {  	[dreg:$0x6] =	wrdreg s16;
	s14 =	simm.s32 $0x100;
	s3 =	simm.s32 $0x0  }
.LBB2_2:
0x3e: {  	p2 =	sne.s32 s14, $0x7F00;
	[tilespmem:s3+$0x16830] =	vst v0;
	s16 =	smov.u32 s14;
	s14 =	sadd.s32 $0x100, s14  }
.Ltmp2:
0x3f: {  	[tilespmem:s3+$0x16820] =	vst v0;
	(pc) =	sbr.rel @p2 .LBB2_2-.Ltmp2, $3  }
0x40: {  	[tilespmem:s3+$0x16800] =	vst v0  }
0x41: {  	[tilespmem:s3+$0x16810] =	vst v0;
	_ =	sdelay $0x1  }
0x42: {  	s3 =	sshra.s32 s16, $0x2  }
0x43: {  	[tilespmem:s3+$0x16830] =	vst v0  }
0x44: {  	[tilespmem:s3+$0x16820] =	vst v0  }
0x45: {  	s4 =	stileid.u32;
	[tilespmem:s3+$0x16800] =	vst v0  }
0x46: {  	s28 =	rddreg [dreg:$0x7];
	[tilespmem:s3+$0x16810] =	vst v0;
	s3 =	simm.s32 @p6 $0x1;
	s14 =	sshll.u32 @p6 s4, $0x6  }
0x47: {  	s16 =	simm.s32 @p6 $0x8;
	s18 =	rddreg [dreg:$0x8];
	s4 =	sor.u32 @p6 $0x1C01, s14  }
0x48: {  	s17 =	simm.s32 @p6 $0x10;
	s14 =	sshrl.u32 @p6 s28, $0x3;
	[dreg:$0x1c] =	wrdreg s4  }
0x49: {  	[spmem:s14@s16], [sflag:s4] =	dma.strided @p6 [hbm:s18@s17], $0x1400, s3, $0x8   }
0x4a: {  	s3 =	sld [smem:$0x7FC];
	_ =	sdelay $0x2  }
0x4b: {  	p0 =	seq.s32 s3, $0x1;
	s3 =	rddreg [dreg:$0x19]  }
0x4c: {  	s4 =	rddreg [dreg:$0x9];
	s14 =	sshrl.u32 @!p0 s3, $0x3;
	s16 =	simm.s32 @!p0 $0x1  }
0x4d: {  	s17 =	simm.s32 @!p0 $0x8;
	s18 =	simm.s32 @!p0 $0x10;
	s21 =	simm.s32 @!p0 $0x1FC1  }
0x4e: {  	[spmem:s14@s17], [sflag:s21] =	dma.strided @!p0 [hbm:s4@s18], $0xC80, s16, $0x8   }
0x4f: {  	s4 =	sld [smem:$0x7FA];
	_ =	sdelay $0x2  }
0x50: {  	p2 =	por @!p0 $0x1, $0x1;
	p4 =	seq.s32 s4, $0x1  }
0x51: {  	p4 =	por @!p0 p2, p2  }
0x52: {  	p2 =	por @!p3 !p4, !p1  }
0x53: {  	p2 =	por @!p3 !p2, !p2  }
0x54: {  	s17 =	stileid.u32;
	s4 =	rddreg [dreg:$0xb];
	p2 =	por !p2, p3  }
0x55: {  	s14 =	sshll.u32 @!p2 s17, $0x6;
	s16 =	sshrl.u32 @!p2 s3, $0x3;
	s3 =	simm.s32 @!p2 $0x1  }
0x56: {  	s18 =	simm.s32 @!p2 $0x8;
	s21 =	simm.s32 @!p2 $0x10;
	s14 =	sor.u32 @!p2 $0x1C01, s14  }
0x57: {  	[spmem:s16@s18], [sflag:s14] =	dma.strided @!p2 [hbm:s4@s21], $0xC80, s3, $0x8   }
0x58: {  	s14 =	sshll.u32 @p3 s17, $0x6;
	s16 =	simm.s32 @p3 $0x1  }
0x59: {  	s18 =	simm.s32 @p3 $0x8;
	s3 =	sor.u32 @p3 $0x1C01, s14;
	s4 =	rddreg [dreg:$0xa]  }
0x5a: {  	s21 =	simm.s32 @p3 $0x10;
	s14 =	sshrl.u32 @p3 s28, $0x3;
	[dreg:$0x1d] =	wrdreg s3  }
0x5b: {  	[spmem:s14@s18], [sflag:s3] =	dma.strided @p3 [hbm:s4@s21], $0x1400, s16, $0x8   }
0x5c: {  	s4 =	rddreg [dreg:$0xc]  }
0x5d: {  	[spmem:s4] =	stream.linear.scatter [tilespmem:s0], [sflag:$0x5], $0x2000, $0x38;
	[tilespmem:$0x1E800] =	vst v63  }
0x5e: {  	s14 =	rddreg [dreg:$0xd]  }
0x5f: {  	[spmem:s14] =	stream.linear.scatter [tilespmem:s0], [sflag:$0x5], $0x2000, $0x38;
	[tilespmem:$0x1E800] =	vst v63  }
0x60: {  	s17 =	rddreg [dreg:$0xe]  }
0x61: {  	[spmem:s17] =	stream.linear.scatter [tilespmem:s0], [sflag:$0x5], $0x2000, $0x38;
	[tilespmem:$0x1E800] =	vst v63  }
0x62: {  	s18 =	rddreg [dreg:$0xf]  }
0x63: {  	[spmem:s18] =	stream.linear.scatter [tilespmem:s0], [sflag:$0x5], $0x2000, $0x38;
	[tilespmem:$0x1E800] =	vst v63  }
0x64: {  	s3 =	simm.s32 @p6 $0x1;
	s21 =	rddreg [dreg:$0x10]  }
0x65: {  	[spmem:s21] =	stream.linear.scatter [tilespmem:s0], [sflag:$0x5], $0x2000, $0x38;
	[tilespmem:$0x1E800] =	vst v63  }
0x66: {  	_ =	swait.ge @p6 [sflag:s3], $0x1400  }
0x67: {  	[sflag:s3] =	ssyncset.done @p6 $0x0  }
0x68: {  	[sflag:s3] =	ssyncadd.s32 @p6 $0xFFFFEC00  }
0x69: {  	_ =	swait.ge @p3 [sflag:s16], $0x1400  }
0x6a: {  	s28 =	sld [smem:$0x7FB];
	_ =	sdelay $0x2  }
0x6b: {  	p4 =	por @p3 $0x0, $0x0;
	p0 =	seq.s32 s28, $0x1  }
0x6c: {  	p6 =	por @!p3 $0x0, $0x0;
	[sflag:s16] =	ssyncset.done @p3 $0x0;
	p4 =	por @!p3 p0, p0  }
0x6d: {  	[sflag:s16] =	ssyncadd.s32 @p3 $0xFFFFEC00;
	p0 =	por @!p2 $0x1, $0x1;
	s3 =	simm.s32 @p4 $0x1  }
0x6e: {  	p6 =	por @!p2 p0, p0;
	p2 =	por @p3 $0x0, $0x0;
	_ =	swait.ge @p4 [sflag:s3], $0xC80  }
0x6f: {  	p2 =	por @!p3 p6, p6;
	[sflag:s3] =	ssyncset.done @p4 $0x0  }
0x70: {  	[sflag:s3] =	ssyncadd.s32 @p4 $0xFFFFF380;
	s3 =	simm.s32 @p2 $0x1  }
0x71: {  	_ =	swait.ge @p2 [sflag:s3], $0xC80  }
0x72: {  	[sflag:s3] =	ssyncset.done @p2 $0x0  }
0x73: {  	[sflag:s3] =	ssyncadd.s32 @p2 $0xFFFFF380  }
0x74: {  	_ =	swait.ge [sflag:s11], $0x2000  }
0x75: {  	[sflag:s11] =	ssyncset.done $0x0  }
0x76: {  	[sflag:s11] =	ssyncadd.s32 $0xFFFFE000  }
0x77: {  	_ =	swait.ge [sflag:s11], $0x2000  }
0x78: {  	[sflag:s11] =	ssyncset.done $0x0  }
0x79: {  	[sflag:s11] =	ssyncadd.s32 $0xFFFFE000  }
0x7a: {  	_ =	swait.ge [sflag:s11], $0x2000  }
0x7b: {  	[sflag:s11] =	ssyncset.done $0x0  }
0x7c: {  	[sflag:s11] =	ssyncadd.s32 $0xFFFFE000  }
0x7d: {  	_ =	swait.ge [sflag:s11], $0x2000  }
0x7e: {  	[sflag:s11] =	ssyncset.done $0x0  }
0x7f: {  	[sflag:s11] =	ssyncadd.s32 $0xFFFFE000  }
.Ltmp3:
0x80: {  	_ =	swait.ge [sflag:s11], $0x2000;
	(pc) =	sbr.rel .LBB2_4-.Ltmp3, $4  }
0x81: {  	[sflag:s11] =	ssyncset.done $0x0  }
0x82: {  	[sflag:s11] =	ssyncadd.s32 $0xFFFFE000  }
0x83: {  	[bflag:$0x0] =	sbarrier.arrive $0xFFFF  }
0x84: {  	s3 =	simm.s32 $0x0  }
.LBB2_7:
0x85: {  	_ =	swait.ge [sflag:s11], $0x1F40  }
0x86: {  	[sflag:s11] =	ssyncset.done $0x0  }
0x87: {  	[sflag:s11] =	ssyncadd.s32 $0xFFFFE0C0  }
0x88: {  	_ =	swait.ge [sflag:s30], $0x1F40  }
0x89: {  	[sflag:s30] =	ssyncset.done $0x0  }
0x8a: {  	s3 =	sadd.s32 $0x1, s3;
	[sflag:s30] =	ssyncadd.s32 $0xFFFFE0C0  }
0x8b: {  	p0 =	sne.s32 s3, $0x4;
	_ =	swait.ge [sflag:s9], $0x1F40  }
.Ltmp4:
0x8c: {  	[sflag:s9] =	ssyncset.done $0x0;
	(pc) =	sbr.rel @!p0 .LBB2_8-.Ltmp4, $4  }
0x8d: {  	[sflag:s9] =	ssyncadd.s32 $0xFFFFE0C0  }
0x8e: {  	_ =	swait.ge [sflag:s15], $0x1F40  }
0x8f: {  	[sflag:s15] =	ssyncset.done $0x0  }
0x90: {  	[sflag:s15] =	ssyncadd.s32 $0xFFFFE0C0  }
.LBB2_4:
0x91: {  	s14 =	smul.u32 @!p5 $0x1400, s3;
	_ =	sdelay $0x1  }
0x92: {  	s14 =	sadd.s32 @!p5 s29, s14  }
0x93: {  	s14 =	sshrl.u32 @!p5 s14, $0x3  }
0x94: {  	s18 =	simm.s32 @!p5 $0x0;
	s21 =	simm.s32 @!p5 $0x14000;
	s16 =	sadd.s32 @!p5 s5, s14  }
0x95: {  	[tilespmem:s21], [sflag:$0x9] =	stream.linear.gather @!p5 [hbm4b:s16+s18], $0x1400, $0x38;
	[tilespmem:$0x1E800] =	vst v63  }
0x96: {  	s16 =	simm.s32 @!p5 $0x9  }
0x97: {  	_ =	swait.ge @!p5 [sflag:s16], $0x1400  }
0x98: {  	[sflag:s16] =	ssyncset.done @!p5 $0x0  }
0x99: {  	s14 =	sadd.s32 @!p5 s6, s14;
	s21 =	simm.s32 @!p5 $0x15400;
	[sflag:s16] =	ssyncadd.s32 @!p5 $0xFFFFEC00  }
0x9a: {  	[tilespmem:s21], [sflag:$0x9] =	stream.linear.gather @!p5 [hbm4b:s14+s18], $0x1400, $0x38;
	[tilespmem:$0x1E800] =	vst v63  }
0x9b: {  	s14 =	smul.u32 @p1 $0x1400, s3;
	_ =	sdelay $0x1  }
0x9c: {  	_ =	swait.ge @!p5 [sflag:s16], $0x1400;
	s14 =	sadd.s32 @p1 s29, s14  }
0x9d: {  	s18 =	simm.s32 @p1 $0x0;
	[sflag:s16] =	ssyncset.done @!p5 $0x0;
	s14 =	sshrl.u32 @p1 s14, $0x3  }
0x9e: {  	s21 =	simm.s32 @p1 $0x14000;
	[sflag:s16] =	ssyncadd.s32 @!p5 $0xFFFFEC00;
	s16 =	sadd.s32 @p1 s7, s14  }
0x9f: {  	[tilespmem:s21], [sflag:$0x9] =	stream.linear.gather @p1 [hbm4b:s16+s18], $0x1400, $0x38;
	[tilespmem:$0x1E800] =	vst v63  }
0xa0: {  	s16 =	simm.s32 @p1 $0x9  }
0xa1: {  	_ =	swait.ge @p1 [sflag:s16], $0x1400  }
0xa2: {  	[sflag:s16] =	ssyncset.done @p1 $0x0  }
0xa3: {  	s14 =	sadd.s32 @p1 s8, s14;
	s21 =	simm.s32 @p1 $0x15400;
	[sflag:s16] =	ssyncadd.s32 @p1 $0xFFFFEC00  }
0xa4: {  	[tilespmem:s21], [sflag:$0x9] =	stream.linear.gather @p1 [hbm4b:s14+s18], $0x1400, $0x38;
	[tilespmem:$0x1E800] =	vst v63  }
0xa5: {  	_ =	swait.ge @p1 [sflag:s16], $0x1400  }
0xa6: {  	[sflag:s16] =	ssyncset.done @p1 $0x0  }
0xa7: {  	[sflag:s16] =	ssyncadd.s32 @p1 $0xFFFFEC00  }
0xa8: {  	[tilespmem:s0], [sflag:$0x1] =	stream.indirect.gather [spmem:s1], $0x40, s19, s13, $0xb8;
	[tilespmem:$0x1E800] =	vst v63  }
0xa9: {  	_ = 	snop  }
0xaa: {  	[tilespmem:s22], [sflag:$0x2] =	stream.indirect.gather [spmem:s1], $0x40, s20, s13, $0xb8;
	[tilespmem:$0x1E800] =	vst v63  }
0xab: {  	s14 =	simm.s32 $0x0  }
0xac: {  	[tilespmem:s10], [sflag:$0x3] =	stream.indirect.gather [spmem:s1], $0x40, s23, s13, $0xb8;
	[tilespmem:$0x1E800] =	vst v63  }
.LBB2_5:
0xad: {  	_ =	swait.ge [sflag:s24], $0x1F40  }
0xae: {  	s18 =	sshra.s32 s14, $0x2;
	[sflag:s24] =	ssyncset.done $0x0  }
0xaf: {  	p0 =	seq.s32 s14, $0x0;
	s16 =	sadd.s32 $0x15400, s18;
	[sflag:s24] =	ssyncadd.s32 $0xFFFFE0C0  }
0xb0: {  	[spmem:s2] =	stream.indirect.scatter.add.f32 [tilespmem:s0], [sflag:$0x5], $0x40, s16, s13, $0xb8;
	[tilespmem:$0x1E800] =	vst v63  }
0xb1: {  	s16 =	simm.s32 @!p0 $0x8  }
0xb2: {  	_ =	swait.ge @!p0 [sflag:s16], $0x1F40  }
0xb3: {  	[sflag:s16] =	ssyncset.done @!p0 $0x0  }
0xb4: {  	s17 =	sadd.s32 $0x14180, s18;
	[sflag:s16] =	ssyncadd.s32 @!p0 $0xFFFFE0C0  }
0xb5: {  	[tilespmem:s25], [sflag:$0x4] =	stream.indirect.gather [spmem:s1], $0x40, s17, s13, $0xb8;
	[tilespmem:$0x1E800] =	vst v63  }
0xb6: {  	_ =	swait.ge [sflag:s26], $0x1F40  }
0xb7: {  	[sflag:s26] =	ssyncset.done $0x0  }
0xb8: {  	s21 =	sadd.s32 $0x15480, s18;
	[sflag:s26] =	ssyncadd.s32 $0xFFFFE0C0  }
0xb9: {  	[spmem:s2] =	stream.indirect.scatter.add.f32 [tilespmem:s22], [sflag:$0x6], $0x40, s21, s13, $0xb8;
	[tilespmem:$0x1E800] =	vst v63  }
0xba: {  	_ =	swait.ge [sflag:s11], $0x1F40  }
0xbb: {  	[sflag:s11] =	ssyncset.done $0x0  }
0xbc: {  	s28 =	sadd.s32 $0x14200, s18;
	[sflag:s11] =	ssyncadd.s32 $0xFFFFE0C0  }
0xbd: {  	[tilespmem:s0], [sflag:$0x1] =	stream.indirect.gather [spmem:s1], $0x40, s28, s13, $0xb8;
	[tilespmem:$0x1E800] =	vst v63  }
0xbe: {  	_ =	swait.ge [sflag:s12], $0x1F40  }
0xbf: {  	[sflag:s12] =	ssyncset.done $0x0  }
0xc0: {  	s4 =	sadd.s32 $0x15500, s18;
	[sflag:s12] =	ssyncadd.s32 $0xFFFFE0C0  }
0xc1: {  	[spmem:s2] =	stream.indirect.scatter.add.f32 [tilespmem:s10], [sflag:$0x7], $0x40, s4, s13, $0xb8;
	[tilespmem:$0x1E800] =	vst v63  }
0xc2: {  	_ =	swait.ge [sflag:s30], $0x1F40  }
0xc3: {  	[sflag:s30] =	ssyncset.done $0x0  }
0xc4: {  	s17 =	sadd.s32 $0x14280, s18;
	[sflag:s30] =	ssyncadd.s32 $0xFFFFE0C0  }
0xc5: {  	[tilespmem:s22], [sflag:$0x2] =	stream.indirect.gather [spmem:s1], $0x40, s17, s13, $0xb8;
	[tilespmem:$0x1E800] =	vst v63  }
0xc6: {  	_ =	swait.ge [sflag:s31], $0x1F40  }
0xc7: {  	[sflag:s31] =	ssyncset.done $0x0  }
0xc8: {  	s21 =	sadd.s32 $0x15580, s18;
	[sflag:s31] =	ssyncadd.s32 $0xFFFFE0C0  }
0xc9: {  	[spmem:s2] =	stream.indirect.scatter.add.f32 [tilespmem:s25], [sflag:$0x8], $0x40, s21, s13, $0xb8;
	[tilespmem:$0x1E800] =	vst v63  }
0xca: {  	_ =	swait.ge [sflag:s9], $0x1F40  }
0xcb: {  	[sflag:s9] =	ssyncset.done $0x0  }
0xcc: {  	s28 =	sadd.s32 $0x14300, s18;
	[sflag:s9] =	ssyncadd.s32 $0xFFFFE0C0  }
0xcd: {  	[tilespmem:s10], [sflag:$0x3] =	stream.indirect.gather [spmem:s1], $0x40, s28, s13, $0xb8;
	[tilespmem:$0x1E800] =	vst v63  }
0xce: {  	_ =	swait.ge [sflag:s24], $0x1F40  }
0xcf: {  	[sflag:s24] =	ssyncset.done $0x0  }
0xd0: {  	s4 =	sadd.s32 $0x15600, s18;
	[sflag:s24] =	ssyncadd.s32 $0xFFFFE0C0  }
0xd1: {  	[spmem:s2] =	stream.indirect.scatter.add.f32 [tilespmem:s0], [sflag:$0x5], $0x40, s4, s13, $0xb8;
	[tilespmem:$0x1E800] =	vst v63  }
0xd2: {  	_ =	swait.ge [sflag:s15], $0x1F40  }
0xd3: {  	[sflag:s15] =	ssyncset.done $0x0  }
0xd4: {  	s17 =	sadd.s32 $0x14380, s18;
	[sflag:s15] =	ssyncadd.s32 $0xFFFFE0C0  }
0xd5: {  	[tilespmem:s25], [sflag:$0x4] =	stream.indirect.gather [spmem:s1], $0x40, s17, s13, $0xb8;
	[tilespmem:$0x1E800] =	vst v63  }
0xd6: {  	_ =	swait.ge [sflag:s26], $0x1F40  }
0xd7: {  	p6 =	seq.s32 s14, $0x4000;
	[sflag:s26] =	ssyncset.done $0x0  }
0xd8: {  	s16 =	simm.s32 @p6 $0x3;
	s21 =	sadd.s32 $0x15680, s18;
	[sflag:s26] =	ssyncadd.s32 $0xFFFFE0C0  }
0xd9: {  	[spmem:s2] =	stream.indirect.scatter.add.f32 [tilespmem:s22], [sflag:$0x6], $0x40, s21, s13, $0xb8;
	[tilespmem:$0x1E800] =	vst v63  }
0xda: {  	_ =	swait.ge @p6 [sflag:s16], $0x1F40  }
0xdb: {  	[sflag:s16] =	ssyncset.done @p6 $0x0  }
0xdc: {  	[sflag:s16] =	ssyncadd.s32 @p6 $0xFFFFE0C0;
	s16 =	sshra.s32 @p6 s14, $0x2  }
0xdd: {  	s28 =	simm.s32 @p6 $0x1A800;
	s21 =	simm.s32 @p6 $0x7D;
	s16 =	sadd.s32 @p6 $0x15700, s16  }
0xde: {  	[spmem:s2] =	stream.indirect.scatter.add.f32 @p6 [tilespmem:s28], [sflag:$0x7], $0x40, s16, s21, $0xb8;
	[tilespmem:$0x1E800] =	vst v63  }
0xdf: {  	s16 =	simm.s32 @!p6 $0x5  }
0xe0: {  	_ =	swait.ge @!p6 [sflag:s16], $0x1F40  }
0xe1: {  	[sflag:s16] =	ssyncset.done @!p6 $0x0  }
0xe2: {  	[sflag:s16] =	ssyncadd.s32 @!p6 $0xFFFFE0C0;
	s16 =	sshra.s32 @!p6 s14, $0x2  }
0xe3: {  	s17 =	simm.s32 @!p6 $0x16800;
	s28 =	simm.s32 @!p6 $0x7D;
	s21 =	sadd.s32 @!p6 $0x14400, s16  }
0xe4: {  	[tilespmem:s17], [sflag:$0x1] =	stream.indirect.gather @!p6 [spmem:s1], $0x40, s21, s28, $0xb8;
	[tilespmem:$0x1E800] =	vst v63  }
0xe5: {  	s17 =	simm.s32 @!p6 $0x3  }
0xe6: {  	_ =	swait.ge @!p6 [sflag:s17], $0x1F40  }
0xe7: {  	[sflag:s17] =	ssyncset.done @!p6 $0x0  }
0xe8: {  	s21 =	simm.s32 @!p6 $0x1A800;
	[sflag:s17] =	ssyncadd.s32 @!p6 $0xFFFFE0C0;
	s17 =	sadd.s32 @!p6 $0x15700, s16  }
0xe9: {  	[spmem:s2] =	stream.indirect.scatter.add.f32 @!p6 [tilespmem:s21], [sflag:$0x7], $0x40, s17, s28, $0xb8;
	[tilespmem:$0x1E800] =	vst v63  }
0xea: {  	s17 =	simm.s32 @!p6 $0x6  }
0xeb: {  	_ =	swait.ge @!p6 [sflag:s17], $0x1F40  }
0xec: {  	[sflag:s17] =	ssyncset.done @!p6 $0x0  }
0xed: {  	s16 =	sadd.s32 @!p6 $0x14480, s16;
	[sflag:s17] =	ssyncadd.s32 @!p6 $0xFFFFE0C0;
	s17 =	simm.s32 @!p6 $0x18800  }
0xee: {  	[tilespmem:s17], [sflag:$0x2] =	stream.indirect.gather @!p6 [spmem:s1], $0x40, s16, s28, $0xb8;
	[tilespmem:$0x1E800] =	vst v63  }
.Ltmp5:
0xef: {  	_ = 	snop;
	(pc) =	sbr.rel @p6 .LBB2_7-.Ltmp5, $4  }
0xf0: {  	_ =	swait.ge [sflag:s31], $0x1F40  }
0xf1: {  	[sflag:s31] =	ssyncset.done $0x0  }
0xf2: {  	s28 =	sadd.s32 $0x15780, s18;
	[sflag:s31] =	ssyncadd.s32 $0xFFFFE0C0  }
0xf3: {  	[spmem:s2] =	stream.indirect.scatter.add.f32 [tilespmem:s25], [sflag:$0x8], $0x40, s28, s13, $0xb8;
	[tilespmem:$0x1E800] =	vst v63  }
.Ltmp6:
0xf4: {  	(pc) =	sbr.rel .LBB2_5-.Ltmp6, $4  }
0xf5: {  	_ =	swait.ge [sflag:s9], $0x1F40  }
0xf6: {  	[sflag:s9] =	ssyncset.done $0x0  }
0xf7: {  	s16 =	sadd.s32 $0x14500, s18;
	s14 =	sadd.s32 $0x1000, s14;
	[sflag:s9] =	ssyncadd.s32 $0xFFFFE0C0  }
0xf8: {  	[tilespmem:s10], [sflag:$0x3] =	stream.indirect.gather [spmem:s1], $0x40, s16, s13, $0xb8;
	[tilespmem:$0x1E800] =	vst v63  }
.LBB2_8:
0xf9: {  	s14 =	stileid.u32;
	[bflag:$0x0] =	sbarrier.arrive $0xFFFF  }
0xfa: {  	s3 =	sshll.u32 @!p5 s14, $0x6;
	s4 =	rddreg [dreg:$0xc]  }
0xfb: {  	s16 =	sor.u32 @!p5 $0x1C09, s3;
	s3 =	rddreg [dreg:$0x11]  }
0xfc: {  	s17 =	sshrl.u32 @!p5 s4, $0x3;
	[dreg:$0x1e] =	wrdreg s16  }
0xfd: {  	[dreg:$0x1f] =	wrdreg s17  }
0xfe: {  	[hbm:s3], [sflag:s16] =	dma.local @!p5 [spmem:s17], $0x1400  }
0xff: {  	s14 =	sshll.u32 @p1 s14, $0x6;
	s3 =	simm.s32 @!p5 $0x9  }
0x100: {  	s14 =	sor.u32 @p1 $0x1C09, s14;
	_ =	swait.ge @!p5 [sflag:s3], $0x1400  }
0x101: {  	s4 =	sshrl.u32 @p1 s4, $0x3;
	[smem:$0x7F8] =	sst s14  }
0x102: {  	[sflag:s3] =	ssyncset.done @!p5 $0x0;
	[smem:$0x7F9] =	sst s4  }
0x103: {  	s16 =	simm.s32 @p1 $0x9;
	[sflag:s3] =	ssyncadd.s32 @!p5 $0xFFFFEC00;
	s3 =	rddreg [dreg:$0x12]  }
0x104: {  	[hbm:s3], [sflag:s14] =	dma.local @p1 [spmem:s4], $0x1400  }
0x105: {  	_ =	swait.ge @p1 [sflag:s16], $0x1400  }
0x106: {  	[sflag:s16] =	ssyncset.done @p1 $0x0  }
0x107: {  	[sflag:s16] =	ssyncadd.s32 @p1 $0xFFFFEC00  }
0x108: {  	s21 =	simm.s32 $0x0;
	s16 =	simm.s32 $0x100;
	[bflag:$0x0] =	sbarrier.arrive $0xFFFF  }
.LBB2_9:
0x109: {  	p0 =	sne.s32 s16, $0x7F00;
	[tilespmem:s21+$0x16830] =	vst v0;
	s17 =	smov.u32 s16;
	s16 =	sadd.s32 $0x100, s16  }
.Ltmp7:
0x10a: {  	[tilespmem:s21+$0x16820] =	vst v0;
	(pc) =	sbr.rel @p0 .LBB2_9-.Ltmp7, $3  }
0x10b: {  	[tilespmem:s21+$0x16800] =	vst v0  }
0x10c: {  	[tilespmem:s21+$0x16810] =	vst v0;
	_ =	sdelay $0x1  }
0x10d: {  	s21 =	sshra.s32 s17, $0x2  }
0x10e: {  	s3 =	sld [smem:$0x7FD];
	_ =	sdelay $0x1  }
0x10f: {  	[tilespmem:s21+$0x16830] =	vst v0;
	s4 =	rddreg [dreg:$0x13]  }
0x110: {  	[tilespmem:s21+$0x16820] =	vst v0;
	s14 =	rddreg [dreg:$0x1c];
	p6 =	seq.s32 s3, $0x1  }
0x111: {  	[tilespmem:s21+$0x16800] =	vst v0;
	s3 =	rddreg [dreg:$0x1a];
	s16 =	sshrl.u32 @p6 s4, $0x3  }
0x112: {  	[tilespmem:s21+$0x16810] =	vst v0;
	s17 =	simm.s32 @p6 $0x1;
	s21 =	simm.s32 @p6 $0x8;
	s18 =	simm.s32 @p6 $0x10  }
0x113: {  	[spmem:s16@s21], [sflag:s14] =	dma.strided @p6 [hbm:s3@s18], $0x1400, s17, $0x8   }
0x114: {  	s28 =	simm.s32 @p3 $0x10;
	s16 =	sshrl.u32 @p3 s4, $0x3;
	s3 =	rddreg [dreg:$0x1b]  }
0x115: {  	s18 =	simm.s32 @p3 $0x1;
	s21 =	simm.s32 @p3 $0x8;
	s14 =	rddreg [dreg:$0x1d]  }
0x116: {  	[spmem:s16@s21], [sflag:s14] =	dma.strided @p3 [hbm:s3@s28], $0x1400, s18, $0x8   }
0x117: {  	s17 =	simm.s32 @p4 $0x8;
	s3 =	stileid.u32  }
0x118: {  	s21 =	sshrl.u32 @p4 s4, $0x3;
	s28 =	simm.s32 @p4 $0x1;
	s16 =	sshll.u32 @p4 s3, $0x6  }
0x119: {  	s14 =	simm.s32 @p4 $0x10;
	s3 =	rddreg [dreg:$0x14];
	s16 =	sor.u32 @p4 $0x1C01, s16  }
0x11a: {  	[spmem:s21@s17], [sflag:s16] =	dma.strided @p4 [hbm:s3@s14], $0xC80, s28, $0x8   }
0x11b: {  	s3 =	stileid.u32;
	s14 =	sshrl.u32 @p2 s4, $0x3  }
0x11c: {  	s16 =	simm.s32 @p2 $0x1;
	s17 =	simm.s32 @p2 $0x8;
	s3 =	sshll.u32 @p2 s3, $0x6  }
0x11d: {  	s4 =	simm.s32 @p2 $0x10;
	s21 =	rddreg [dreg:$0x15];
	s3 =	sor.u32 @p2 $0x1C01, s3  }
0x11e: {  	[spmem:s14@s17], [sflag:s3] =	dma.strided @p2 [hbm:s21@s4], $0xC80, s16, $0x8   }
0x11f: {  	s3 =	rddreg [dreg:$0xc]  }
0x120: {  	[spmem:s3] =	stream.linear.scatter [tilespmem:s0], [sflag:$0x5], $0x2000, $0x38;
	[tilespmem:$0x1E800] =	vst v63  }
0x121: {  	s4 =	rddreg [dreg:$0xd]  }
0x122: {  	[spmem:s4] =	stream.linear.scatter [tilespmem:s0], [sflag:$0x5], $0x2000, $0x38;
	[tilespmem:$0x1E800] =	vst v63  }
0x123: {  	s14 =	rddreg [dreg:$0xe]  }
0x124: {  	[spmem:s14] =	stream.linear.scatter [tilespmem:s0], [sflag:$0x5], $0x2000, $0x38;
	[tilespmem:$0x1E800] =	vst v63  }
0x125: {  	s17 =	rddreg [dreg:$0xf]  }
0x126: {  	[spmem:s17] =	stream.linear.scatter [tilespmem:s0], [sflag:$0x5], $0x2000, $0x38;
	[tilespmem:$0x1E800] =	vst v63  }
0x127: {  	s21 =	rddreg [dreg:$0x10];
	s3 =	simm.s32 @p6 $0x1  }
0x128: {  	[spmem:s21] =	stream.linear.scatter [tilespmem:s0], [sflag:$0x5], $0x2000, $0x38;
	[tilespmem:$0x1E800] =	vst v63  }
0x129: {  	_ =	swait.ge @p6 [sflag:s3], $0x1400  }
0x12a: {  	[sflag:s3] =	ssyncset.done @p6 $0x0  }
0x12b: {  	[sflag:s3] =	ssyncadd.s32 @p6 $0xFFFFEC00  }
0x12c: {  	_ =	swait.ge @p3 [sflag:s18], $0x1400  }
0x12d: {  	[sflag:s18] =	ssyncset.done @p3 $0x0  }
0x12e: {  	[sflag:s18] =	ssyncadd.s32 @p3 $0xFFFFEC00  }
0x12f: {  	_ =	swait.ge @p4 [sflag:s28], $0xC80  }
0x130: {  	[sflag:s28] =	ssyncset.done @p4 $0x0  }
0x131: {  	[sflag:s28] =	ssyncadd.s32 @p4 $0xFFFFF380  }
0x132: {  	_ =	swait.ge @p2 [sflag:s16], $0xC80  }
0x133: {  	[sflag:s16] =	ssyncset.done @p2 $0x0  }
0x134: {  	[sflag:s16] =	ssyncadd.s32 @p2 $0xFFFFF380  }
0x135: {  	_ =	swait.ge [sflag:s11], $0x2000  }
0x136: {  	[sflag:s11] =	ssyncset.done $0x0  }
0x137: {  	[sflag:s11] =	ssyncadd.s32 $0xFFFFE000  }
0x138: {  	_ =	swait.ge [sflag:s11], $0x2000  }
0x139: {  	[sflag:s11] =	ssyncset.done $0x0  }
0x13a: {  	[sflag:s11] =	ssyncadd.s32 $0xFFFFE000  }
0x13b: {  	_ =	swait.ge [sflag:s11], $0x2000  }
0x13c: {  	[sflag:s11] =	ssyncset.done $0x0  }
0x13d: {  	[sflag:s11] =	ssyncadd.s32 $0xFFFFE000  }
0x13e: {  	_ =	swait.ge [sflag:s11], $0x2000  }
0x13f: {  	[sflag:s11] =	ssyncset.done $0x0  }
0x140: {  	[sflag:s11] =	ssyncadd.s32 $0xFFFFE000  }
.Ltmp8:
0x141: {  	_ =	swait.ge [sflag:s11], $0x2000;
	(pc) =	sbr.rel .LBB2_11-.Ltmp8, $4  }
0x142: {  	[sflag:s11] =	ssyncset.done $0x0  }
0x143: {  	[sflag:s11] =	ssyncadd.s32 $0xFFFFE000  }
0x144: {  	[bflag:$0x0] =	sbarrier.arrive $0xFFFF  }
0x145: {  	s16 =	simm.s32 $0x0  }
.LBB2_14:
0x146: {  	_ =	swait.ge [sflag:s11], $0x1F40  }
0x147: {  	[sflag:s11] =	ssyncset.done $0x0  }
0x148: {  	[sflag:s11] =	ssyncadd.s32 $0xFFFFE0C0  }
0x149: {  	_ =	swait.ge [sflag:s30], $0x1F40  }
0x14a: {  	[sflag:s30] =	ssyncset.done $0x0  }
0x14b: {  	s16 =	sadd.s32 $0x1, s16;
	[sflag:s30] =	ssyncadd.s32 $0xFFFFE0C0  }
0x14c: {  	p0 =	sne.s32 s16, $0x4;
	_ =	swait.ge [sflag:s9], $0x1F40  }
.Ltmp9:
0x14d: {  	[sflag:s9] =	ssyncset.done $0x0;
	(pc) =	sbr.rel @!p0 .LBB2_15-.Ltmp9, $4  }
0x14e: {  	[sflag:s9] =	ssyncadd.s32 $0xFFFFE0C0  }
0x14f: {  	_ =	swait.ge [sflag:s15], $0x1F40  }
0x150: {  	[sflag:s15] =	ssyncset.done $0x0  }
0x151: {  	[sflag:s15] =	ssyncadd.s32 $0xFFFFE0C0  }
.LBB2_11:
0x152: {  	s3 =	smul.u32 @!p5 $0x1400, s16;
	_ =	sdelay $0x1  }
0x153: {  	s3 =	sadd.s32 @!p5 s29, s3  }
0x154: {  	s3 =	sshrl.u32 @!p5 s3, $0x3  }
0x155: {  	s14 =	simm.s32 @!p5 $0x0;
	s17 =	simm.s32 @!p5 $0x14000;
	s4 =	sadd.s32 @!p5 s5, s3  }
0x156: {  	[tilespmem:s17], [sflag:$0x9] =	stream.linear.gather @!p5 [hbm4b:s4+s14], $0x1400, $0x38;
	[tilespmem:$0x1E800] =	vst v63  }
0x157: {  	s4 =	simm.s32 @!p5 $0x9  }
0x158: {  	_ =	swait.ge @!p5 [sflag:s4], $0x1400  }
0x159: {  	[sflag:s4] =	ssyncset.done @!p5 $0x0  }
0x15a: {  	s3 =	sadd.s32 @!p5 s6, s3;
	s17 =	simm.s32 @!p5 $0x15400;
	[sflag:s4] =	ssyncadd.s32 @!p5 $0xFFFFEC00  }
0x15b: {  	[tilespmem:s17], [sflag:$0x9] =	stream.linear.gather @!p5 [hbm4b:s3+s14], $0x1400, $0x38;
	[tilespmem:$0x1E800] =	vst v63  }
0x15c: {  	s3 =	smul.u32 @p1 $0x1400, s16;
	_ =	sdelay $0x1  }
0x15d: {  	_ =	swait.ge @!p5 [sflag:s4], $0x1400;
	s3 =	sadd.s32 @p1 s29, s3  }
0x15e: {  	s14 =	simm.s32 @p1 $0x0;
	[sflag:s4] =	ssyncset.done @!p5 $0x0;
	s3 =	sshrl.u32 @p1 s3, $0x3  }
0x15f: {  	s17 =	simm.s32 @p1 $0x14000;
	[sflag:s4] =	ssyncadd.s32 @!p5 $0xFFFFEC00;
	s4 =	sadd.s32 @p1 s7, s3  }
0x160: {  	[tilespmem:s17], [sflag:$0x9] =	stream.linear.gather @p1 [hbm4b:s4+s14], $0x1400, $0x38;
	[tilespmem:$0x1E800] =	vst v63  }
0x161: {  	s4 =	simm.s32 @p1 $0x9  }
0x162: {  	_ =	swait.ge @p1 [sflag:s4], $0x1400  }
0x163: {  	[sflag:s4] =	ssyncset.done @p1 $0x0  }
0x164: {  	s3 =	sadd.s32 @p1 s8, s3;
	s17 =	simm.s32 @p1 $0x15400;
	[sflag:s4] =	ssyncadd.s32 @p1 $0xFFFFEC00  }
0x165: {  	[tilespmem:s17], [sflag:$0x9] =	stream.linear.gather @p1 [hbm4b:s3+s14], $0x1400, $0x38;
	[tilespmem:$0x1E800] =	vst v63  }
0x166: {  	_ =	swait.ge @p1 [sflag:s4], $0x1400  }
0x167: {  	[sflag:s4] =	ssyncset.done @p1 $0x0  }
0x168: {  	[sflag:s4] =	ssyncadd.s32 @p1 $0xFFFFEC00  }
0x169: {  	[tilespmem:s0], [sflag:$0x1] =	stream.indirect.gather [spmem:s1], $0x40, s19, s13, $0xb8;
	[tilespmem:$0x1E800] =	vst v63  }
0x16a: {  	_ = 	snop  }
0x16b: {  	[tilespmem:s22], [sflag:$0x2] =	stream.indirect.gather [spmem:s1], $0x40, s20, s13, $0xb8;
	[tilespmem:$0x1E800] =	vst v63  }
0x16c: {  	s17 =	simm.s32 $0x0  }
0x16d: {  	[tilespmem:s10], [sflag:$0x3] =	stream.indirect.gather [spmem:s1], $0x40, s23, s13, $0xb8;
	[tilespmem:$0x1E800] =	vst v63  }
.LBB2_12:
0x16e: {  	_ =	swait.ge [sflag:s24], $0x1F40  }
0x16f: {  	s21 =	sshra.s32 s17, $0x2;
	[sflag:s24] =	ssyncset.done $0x0  }
0x170: {  	p0 =	seq.s32 s17, $0x0;
	s3 =	sadd.s32 $0x15400, s21;
	[sflag:s24] =	ssyncadd.s32 $0xFFFFE0C0  }
0x171: {  	[spmem:s2] =	stream.indirect.scatter.add.f32 [tilespmem:s0], [sflag:$0x5], $0x40, s3, s13, $0xb8;
	[tilespmem:$0x1E800] =	vst v63  }
0x172: {  	s3 =	simm.s32 @!p0 $0x8  }
0x173: {  	_ =	swait.ge @!p0 [sflag:s3], $0x1F40  }
0x174: {  	[sflag:s3] =	ssyncset.done @!p0 $0x0  }
0x175: {  	s14 =	sadd.s32 $0x14180, s21;
	[sflag:s3] =	ssyncadd.s32 @!p0 $0xFFFFE0C0  }
0x176: {  	[tilespmem:s25], [sflag:$0x4] =	stream.indirect.gather [spmem:s1], $0x40, s14, s13, $0xb8;
	[tilespmem:$0x1E800] =	vst v63  }
0x177: {  	_ =	swait.ge [sflag:s26], $0x1F40  }
0x178: {  	[sflag:s26] =	ssyncset.done $0x0  }
0x179: {  	s18 =	sadd.s32 $0x15480, s21;
	[sflag:s26] =	ssyncadd.s32 $0xFFFFE0C0  }
0x17a: {  	[spmem:s2] =	stream.indirect.scatter.add.f32 [tilespmem:s22], [sflag:$0x6], $0x40, s18, s13, $0xb8;
	[tilespmem:$0x1E800] =	vst v63  }
0x17b: {  	_ =	swait.ge [sflag:s11], $0x1F40  }
0x17c: {  	[sflag:s11] =	ssyncset.done $0x0  }
0x17d: {  	s28 =	sadd.s32 $0x14200, s21;
	[sflag:s11] =	ssyncadd.s32 $0xFFFFE0C0  }
0x17e: {  	[tilespmem:s0], [sflag:$0x1] =	stream.indirect.gather [spmem:s1], $0x40, s28, s13, $0xb8;
	[tilespmem:$0x1E800] =	vst v63  }
0x17f: {  	_ =	swait.ge [sflag:s12], $0x1F40  }
0x180: {  	[sflag:s12] =	ssyncset.done $0x0  }
0x181: {  	s4 =	sadd.s32 $0x15500, s21;
	[sflag:s12] =	ssyncadd.s32 $0xFFFFE0C0  }
0x182: {  	[spmem:s2] =	stream.indirect.scatter.add.f32 [tilespmem:s10], [sflag:$0x7], $0x40, s4, s13, $0xb8;
	[tilespmem:$0x1E800] =	vst v63  }
0x183: {  	_ =	swait.ge [sflag:s30], $0x1F40  }
0x184: {  	[sflag:s30] =	ssyncset.done $0x0  }
0x185: {  	s14 =	sadd.s32 $0x14280, s21;
	[sflag:s30] =	ssyncadd.s32 $0xFFFFE0C0  }
0x186: {  	[tilespmem:s22], [sflag:$0x2] =	stream.indirect.gather [spmem:s1], $0x40, s14, s13, $0xb8;
	[tilespmem:$0x1E800] =	vst v63  }
0x187: {  	_ =	swait.ge [sflag:s31], $0x1F40  }
0x188: {  	[sflag:s31] =	ssyncset.done $0x0  }
0x189: {  	s18 =	sadd.s32 $0x15580, s21;
	[sflag:s31] =	ssyncadd.s32 $0xFFFFE0C0  }
0x18a: {  	[spmem:s2] =	stream.indirect.scatter.add.f32 [tilespmem:s25], [sflag:$0x8], $0x40, s18, s13, $0xb8;
	[tilespmem:$0x1E800] =	vst v63  }
0x18b: {  	_ =	swait.ge [sflag:s9], $0x1F40  }
0x18c: {  	[sflag:s9] =	ssyncset.done $0x0  }
0x18d: {  	s28 =	sadd.s32 $0x14300, s21;
	[sflag:s9] =	ssyncadd.s32 $0xFFFFE0C0  }
0x18e: {  	[tilespmem:s10], [sflag:$0x3] =	stream.indirect.gather [spmem:s1], $0x40, s28, s13, $0xb8;
	[tilespmem:$0x1E800] =	vst v63  }
0x18f: {  	_ =	swait.ge [sflag:s24], $0x1F40  }
0x190: {  	[sflag:s24] =	ssyncset.done $0x0  }
0x191: {  	s4 =	sadd.s32 $0x15600, s21;
	[sflag:s24] =	ssyncadd.s32 $0xFFFFE0C0  }
0x192: {  	[spmem:s2] =	stream.indirect.scatter.add.f32 [tilespmem:s0], [sflag:$0x5], $0x40, s4, s13, $0xb8;
	[tilespmem:$0x1E800] =	vst v63  }
0x193: {  	_ =	swait.ge [sflag:s15], $0x1F40  }
0x194: {  	[sflag:s15] =	ssyncset.done $0x0  }
0x195: {  	s14 =	sadd.s32 $0x14380, s21;
	[sflag:s15] =	ssyncadd.s32 $0xFFFFE0C0  }
0x196: {  	[tilespmem:s25], [sflag:$0x4] =	stream.indirect.gather [spmem:s1], $0x40, s14, s13, $0xb8;
	[tilespmem:$0x1E800] =	vst v63  }
0x197: {  	_ =	swait.ge [sflag:s26], $0x1F40  }
0x198: {  	p2 =	seq.s32 s17, $0x4000;
	[sflag:s26] =	ssyncset.done $0x0  }
0x199: {  	s3 =	simm.s32 @p2 $0x3;
	s18 =	sadd.s32 $0x15680, s21;
	[sflag:s26] =	ssyncadd.s32 $0xFFFFE0C0  }
0x19a: {  	[spmem:s2] =	stream.indirect.scatter.add.f32 [tilespmem:s22], [sflag:$0x6], $0x40, s18, s13, $0xb8;
	[tilespmem:$0x1E800] =	vst v63  }
0x19b: {  	_ =	swait.ge @p2 [sflag:s3], $0x1F40  }
0x19c: {  	[sflag:s3] =	ssyncset.done @p2 $0x0  }
0x19d: {  	[sflag:s3] =	ssyncadd.s32 @p2 $0xFFFFE0C0;
	s3 =	sshra.s32 @p2 s17, $0x2  }
0x19e: {  	s4 =	simm.s32 @p2 $0x7D;
	s14 =	simm.s32 @p2 $0x1A800;
	s3 =	sadd.s32 @p2 $0x15700, s3  }
0x19f: {  	[spmem:s2] =	stream.indirect.scatter.add.f32 @p2 [tilespmem:s14], [sflag:$0x7], $0x40, s3, s4, $0xb8;
	[tilespmem:$0x1E800] =	vst v63  }
0x1a0: {  	s3 =	simm.s32 @!p2 $0x5  }
0x1a1: {  	_ =	swait.ge @!p2 [sflag:s3], $0x1F40  }
0x1a2: {  	[sflag:s3] =	ssyncset.done @!p2 $0x0  }
0x1a3: {  	[sflag:s3] =	ssyncadd.s32 @!p2 $0xFFFFE0C0;
	s3 =	sshra.s32 @!p2 s17, $0x2  }
0x1a4: {  	s18 =	simm.s32 @!p2 $0x16800;
	s14 =	simm.s32 @!p2 $0x7D;
	s4 =	sadd.s32 @!p2 $0x14400, s3  }
0x1a5: {  	[tilespmem:s18], [sflag:$0x1] =	stream.indirect.gather @!p2 [spmem:s1], $0x40, s4, s14, $0xb8;
	[tilespmem:$0x1E800] =	vst v63  }
0x1a6: {  	s4 =	simm.s32 @!p2 $0x3  }
0x1a7: {  	_ =	swait.ge @!p2 [sflag:s4], $0x1F40  }
0x1a8: {  	[sflag:s4] =	ssyncset.done @!p2 $0x0  }
0x1a9: {  	s18 =	simm.s32 @!p2 $0x1A800;
	[sflag:s4] =	ssyncadd.s32 @!p2 $0xFFFFE0C0;
	s4 =	sadd.s32 @!p2 $0x15700, s3  }
0x1aa: {  	[spmem:s2] =	stream.indirect.scatter.add.f32 @!p2 [tilespmem:s18], [sflag:$0x7], $0x40, s4, s14, $0xb8;
	[tilespmem:$0x1E800] =	vst v63  }
0x1ab: {  	s4 =	simm.s32 @!p2 $0x6  }
0x1ac: {  	_ =	swait.ge @!p2 [sflag:s4], $0x1F40  }
0x1ad: {  	[sflag:s4] =	ssyncset.done @!p2 $0x0  }
0x1ae: {  	s3 =	sadd.s32 @!p2 $0x14480, s3;
	[sflag:s4] =	ssyncadd.s32 @!p2 $0xFFFFE0C0;
	s4 =	simm.s32 @!p2 $0x18800  }
0x1af: {  	[tilespmem:s4], [sflag:$0x2] =	stream.indirect.gather @!p2 [spmem:s1], $0x40, s3, s14, $0xb8;
	[tilespmem:$0x1E800] =	vst v63  }
.Ltmp10:
0x1b0: {  	_ = 	snop;
	(pc) =	sbr.rel @p2 .LBB2_14-.Ltmp10, $4  }
0x1b1: {  	_ =	swait.ge [sflag:s31], $0x1F40  }
0x1b2: {  	[sflag:s31] =	ssyncset.done $0x0  }
0x1b3: {  	s28 =	sadd.s32 $0x15780, s21;
	[sflag:s31] =	ssyncadd.s32 $0xFFFFE0C0  }
0x1b4: {  	[spmem:s2] =	stream.indirect.scatter.add.f32 [tilespmem:s25], [sflag:$0x8], $0x40, s28, s13, $0xb8;
	[tilespmem:$0x1E800] =	vst v63  }
.Ltmp11:
0x1b5: {  	(pc) =	sbr.rel .LBB2_12-.Ltmp11, $4  }
0x1b6: {  	_ =	swait.ge [sflag:s9], $0x1F40  }
0x1b7: {  	[sflag:s9] =	ssyncset.done $0x0  }
0x1b8: {  	s3 =	sadd.s32 $0x14500, s21;
	s17 =	sadd.s32 $0x1000, s17;
	[sflag:s9] =	ssyncadd.s32 $0xFFFFE0C0  }
0x1b9: {  	[tilespmem:s10], [sflag:$0x3] =	stream.indirect.gather [spmem:s1], $0x40, s3, s13, $0xb8;
	[tilespmem:$0x1E800] =	vst v63  }
.LBB2_16:
0x1ba: {  	_ =	sfence.sel $0x180000  }
0x1bb: {  	[bflag:$0x0] =	sbarrier.arrive $0xFFFF  }
0x1bc: {  	_ =	strace $0x90000047  }
0x1bd: {  	[bflag:$0x2] =	sbarrier.arrive $0xFFFF  }
0x1be: {  	p0 =	sne.s32 s3, $0x0;
	s0 =	rddreg [dreg:$0x5]  }
0x1bf: {  	s0 =	sadd.s32 @!p0 $0x100000, s0  }
0x1c0: {  	[sflag:s0] =	ssyncadd.tile.s32 @!p0 $0x1;
	_ =	shalt  }
.Lfunc_end2:
_tile_overlayer_lowered:
.L_overlay_start_2:
0x1c1: {  	(tag) =	ssettag $0x2  }
0x1c2: {  	s0 =	rddreg [dreg:$0x0];
	s2 =	stileid.u32  }
0x1c3: {  	s1 =	rddreg [dreg:$0x1];
	p0 =	sne.s32 s2, $0x0  }
0x1c4: {  	s3 =	rddreg [dreg:$0x2];
	[bflag:$0x3] =	sbarrier.arrive $0xFFFF;
	s2 =	simm.s32 @!p0 $0x1C09  }
0x1c5: {  	[timem:s3], [sflag:s2] =	dma.local @!p0 [hbm:s0], s1  }
0x1c6: {  	s0 =	simm.s32 @!p0 $0x9  }
0x1c7: {  	_ =	swait.ge @!p0 [sflag:s0], s1  }
0x1c8: {  	s1 =	ssub.s32 @!p0 $0x0, s1;
	[sflag:s0] =	ssyncset.done @!p0 $0x0  }
0x1c9: {  	[sflag:s0] =	ssyncadd.s32 @!p0 s1  }
0x1ca: {  	[bflag:$0x3] =	sbarrier.arrive $0xFFFF  }
0x1cb: {  	_ =	shalt  }

// kernel: kernel.9.cloned.1.call-start
scs
__scs_entry_jumppad:
0x0: {  	(pc) =	sbr.rel $0x88, $3  }
0x1: {  	(tag) =	ssettag $0x0;
	lr =	simm.s32 $0x1  }
0x2: {  	[smem:$0x3F8F] =	sst lr;
	_ =	strace $0xD0000000  }
0x3: {  	_ = 	snop  }
0x4: {  	_ = 	snop  }
0x5: {  	_ = 	snop  }
0x6: {  	_ = 	snop  }
0x7: {  	_ = 	snop  }
__scs_overlays_trampoline_lowered:
0x8: {  	[smem:$0x3F9E] =	sst s0  }
0x9: {  	[smem:$0x3F9F] =	sst s1  }
0xa: {  	[smem:$0x3FA0] =	sst s2  }
0xb: {  	[smem:$0x3FA1] =	sst s3  }
0xc: {  	[smem:$0x3FA2] =	sst s4  }
0xd: {  	[smem:$0x3FA3] =	sst s5  }
0xe: {  	[smem:$0x3FA4] =	sst s6  }
0xf: {  	[smem:$0x3FA5] =	sst s7  }
0x10: {  	[smem:$0x3FA6] =	sst s8  }
0x11: {  	[smem:$0x3FA7] =	sst s9;
	s0 =	simm.s32 @!p0 $0x0  }
0x12: {  	s1 =	sld [smem:$0x3F8D];
	s0 =	simm.s32 @p0 $0x1  }
0x13: {  	[smem:$0x3FA8] =	sst s0;
	s0 =	simm.s32 @!p1 $0x0  }
0x14: {  	s2 =	sld [smem:$0x3F8C];
	s0 =	simm.s32 @p1 $0x1  }
0x15: {  	[smem:$0x3FA9] =	sst s0;
	s0 =	simm.s32 @!p2 $0x0  }
0x16: {  	s3 =	sld [smem:$0x3FDB];
	s0 =	simm.s32 @p2 $0x1  }
0x17: {  	s4 =	simm.s32 $0x1BF5;
	[smem:$0x3FAB] =	sst s0  }
0x18: {  	s0 =	sld [smem:$0x3F8E];
	_ =	swait.ge [sflag:s4], $0x0  }
0x19: {  	s7 =	sld [smem:$0x3F8F]  }
0x1a: {  	s8 =	sadd.s32 $0xFFFFE003, lr  }
0x1b: {  	s9 =	sadd.s32 $0xFFFFFEF7, lr;
	s5 =	simm.s32 $0xFFFFFFFF;
	p2 =	slt.u32 s8, $0xFFFFF086  }
0x1c: {  	p1 =	slt.u32 s9, $0xF7A;
	s5 =	simm.s32 @!p2 $0x0  }
0x1d: {  	s5 =	simm.s32 @p1 $0x1;
	p0 =	seq.s32 s7, s2  }
0x1e: {  	s7 =	smul.u32 @!p0 $0xF7A, s2;
	p2 =	seq.s32 @!p0 s5, $0x0  }
0x1f: {  	s9 =	smul.u32 $0xF7A, s1;
	s8 =	simm.s32 @!p0 $0x1BF5;
	p2 =	por !p2, p0  }
0x20: {  	[sflag:s8] =	ssyncset.s32 @!p0 $0xFFFFF086;
	s6 =	sadd.s32 @!p0 s3, s7;
	s7 =	simm.s32 @!p0 $0x108  }
0x21: {  	s3 =	sadd.s32 s3, s9;
	s6 =	sadd.s32 @!p0 $0x88, s6;
	s7 =	simm.s32 @p2 $0x1082  }
0x22: {  	[simem:s7], [sflag:s8] =	dma.local @!p0 [hbm:s6], $0xF7A  }
0x23: {  	s9 =	sor.u32 $0xD0000000, s2;
	s6 =	simm.s32 $0x108;
	_ =	swait.ge @!p0 [sflag:s8], $0x0  }
0x24: {  	s3 =	sadd.s32 $0x88, s3;
	s6 =	simm.s32 @!p1 $0x1082;
	[sflag:s4] =	ssyncset.s32 $0xFFFFF086  }
0x25: {  	[simem:s6], [sflag:s4] =	dma.local [hbm:s3], $0xF7A  }
0x26: {  	[smem:$0x3F8F] =	sst s1;
	(tag) =	ssettag s2;
	_ =	strace s9  }
0x27: {  	s1 =	sld [smem:$0x3F9F]  }
0x28: {  	s2 =	sld [smem:$0x3FA0]  }
0x29: {  	s4 =	sld [smem:$0x3FA2]  }
0x2a: {  	p0 =	seq.s32 s5, $0x0;
	s5 =	sld [smem:$0x3FA3]  }
0x2b: {  	s6 =	sld [smem:$0x3FA4]  }
0x2c: {  	s7 =	sld [smem:$0x3FA5]  }
0x2d: {  	s3 =	simm.s32 $0x108;
	s8 =	sld [smem:$0x3FA6]  }
0x2e: {  	s3 =	simm.s32 @!p0 $0x1082;
	s9 =	sld [smem:$0x3FA7]  }
0x2f: {  	lr =	sadd.s32 s0, s3;
	s0 =	sld [smem:$0x3F9E]  }
0x30: {  	s3 =	sld [smem:$0x3FA1]  }
0x31: {  	[smem:$0x3FAA] =	sst s10  }
0x32: {  	s10 =	sld [smem:$0x3FA8];
	_ =	sdelay $0x3  }
0x33: {  	p0 =	seq.s32 s10, $0x1;
	s10 =	sld [smem:$0x3FAA];
	_ =	sdelay $0x3  }
0x34: {  	[smem:$0x3FAA] =	sst s10  }
0x35: {  	s10 =	sld [smem:$0x3FA9];
	_ =	sdelay $0x3  }
0x36: {  	p1 =	seq.s32 s10, $0x1;
	s10 =	sld [smem:$0x3FAA];
	_ =	sdelay $0x3  }
0x37: {  	[smem:$0x3FAA] =	sst s10  }
0x38: {  	s10 =	sld [smem:$0x3FAB]  }
0x39: {  	_ = 	snop;
	(pc) =	sbr.ind lr, $3  }
0x3a: {  	_ = 	snop  }
0x3b: {  	_ = 	snop  }
0x3c: {  	p2 =	seq.s32 s10, $0x1;
	s10 =	sld [smem:$0x3FAA]  }
0x3d: {  	_ =	shalt  }
0x3e: {  	_ =	shalt  }
0x3f: {  	_ =	shalt  }
0x40: {  	_ =	shalt  }
0x41: {  	_ =	shalt  }
0x42: {  	_ =	shalt  }
0x43: {  	_ =	shalt  }
0x44: {  	_ =	shalt  }
0x45: {  	_ =	shalt  }
0x46: {  	_ =	shalt  }
0x47: {  	_ =	shalt  }
0x48: {  	_ =	shalt  }
0x49: {  	_ =	shalt  }
0x4a: {  	_ =	shalt  }
0x4b: {  	_ =	shalt  }
0x4c: {  	_ =	shalt  }
0x4d: {  	_ =	shalt  }
0x4e: {  	_ =	shalt  }
0x4f: {  	_ =	shalt  }
0x50: {  	_ =	shalt  }
0x51: {  	_ =	shalt  }
0x52: {  	_ =	shalt  }
0x53: {  	_ =	shalt  }
0x54: {  	_ =	shalt  }
0x55: {  	_ =	shalt  }
0x56: {  	_ =	shalt  }
0x57: {  	_ =	shalt  }
0x58: {  	_ =	shalt  }
0x59: {  	_ =	shalt  }
0x5a: {  	_ =	shalt  }
0x5b: {  	_ =	shalt  }
0x5c: {  	_ =	shalt  }
0x5d: {  	_ =	shalt  }
0x5e: {  	_ =	shalt  }
0x5f: {  	_ =	shalt  }
0x60: {  	_ =	shalt  }
0x61: {  	_ =	shalt  }
0x62: {  	_ =	shalt  }
0x63: {  	_ =	shalt  }
0x64: {  	_ =	shalt  }
0x65: {  	_ =	shalt  }
0x66: {  	_ =	shalt  }
0x67: {  	_ =	shalt  }
0x68: {  	_ =	shalt  }
0x69: {  	_ =	shalt  }
0x6a: {  	_ =	shalt  }
0x6b: {  	_ =	shalt  }
0x6c: {  	_ =	shalt  }
0x6d: {  	_ =	shalt  }
0x6e: {  	_ =	shalt  }
0x6f: {  	_ =	shalt  }
0x70: {  	_ =	shalt  }
0x71: {  	_ =	shalt  }
0x72: {  	_ =	shalt  }
0x73: {  	_ =	shalt  }
0x74: {  	_ =	shalt  }
0x75: {  	_ =	shalt  }
0x76: {  	_ =	shalt  }
0x77: {  	_ =	shalt  }
0x78: {  	_ =	shalt  }
0x79: {  	_ =	shalt  }
0x7a: {  	_ =	shalt  }
0x7b: {  	_ =	shalt  }
0x7c: {  	_ =	shalt  }
0x7d: {  	_ =	shalt  }
0x7e: {  	_ =	shalt  }
0x7f: {  	_ =	shalt  }
0x80: {  	_ =	shalt  }
0x81: {  	_ =	shalt  }
0x82: {  	_ =	shalt  }
0x83: {  	_ =	shalt  }
0x84: {  	_ =	shalt  }
0x85: {  	_ =	shalt  }
0x86: {  	_ =	shalt  }
0x87: {  	_ =	shalt  }
.Lfunc_end0:
.L_simem_size_0:
called_computation.1_lowered:
.L_overlay_start_0:
0x88: {  	s2 =	sld [smem:$0x3FD9]  }
0x89: {  	s3 =	sld [smem:$0x3FFE];
	_ =	sdelay $0x1  }
0x8a: {  	s1 =	srdreg.scid  }
0x8b: {  	s0 =	sand.u32 $0x1, s1  }
0x8c: {  	s17 =	sshll.u32 s0, $0xA;
	s2 =	sadd.s32 s3, s2  }
0x8d: {  	s2 =	sadd.s32 s2, s17  }
0x8e: {  	[smem:$0x3FB6] =	sst s2  }
0x8f: {  	_ = 	snop  }
0x90: {  	s2 =	sld [smem:$0x3FD0];
	(tm) =	ssettm $0x1  }
0x91: {  	s18 =	sld [smem:$0x3FFB];
	_ =	sdelay $0x3  }
0x92: {  	_ =	strace s18  }
0x93: {  	s3 =	sld [smem:$0x3FFC];
	_ =	sdelay $0x3  }
0x94: {  	_ =	strace s3  }
0x95: {  	s3 =	sld [smem:$0x3FFD];
	_ =	sdelay $0x3  }
0x96: {  	_ =	strace s3  }
0x97: {  	_ =	strace $0x8FFFFFFF  }
0x98: {  	s19 =	sld [smem:$0x3FDB];
	_ =	sdelay $0x1  }
0x99: {  	s4 =	simm.s32 $_scs_section_size  }
0x9a: {  	s5 =	simm.s32 $_size__tile_overlayer_lowered;
	s6 =	simm.s32 $_tile_overlayer_lowered  }
0x9b: {  	s22 =	simm.s32 $0x1BFF;
	s21 =	sshll.u32 s6, $0x1;
	s3 =	sadd.s32 s4, s19  }
0x9c: {  	s7 =	simm.s32 $0x0;
	s20 =	sshll.u32 s5, $0x1;
	s5 =	sadd.s32 s21, s3  }
0x9d: {  	[timem:s7], [sflag:s22] =	dma.local [hbm:s5], s20  }
0x9e: {  	_ =	swait.ge [sflag:s22], s20  }
0x9f: {  	s4 =	ssub.s32 $0x0, s20;
	[sflag:s22] =	ssyncset.done $0x0  }
0xa0: {  	[sflag:s22] =	ssyncadd.s32 s4;
	_ =	sdelay $0x1  }
0xa1: {  	s23 =	simm.s32 $0x1B8B  }
0xa2: {  	_ =	swait.ge [sflag:s23], $0x1  }
0xa3: {  	[sflag:s23] =	ssyncset.done $0x0  }
0xa4: {  	s25 =	simm.s32 $0x1B8E;
	s24 =	sld [smem:$0x3FFE];
	[sflag:s23] =	ssyncadd.s32 $0xFFFFFFFF  }
0xa5: {  	s26 =	simm.s32 $execute0_lowered;
	[smem:$0x3FD2] =	sst s25  }
0xa6: {  	s5 =	sshll.u32 s26, $0x1;
	_ =	strace $0x80000049;
	[dreg:$0x1] =	wrdreg $0xFFFFFFFF  }
0xa7: {  	s28 =	simm.s32 $_size_execute0_lowered;
	s3 =	sadd.s32 s3, s5;
	[dreg:$0x0] =	wrdreg $0x0  }
0xa8: {  	s5 =	sshll.u32 s28, $0x1;
	[dreg:$0x2] =	wrdreg s3  }
0xa9: {  	[dreg:$0x3] =	wrdreg s5  }
0xaa: {  	[dreg:$0x4] =	wrdreg $0xC0  }
0xab: {  	_ =	task [dreg:s7], $0x5FFFF  }
0xac: {  	[dreg:$0x1] =	wrdreg $0xFFFFFFFF  }
0xad: {  	[dreg:$0x0] =	wrdreg $0x60  }
0xae: {  	[dreg:$0x2] =	wrdreg s24  }
0xaf: {  	[dreg:$0x3] =	wrdreg s2  }
0xb0: {  	[dreg:$0x4] =	wrdreg $0x0  }
0xb1: {  	[dreg:$0x5] =	wrdreg $0xA0000  }
0xb2: {  	[dreg:$0x6] =	wrdreg $0x9  }
0xb3: {  	_ =	task.clear_ibuf [dreg:s7], $0x7FFFF;
	_ =	strace $0x90000049  }
0xb4: {  	s29 =	simm.s32 $0x9;
	_ =	strace $0x8000004B  }
0xb5: {  	_ =	swait.ge [sflag:s29], $0x1  }
0xb6: {  	[sflag:s29] =	ssyncadd.s32 $0xFFFFFFFF  }
0xb7: {  	_ =	strace $0x9000004B  }
0xb8: {  	_ =	sfence  }
0xb9: {  	s30 =	sld [smem:$0x0];
	_ =	sdelay $0x2  }
0xba: {  	s31 =	sshll.u32 s1, $0xD;
	s1 =	sshrl.u32 s1, $0x2  }
0xbb: {  	s3 =	sand.u32 $0x4000, s31;
	s1 =	sadd.s32 s1, s30  }
0xbc: {  	s0 =	sor.u32 s3, s0;
	s1 =	sshll.u32 s1, $0x11  }
0xbd: {  	s0 =	sor.u32 s1, s0  }
0xbe: {  	s0 =	sadd.s32 $0x8F2B, s0  }
0xbf: {  	[sflag:s0] =	ssyncadd.remote.s32 $0x1  }
0xc0: {  	_ =	sfence.sel $0xFFFF  }
0xc1: {  	[dreg:$0x0] =	wrdreg $0xFFFFFFFF;
	(pc) =	sbr.abs _section_cstart, $3  }
0xc2: {  	[dreg:$0x1] =	wrdreg $0xFFFFFFFF  }
0xc3: {  	_ =	task.clear_ibuf [dreg:s7], $0x2FFFF;
	_ =	strace $0x9FFFFFFF  }
0xc4: {  	(tm) =	ssettm $0x7FFFFFFF  }
0xc5: {  	_ =	shalt  }
tec
execute0_lowered:
.L_overlay_start_1:
0x0: {  	(tag) =	ssettag $0x1  }
0x1: {  	s0 =	rddreg [dreg:$0x0]  }
0x2: {  	s3 =	rddreg [dreg:$0x1]  }
0x3: {  	s1 =	rddreg [dreg:$0x2]  }
0x4: {  	s2 =	rddreg [dreg:$0x3];
	s4 =	simm.s32 $0x0  }
0x5: {  	s5 =	srdreg.scid;
	s30 =	simm.s32 $0x7D;
	[smem:$0x7FF] =	sst s4  }
0x6: {  	s4 =	sadd.s32 $0x3E200, s0;
	s6 =	sadd.s32 $0x2A200, s0;
	s7 =	sadd.s32 $0x20200, s0  }
0x7: {  	s5 =	sand.u32 $0x1, s5;
	s26 =	sadd.s32 $0x16200, s0;
	s8 =	sadd.s32 $0xC200, s0  }
0x8: {  	s10 =	sadd.s32 $0x2200, s0;
	_ =	strace $0x8000004A;
	[dreg:$0x5] =	wrdreg s7  }
0x9: {  	s16 =	sadd.s32 $0x50E00, s0;
	[dreg:$0x6] =	wrdreg s26;
	s7 =	stileid.u32  }
0xa: {  	s11 =	ssub.s32 $0x2, s5;
	[dreg:$0x7] =	wrdreg s8;
	p2 =	seq.s32 s5, $0x0  }
0xb: {  	s15 =	sshll.u32 s5, $0x3;
	p1 =	seq.s32 s5, $0x1;
	[dreg:$0xc] =	wrdreg s16  }
0xc: {  	p5 =	sne.s32 s5, $0x0;
	s5 =	simm.s32 $0x6;
	s28 =	smul.u32 $0xA000, s7  }
0xd: {  	s12 =	sshll.u32 s7, $0x3;
	s13 =	sshrl.u32 s11, $0x1;
	s14 =	smul.u32 $0x280, s7  }
0xe: {  	p3 =	sne.s32 s7, $0xF;
	s3 =	sadd.s32 s3, s15;
	s17 =	smul.u32 $0x28000, s7  }
0xf: {  	s15 =	sadd.s32 $0x96000, s1;
	s29 =	smul.u32 $0x5000, s7;
	s12 =	sadd.s32 s12, s0  }
0x10: {  	s11 =	ssub.s32 s11, s13;
	p0 =	por !p2, !p3;
	[dreg:$0x8] =	wrdreg s3  }
0x11: {  	p3 =	por !p3, !p1;
	[dreg:$0xb] =	wrdreg s15;
	s0 =	sadd.s32 $0x3CE00, s0  }
0x12: {  	s15 =	simm.s32 $0x18800;
	p0 =	por !p0, !p0;
	s8 =	sadd.s32 s28, s1  }
0x13: {  	s9 =	sshrl.u32 s28, $0x3;
	p3 =	por !p3, !p3;
	[dreg:$0xe] =	wrdreg s0  }
0x14: {  	s18 =	sadd.s32 $0x180, s14;
	s19 =	sadd.s32 $0x200, s14;
	s20 =	sshrl.u32 s17, $0x2  }
0x15: {  	s23 =	sadd.s32 $0x52400, s12;
	s24 =	sadd.s32 $0x52200, s12;
	s25 =	smax.u32 s11, $0x1  }
0x16: {  	s11 =	simm.s32 $0x9;
	s17 =	simm.s32 $0x1A800;
	s12 =	simm.s32 $0x4  }
0x17: {  	s14 =	simm.s32 $0x1C800;
	s3 =	simm.s32 @!p0 $0x0;
	[dreg:$0x9] =	wrdreg s8  }
0x18: {  	s13 =	sadd.s32 s4, s9;
	s21 =	sshll.u32 s18, $0x6;
	[dreg:$0x12] =	wrdreg s23  }
0x19: {  	s22 =	sshll.u32 s19, $0x6;
	s16 =	sadd.s32 s20, s2;
	[dreg:$0x13] =	wrdreg s24  }
0x1a: {  	[dreg:$0x14] =	wrdreg s25;
	s23 =	simm.s32 $0x1;
	s24 =	simm.s32 $0x2  }
0x1b: {  	s25 =	simm.s32 $0x3;
	s3 =	simm.s32 @p0 $0x1;
	[dreg:$0xa] =	wrdreg s13  }
0x1c: {  	p0 =	seq.s32 s7, $0xF;
	s31 =	sadd.s32 s21, s2;
	[dreg:$0xf] =	wrdreg s16  }
0x1d: {  	s13 =	sadd.s32 s22, s2;
	s26 =	sadd.s32 $0x2000, s16;
	[smem:$0x7FA] =	sst s3  }
0x1e: {  	s28 =	sadd.s32 $0x4000, s16;
	s21 =	simm.s32 $0x7;
	[dreg:$0x15] =	wrdreg s26  }
0x1f: {  	s8 =	simm.s32 @!p0 $0x0;
	p2 =	por !p2, !p0;
	[dreg:$0x16] =	wrdreg s28  }
0x20: {  	[dreg:$0x10] =	wrdreg s31;
	s8 =	simm.s32 @p0 $0x1;
	p0 =	por !p2, !p2  }
0x21: {  	s3 =	sadd.s32 s6, s9;
	[dreg:$0x11] =	wrdreg s13;
	s0 =	simm.s32 @!p0 $0x0  }
0x22: {  	[dreg:$0xd] =	wrdreg s3;
	s0 =	simm.s32 @p0 $0x1;
	p0 =	por !p0, p3  }
0x23: {  	s22 =	simm.s32 $0x8;
	[smem:$0x7FC] =	sst s0;
	s0 =	simm.s32 @!p0 $0x0  }
0x24: {  	s9 =	simm.s32 $0x0;
	[smem:$0x7FB] =	sst s8;
	s0 =	simm.s32 @p0 $0x1  }
0x25: {  	v0 =	vimm.f32 $0.0e+00;
	s3 =	simm.s32 $0x5;
	[smem:$0x7FD] =	sst s0;
	s0 =	simm.s32 $0x16800  }
.LBB2_1:
0x26: {  	[dreg:$0x17] =	wrdreg s9  }
0x27: {  	s7 =	simm.s32 $0x0;
	s8 =	rddreg [dreg:$0x8];
	s28 =	simm.s32 $0x1E800  }
0x28: {  	[tilespmem:s28], [sflag:$0x9] =	stream.linear.gather [hbm4b:s8+s7], $0x40, $0x38;
	[tilespmem:$0x1E840] =	vst v63  }
0x29: {  	_ =	swait.ge [sflag:s11], $0x40  }
0x2a: {  	[sflag:s11] =	ssyncset.done $0x0  }
0x2b: {  	s26 =	simm.s32 $0x100;
	s20 =	simm.s32 $0x0;
	[sflag:s11] =	ssyncadd.s32 $0xFFFFFFC0  }
.LBB2_2:
0x2c: {  	p2 =	sne.s32 s26, $0x7F00;
	[tilespmem:s20+$0x16830] =	vst v0;
	s28 =	smov.u32 s26;
	s26 =	sadd.s32 $0x100, s26  }
.Ltmp0:
0x2d: {  	[tilespmem:s20+$0x16820] =	vst v0;
	(pc) =	sbr.rel @p2 .LBB2_2-.Ltmp0, $3  }
0x2e: {  	[tilespmem:s20+$0x16800] =	vst v0  }
0x2f: {  	[tilespmem:s20+$0x16810] =	vst v0;
	_ =	sdelay $0x1  }
0x30: {  	s20 =	sshra.s32 s28, $0x2  }
0x31: {  	s8 =	sld [smem:$0x7FA];
	_ =	sdelay $0x1  }
0x32: {  	[tilespmem:s20+$0x16830] =	vst v0  }
0x33: {  	[tilespmem:s20+$0x16820] =	vst v0;
	s7 =	stileid.u32;
	p0 =	seq.s32 s8, $0x1  }
0x34: {  	[tilespmem:s20+$0x16800] =	vst v0;
	s8 =	rddreg [dreg:$0x9];
	s26 =	sshll.u32 @p0 s7, $0x6  }
0x35: {  	[tilespmem:s20+$0x16810] =	vst v0;
	s9 =	rddreg [dreg:$0xa];
	s20 =	sor.u32 @p0 $0x1C01, s26;
	s26 =	sshrl.u32 @p0 s8, $0x3  }
0x36: {  	[spmem:s26], [sflag:s20] =	dma.local @p0 [hbm:s9], $0x1400  }
0x37: {  	s11 =	sld [smem:$0x7FD];
	_ =	sdelay $0x2  }
0x38: {  	s9 =	rddreg [dreg:$0xb];
	p6 =	seq.s32 s11, $0x1  }
0x39: {  	s11 =	rddreg [dreg:$0xc];
	s20 =	sshrl.u32 @!p6 s9, $0x3;
	s26 =	simm.s32 @!p6 $0x1FC1  }
0x3a: {  	[spmem:s20], [sflag:s26] =	dma.local @!p6 [hbm:s11], $0xC80  }
0x3b: {  	s11 =	sld [smem:$0x7FB];
	_ =	sdelay $0x2  }
0x3c: {  	p2 =	por @!p6 $0x1, $0x1;
	p4 =	seq.s32 s11, $0x1  }
0x3d: {  	p4 =	por @!p6 p2, p2  }
0x3e: {  	p2 =	por @!p3 !p4, !p1  }
0x3f: {  	p2 =	por @!p3 !p2, !p2  }
0x40: {  	p4 =	por !p2, p3  }
0x41: {  	s20 =	sshll.u32 @!p4 s7, $0x6  }
0x42: {  	s26 =	sshrl.u32 @!p4 s9, $0x3;
	s9 =	rddreg [dreg:$0xe];
	s20 =	sor.u32 @!p4 $0x1C01, s20  }
0x43: {  	[spmem:s26], [sflag:s20] =	dma.local @!p4 [hbm:s9], $0xC80  }
0x44: {  	s20 =	sshll.u32 @p3 s7, $0x6  }
0x45: {  	s26 =	sshrl.u32 @p3 s8, $0x3;
	s20 =	sor.u32 @p3 $0x1C01, s20;
	s7 =	rddreg [dreg:$0xd]  }
0x46: {  	[spmem:s26], [sflag:s20] =	dma.local @p3 [hbm:s7], $0x1400  }
0x47: {  	[spmem:s16] =	stream.linear.scatter [tilespmem:s0], [sflag:$0x5], $0x2000, $0x38;
	[tilespmem:$0x1E840] =	vst v63  }
0x48: {  	s7 =	rddreg [dreg:$0x15]  }
0x49: {  	[spmem:s7] =	stream.linear.scatter [tilespmem:s0], [sflag:$0x5], $0x2000, $0x38;
	[tilespmem:$0x1E840] =	vst v63  }
0x4a: {  	s26 =	rddreg [dreg:$0x16]  }
0x4b: {  	[spmem:s26] =	stream.linear.scatter [tilespmem:s0], [sflag:$0x5], $0x2000, $0x38;
	[tilespmem:$0x1E840] =	vst v63  }
0x4c: {  	_ = 	snop  }
0x4d: {  	[spmem:s31] =	stream.linear.scatter [tilespmem:s0], [sflag:$0x5], $0x2000, $0x38;
	[tilespmem:$0x1E840] =	vst v63  }
0x4e: {  	s20 =	simm.s32 @p0 $0x1  }
0x4f: {  	[spmem:s13] =	stream.linear.scatter [tilespmem:s0], [sflag:$0x5], $0x2000, $0x38;
	[tilespmem:$0x1E840] =	vst v63  }
0x50: {  	_ =	swait.ge @p0 [sflag:s20], $0x1400  }
0x51: {  	[sflag:s20] =	ssyncset.done @p0 $0x0  }
0x52: {  	[sflag:s20] =	ssyncadd.s32 @p0 $0xFFFFEC00;
	s20 =	simm.s32 @p3 $0x1  }
0x53: {  	_ =	swait.ge @p3 [sflag:s20], $0x1400  }
0x54: {  	s31 =	sld [smem:$0x7FC];
	_ =	sdelay $0x2  }
0x55: {  	p2 =	por @p3 $0x0, $0x0;
	p0 =	seq.s32 s31, $0x1  }
0x56: {  	p6 =	por @!p3 $0x0, $0x0;
	[sflag:s20] =	ssyncset.done @p3 $0x0;
	p2 =	por @!p3 p0, p0  }
0x57: {  	[sflag:s20] =	ssyncadd.s32 @p3 $0xFFFFEC00;
	p0 =	por @!p4 $0x1, $0x1;
	s20 =	simm.s32 @p2 $0x1  }
0x58: {  	p6 =	por @!p4 p0, p0;
	p0 =	por @p3 $0x0, $0x0;
	_ =	swait.ge @p2 [sflag:s20], $0xC80  }
0x59: {  	p0 =	por @!p3 p6, p6;
	[sflag:s20] =	ssyncset.done @p2 $0x0  }
0x5a: {  	[sflag:s20] =	ssyncadd.s32 @p2 $0xFFFFF380;
	s20 =	simm.s32 @p0 $0x1  }
0x5b: {  	_ =	swait.ge @p0 [sflag:s20], $0xC80  }
0x5c: {  	[sflag:s20] =	ssyncset.done @p0 $0x0  }
0x5d: {  	[sflag:s20] =	ssyncadd.s32 @p0 $0xFFFFF380  }
0x5e: {  	_ =	swait.ge [sflag:s3], $0x2000  }
0x5f: {  	[sflag:s3] =	ssyncset.done $0x0  }
0x60: {  	[sflag:s3] =	ssyncadd.s32 $0xFFFFE000  }
0x61: {  	_ =	swait.ge [sflag:s3], $0x2000  }
0x62: {  	[sflag:s3] =	ssyncset.done $0x0  }
0x63: {  	[sflag:s3] =	ssyncadd.s32 $0xFFFFE000  }
0x64: {  	_ =	swait.ge [sflag:s3], $0x2000  }
0x65: {  	[sflag:s3] =	ssyncset.done $0x0  }
0x66: {  	[sflag:s3] =	ssyncadd.s32 $0xFFFFE000  }
0x67: {  	_ =	swait.ge [sflag:s3], $0x2000  }
0x68: {  	[sflag:s3] =	ssyncset.done $0x0  }
0x69: {  	[sflag:s3] =	ssyncadd.s32 $0xFFFFE000  }
.Ltmp1:
0x6a: {  	_ =	swait.ge [sflag:s3], $0x2000;
	(pc) =	sbr.rel .LBB2_4-.Ltmp1, $4  }
0x6b: {  	[sflag:s3] =	ssyncset.done $0x0  }
0x6c: {  	[sflag:s3] =	ssyncadd.s32 $0xFFFFE000  }
0x6d: {  	[bflag:$0x0] =	sbarrier.arrive $0xFFFF  }
0x6e: {  	s28 =	simm.s32 $0x0  }
.LBB2_7:
0x6f: {  	_ =	swait.ge [sflag:s3], $0x1F40  }
0x70: {  	[sflag:s3] =	ssyncset.done $0x0  }
0x71: {  	[sflag:s3] =	ssyncadd.s32 $0xFFFFE0C0  }
0x72: {  	_ =	swait.ge [sflag:s5], $0x1F40  }
0x73: {  	[sflag:s5] =	ssyncset.done $0x0  }
0x74: {  	s28 =	sadd.s32 $0x1, s28;
	[sflag:s5] =	ssyncadd.s32 $0xFFFFE0C0  }
0x75: {  	p0 =	sne.s32 s28, $0x4;
	_ =	swait.ge [sflag:s21], $0x1F40  }
.Ltmp2:
0x76: {  	[sflag:s21] =	ssyncset.done $0x0;
	(pc) =	sbr.rel @!p0 .LBB2_8-.Ltmp2, $4  }
0x77: {  	[sflag:s21] =	ssyncadd.s32 $0xFFFFE0C0  }
0x78: {  	_ =	swait.ge [sflag:s22], $0x1F40  }
0x79: {  	[sflag:s22] =	ssyncset.done $0x0  }
0x7a: {  	[sflag:s22] =	ssyncadd.s32 $0xFFFFE0C0  }
.LBB2_4:
0x7b: {  	s20 =	smul.u32 @!p5 $0x1400, s28;
	_ =	sdelay $0x1  }
0x7c: {  	s20 =	sadd.s32 @!p5 s29, s20  }
0x7d: {  	s7 =	rddreg [dreg:$0x5];
	s20 =	sshrl.u32 @!p5 s20, $0x3  }
0x7e: {  	s31 =	simm.s32 @!p5 $0x0;
	s11 =	simm.s32 @!p5 $0x14000;
	s26 =	sadd.s32 @!p5 s7, s20  }
0x7f: {  	[tilespmem:s11], [sflag:$0x9] =	stream.linear.gather @!p5 [hbm4b:s26+s31], $0x1400, $0x38;
	[tilespmem:$0x1E840] =	vst v63  }
0x80: {  	s11 =	simm.s32 @!p5 $0x9  }
0x81: {  	_ =	swait.ge @!p5 [sflag:s11], $0x1400  }
0x82: {  	[sflag:s11] =	ssyncset.done @!p5 $0x0;
	s7 =	rddreg [dreg:$0x6]  }
0x83: {  	s26 =	simm.s32 @!p5 $0x15400;
	[sflag:s11] =	ssyncadd.s32 @!p5 $0xFFFFEC00;
	s20 =	sadd.s32 @!p5 s7, s20  }
0x84: {  	[tilespmem:s26], [sflag:$0x9] =	stream.linear.gather @!p5 [hbm4b:s20+s31], $0x1400, $0x38;
	[tilespmem:$0x1E840] =	vst v63  }
0x85: {  	s20 =	smul.u32 @p1 $0x1400, s28  }
0x86: {  	_ =	swait.ge @!p5 [sflag:s11], $0x1400  }
0x87: {  	[sflag:s11] =	ssyncset.done @!p5 $0x0;
	s20 =	sadd.s32 @p1 s29, s20  }
0x88: {  	s7 =	rddreg [dreg:$0x7];
	[sflag:s11] =	ssyncadd.s32 @!p5 $0xFFFFEC00;
	s11 =	sshrl.u32 @p1 s20, $0x3  }
0x89: {  	s26 =	simm.s32 @p1 $0x0;
	s31 =	simm.s32 @p1 $0x14000;
	s20 =	sadd.s32 @p1 s7, s11  }
0x8a: {  	[tilespmem:s31], [sflag:$0x9] =	stream.linear.gather @p1 [hbm4b:s20+s26], $0x1400, $0x38;
	[tilespmem:$0x1E840] =	vst v63  }
0x8b: {  	s20 =	simm.s32 @p1 $0x9  }
0x8c: {  	_ =	swait.ge @p1 [sflag:s20], $0x1400  }
0x8d: {  	[sflag:s20] =	ssyncset.done @p1 $0x0  }
0x8e: {  	s11 =	sadd.s32 @p1 s10, s11;
	s31 =	simm.s32 @p1 $0x15400;
	[sflag:s20] =	ssyncadd.s32 @p1 $0xFFFFEC00  }
0x8f: {  	[tilespmem:s31], [sflag:$0x9] =	stream.linear.gather @p1 [hbm4b:s11+s26], $0x1400, $0x38;
	[tilespmem:$0x1E840] =	vst v63  }
0x90: {  	_ =	swait.ge @p1 [sflag:s20], $0x1400  }
0x91: {  	[sflag:s20] =	ssyncset.done @p1 $0x0  }
0x92: {  	[sflag:s20] =	ssyncadd.s32 @p1 $0xFFFFEC00;
	s20 =	simm.s32 $0x14000  }
0x93: {  	[tilespmem:s0], [sflag:$0x1] =	stream.indirect.gather [spmem:s1], $0x40, s20, s30, $0xb8;
	[tilespmem:$0x1E840] =	vst v63  }
0x94: {  	s26 =	simm.s32 $0x14080  }
0x95: {  	[tilespmem:s15], [sflag:$0x2] =	stream.indirect.gather [spmem:s1], $0x40, s26, s30, $0xb8;
	[tilespmem:$0x1E840] =	vst v63  }
0x96: {  	s31 =	simm.s32 $0x14100;
	s20 =	simm.s32 $0x0  }
0x97: {  	[tilespmem:s17], [sflag:$0x3] =	stream.indirect.gather [spmem:s1], $0x40, s31, s30, $0xb8;
	[tilespmem:$0x1E840] =	vst v63  }
.LBB2_5:
0x98: {  	_ =	swait.ge [sflag:s23], $0x1F40  }
0x99: {  	s26 =	sshra.s32 s20, $0x2;
	[sflag:s23] =	ssyncset.done $0x0  }
0x9a: {  	p0 =	seq.s32 s20, $0x0;
	s11 =	sadd.s32 $0x15400, s26;
	[sflag:s23] =	ssyncadd.s32 $0xFFFFE0C0  }
0x9b: {  	[spmem:s2] =	stream.indirect.scatter.add.f32 [tilespmem:s0], [sflag:$0x5], $0x40, s11, s30, $0xb8;
	[tilespmem:$0x1E840] =	vst v63  }
0x9c: {  	s11 =	simm.s32 @!p0 $0x8  }
0x9d: {  	_ =	swait.ge @!p0 [sflag:s11], $0x1F40  }
0x9e: {  	[sflag:s11] =	ssyncset.done @!p0 $0x0  }
0x9f: {  	[sflag:s11] =	ssyncadd.s32 @!p0 $0xFFFFE0C0;
	s11 =	sshra.s32 @!p5 s20, $0x2  }
0xa0: {  	s13 =	simm.s32 @!p5 $0x7D;
	s16 =	simm.s32 @!p5 $0x1C800;
	s31 =	sadd.s32 @!p5 $0x14180, s11  }
0xa1: {  	[tilespmem:s16], [sflag:$0x4] =	stream.indirect.gather @!p5 [hbm4b:s4+s13], $0x40, s31, s13, $0xb8;
	[tilespmem:$0x1E840] =	vst v63  }
0xa2: {  	s31 =	sshra.s32 @p1 s20, $0x2  }
0xa3: {  	s8 =	simm.s32 @p1 $0x7D;
	s9 =	simm.s32 @p1 $0x1C800;
	s7 =	sadd.s32 @p1 $0x14180, s31  }
0xa4: {  	[tilespmem:s9], [sflag:$0x4] =	stream.indirect.gather @p1 [hbm4b:s6+s8], $0x40, s7, s8, $0xb8;
	[tilespmem:$0x1E840] =	vst v63  }
0xa5: {  	_ =	swait.ge [sflag:s24], $0x1F40  }
0xa6: {  	[sflag:s24] =	ssyncset.done $0x0  }
0xa7: {  	s7 =	sadd.s32 $0x15480, s26;
	[sflag:s24] =	ssyncadd.s32 $0xFFFFE0C0  }
0xa8: {  	[spmem:s2] =	stream.indirect.scatter.add.f32 [tilespmem:s15], [sflag:$0x6], $0x40, s7, s30, $0xb8;
	[tilespmem:$0x1E840] =	vst v63  }
0xa9: {  	_ =	swait.ge [sflag:s3], $0x1F40  }
0xaa: {  	[sflag:s3] =	ssyncset.done $0x0  }
0xab: {  	s7 =	sadd.s32 $0x14200, s26;
	[sflag:s3] =	ssyncadd.s32 $0xFFFFE0C0  }
0xac: {  	[tilespmem:s0], [sflag:$0x1] =	stream.indirect.gather [spmem:s1], $0x40, s7, s30, $0xb8;
	[tilespmem:$0x1E840] =	vst v63  }
0xad: {  	_ =	swait.ge [sflag:s25], $0x1F40  }
0xae: {  	[sflag:s25] =	ssyncset.done $0x0  }
0xaf: {  	s7 =	sadd.s32 $0x15500, s26;
	[sflag:s25] =	ssyncadd.s32 $0xFFFFE0C0  }
0xb0: {  	[spmem:s2] =	stream.indirect.scatter.add.f32 [tilespmem:s17], [sflag:$0x7], $0x40, s7, s30, $0xb8;
	[tilespmem:$0x1E840] =	vst v63  }
0xb1: {  	_ =	swait.ge [sflag:s5], $0x1F40  }
0xb2: {  	[sflag:s5] =	ssyncset.done $0x0  }
0xb3: {  	s7 =	sadd.s32 $0x14280, s26;
	[sflag:s5] =	ssyncadd.s32 $0xFFFFE0C0  }
0xb4: {  	[tilespmem:s15], [sflag:$0x2] =	stream.indirect.gather [spmem:s1], $0x40, s7, s30, $0xb8;
	[tilespmem:$0x1E840] =	vst v63  }
0xb5: {  	_ =	swait.ge [sflag:s12], $0x1F40  }
0xb6: {  	[sflag:s12] =	ssyncset.done $0x0  }
0xb7: {  	s7 =	sadd.s32 $0x15580, s26;
	[sflag:s12] =	ssyncadd.s32 $0xFFFFE0C0  }
0xb8: {  	[spmem:s2] =	stream.indirect.scatter.add.f32 [tilespmem:s14], [sflag:$0x8], $0x40, s7, s30, $0xb8;
	[tilespmem:$0x1E840] =	vst v63  }
0xb9: {  	_ =	swait.ge [sflag:s21], $0x1F40  }
0xba: {  	[sflag:s21] =	ssyncset.done $0x0  }
0xbb: {  	s7 =	sadd.s32 $0x14300, s26;
	[sflag:s21] =	ssyncadd.s32 $0xFFFFE0C0  }
0xbc: {  	[tilespmem:s17], [sflag:$0x3] =	stream.indirect.gather [spmem:s1], $0x40, s7, s30, $0xb8;
	[tilespmem:$0x1E840] =	vst v63  }
0xbd: {  	_ =	swait.ge [sflag:s23], $0x1F40  }
0xbe: {  	[sflag:s23] =	ssyncset.done $0x0  }
0xbf: {  	s7 =	sadd.s32 $0x15600, s26;
	[sflag:s23] =	ssyncadd.s32 $0xFFFFE0C0  }
0xc0: {  	[spmem:s2] =	stream.indirect.scatter.add.f32 [tilespmem:s0], [sflag:$0x5], $0x40, s7, s30, $0xb8;
	[tilespmem:$0x1E840] =	vst v63  }
0xc1: {  	_ =	swait.ge [sflag:s22], $0x1F40  }
0xc2: {  	[sflag:s22] =	ssyncset.done $0x0  }
0xc3: {  	s7 =	sadd.s32 @!p5 $0x14380, s11;
	[sflag:s22] =	ssyncadd.s32 $0xFFFFE0C0  }
0xc4: {  	[tilespmem:s16], [sflag:$0x4] =	stream.indirect.gather @!p5 [hbm4b:s4+s13], $0x40, s7, s13, $0xb8;
	[tilespmem:$0x1E840] =	vst v63  }
0xc5: {  	s7 =	sadd.s32 @p1 $0x14380, s31  }
0xc6: {  	[tilespmem:s9], [sflag:$0x4] =	stream.indirect.gather @p1 [hbm4b:s6+s8], $0x40, s7, s8, $0xb8;
	[tilespmem:$0x1E840] =	vst v63  }
0xc7: {  	_ =	swait.ge [sflag:s24], $0x1F40  }
0xc8: {  	p4 =	seq.s32 s20, $0x4000;
	[sflag:s24] =	ssyncset.done $0x0  }
0xc9: {  	s16 =	sadd.s32 $0x15680, s26;
	s7 =	simm.s32 @p4 $0x3;
	[sflag:s24] =	ssyncadd.s32 $0xFFFFE0C0  }
0xca: {  	[spmem:s2] =	stream.indirect.scatter.add.f32 [tilespmem:s15], [sflag:$0x6], $0x40, s16, s30, $0xb8;
	[tilespmem:$0x1E840] =	vst v63  }
0xcb: {  	_ =	swait.ge @p4 [sflag:s7], $0x1F40  }
0xcc: {  	[sflag:s7] =	ssyncset.done @p4 $0x0  }
0xcd: {  	[sflag:s7] =	ssyncadd.s32 @p4 $0xFFFFE0C0;
	s7 =	sshra.s32 @p4 s20, $0x2  }
0xce: {  	s8 =	simm.s32 @p4 $0x7D;
	s9 =	simm.s32 @p4 $0x1A800;
	s7 =	sadd.s32 @p4 $0x15700, s7  }
0xcf: {  	[spmem:s2] =	stream.indirect.scatter.add.f32 @p4 [tilespmem:s9], [sflag:$0x7], $0x40, s7, s8, $0xb8;
	[tilespmem:$0x1E840] =	vst v63  }
0xd0: {  	s7 =	simm.s32 @!p4 $0x5  }
0xd1: {  	_ =	swait.ge @!p4 [sflag:s7], $0x1F40  }
0xd2: {  	[sflag:s7] =	ssyncset.done @!p4 $0x0  }
0xd3: {  	[sflag:s7] =	ssyncadd.s32 @!p4 $0xFFFFE0C0;
	s7 =	sshra.s32 @!p4 s20, $0x2  }
0xd4: {  	s11 =	simm.s32 @!p4 $0x16800;
	s9 =	simm.s32 @!p4 $0x7D;
	s8 =	sadd.s32 @!p4 $0x14400, s7  }
0xd5: {  	[tilespmem:s11], [sflag:$0x1] =	stream.indirect.gather @!p4 [spmem:s1], $0x40, s8, s9, $0xb8;
	[tilespmem:$0x1E840] =	vst v63  }
0xd6: {  	s8 =	simm.s32 @!p4 $0x3  }
0xd7: {  	_ =	swait.ge @!p4 [sflag:s8], $0x1F40  }
0xd8: {  	[sflag:s8] =	ssyncset.done @!p4 $0x0  }
0xd9: {  	s11 =	simm.s32 @!p4 $0x1A800;
	[sflag:s8] =	ssyncadd.s32 @!p4 $0xFFFFE0C0;
	s8 =	sadd.s32 @!p4 $0x15700, s7  }
0xda: {  	[spmem:s2] =	stream.indirect.scatter.add.f32 @!p4 [tilespmem:s11], [sflag:$0x7], $0x40, s8, s9, $0xb8;
	[tilespmem:$0x1E840] =	vst v63  }
0xdb: {  	s8 =	simm.s32 @!p4 $0x6  }
0xdc: {  	_ =	swait.ge @!p4 [sflag:s8], $0x1F40  }
0xdd: {  	[sflag:s8] =	ssyncset.done @!p4 $0x0  }
0xde: {  	s7 =	sadd.s32 @!p4 $0x14480, s7;
	[sflag:s8] =	ssyncadd.s32 @!p4 $0xFFFFE0C0;
	s8 =	simm.s32 @!p4 $0x18800  }
0xdf: {  	[tilespmem:s8], [sflag:$0x2] =	stream.indirect.gather @!p4 [spmem:s1], $0x40, s7, s9, $0xb8;
	[tilespmem:$0x1E840] =	vst v63  }
.Ltmp3:
0xe0: {  	_ = 	snop;
	(pc) =	sbr.rel @p4 .LBB2_7-.Ltmp3, $4  }
0xe1: {  	_ =	swait.ge [sflag:s12], $0x1F40  }
0xe2: {  	[sflag:s12] =	ssyncset.done $0x0  }
0xe3: {  	s31 =	sadd.s32 $0x15780, s26;
	[sflag:s12] =	ssyncadd.s32 $0xFFFFE0C0  }
0xe4: {  	[spmem:s2] =	stream.indirect.scatter.add.f32 [tilespmem:s14], [sflag:$0x8], $0x40, s31, s30, $0xb8;
	[tilespmem:$0x1E840] =	vst v63  }
.Ltmp4:
0xe5: {  	(pc) =	sbr.rel .LBB2_5-.Ltmp4, $4  }
0xe6: {  	_ =	swait.ge [sflag:s21], $0x1F40  }
0xe7: {  	[sflag:s21] =	ssyncset.done $0x0  }
0xe8: {  	s7 =	sadd.s32 $0x14500, s26;
	s20 =	sadd.s32 $0x1000, s20;
	[sflag:s21] =	ssyncadd.s32 $0xFFFFE0C0  }
0xe9: {  	[tilespmem:s17], [sflag:$0x3] =	stream.indirect.gather [spmem:s1], $0x40, s7, s30, $0xb8;
	[tilespmem:$0x1E840] =	vst v63  }
.LBB2_8:
0xea: {  	[bflag:$0x0] =	sbarrier.arrive $0xFFFF  }
0xeb: {  	s11 =	simm.s32 $0x9;
	s16 =	rddreg [dreg:$0xf]  }
0xec: {  	[tilespmem:s0], [sflag:$0x9] =	stream.linear.gather [spmem:s16], $0x2000, $0x38;
	[tilespmem:$0x1E840] =	vst v63  }
0xed: {  	_ =	swait.ge [sflag:s11], $0x2000  }
0xee: {  	[sflag:s11] =	ssyncset.done $0x0  }
0xef: {  	[sflag:s11] =	ssyncadd.s32 $0xFFFFE000  }
0xf0: {  	v6 =	vld [tilespmem:$0x1E800]  }
0xf1: {  	v5 =	vld [tilespmem:$0x1E810]  }
0xf2: {  	v4 =	vld [tilespmem:$0x1E820]  }
0xf3: {  	s7 =	simm.s32 $0x0;
	v8 =	vld [tilespmem:$0x1E830]  }
0xf4: {  	v1 =	vld [tilespmem:s7+$0x16830]  }
0xf5: {  	v2 =	vld [tilespmem:s7+$0x16800]  }
0xf6: {  	v3 =	vld [tilespmem:s7+$0x16810]  }
0xf7: {  	v7 =	vld [tilespmem:s7+$0x16820];
	_ =	sdelay $0x1  }
0xf8: {  	s31 =	simm.s32 $0x40  }
0xf9: {  	v12 =	vld [tilespmem:s31+$0x16830];
	v1 =	vadd.f32 v8, v1  }
0xfa: {  	v14 =	vld [tilespmem:s31+$0x16800];
	v2 =	vadd.f32 v6, v2;
	v3 =	vadd.f32 v5, v3  }
0xfb: {  	v9 =	vimm.f32 $0.0e+00;
	v15 =	vld [tilespmem:s31+$0x16810];
	v7 =	vadd.f32 v4, v7;
	v1 =	vmax.f32 v1, $0.0e+00  }
0xfc: {  	v16 =	vld [tilespmem:s31+$0x16820];
	v2 =	vmax.f32 v2, $0.0e+00;
	v10 =	vadd.f32 v1, v9;
	v1 =	vmax.f32 v3, $0.0e+00  }
0xfd: {  	s20 =	simm.s32 $0x200;
	v17 =	vmax.f32 v7, $0.0e+00;
	v13 =	vadd.f32 v2, v9;
	v11 =	vadd.f32 v1, v9  }
.LBB2_9:
0xfe: {  	s7 =	sshra.s32 s20, $0x2;
	p4 =	sne.s32 s20, $0x7F00;
	s20 =	sadd.s32 $0x100, s20;
	v1 =	vadd.f32 v8, v12;
	v9 =	vadd.f32 v17, v9  }
.Ltmp5:
0xff: {  	v12 =	vld [tilespmem:s7+$0x16830];
	v2 =	vadd.f32 v6, v14;
	(pc) =	sbr.rel @p4 .LBB2_9-.Ltmp5, $4  }
0x100: {  	v14 =	vld [tilespmem:s7+$0x16800];
	v3 =	vadd.f32 v5, v15;
	v1 =	vmax.f32 v1, $0.0e+00  }
0x101: {  	v15 =	vld [tilespmem:s7+$0x16810];
	v2 =	vmax.f32 v2, $0.0e+00;
	v7 =	vadd.f32 v4, v16;
	v10 =	vadd.f32 v1, v10  }
0x102: {  	v16 =	vld [tilespmem:s7+$0x16820];
	v13 =	vadd.f32 v2, v13;
	v1 =	vmax.f32 v3, $0.0e+00  }
0x103: {  	v11 =	vadd.f32 v1, v11;
	v17 =	vmax.f32 v7, $0.0e+00  }
0x104: {  	s7 =	rddreg [dreg:$0x15]  }
0x105: {  	[tilespmem:s0], [sflag:$0x9] =	stream.linear.gather [spmem:s7], $0x2000, $0x38;
	[tilespmem:$0x1E840] =	vst v63  }
0x106: {  	_ =	swait.ge [sflag:s11], $0x2000  }
0x107: {  	[sflag:s11] =	ssyncset.done $0x0  }
0x108: {  	[sflag:s11] =	ssyncadd.s32 $0xFFFFE000  }
0x109: {  	v3 =	vld [tilespmem:$0x1E800]  }
0x10a: {  	v2 =	vld [tilespmem:$0x1E810]  }
0x10b: {  	v1 =	vld [tilespmem:$0x1E820]  }
0x10c: {  	s26 =	simm.s32 $0x0;
	v7 =	vld [tilespmem:$0x1E830]  }
0x10d: {  	v18 =	vld [tilespmem:s26+$0x16830]  }
0x10e: {  	v19 =	vld [tilespmem:s26+$0x16800]  }
0x10f: {  	v8 =	vadd.f32 v8, v12;
	v6 =	vadd.f32 v6, v14;
	v14 =	vld [tilespmem:s26+$0x16810]  }
0x110: {  	v9 =	vadd.f32 v17, v9;
	v5 =	vadd.f32 v5, v15;
	v15 =	vld [tilespmem:s26+$0x16820]  }
0x111: {  	v8 =	vmax.f32 v8, $0.0e+00;
	v4 =	vadd.f32 v4, v16;
	v6 =	vmax.f32 v6, $0.0e+00  }
0x112: {  	s28 =	simm.s32 $0x40;
	v8 =	vadd.f32 v8, v10;
	v6 =	vadd.f32 v6, v13;
	v5 =	vmax.f32 v5, $0.0e+00  }
0x113: {  	v5 =	vadd.f32 v5, v11;
	v12 =	vld [tilespmem:s28+$0x16830];
	v10 =	vadd.f32 v7, v18  }
0x114: {  	v4 =	vmax.f32 v4, $0.0e+00;
	v11 =	vadd.f32 v3, v19;
	v13 =	vadd.f32 v2, v14;
	v14 =	vld [tilespmem:s28+$0x16800]  }
0x115: {  	v9 =	vadd.f32 v4, v9;
	v17 =	vadd.f32 v1, v15;
	v15 =	vld [tilespmem:s28+$0x16810];
	v4 =	vmax.f32 v10, $0.0e+00  }
0x116: {  	s31 =	rddreg [dreg:$0x10];
	v16 =	vld [tilespmem:s28+$0x16820];
	v11 =	vmax.f32 v11, $0.0e+00;
	v10 =	vadd.f32 v4, v8;
	v4 =	vmax.f32 v13, $0.0e+00  }
0x117: {  	s20 =	simm.s32 $0x200;
	s13 =	rddreg [dreg:$0x11];
	v17 =	vmax.f32 v17, $0.0e+00;
	v13 =	vadd.f32 v11, v6;
	v11 =	vadd.f32 v4, v5  }
.LBB2_11:
0x118: {  	s7 =	sshra.s32 s20, $0x2;
	p4 =	sne.s32 s20, $0x7F00;
	s20 =	sadd.s32 $0x100, s20;
	v4 =	vadd.f32 v7, v12;
	v9 =	vadd.f32 v17, v9  }
.Ltmp6:
0x119: {  	v12 =	vld [tilespmem:s7+$0x16830];
	v5 =	vadd.f32 v3, v14;
	(pc) =	sbr.rel @p4 .LBB2_11-.Ltmp6, $4  }
0x11a: {  	v14 =	vld [tilespmem:s7+$0x16800];
	v6 =	vadd.f32 v2, v15;
	v4 =	vmax.f32 v4, $0.0e+00  }
0x11b: {  	v15 =	vld [tilespmem:s7+$0x16810];
	v5 =	vmax.f32 v5, $0.0e+00;
	v8 =	vadd.f32 v1, v16;
	v10 =	vadd.f32 v4, v10  }
0x11c: {  	v16 =	vld [tilespmem:s7+$0x16820];
	v13 =	vadd.f32 v5, v13;
	v4 =	vmax.f32 v6, $0.0e+00  }
0x11d: {  	v11 =	vadd.f32 v4, v11;
	v17 =	vmax.f32 v8, $0.0e+00  }
0x11e: {  	s7 =	rddreg [dreg:$0x16]  }
0x11f: {  	[tilespmem:s0], [sflag:$0x9] =	stream.linear.gather [spmem:s7], $0x2000, $0x38;
	[tilespmem:$0x1E840] =	vst v63  }
0x120: {  	_ =	swait.ge [sflag:s11], $0x2000  }
0x121: {  	[sflag:s11] =	ssyncset.done $0x0  }
0x122: {  	[sflag:s11] =	ssyncadd.s32 $0xFFFFE000  }
0x123: {  	v6 =	vld [tilespmem:$0x1E800]  }
0x124: {  	v5 =	vld [tilespmem:$0x1E810]  }
0x125: {  	v4 =	vld [tilespmem:$0x1E820]  }
0x126: {  	s26 =	simm.s32 $0x0;
	v8 =	vld [tilespmem:$0x1E830]  }
0x127: {  	v18 =	vld [tilespmem:s26+$0x16830]  }
0x128: {  	v19 =	vld [tilespmem:s26+$0x16800]  }
0x129: {  	v7 =	vadd.f32 v7, v12;
	v3 =	vadd.f32 v3, v14;
	v12 =	vld [tilespmem:s26+$0x16810]  }
0x12a: {  	v9 =	vadd.f32 v17, v9;
	v2 =	vadd.f32 v2, v15;
	v15 =	vld [tilespmem:s26+$0x16820]  }
0x12b: {  	v7 =	vmax.f32 v7, $0.0e+00;
	v1 =	vadd.f32 v1, v16;
	v3 =	vmax.f32 v3, $0.0e+00  }
0x12c: {  	s28 =	simm.s32 $0x40;
	v7 =	vadd.f32 v7, v10;
	v3 =	vadd.f32 v3, v13;
	v2 =	vmax.f32 v2, $0.0e+00  }
0x12d: {  	v2 =	vadd.f32 v2, v11;
	v13 =	vld [tilespmem:s28+$0x16830];
	v10 =	vadd.f32 v8, v18  }
0x12e: {  	v1 =	vmax.f32 v1, $0.0e+00;
	v14 =	vld [tilespmem:s28+$0x16800];
	v11 =	vadd.f32 v6, v19;
	v12 =	vadd.f32 v5, v12  }
0x12f: {  	v9 =	vadd.f32 v1, v9;
	v17 =	vadd.f32 v4, v15;
	v15 =	vld [tilespmem:s28+$0x16810];
	v1 =	vmax.f32 v10, $0.0e+00  }
0x130: {  	v16 =	vld [tilespmem:s28+$0x16820];
	v11 =	vmax.f32 v11, $0.0e+00;
	v10 =	vadd.f32 v1, v7;
	v1 =	vmax.f32 v12, $0.0e+00  }
0x131: {  	s20 =	simm.s32 $0x200;
	v17 =	vmax.f32 v17, $0.0e+00;
	v12 =	vadd.f32 v11, v3;
	v11 =	vadd.f32 v1, v2  }
.LBB2_13:
0x132: {  	s7 =	sshra.s32 s20, $0x2;
	p4 =	sne.s32 s20, $0x7F00;
	s20 =	sadd.s32 $0x100, s20;
	v1 =	vadd.f32 v8, v13;
	v9 =	vadd.f32 v17, v9  }
.Ltmp7:
0x133: {  	v13 =	vld [tilespmem:s7+$0x16830];
	v2 =	vadd.f32 v6, v14;
	(pc) =	sbr.rel @p4 .LBB2_13-.Ltmp7, $4  }
0x134: {  	v14 =	vld [tilespmem:s7+$0x16800];
	v3 =	vadd.f32 v5, v15;
	v1 =	vmax.f32 v1, $0.0e+00  }
0x135: {  	v15 =	vld [tilespmem:s7+$0x16810];
	v2 =	vmax.f32 v2, $0.0e+00;
	v7 =	vadd.f32 v4, v16;
	v10 =	vadd.f32 v1, v10  }
0x136: {  	v16 =	vld [tilespmem:s7+$0x16820];
	v12 =	vadd.f32 v2, v12;
	v1 =	vmax.f32 v3, $0.0e+00  }
0x137: {  	v11 =	vadd.f32 v1, v11;
	v17 =	vmax.f32 v7, $0.0e+00  }
0x138: {  	[tilespmem:s0], [sflag:$0x9] =	stream.linear.gather [spmem:s31], $0x2000, $0x38;
	[tilespmem:$0x1E840] =	vst v63  }
0x139: {  	_ =	swait.ge [sflag:s11], $0x2000  }
0x13a: {  	[sflag:s11] =	ssyncset.done $0x0  }
0x13b: {  	[sflag:s11] =	ssyncadd.s32 $0xFFFFE000  }
0x13c: {  	v3 =	vld [tilespmem:$0x1E800]  }
0x13d: {  	v2 =	vld [tilespmem:$0x1E810]  }
0x13e: {  	s7 =	simm.s32 $0x16820;
	v7 =	vld [tilespmem:$0x1E830]  }
0x13f: {  	v18 =	vld [tilespmem:s7+$0x10]  }
0x140: {  	v8 =	vadd.f32 v8, v13;
	v13 =	vld [tilespmem:s7+$0xFFFFFFE0]  }
0x141: {  	v6 =	vadd.f32 v6, v14;
	v5 =	vadd.f32 v5, v15;
	v14 =	vld [tilespmem:s7+$0xFFFFFFF0]  }
0x142: {  	v9 =	vadd.f32 v17, v9;
	v8 =	vmax.f32 v8, $0.0e+00;
	v4 =	vadd.f32 v4, v16;
	v1 =	vld [tilespmem:$0x1E820]  }
0x143: {  	v6 =	vmax.f32 v6, $0.0e+00;
	v8 =	vadd.f32 v8, v10;
	v15 =	vld [tilespmem:s7+$0x0];
	v5 =	vmax.f32 v5, $0.0e+00  }
0x144: {  	v6 =	vadd.f32 v6, v12;
	v5 =	vadd.f32 v5, v11;
	v4 =	vmax.f32 v4, $0.0e+00  }
0x145: {  	s9 =	simm.s32 $0x16860;
	v10 =	vadd.f32 v4, v9;
	v12 =	vadd.f32 v7, v18  }
0x146: {  	v11 =	vld [tilespmem:s9+$0x10];
	v13 =	vadd.f32 v3, v13;
	v4 =	vadd.f32 v2, v14  }
0x147: {  	s8 =	sadd.s32 $0x0, s18;
	v9 =	vmax.f32 v12, $0.0e+00  }
0x148: {  	p2 =	slt.u32 s8, $0x2710;
	v14 =	vld [tilespmem:s9+$0xFFFFFFE0];
	v12 =	vmax.f32 v13, $0.0e+00;
	v13 =	vadd.f32 v1, v15;
	v4 =	vmax.f32 v4, $0.0e+00  }
0x149: {  	v9 =	vpsel !p2, $0x0, v9;
	v15 =	vpsel !p2, $0x0, v12;
	v12 =	vld [tilespmem:s9+$0xFFFFFFF0];
	v4 =	vpsel !p2, $0x0, v4  }
0x14a: {  	v8 =	vadd.f32 v9, v8;
	v9 =	vadd.f32 v15, v6;
	v6 =	vmax.f32 v13, $0.0e+00;
	v13 =	vld [tilespmem:s9+$0x0]  }
0x14b: {  	s20 =	simm.s32 $0x1;
	s26 =	simm.s32 $0x2;
	s28 =	simm.s32 $0x168A0;
	v15 =	vadd.f32 v7, v11;
	v11 =	vadd.f32 v4, v5;
	v16 =	vpsel !p2, $0x0, v6  }
.LBB2_15:
0x14c: {  	p4 =	sne.s32 s26, $0x7F  }
0x14d: {  	v4 =	vld [tilespmem:s28+$0x10];
	s7 =	sadd.s32 s20, s18;
	v5 =	vadd.f32 v3, v14;
	v10 =	vadd.f32 v16, v10;
	s20 =	smov.u32 s26;
	s26 =	sadd.s32 $0x1, s26  }
.Ltmp8:
0x14e: {  	v14 =	vld [tilespmem:s28+$0xFFFFFFE0];
	p2 =	slt.u32 s7, $0x2710;
	v6 =	vadd.f32 v2, v12;
	v15 =	vmax.f32 v15, $0.0e+00;
	(pc) =	sbr.rel @p4 .LBB2_15-.Ltmp8, $4  }
0x14f: {  	v12 =	vld [tilespmem:s28+$0xFFFFFFF0];
	v5 =	vmax.f32 v5, $0.0e+00;
	v16 =	vadd.f32 v1, v13;
	v15 =	vpsel !p2, $0x0, v15  }
0x150: {  	v13 =	vld [tilespmem:s28+$0x0];
	v5 =	vpsel !p2, $0x0, v5;
	v6 =	vmax.f32 v6, $0.0e+00;
	v8 =	vadd.f32 v15, v8  }
0x151: {  	v9 =	vadd.f32 v5, v9;
	v5 =	vpsel !p2, $0x0, v6;
	v6 =	vmax.f32 v16, $0.0e+00  }
0x152: {  	s28 =	sadd.s32 $0x40, s28;
	v15 =	vadd.f32 v7, v4;
	v11 =	vadd.f32 v5, v11;
	v16 =	vpsel !p2, $0x0, v6  }
0x153: {  	[tilespmem:s0], [sflag:$0x9] =	stream.linear.gather [spmem:s13], $0x2000, $0x38;
	[tilespmem:$0x1E840] =	vst v63  }
0x154: {  	_ =	swait.ge [sflag:s11], $0x2000  }
0x155: {  	[sflag:s11] =	ssyncset.done $0x0  }
0x156: {  	[sflag:s11] =	ssyncadd.s32 $0xFFFFE000  }
0x157: {  	v6 =	vld [tilespmem:$0x1E800]  }
0x158: {  	v5 =	vld [tilespmem:$0x1E810]  }
0x159: {  	v4 =	vld [tilespmem:$0x1E820]  }
0x15a: {  	s7 =	simm.s32 $0x16820;
	v7 =	vld [tilespmem:$0x1E830]  }
0x15b: {  	v3 =	vadd.f32 v3, v14;
	v14 =	vld [tilespmem:s7+$0x10]  }
0x15c: {  	s8 =	sadd.s32 s20, s18;
	v10 =	vadd.f32 v16, v10;
	v62 =	vld [tilespmem:s7+$0xFFFFFFE0]  }
0x15d: {  	p2 =	slt.u32 s8, $0x2710;
	v2 =	vadd.f32 v2, v12;
	v12 =	vmax.f32 v15, $0.0e+00;
	v3 =	vmax.f32 v3, $0.0e+00;
	v15 =	vld [tilespmem:s7+$0xFFFFFFF0]  }
0x15e: {  	s9 =	simm.s32 $0x16860;
	v1 =	vadd.f32 v1, v13;
	v12 =	vpsel !p2, $0x0, v12;
	v3 =	vpsel !p2, $0x0, v3;
	v13 =	vld [tilespmem:s7+$0x0]  }
0x15f: {  	v2 =	vmax.f32 v2, $0.0e+00;
	v8 =	vadd.f32 v12, v8;
	v3 =	vadd.f32 v3, v9;
	v12 =	vld [tilespmem:s9+$0x10]  }
0x160: {  	v2 =	vpsel !p2, $0x0, v2;
	v1 =	vmax.f32 v1, $0.0e+00;
	v9 =	vadd.f32 v7, v14  }
0x161: {  	s26 =	sadd.s32 $0x0, s19;
	v1 =	vpsel !p2, $0x0, v1;
	v14 =	vadd.f32 v2, v11;
	v11 =	vadd.f32 v6, v62  }
0x162: {  	p6 =	slt.u32 s26, $0x2710;
	v2 =	vadd.f32 v1, v10;
	v1 =	vadd.f32 v5, v15;
	v9 =	vmax.f32 v9, $0.0e+00  }
0x163: {  	v10 =	vmax.f32 v11, $0.0e+00;
	v11 =	vadd.f32 v4, v13;
	v13 =	vpsel !p6, $0x0, v9;
	v9 =	vld [tilespmem:s9+$0xFFFFFFE0]  }
0x164: {  	v12 =	vadd.f32 v7, v12;
	v63 =	vmax.f32 v1, $0.0e+00;
	v15 =	vpsel !p6, $0x0, v10;
	v10 =	vld [tilespmem:s9+$0xFFFFFFF0]  }
0x165: {  	v1 =	vadd.f32 v13, v8;
	v8 =	vpsel !p6, $0x0, v63;
	v13 =	vmax.f32 v11, $0.0e+00;
	v11 =	vld [tilespmem:s9+$0x0]  }
0x166: {  	s20 =	simm.s32 $0x1;
	s28 =	simm.s32 $0x168A0;
	s26 =	simm.s32 $0x2;
	v3 =	vadd.f32 v15, v3;
	v8 =	vadd.f32 v8, v14;
	v13 =	vpsel !p6, $0x0, v13  }
.LBB2_17:
0x167: {  	p4 =	sne.s32 s26, $0x7F  }
0x168: {  	v14 =	vld [tilespmem:s28+$0x10];
	s7 =	sadd.s32 s20, s19;
	v15 =	vadd.f32 v6, v9;
	v2 =	vadd.f32 v13, v2;
	s20 =	smov.u32 s26;
	s26 =	sadd.s32 $0x1, s26  }
.Ltmp9:
0x169: {  	v9 =	vld [tilespmem:s28+$0xFFFFFFE0];
	p2 =	slt.u32 s7, $0x2710;
	v13 =	vadd.f32 v5, v10;
	v12 =	vmax.f32 v12, $0.0e+00;
	(pc) =	sbr.rel @p4 .LBB2_17-.Ltmp9, $4  }
0x16a: {  	v10 =	vld [tilespmem:s28+$0xFFFFFFF0];
	v15 =	vmax.f32 v15, $0.0e+00;
	v16 =	vadd.f32 v4, v11;
	v12 =	vpsel !p2, $0x0, v12  }
0x16b: {  	v11 =	vld [tilespmem:s28+$0x0];
	v15 =	vpsel !p2, $0x0, v15;
	v13 =	vmax.f32 v13, $0.0e+00;
	v1 =	vadd.f32 v12, v1  }
0x16c: {  	v3 =	vadd.f32 v15, v3;
	v13 =	vpsel !p2, $0x0, v13;
	v15 =	vmax.f32 v16, $0.0e+00  }
0x16d: {  	s28 =	sadd.s32 $0x40, s28;
	v12 =	vadd.f32 v7, v14;
	v8 =	vadd.f32 v13, v8;
	v13 =	vpsel !p2, $0x0, v15  }
0x16e: {  	v6 =	vadd.f32 v6, v9  }
0x16f: {  	s7 =	sadd.s32 s20, s19;
	v5 =	vadd.f32 v5, v10  }
0x170: {  	v2 =	vadd.f32 v13, v2;
	p0 =	slt.u32 s7, $0x2710;
	v6 =	vmax.f32 v6, $0.0e+00  }
0x171: {  	v4 =	vadd.f32 v4, v11;
	v6 =	vpsel !p0, $0x0, v6;
	v5 =	vmax.f32 v5, $0.0e+00  }
0x172: {  	v63 =	vmax.f32 v12, $0.0e+00;
	v3 =	vadd.f32 v6, v3;
	v5 =	vpsel !p0, $0x0, v5  }
0x173: {  	v4 =	vmax.f32 v4, $0.0e+00;
	v6 =	vpsel !p0, $0x0, v63;
	v5 =	vadd.f32 v5, v8  }
0x174: {  	v4 =	vpsel !p0, $0x0, v4;
	v1 =	vadd.f32 v6, v1;
	[tilespmem:$0x1E800] =	vst v3  }
0x175: {  	v2 =	vadd.f32 v4, v2;
	[tilespmem:$0x1E810] =	vst v5  }
0x176: {  	[tilespmem:$0x1E830] =	vst v1  }
0x177: {  	s8 =	simm.s32 @!p5 $0x1E800;
	s9 =	rddreg [dreg:$0x12];
	s7 =	simm.s32 @!p5 $0x0;
	[tilespmem:$0x1E820] =	vst v2  }
0x178: {  	[hbm4b:s9+s7] =	stream.linear.scatter @!p5 [tilespmem:s8], [sflag:$0x9], $0x40, $0x38;
	[tilespmem:$0x1E840] =	vst v63  }
0x179: {  	s7 =	simm.s32 @!p5 $0x9  }
0x17a: {  	_ =	swait.ge @!p5 [sflag:s7], $0x40  }
0x17b: {  	s8 =	simm.s32 @p1 $0x1E800;
	[sflag:s7] =	ssyncset.done @!p5 $0x0  }
0x17c: {  	s9 =	rddreg [dreg:$0x13];
	[sflag:s7] =	ssyncadd.s32 @!p5 $0xFFFFFFC0;
	s7 =	simm.s32 @p1 $0x0  }
0x17d: {  	[hbm4b:s9+s7] =	stream.linear.scatter @p1 [tilespmem:s8], [sflag:$0x9], $0x40, $0x38;
	[tilespmem:$0x1E840] =	vst v63  }
0x17e: {  	s7 =	simm.s32 @p1 $0x9  }
0x17f: {  	_ =	swait.ge @p1 [sflag:s7], $0x40  }
0x180: {  	s26 =	rddreg [dreg:$0x17]  }
0x181: {  	s28 =	rddreg [dreg:$0x14];
	s9 =	sadd.s32 $0x1, s26  }
0x182: {  	p0 =	sne.s32 s9, s28  }
.Ltmp10:
0x183: {  	_ = 	snop;
	(pc) =	sbr.rel @p0 .LBB2_1-.Ltmp10, $3  }
0x184: {  	_ =	sdelay $0x1  }
0x185: {  	[sflag:s7] =	ssyncset.done @p1 $0x0  }
0x186: {  	[sflag:s7] =	ssyncadd.s32 @p1 $0xFFFFFFC0  }
0x187: {  	_ =	sfence.sel $0x180000  }
0x188: {  	[bflag:$0x0] =	sbarrier.arrive $0xFFFF  }
0x189: {  	_ =	strace $0x9000004A  }
0x18a: {  	s0 =	stileid.u32;
	[bflag:$0x2] =	sbarrier.arrive $0xFFFF  }
0x18b: {  	p0 =	sne.s32 s0, $0x0;
	s0 =	rddreg [dreg:$0x4]  }
0x18c: {  	s0 =	sadd.s32 @!p0 $0x100000, s0  }
0x18d: {  	[sflag:s0] =	ssyncadd.tile.s32 @!p0 $0x1;
	_ =	shalt  }
.Lfunc_end2:
_tile_overlayer_lowered:
.L_overlay_start_2:
0x18e: {  	(tag) =	ssettag $0x2  }
0x18f: {  	s0 =	rddreg [dreg:$0x0];
	s2 =	stileid.u32  }
0x190: {  	s1 =	rddreg [dreg:$0x1];
	p0 =	sne.s32 s2, $0x0  }
0x191: {  	s3 =	rddreg [dreg:$0x2];
	[bflag:$0x3] =	sbarrier.arrive $0xFFFF;
	s2 =	simm.s32 @!p0 $0x1C09  }
0x192: {  	[timem:s3], [sflag:s2] =	dma.local @!p0 [hbm:s0], s1  }
0x193: {  	s0 =	simm.s32 @!p0 $0x9  }
0x194: {  	_ =	swait.ge @!p0 [sflag:s0], s1  }
0x195: {  	s1 =	ssub.s32 @!p0 $0x0, s1;
	[sflag:s0] =	ssyncset.done @!p0 $0x0  }
0x196: {  	[sflag:s0] =	ssyncadd.s32 @!p0 s1  }
0x197: {  	[bflag:$0x3] =	sbarrier.arrive $0xFFFF  }
0x198: {  	_ =	shalt  }

</sc_bundles>
